<compile_context>
chip_gen: v7x
topology: tpu7x:2x2x1
jax: 0.10.2.dev20260603
libtpu: 0.0.44.dev20260713+nightly
codegen_flags: <defaults>
</compile_context>

<pallas_src>
import functools

import jax
import jax.numpy as jnp
from jax import lax
from jax.experimental import pallas as pl
from jax.experimental.pallas import tpu as pltpu
from jax.experimental.pallas import tpu_sc as plsc

B = 4096
L = 200
E = 4
NLANE = 16
COLS = tuple(NLANE * j for j in range(L // NLANE)) + (L - NLANE,)

NC = 2
NS = 16
NW = NC * NS

ROWS_PER_WORKER = B // NW
ROWS_PER_CHUNK = 16
CHUNKS = ROWS_PER_WORKER // ROWS_PER_CHUNK
CHUNK_IDX = ROWS_PER_CHUNK * L


def _sc_embed(x_flat, luts):
    mesh = plsc.VectorSubcoreMesh(core_axis_name="c", subcore_axis_name="s")

    @functools.partial(
        pl.kernel,
        mesh=mesh,
        compiler_params=pltpu.CompilerParams(needs_layout_passes=False),
        out_type=jax.ShapeDtypeStruct((2 * B, E, L), jnp.float32),
        scratch_types=[
            pltpu.VMEM((CHUNK_IDX,), jnp.int32),
            pltpu.VMEM((ROWS_PER_CHUNK, E, L), jnp.float32),
            pltpu.VMEM((ROWS_PER_CHUNK, E, L), jnp.float32),
            [pltpu.VMEM((8 * NLANE,), jnp.float32) for _ in range(2 * E)],
            [pltpu.SemaphoreType.DMA for _ in range(4)],
        ],
    )
    def run(x_hbm, luts_hbm, out_hbm, xbuf, obf, obr, lutv, sems):
        wid = lax.axis_index("s") * NC + lax.axis_index("c")
        for i in range(2 * E):
            pltpu.sync_copy(luts_hbm.at[i], lutv[i])
        lane = lax.iota(jnp.int32, NLANE)

        def chunk_body(c, carry):
            base_row = wid * ROWS_PER_WORKER + c * ROWS_PER_CHUNK
            pltpu.sync_copy(x_hbm.at[pl.ds(base_row * L, CHUNK_IDX)], xbuf)

            def row_half(r0):
                @plsc.parallel_loop(r0, r0 + ROWS_PER_CHUNK // 2, unroll=2)
                def row_body(r):
                    rb_in = r * L
                    for col in COLS:
                        xa = xbuf[pl.ds(rb_in + col, NLANE)]
                        xb = xbuf[pl.ds(rb_in + (L - NLANE) - col, NLANE)]
                        xa = (xa << 4) + lane
                        xr = (lax.rev(xb, (0,)) << 4) + lane
                        for e in range(E):
                            obf[r, e, pl.ds(col, NLANE)] = plsc.load_gather(
                                lutv[e], [xa]
                            )
                            obr[r, e, pl.ds(col, NLANE)] = plsc.load_gather(
                                lutv[E + e], [xr]
                            )

            H = ROWS_PER_CHUNK // 2
            row_half(0)
            c0 = pltpu.async_copy(
                obf.at[pl.ds(0, H)], out_hbm.at[pl.ds(base_row, H)], sems[0]
            )
            c1 = pltpu.async_copy(
                obr.at[pl.ds(0, H)], out_hbm.at[pl.ds(B + base_row, H)], sems[1]
            )
            row_half(H)
            c2 = pltpu.async_copy(
                obf.at[pl.ds(H, H)], out_hbm.at[pl.ds(base_row + H, H)], sems[2]
            )
            c3 = pltpu.async_copy(
                obr.at[pl.ds(H, H)],
                out_hbm.at[pl.ds(B + base_row + H, H)],
                sems[3],
            )
            c0.wait()
            c1.wait()
            c2.wait()
            c3.wait()
            return carry

        lax.fori_loop(0, CHUNKS, chunk_body, 0)

    return run(x_flat, luts)


def kernel(x, weight, weight_rc):
    x_flat = x.reshape(-1).astype(jnp.int32)
    luts = jnp.zeros((2 * E, 8), jnp.float32)
    luts = luts.at[:E, : E + 1].set(weight.T)
    luts = luts.at[E:, : E + 1].set(weight_rc.T)
    luts = jnp.repeat(luts, NLANE, axis=1)
    return _sc_embed(x_flat, luts)

# --- scband reference (transcript-rebuilt; emitter-appended) ---
"""Pipeline reference for scband-bio-embedding-1726576854090 (READ-ONLY COPY).

The authoritative reference and input builder live on the scoring server;
editing this copy changes nothing except your own understanding.
"""

import jax, jax.numpy as jnp
import numpy as np

NUM_EMB = 4
B, L = 4096, 200

def _make_weight(num_embeddings, reverse_complement):
    w = np.zeros((num_embeddings + 1, num_embeddings), dtype=np.float32)
    w[0] = 1.0 / num_embeddings
    eye = np.eye(num_embeddings, dtype=np.float32)
    w[1:] = np.fliplr(eye) if reverse_complement else eye
    return jnp.asarray(w)

def setup_inputs(seed: int = 0) -> dict:
    key = jax.random.key(seed)
    x = jax.random.randint(key, (B, L), 0, NUM_EMB + 1)
    weight = _make_weight(NUM_EMB, False)
    weight_rc = _make_weight(NUM_EMB, True)
    return {"x": x, "weight": weight, "weight_rc": weight_rc}

def reference(x, weight, weight_rc):
    # x_out = F.embedding(x, weight) -> [B, L, num_emb]
    x_out = jnp.take(weight, x, axis=0)
    # flip sequence along last dim and embed with reverse-complement table
    x_flipped = x[:, ::-1]
    x_out_rc = jnp.take(weight_rc, x_flipped, axis=0)
    # concat along batch -> [2B, L, num_emb]
    x_out = jnp.concatenate([x_out, x_out_rc], axis=0)
    # transpose(1, 2) -> [2B, num_emb, L]
    return jnp.transpose(x_out, (0, 2, 1))

if __name__ == "__main__":
    import jax
    _d = setup_inputs()
    print(jax.jit(kernel)(*tuple(_d.values())))

</pallas_src>

<mosaic_0001>
#map = affine_map<(d0, d1) -> (0)>
#map1 = affine_map<(d0, d1) -> (0, 0)>
#map2 = affine_map<(d0, d1) -> (0, 0, 0)>
module attributes {stable_mosaic.version = 14 : i64} {
  func.func @run(%arg0: i32, %arg1: i32, %arg2: memref<819200xi32, #tpu.memory_space<hbm>>, %arg3: memref<8x128xf32, #tpu.memory_space<hbm>>, %arg4: memref<8192x4x200xf32, #tpu.memory_space<hbm>>, %arg5: memref<3200xi32, #tpu.memory_space<vmem>>, %arg6: memref<16x4x200xf32, #tpu.memory_space<vmem>>, %arg7: memref<16x4x200xf32, #tpu.memory_space<vmem>>, %arg8: memref<128xf32, #tpu.memory_space<vmem>>, %arg9: memref<128xf32, #tpu.memory_space<vmem>>, %arg10: memref<128xf32, #tpu.memory_space<vmem>>, %arg11: memref<128xf32, #tpu.memory_space<vmem>>, %arg12: memref<128xf32, #tpu.memory_space<vmem>>, %arg13: memref<128xf32, #tpu.memory_space<vmem>>, %arg14: memref<128xf32, #tpu.memory_space<vmem>>, %arg15: memref<128xf32, #tpu.memory_space<vmem>>, %arg16: memref<!tpu.dma_semaphore, #tpu.memory_space<semaphore_mem>>, %arg17: memref<!tpu.dma_semaphore, #tpu.memory_space<semaphore_mem>>, %arg18: memref<!tpu.dma_semaphore, #tpu.memory_space<semaphore_mem>>, %arg19: memref<!tpu.dma_semaphore, #tpu.memory_space<semaphore_mem>>) attributes {dimension_semantics = [#tpu.dimension_semantics<core_parallel>, #tpu.dimension_semantics<subcore_parallel>], iteration_bounds = array<i64: 2, 16>, scalar_prefetch = 0 : i64, scratch_operands = 15 : i64, tpu.core_type = #tpu.core_type<sc_vector_subcore>, window_params = [{transform_indices = #map}, {transform_indices = #map1}, {transform_indices = #map2}]} {
    %mul3A = arith.constant 2 : i32
    %mul3A_0 = arith.muli %arg1, %mul3A : i32
    %add3A = arith.addi %mul3A_0, %arg0 : i32
    %run_scoped3A = arith.constant 0 : i32
    "tpu.region"() ({
      %run_scoped3A_13 = tpu.sem_alloc : memref<!tpu.dma_semaphore, #tpu.memory_space<semaphore_mem>>
      %dma_start3A = arith.constant 0 : i32
      %dma_start3A_14 = tpu.memref_slice %arg3[%run_scoped3A, %dma_start3A] : memref<8x128xf32, #tpu.memory_space<hbm>> -> memref<1x128xf32, #tpu.memory_space<hbm>>
      %dma_start3A_15 = tpu.memref_squeeze %dma_start3A_14 : memref<1x128xf32, #tpu.memory_space<hbm>> -> memref<128xf32, #tpu.memory_space<hbm>>
      %dma_start3A_16 = arith.constant 0 : i32
      %dma_start3A_17 = tpu.memref_slice %arg3[%run_scoped3A, %dma_start3A_16] : memref<8x128xf32, #tpu.memory_space<hbm>> -> memref<1x128xf32, #tpu.memory_space<hbm>>
      %dma_start3A_18 = tpu.memref_squeeze %dma_start3A_17 : memref<1x128xf32, #tpu.memory_space<hbm>> -> memref<128xf32, #tpu.memory_space<hbm>>
      tpu.enqueue_dma source(%dma_start3A_18 : memref<128xf32, #tpu.memory_space<hbm>>) target(%arg8 : memref<128xf32, #tpu.memory_space<vmem>>) target_semaphore(%run_scoped3A_13 : memref<!tpu.dma_semaphore, #tpu.memory_space<semaphore_mem>>)
      %dma_wait3A = arith.constant 0 : i32
      %dma_wait3A_19 = tpu.memref_slice %arg3[%run_scoped3A, %dma_wait3A] : memref<8x128xf32, #tpu.memory_space<hbm>> -> memref<1x128xf32, #tpu.memory_space<hbm>>
      %dma_wait3A_20 = tpu.memref_squeeze %dma_wait3A_19 : memref<1x128xf32, #tpu.memory_space<hbm>> -> memref<128xf32, #tpu.memory_space<hbm>>
      %dma_wait3A_21 = arith.constant 0 : i32
      %dma_wait3A_22 = tpu.memref_slice %arg3[%run_scoped3A, %dma_wait3A_21] : memref<8x128xf32, #tpu.memory_space<hbm>> -> memref<1x128xf32, #tpu.memory_space<hbm>>
      %dma_wait3A_23 = tpu.memref_squeeze %dma_wait3A_22 : memref<1x128xf32, #tpu.memory_space<hbm>> -> memref<128xf32, #tpu.memory_space<hbm>>
      tpu.wait_dma2 semaphore(%run_scoped3A_13 : memref<!tpu.dma_semaphore, #tpu.memory_space<semaphore_mem>>) src(%dma_wait3A_23 : memref<128xf32, #tpu.memory_space<hbm>>) dst(%arg8 : memref<128xf32, #tpu.memory_space<vmem>>)
      tpu.yield
    }) : () -> ()
    %run_scoped3A_1 = arith.constant 1 : i32
    "tpu.region"() ({
      %run_scoped3A_13 = tpu.sem_alloc : memref<!tpu.dma_semaphore, #tpu.memory_space<semaphore_mem>>
      %dma_start3A = arith.constant 0 : i32
      %dma_start3A_14 = tpu.memref_slice %arg3[%run_scoped3A_1, %dma_start3A] : memref<8x128xf32, #tpu.memory_space<hbm>> -> memref<1x128xf32, #tpu.memory_space<hbm>>
      %dma_start3A_15 = tpu.memref_squeeze %dma_start3A_14 : memref<1x128xf32, #tpu.memory_space<hbm>> -> memref<128xf32, #tpu.memory_space<hbm>>
      %dma_start3A_16 = arith.constant 0 : i32
      %dma_start3A_17 = tpu.memref_slice %arg3[%run_scoped3A_1, %dma_start3A_16] : memref<8x128xf32, #tpu.memory_space<hbm>> -> memref<1x128xf32, #tpu.memory_space<hbm>>
      %dma_start3A_18 = tpu.memref_squeeze %dma_start3A_17 : memref<1x128xf32, #tpu.memory_space<hbm>> -> memref<128xf32, #tpu.memory_space<hbm>>
      tpu.enqueue_dma source(%dma_start3A_18 : memref<128xf32, #tpu.memory_space<hbm>>) target(%arg9 : memref<128xf32, #tpu.memory_space<vmem>>) target_semaphore(%run_scoped3A_13 : memref<!tpu.dma_semaphore, #tpu.memory_space<semaphore_mem>>)
      %dma_wait3A = arith.constant 0 : i32
      %dma_wait3A_19 = tpu.memref_slice %arg3[%run_scoped3A_1, %dma_wait3A] : memref<8x128xf32, #tpu.memory_space<hbm>> -> memref<1x128xf32, #tpu.memory_space<hbm>>
      %dma_wait3A_20 = tpu.memref_squeeze %dma_wait3A_19 : memref<1x128xf32, #tpu.memory_space<hbm>> -> memref<128xf32, #tpu.memory_space<hbm>>
      %dma_wait3A_21 = arith.constant 0 : i32
      %dma_wait3A_22 = tpu.memref_slice %arg3[%run_scoped3A_1, %dma_wait3A_21] : memref<8x128xf32, #tpu.memory_space<hbm>> -> memref<1x128xf32, #tpu.memory_space<hbm>>
      %dma_wait3A_23 = tpu.memref_squeeze %dma_wait3A_22 : memref<1x128xf32, #tpu.memory_space<hbm>> -> memref<128xf32, #tpu.memory_space<hbm>>
      tpu.wait_dma2 semaphore(%run_scoped3A_13 : memref<!tpu.dma_semaphore, #tpu.memory_space<semaphore_mem>>) src(%dma_wait3A_23 : memref<128xf32, #tpu.memory_space<hbm>>) dst(%arg9 : memref<128xf32, #tpu.memory_space<vmem>>)
      tpu.yield
    }) : () -> ()
    %run_scoped3A_2 = arith.constant 2 : i32
    "tpu.region"() ({
      %run_scoped3A_13 = tpu.sem_alloc : memref<!tpu.dma_semaphore, #tpu.memory_space<semaphore_mem>>
      %dma_start3A = arith.constant 0 : i32
      %dma_start3A_14 = tpu.memref_slice %arg3[%run_scoped3A_2, %dma_start3A] : memref<8x128xf32, #tpu.memory_space<hbm>> -> memref<1x128xf32, #tpu.memory_space<hbm>>
      %dma_start3A_15 = tpu.memref_squeeze %dma_start3A_14 : memref<1x128xf32, #tpu.memory_space<hbm>> -> memref<128xf32, #tpu.memory_space<hbm>>
      %dma_start3A_16 = arith.constant 0 : i32
      %dma_start3A_17 = tpu.memref_slice %arg3[%run_scoped3A_2, %dma_start3A_16] : memref<8x128xf32, #tpu.memory_space<hbm>> -> memref<1x128xf32, #tpu.memory_space<hbm>>
      %dma_start3A_18 = tpu.memref_squeeze %dma_start3A_17 : memref<1x128xf32, #tpu.memory_space<hbm>> -> memref<128xf32, #tpu.memory_space<hbm>>
      tpu.enqueue_dma source(%dma_start3A_18 : memref<128xf32, #tpu.memory_space<hbm>>) target(%arg10 : memref<128xf32, #tpu.memory_space<vmem>>) target_semaphore(%run_scoped3A_13 : memref<!tpu.dma_semaphore, #tpu.memory_space<semaphore_mem>>)
      %dma_wait3A = arith.constant 0 : i32
      %dma_wait3A_19 = tpu.memref_slice %arg3[%run_scoped3A_2, %dma_wait3A] : memref<8x128xf32, #tpu.memory_space<hbm>> -> memref<1x128xf32, #tpu.memory_space<hbm>>
      %dma_wait3A_20 = tpu.memref_squeeze %dma_wait3A_19 : memref<1x128xf32, #tpu.memory_space<hbm>> -> memref<128xf32, #tpu.memory_space<hbm>>
      %dma_wait3A_21 = arith.constant 0 : i32
      %dma_wait3A_22 = tpu.memref_slice %arg3[%run_scoped3A_2, %dma_wait3A_21] : memref<8x128xf32, #tpu.memory_space<hbm>> -> memref<1x128xf32, #tpu.memory_space<hbm>>
      %dma_wait3A_23 = tpu.memref_squeeze %dma_wait3A_22 : memref<1x128xf32, #tpu.memory_space<hbm>> -> memref<128xf32, #tpu.memory_space<hbm>>
      tpu.wait_dma2 semaphore(%run_scoped3A_13 : memref<!tpu.dma_semaphore, #tpu.memory_space<semaphore_mem>>) src(%dma_wait3A_23 : memref<128xf32, #tpu.memory_space<hbm>>) dst(%arg10 : memref<128xf32, #tpu.memory_space<vmem>>)
      tpu.yield
    }) : () -> ()
    %run_scoped3A_3 = arith.constant 3 : i32
    "tpu.region"() ({
      %run_scoped3A_13 = tpu.sem_alloc : memref<!tpu.dma_semaphore, #tpu.memory_space<semaphore_mem>>
      %dma_start3A = arith.constant 0 : i32
      %dma_start3A_14 = tpu.memref_slice %arg3[%run_scoped3A_3, %dma_start3A] : memref<8x128xf32, #tpu.memory_space<hbm>> -> memref<1x128xf32, #tpu.memory_space<hbm>>
      %dma_start3A_15 = tpu.memref_squeeze %dma_start3A_14 : memref<1x128xf32, #tpu.memory_space<hbm>> -> memref<128xf32, #tpu.memory_space<hbm>>
      %dma_start3A_16 = arith.constant 0 : i32
      %dma_start3A_17 = tpu.memref_slice %arg3[%run_scoped3A_3, %dma_start3A_16] : memref<8x128xf32, #tpu.memory_space<hbm>> -> memref<1x128xf32, #tpu.memory_space<hbm>>
      %dma_start3A_18 = tpu.memref_squeeze %dma_start3A_17 : memref<1x128xf32, #tpu.memory_space<hbm>> -> memref<128xf32, #tpu.memory_space<hbm>>
      tpu.enqueue_dma source(%dma_start3A_18 : memref<128xf32, #tpu.memory_space<hbm>>) target(%arg11 : memref<128xf32, #tpu.memory_space<vmem>>) target_semaphore(%run_scoped3A_13 : memref<!tpu.dma_semaphore, #tpu.memory_space<semaphore_mem>>)
      %dma_wait3A = arith.constant 0 : i32
      %dma_wait3A_19 = tpu.memref_slice %arg3[%run_scoped3A_3, %dma_wait3A] : memref<8x128xf32, #tpu.memory_space<hbm>> -> memref<1x128xf32, #tpu.memory_space<hbm>>
      %dma_wait3A_20 = tpu.memref_squeeze %dma_wait3A_19 : memref<1x128xf32, #tpu.memory_space<hbm>> -> memref<128xf32, #tpu.memory_space<hbm>>
      %dma_wait3A_21 = arith.constant 0 : i32
      %dma_wait3A_22 = tpu.memref_slice %arg3[%run_scoped3A_3, %dma_wait3A_21] : memref<8x128xf32, #tpu.memory_space<hbm>> -> memref<1x128xf32, #tpu.memory_space<hbm>>
      %dma_wait3A_23 = tpu.memref_squeeze %dma_wait3A_22 : memref<1x128xf32, #tpu.memory_space<hbm>> -> memref<128xf32, #tpu.memory_space<hbm>>
      tpu.wait_dma2 semaphore(%run_scoped3A_13 : memref<!tpu.dma_semaphore, #tpu.memory_space<semaphore_mem>>) src(%dma_wait3A_23 : memref<128xf32, #tpu.memory_space<hbm>>) dst(%arg11 : memref<128xf32, #tpu.memory_space<vmem>>)
      tpu.yield
    }) : () -> ()
    %run_scoped3A_4 = arith.constant 4 : i32
    "tpu.region"() ({
      %run_scoped3A_13 = tpu.sem_alloc : memref<!tpu.dma_semaphore, #tpu.memory_space<semaphore_mem>>
      %dma_start3A = arith.constant 0 : i32
      %dma_start3A_14 = tpu.memref_slice %arg3[%run_scoped3A_4, %dma_start3A] : memref<8x128xf32, #tpu.memory_space<hbm>> -> memref<1x128xf32, #tpu.memory_space<hbm>>
      %dma_start3A_15 = tpu.memref_squeeze %dma_start3A_14 : memref<1x128xf32, #tpu.memory_space<hbm>> -> memref<128xf32, #tpu.memory_space<hbm>>
      %dma_start3A_16 = arith.constant 0 : i32
      %dma_start3A_17 = tpu.memref_slice %arg3[%run_scoped3A_4, %dma_start3A_16] : memref<8x128xf32, #tpu.memory_space<hbm>> -> memref<1x128xf32, #tpu.memory_space<hbm>>
      %dma_start3A_18 = tpu.memref_squeeze %dma_start3A_17 : memref<1x128xf32, #tpu.memory_space<hbm>> -> memref<128xf32, #tpu.memory_space<hbm>>
      tpu.enqueue_dma source(%dma_start3A_18 : memref<128xf32, #tpu.memory_space<hbm>>) target(%arg12 : memref<128xf32, #tpu.memory_space<vmem>>) target_semaphore(%run_scoped3A_13 : memref<!tpu.dma_semaphore, #tpu.memory_space<semaphore_mem>>)
      %dma_wait3A = arith.constant 0 : i32
      %dma_wait3A_19 = tpu.memref_slice %arg3[%run_scoped3A_4, %dma_wait3A] : memref<8x128xf32, #tpu.memory_space<hbm>> -> memref<1x128xf32, #tpu.memory_space<hbm>>
      %dma_wait3A_20 = tpu.memref_squeeze %dma_wait3A_19 : memref<1x128xf32, #tpu.memory_space<hbm>> -> memref<128xf32, #tpu.memory_space<hbm>>
      %dma_wait3A_21 = arith.constant 0 : i32
      %dma_wait3A_22 = tpu.memref_slice %arg3[%run_scoped3A_4, %dma_wait3A_21] : memref<8x128xf32, #tpu.memory_space<hbm>> -> memref<1x128xf32, #tpu.memory_space<hbm>>
      %dma_wait3A_23 = tpu.memref_squeeze %dma_wait3A_22 : memref<1x128xf32, #tpu.memory_space<hbm>> -> memref<128xf32, #tpu.memory_space<hbm>>
      tpu.wait_dma2 semaphore(%run_scoped3A_13 : memref<!tpu.dma_semaphore, #tpu.memory_space<semaphore_mem>>) src(%dma_wait3A_23 : memref<128xf32, #tpu.memory_space<hbm>>) dst(%arg12 : memref<128xf32, #tpu.memory_space<vmem>>)
      tpu.yield
    }) : () -> ()
    %run_scoped3A_5 = arith.constant 5 : i32
    "tpu.region"() ({
      %run_scoped3A_13 = tpu.sem_alloc : memref<!tpu.dma_semaphore, #tpu.memory_space<semaphore_mem>>
      %dma_start3A = arith.constant 0 : i32
      %dma_start3A_14 = tpu.memref_slice %arg3[%run_scoped3A_5, %dma_start3A] : memref<8x128xf32, #tpu.memory_space<hbm>> -> memref<1x128xf32, #tpu.memory_space<hbm>>
      %dma_start3A_15 = tpu.memref_squeeze %dma_start3A_14 : memref<1x128xf32, #tpu.memory_space<hbm>> -> memref<128xf32, #tpu.memory_space<hbm>>
      %dma_start3A_16 = arith.constant 0 : i32
      %dma_start3A_17 = tpu.memref_slice %arg3[%run_scoped3A_5, %dma_start3A_16] : memref<8x128xf32, #tpu.memory_space<hbm>> -> memref<1x128xf32, #tpu.memory_space<hbm>>
      %dma_start3A_18 = tpu.memref_squeeze %dma_start3A_17 : memref<1x128xf32, #tpu.memory_space<hbm>> -> memref<128xf32, #tpu.memory_space<hbm>>
      tpu.enqueue_dma source(%dma_start3A_18 : memref<128xf32, #tpu.memory_space<hbm>>) target(%arg13 : memref<128xf32, #tpu.memory_space<vmem>>) target_semaphore(%run_scoped3A_13 : memref<!tpu.dma_semaphore, #tpu.memory_space<semaphore_mem>>)
      %dma_wait3A = arith.constant 0 : i32
      %dma_wait3A_19 = tpu.memref_slice %arg3[%run_scoped3A_5, %dma_wait3A] : memref<8x128xf32, #tpu.memory_space<hbm>> -> memref<1x128xf32, #tpu.memory_space<hbm>>
      %dma_wait3A_20 = tpu.memref_squeeze %dma_wait3A_19 : memref<1x128xf32, #tpu.memory_space<hbm>> -> memref<128xf32, #tpu.memory_space<hbm>>
      %dma_wait3A_21 = arith.constant 0 : i32
      %dma_wait3A_22 = tpu.memref_slice %arg3[%run_scoped3A_5, %dma_wait3A_21] : memref<8x128xf32, #tpu.memory_space<hbm>> -> memref<1x128xf32, #tpu.memory_space<hbm>>
      %dma_wait3A_23 = tpu.memref_squeeze %dma_wait3A_22 : memref<1x128xf32, #tpu.memory_space<hbm>> -> memref<128xf32, #tpu.memory_space<hbm>>
      tpu.wait_dma2 semaphore(%run_scoped3A_13 : memref<!tpu.dma_semaphore, #tpu.memory_space<semaphore_mem>>) src(%dma_wait3A_23 : memref<128xf32, #tpu.memory_space<hbm>>) dst(%arg13 : memref<128xf32, #tpu.memory_space<vmem>>)
      tpu.yield
    }) : () -> ()
    %run_scoped3A_6 = arith.constant 6 : i32
    "tpu.region"() ({
      %run_scoped3A_13 = tpu.sem_alloc : memref<!tpu.dma_semaphore, #tpu.memory_space<semaphore_mem>>
      %dma_start3A = arith.constant 0 : i32
      %dma_start3A_14 = tpu.memref_slice %arg3[%run_scoped3A_6, %dma_start3A] : memref<8x128xf32, #tpu.memory_space<hbm>> -> memref<1x128xf32, #tpu.memory_space<hbm>>
      %dma_start3A_15 = tpu.memref_squeeze %dma_start3A_14 : memref<1x128xf32, #tpu.memory_space<hbm>> -> memref<128xf32, #tpu.memory_space<hbm>>
      %dma_start3A_16 = arith.constant 0 : i32
      %dma_start3A_17 = tpu.memref_slice %arg3[%run_scoped3A_6, %dma_start3A_16] : memref<8x128xf32, #tpu.memory_space<hbm>> -> memref<1x128xf32, #tpu.memory_space<hbm>>
      %dma_start3A_18 = tpu.memref_squeeze %dma_start3A_17 : memref<1x128xf32, #tpu.memory_space<hbm>> -> memref<128xf32, #tpu.memory_space<hbm>>
      tpu.enqueue_dma source(%dma_start3A_18 : memref<128xf32, #tpu.memory_space<hbm>>) target(%arg14 : memref<128xf32, #tpu.memory_space<vmem>>) target_semaphore(%run_scoped3A_13 : memref<!tpu.dma_semaphore, #tpu.memory_space<semaphore_mem>>)
      %dma_wait3A = arith.constant 0 : i32
      %dma_wait3A_19 = tpu.memref_slice %arg3[%run_scoped3A_6, %dma_wait3A] : memref<8x128xf32, #tpu.memory_space<hbm>> -> memref<1x128xf32, #tpu.memory_space<hbm>>
      %dma_wait3A_20 = tpu.memref_squeeze %dma_wait3A_19 : memref<1x128xf32, #tpu.memory_space<hbm>> -> memref<128xf32, #tpu.memory_space<hbm>>
      %dma_wait3A_21 = arith.constant 0 : i32
      %dma_wait3A_22 = tpu.memref_slice %arg3[%run_scoped3A_6, %dma_wait3A_21] : memref<8x128xf32, #tpu.memory_space<hbm>> -> memref<1x128xf32, #tpu.memory_space<hbm>>
      %dma_wait3A_23 = tpu.memref_squeeze %dma_wait3A_22 : memref<1x128xf32, #tpu.memory_space<hbm>> -> memref<128xf32, #tpu.memory_space<hbm>>
      tpu.wait_dma2 semaphore(%run_scoped3A_13 : memref<!tpu.dma_semaphore, #tpu.memory_space<semaphore_mem>>) src(%dma_wait3A_23 : memref<128xf32, #tpu.memory_space<hbm>>) dst(%arg14 : memref<128xf32, #tpu.memory_space<vmem>>)
      tpu.yield
    }) : () -> ()
    %run_scoped3A_7 = arith.constant 7 : i32
    "tpu.region"() ({
      %run_scoped3A_13 = tpu.sem_alloc : memref<!tpu.dma_semaphore, #tpu.memory_space<semaphore_mem>>
      %dma_start3A = arith.constant 0 : i32
      %dma_start3A_14 = tpu.memref_slice %arg3[%run_scoped3A_7, %dma_start3A] : memref<8x128xf32, #tpu.memory_space<hbm>> -> memref<1x128xf32, #tpu.memory_space<hbm>>
      %dma_start3A_15 = tpu.memref_squeeze %dma_start3A_14 : memref<1x128xf32, #tpu.memory_space<hbm>> -> memref<128xf32, #tpu.memory_space<hbm>>
      %dma_start3A_16 = arith.constant 0 : i32
      %dma_start3A_17 = tpu.memref_slice %arg3[%run_scoped3A_7, %dma_start3A_16] : memref<8x128xf32, #tpu.memory_space<hbm>> -> memref<1x128xf32, #tpu.memory_space<hbm>>
      %dma_start3A_18 = tpu.memref_squeeze %dma_start3A_17 : memref<1x128xf32, #tpu.memory_space<hbm>> -> memref<128xf32, #tpu.memory_space<hbm>>
      tpu.enqueue_dma source(%dma_start3A_18 : memref<128xf32, #tpu.memory_space<hbm>>) target(%arg15 : memref<128xf32, #tpu.memory_space<vmem>>) target_semaphore(%run_scoped3A_13 : memref<!tpu.dma_semaphore, #tpu.memory_space<semaphore_mem>>)
      %dma_wait3A = arith.constant 0 : i32
      %dma_wait3A_19 = tpu.memref_slice %arg3[%run_scoped3A_7, %dma_wait3A] : memref<8x128xf32, #tpu.memory_space<hbm>> -> memref<1x128xf32, #tpu.memory_space<hbm>>
      %dma_wait3A_20 = tpu.memref_squeeze %dma_wait3A_19 : memref<1x128xf32, #tpu.memory_space<hbm>> -> memref<128xf32, #tpu.memory_space<hbm>>
      %dma_wait3A_21 = arith.constant 0 : i32
      %dma_wait3A_22 = tpu.memref_slice %arg3[%run_scoped3A_7, %dma_wait3A_21] : memref<8x128xf32, #tpu.memory_space<hbm>> -> memref<1x128xf32, #tpu.memory_space<hbm>>
      %dma_wait3A_23 = tpu.memref_squeeze %dma_wait3A_22 : memref<1x128xf32, #tpu.memory_space<hbm>> -> memref<128xf32, #tpu.memory_space<hbm>>
      tpu.wait_dma2 semaphore(%run_scoped3A_13 : memref<!tpu.dma_semaphore, #tpu.memory_space<semaphore_mem>>) src(%dma_wait3A_23 : memref<128xf32, #tpu.memory_space<hbm>>) dst(%arg15 : memref<128xf32, #tpu.memory_space<vmem>>)
      tpu.yield
    }) : () -> ()
    %iota3A = tpu.iota {dimensions = array<i32: 0>} : vector<16xi32>
    %scan3A = arith.constant 0 : i32
    %scan3A_8 = arith.constant 0 : i32
    %scan3A_9 = arith.constant 8 : i32
    %scan3A_10 = arith.addi %scan3A_8, %scan3A_9 : i32
    %scan3A_11 = arith.constant 1 : i32
    scf.for %scan3A_13 = %scan3A_8 to %scan3A_10 step %scan3A_11  : i32 {
      %mul3A_14 = arith.constant 128 : i32
      %mul3A_15 = arith.muli %add3A, %mul3A_14 : i32
      %mul3A_16 = arith.constant 16 : i32
      %mul3A_17 = arith.muli %scan3A_13, %mul3A_16 : i32
      %add3A_18 = arith.addi %mul3A_15, %mul3A_17 : i32
      %mul3A_19 = arith.constant 200 : i32
      %mul3A_20 = arith.muli %add3A_18, %mul3A_19 : i32
      "tpu.region"() ({
        %run_scoped3A_144 = tpu.sem_alloc : memref<!tpu.dma_semaphore, #tpu.memory_space<semaphore_mem>>
        %dma_start3A_145 = tpu.memref_slice %arg2[%mul3A_20] : memref<819200xi32, #tpu.memory_space<hbm>> -> memref<3200xi32, #tpu.memory_space<hbm>>
        %dma_start3A_146 = tpu.memref_slice %arg2[%mul3A_20] : memref<819200xi32, #tpu.memory_space<hbm>> -> memref<3200xi32, #tpu.memory_space<hbm>>
        tpu.enqueue_dma source(%dma_start3A_146 : memref<3200xi32, #tpu.memory_space<hbm>>) target(%arg5 : memref<3200xi32, #tpu.memory_space<vmem>>) target_semaphore(%run_scoped3A_144 : memref<!tpu.dma_semaphore, #tpu.memory_space<semaphore_mem>>)
        %dma_wait3A_147 = tpu.memref_slice %arg2[%mul3A_20] : memref<819200xi32, #tpu.memory_space<hbm>> -> memref<3200xi32, #tpu.memory_space<hbm>>
        %dma_wait3A_148 = tpu.memref_slice %arg2[%mul3A_20] : memref<819200xi32, #tpu.memory_space<hbm>> -> memref<3200xi32, #tpu.memory_space<hbm>>
        tpu.wait_dma2 semaphore(%run_scoped3A_144 : memref<!tpu.dma_semaphore, #tpu.memory_space<semaphore_mem>>) src(%dma_wait3A_148 : memref<3200xi32, #tpu.memory_space<hbm>>) dst(%arg5 : memref<3200xi32, #tpu.memory_space<vmem>>)
        tpu.yield
      }) : () -> ()
      %parallel_loop3A = arith.constant 0 : i32
      %parallel_loop3A_21 = arith.constant 8 : i32
      %parallel_loop3A_22 = arith.constant 1 : i32
      scf.for %parallel_loop3A_144 = %parallel_loop3A to %parallel_loop3A_21 step %parallel_loop3A_22  : i32 {
        %parallel_loop3A_145 = arith.constant 200 : i32
        %parallel_loop3A_146 = arith.muli %parallel_loop3A_144, %parallel_loop3A_145 : i32
        %parallel_loop3A_147 = arith.constant 0 : i32
        %parallel_loop3A_148 = arith.addi %parallel_loop3A_146, %parallel_loop3A_147 : i32
        %parallel_loop3A_149 = arith.index_cast %parallel_loop3A_148 : i32 to index
        %parallel_loop3A_150 = tpu.vector_load %arg5[%parallel_loop3A_149] {strides = array<i32>} : memref<3200xi32, #tpu.memory_space<vmem>>, vector<16xi32>,
        %parallel_loop3A_151 = arith.constant 184 : i32
        %parallel_loop3A_152 = arith.addi %parallel_loop3A_146, %parallel_loop3A_151 : i32
        %parallel_loop3A_153 = arith.constant 0 : i32
        %parallel_loop3A_154 = arith.subi %parallel_loop3A_152, %parallel_loop3A_153 : i32
        %parallel_loop3A_155 = arith.index_cast %parallel_loop3A_154 : i32 to index
        %parallel_loop3A_156 = tpu.vector_load %arg5[%parallel_loop3A_155] {strides = array<i32>} : memref<3200xi32, #tpu.memory_space<vmem>>, vector<16xi32>,
        %parallel_loop3A_157 = arith.constant 4 : i32
        %parallel_loop3A_158 = vector.broadcast %parallel_loop3A_157 : i32 to vector<16xi32>
        %parallel_loop3A_159 = arith.shli %parallel_loop3A_150, %parallel_loop3A_158 : vector<16xi32>
        %parallel_loop3A_160 = arith.addi %parallel_loop3A_159, %iota3A : vector<16xi32>
        %parallel_loop3A_161 = arith.constant 15 : i32
        %parallel_loop3A_162 = vector.broadcast %parallel_loop3A_161 : i32 to vector<16xi32>
        %parallel_loop3A_163 = tpu.iota {dimensions = array<i32: 0>} : vector<16xi32>
        %parallel_loop3A_164 = arith.subi %parallel_loop3A_162, %parallel_loop3A_163 : vector<16xi32>
        %parallel_loop3A_165 = tpu.dynamic_gather %parallel_loop3A_156[%parallel_loop3A_164] in [0] : vector<16xi32>, vector<16xi32> -> vector<16xi32>
        %parallel_loop3A_166 = arith.constant 4 : i32
        %parallel_loop3A_167 = vector.broadcast %parallel_loop3A_166 : i32 to vector<16xi32>
        %parallel_loop3A_168 = arith.shli %parallel_loop3A_165, %parallel_loop3A_167 : vector<16xi32>
        %parallel_loop3A_169 = arith.addi %parallel_loop3A_168, %iota3A : vector<16xi32>
        %parallel_loop3A_170 = tpu.vector_load_idx %arg8[%parallel_loop3A_160] : memref<128xf32, #tpu.memory_space<vmem>>[vector<16xi32>], vector<16xf32>,
        %parallel_loop3A_171 = arith.constant 0 : i32
        %parallel_loop3A_172 = arith.index_cast %parallel_loop3A_144 : i32 to index
        %parallel_loop3A_173 = arith.index_cast %parallel_loop3A_171 : i32 to index
        %parallel_loop3A_174 = arith.constant 0 : index
        %parallel_loop3A_175 = tpu.vector_load %arg6[%parallel_loop3A_172, %parallel_loop3A_173, %parallel_loop3A_174] {strides = array<i32>} : memref<16x4x200xf32, #tpu.memory_space<vmem>>, vector<16xf32>,
        tpu.vector_store %arg6[%parallel_loop3A_172, %parallel_loop3A_173, %parallel_loop3A_174], %parallel_loop3A_170 {strides = array<i32>} : memref<16x4x200xf32, #tpu.memory_space<vmem>>, vector<16xf32>,
        %parallel_loop3A_176 = tpu.vector_load_idx %arg12[%parallel_loop3A_169] : memref<128xf32, #tpu.memory_space<vmem>>[vector<16xi32>], vector<16xf32>,
        %parallel_loop3A_177 = arith.constant 0 : i32
        %parallel_loop3A_178 = arith.index_cast %parallel_loop3A_144 : i32 to index
        %parallel_loop3A_179 = arith.index_cast %parallel_loop3A_177 : i32 to index
        %parallel_loop3A_180 = arith.constant 0 : index
        %parallel_loop3A_181 = tpu.vector_load %arg7[%parallel_loop3A_178, %parallel_loop3A_179, %parallel_loop3A_180] {strides = array<i32>} : memref<16x4x200xf32, #tpu.memory_space<vmem>>, vector<16xf32>,
        tpu.vector_store %arg7[%parallel_loop3A_178, %parallel_loop3A_179, %parallel_loop3A_180], %parallel_loop3A_176 {strides = array<i32>} : memref<16x4x200xf32, #tpu.memory_space<vmem>>, vector<16xf32>,
        %parallel_loop3A_182 = tpu.vector_load_idx %arg9[%parallel_loop3A_160] : memref<128xf32, #tpu.memory_space<vmem>>[vector<16xi32>], vector<16xf32>,
        %parallel_loop3A_183 = arith.constant 1 : i32
        %parallel_loop3A_184 = arith.index_cast %parallel_loop3A_144 : i32 to index
        %parallel_loop3A_185 = arith.index_cast %parallel_loop3A_183 : i32 to index
        %parallel_loop3A_186 = arith.constant 0 : index
        %parallel_loop3A_187 = tpu.vector_load %arg6[%parallel_loop3A_184, %parallel_loop3A_185, %parallel_loop3A_186] {strides = array<i32>} : memref<16x4x200xf32, #tpu.memory_space<vmem>>, vector<16xf32>,
        tpu.vector_store %arg6[%parallel_loop3A_184, %parallel_loop3A_185, %parallel_loop3A_186], %parallel_loop3A_182 {strides = array<i32>} : memref<16x4x200xf32, #tpu.memory_space<vmem>>, vector<16xf32>,
        %parallel_loop3A_188 = tpu.vector_load_idx %arg13[%parallel_loop3A_169] : memref<128xf32, #tpu.memory_space<vmem>>[vector<16xi32>], vector<16xf32>,
        %parallel_loop3A_189 = arith.constant 1 : i32
        %parallel_loop3A_190 = arith.index_cast %parallel_loop3A_144 : i32 to index
        %parallel_loop3A_191 = arith.index_cast %parallel_loop3A_189 : i32 to index
        %parallel_loop3A_192 = arith.constant 0 : index
        %parallel_loop3A_193 = tpu.vector_load %arg7[%parallel_loop3A_190, %parallel_loop3A_191, %parallel_loop3A_192] {strides = array<i32>} : memref<16x4x200xf32, #tpu.memory_space<vmem>>, vector<16xf32>,
        tpu.vector_store %arg7[%parallel_loop3A_190, %parallel_loop3A_191, %parallel_loop3A_192], %parallel_loop3A_188 {strides = array<i32>} : memref<16x4x200xf32, #tpu.memory_space<vmem>>, vector<16xf32>,
        %parallel_loop3A_194 = tpu.vector_load_idx %arg10[%parallel_loop3A_160] : memref<128xf32, #tpu.memory_space<vmem>>[vector<16xi32>], vector<16xf32>,
        %parallel_loop3A_195 = arith.constant 2 : i32
        %parallel_loop3A_196 = arith.index_cast %parallel_loop3A_144 : i32 to index
        %parallel_loop3A_197 = arith.index_cast %parallel_loop3A_195 : i32 to index
        %parallel_loop3A_198 = arith.constant 0 : index
        %parallel_loop3A_199 = tpu.vector_load %arg6[%parallel_loop3A_196, %parallel_loop3A_197, %parallel_loop3A_198] {strides = array<i32>} : memref<16x4x200xf32, #tpu.memory_space<vmem>>, vector<16xf32>,
        tpu.vector_store %arg6[%parallel_loop3A_196, %parallel_loop3A_197, %parallel_loop3A_198], %parallel_loop3A_194 {strides = array<i32>} : memref<16x4x200xf32, #tpu.memory_space<vmem>>, vector<16xf32>,
        %parallel_loop3A_200 = tpu.vector_load_idx %arg14[%parallel_loop3A_169] : memref<128xf32, #tpu.memory_space<vmem>>[vector<16xi32>], vector<16xf32>,
        %parallel_loop3A_201 = arith.constant 2 : i32
        %parallel_loop3A_202 = arith.index_cast %parallel_loop3A_144 : i32 to index
        %parallel_loop3A_203 = arith.index_cast %parallel_loop3A_201 : i32 to index
        %parallel_loop3A_204 = arith.constant 0 : index
        %parallel_loop3A_205 = tpu.vector_load %arg7[%parallel_loop3A_202, %parallel_loop3A_203, %parallel_loop3A_204] {strides = array<i32>} : memref<16x4x200xf32, #tpu.memory_space<vmem>>, vector<16xf32>,
        tpu.vector_store %arg7[%parallel_loop3A_202, %parallel_loop3A_203, %parallel_loop3A_204], %parallel_loop3A_200 {strides = array<i32>} : memref<16x4x200xf32, #tpu.memory_space<vmem>>, vector<16xf32>,
        %parallel_loop3A_206 = tpu.vector_load_idx %arg11[%parallel_loop3A_160] : memref<128xf32, #tpu.memory_space<vmem>>[vector<16xi32>], vector<16xf32>,
        %parallel_loop3A_207 = arith.constant 3 : i32
        %parallel_loop3A_208 = arith.index_cast %parallel_loop3A_144 : i32 to index
        %parallel_loop3A_209 = arith.index_cast %parallel_loop3A_207 : i32 to index
        %parallel_loop3A_210 = arith.constant 0 : index
        %parallel_loop3A_211 = tpu.vector_load %arg6[%parallel_loop3A_208, %parallel_loop3A_209, %parallel_loop3A_210] {strides = array<i32>} : memref<16x4x200xf32, #tpu.memory_space<vmem>>, vector<16xf32>,
        tpu.vector_store %arg6[%parallel_loop3A_208, %parallel_loop3A_209, %parallel_loop3A_210], %parallel_loop3A_206 {strides = array<i32>} : memref<16x4x200xf32, #tpu.memory_space<vmem>>, vector<16xf32>,
        %parallel_loop3A_212 = tpu.vector_load_idx %arg15[%parallel_loop3A_169] : memref<128xf32, #tpu.memory_space<vmem>>[vector<16xi32>], vector<16xf32>,
        %parallel_loop3A_213 = arith.constant 3 : i32
        %parallel_loop3A_214 = arith.index_cast %parallel_loop3A_144 : i32 to index
        %parallel_loop3A_215 = arith.index_cast %parallel_loop3A_213 : i32 to index
        %parallel_loop3A_216 = arith.constant 0 : index
        %parallel_loop3A_217 = tpu.vector_load %arg7[%parallel_loop3A_214, %parallel_loop3A_215, %parallel_loop3A_216] {strides = array<i32>} : memref<16x4x200xf32, #tpu.memory_space<vmem>>, vector<16xf32>,
        tpu.vector_store %arg7[%parallel_loop3A_214, %parallel_loop3A_215, %parallel_loop3A_216], %parallel_loop3A_212 {strides = array<i32>} : memref<16x4x200xf32, #tpu.memory_space<vmem>>, vector<16xf32>,
        %parallel_loop3A_218 = arith.constant 16 : i32
        %parallel_loop3A_219 = arith.addi %parallel_loop3A_146, %parallel_loop3A_218 : i32
        %parallel_loop3A_220 = arith.index_cast %parallel_loop3A_219 : i32 to index
        %parallel_loop3A_221 = tpu.vector_load %arg5[%parallel_loop3A_220] {strides = array<i32>} : memref<3200xi32, #tpu.memory_space<vmem>>, vector<16xi32>,
        %parallel_loop3A_222 = arith.constant 184 : i32
        %parallel_loop3A_223 = arith.addi %parallel_loop3A_146, %parallel_loop3A_222 : i32
        %parallel_loop3A_224 = arith.constant 16 : i32
        %parallel_loop3A_225 = arith.subi %parallel_loop3A_223, %parallel_loop3A_224 : i32
        %parallel_loop3A_226 = arith.index_cast %parallel_loop3A_225 : i32 to index
        %parallel_loop3A_227 = tpu.vector_load %arg5[%parallel_loop3A_226] {strides = array<i32>} : memref<3200xi32, #tpu.memory_space<vmem>>, vector<16xi32>,
        %parallel_loop3A_228 = arith.constant 4 : i32
        %parallel_loop3A_229 = vector.broadcast %parallel_loop3A_228 : i32 to vector<16xi32>
        %parallel_loop3A_230 = arith.shli %parallel_loop3A_221, %parallel_loop3A_229 : vector<16xi32>
        %parallel_loop3A_231 = arith.addi %parallel_loop3A_230, %iota3A : vector<16xi32>
        %parallel_loop3A_232 = arith.constant 15 : i32
        %parallel_loop3A_233 = vector.broadcast %parallel_loop3A_232 : i32 to vector<16xi32>
        %parallel_loop3A_234 = tpu.iota {dimensions = array<i32: 0>} : vector<16xi32>
        %parallel_loop3A_235 = arith.subi %parallel_loop3A_233, %parallel_loop3A_234 : vector<16xi32>
        %parallel_loop3A_236 = tpu.dynamic_gather %parallel_loop3A_227[%parallel_loop3A_235] in [0] : vector<16xi32>, vector<16xi32> -> vector<16xi32>
        %parallel_loop3A_237 = arith.constant 4 : i32
        %parallel_loop3A_238 = vector.broadcast %parallel_loop3A_237 : i32 to vector<16xi32>
        %parallel_loop3A_239 = arith.shli %parallel_loop3A_236, %parallel_loop3A_238 : vector<16xi32>
        %parallel_loop3A_240 = arith.addi %parallel_loop3A_239, %iota3A : vector<16xi32>
        %parallel_loop3A_241 = tpu.vector_load_idx %arg8[%parallel_loop3A_231] : memref<128xf32, #tpu.memory_space<vmem>>[vector<16xi32>], vector<16xf32>,
        %parallel_loop3A_242 = arith.constant 0 : i32
        %parallel_loop3A_243 = arith.index_cast %parallel_loop3A_144 : i32 to index
        %parallel_loop3A_244 = arith.index_cast %parallel_loop3A_242 : i32 to index
        %parallel_loop3A_245 = arith.constant 16 : index
        %parallel_loop3A_246 = tpu.vector_load %arg6[%parallel_loop3A_243, %parallel_loop3A_244, %parallel_loop3A_245] {strides = array<i32>} : memref<16x4x200xf32, #tpu.memory_space<vmem>>, vector<16xf32>,
        tpu.vector_store %arg6[%parallel_loop3A_243, %parallel_loop3A_244, %parallel_loop3A_245], %parallel_loop3A_241 {strides = array<i32>} : memref<16x4x200xf32, #tpu.memory_space<vmem>>, vector<16xf32>,
        %parallel_loop3A_247 = tpu.vector_load_idx %arg12[%parallel_loop3A_240] : memref<128xf32, #tpu.memory_space<vmem>>[vector<16xi32>], vector<16xf32>,
        %parallel_loop3A_248 = arith.constant 0 : i32
        %parallel_loop3A_249 = arith.index_cast %parallel_loop3A_144 : i32 to index
        %parallel_loop3A_250 = arith.index_cast %parallel_loop3A_248 : i32 to index
        %parallel_loop3A_251 = arith.constant 16 : index
        %parallel_loop3A_252 = tpu.vector_load %arg7[%parallel_loop3A_249, %parallel_loop3A_250, %parallel_loop3A_251] {strides = array<i32>} : memref<16x4x200xf32, #tpu.memory_space<vmem>>, vector<16xf32>,
        tpu.vector_store %arg7[%parallel_loop3A_249, %parallel_loop3A_250, %parallel_loop3A_251], %parallel_loop3A_247 {strides = array<i32>} : memref<16x4x200xf32, #tpu.memory_space<vmem>>, vector<16xf32>,
        %parallel_loop3A_253 = tpu.vector_load_idx %arg9[%parallel_loop3A_231] : memref<128xf32, #tpu.memory_space<vmem>>[vector<16xi32>], vector<16xf32>,
        %parallel_loop3A_254 = arith.constant 1 : i32
        %parallel_loop3A_255 = arith.index_cast %parallel_loop3A_144 : i32 to index
        %parallel_loop3A_256 = arith.index_cast %parallel_loop3A_254 : i32 to index
        %parallel_loop3A_257 = arith.constant 16 : index
        %parallel_loop3A_258 = tpu.vector_load %arg6[%parallel_loop3A_255, %parallel_loop3A_256, %parallel_loop3A_257] {strides = array<i32>} : memref<16x4x200xf32, #tpu.memory_space<vmem>>, vector<16xf32>,
        tpu.vector_store %arg6[%parallel_loop3A_255, %parallel_loop3A_256, %parallel_loop3A_257], %parallel_loop3A_253 {strides = array<i32>} : memref<16x4x200xf32, #tpu.memory_space<vmem>>, vector<16xf32>,
        %parallel_loop3A_259 = tpu.vector_load_idx %arg13[%parallel_loop3A_240] : memref<128xf32, #tpu.memory_space<vmem>>[vector<16xi32>], vector<16xf32>,
        %parallel_loop3A_260 = arith.constant 1 : i32
        %parallel_loop3A_261 = arith.index_cast %parallel_loop3A_144 : i32 to index
        %parallel_loop3A_262 = arith.index_cast %parallel_loop3A_260 : i32 to index
        %parallel_loop3A_263 = arith.constant 16 : index
        %parallel_loop3A_264 = tpu.vector_load %arg7[%parallel_loop3A_261, %parallel_loop3A_262, %parallel_loop3A_263] {strides = array<i32>} : memref<16x4x200xf32, #tpu.memory_space<vmem>>, vector<16xf32>,
        tpu.vector_store %arg7[%parallel_loop3A_261, %parallel_loop3A_262, %parallel_loop3A_263], %parallel_loop3A_259 {strides = array<i32>} : memref<16x4x200xf32, #tpu.memory_space<vmem>>, vector<16xf32>,
        %parallel_loop3A_265 = tpu.vector_load_idx %arg10[%parallel_loop3A_231] : memref<128xf32, #tpu.memory_space<vmem>>[vector<16xi32>], vector<16xf32>,
        %parallel_loop3A_266 = arith.constant 2 : i32
        %parallel_loop3A_267 = arith.index_cast %parallel_loop3A_144 : i32 to index
        %parallel_loop3A_268 = arith.index_cast %parallel_loop3A_266 : i32 to index
        %parallel_loop3A_269 = arith.constant 16 : index
        %parallel_loop3A_270 = tpu.vector_load %arg6[%parallel_loop3A_267, %parallel_loop3A_268, %parallel_loop3A_269] {strides = array<i32>} : memref<16x4x200xf32, #tpu.memory_space<vmem>>, vector<16xf32>,
        tpu.vector_store %arg6[%parallel_loop3A_267, %parallel_loop3A_268, %parallel_loop3A_269], %parallel_loop3A_265 {strides = array<i32>} : memref<16x4x200xf32, #tpu.memory_space<vmem>>, vector<16xf32>,
        %parallel_loop3A_271 = tpu.vector_load_idx %arg14[%parallel_loop3A_240] : memref<128xf32, #tpu.memory_space<vmem>>[vector<16xi32>], vector<16xf32>,
        %parallel_loop3A_272 = arith.constant 2 : i32
        %parallel_loop3A_273 = arith.index_cast %parallel_loop3A_144 : i32 to index
        %parallel_loop3A_274 = arith.index_cast %parallel_loop3A_272 : i32 to index
        %parallel_loop3A_275 = arith.constant 16 : index
        %parallel_loop3A_276 = tpu.vector_load %arg7[%parallel_loop3A_273, %parallel_loop3A_274, %parallel_loop3A_275] {strides = array<i32>} : memref<16x4x200xf32, #tpu.memory_space<vmem>>, vector<16xf32>,
        tpu.vector_store %arg7[%parallel_loop3A_273, %parallel_loop3A_274, %parallel_loop3A_275], %parallel_loop3A_271 {strides = array<i32>} : memref<16x4x200xf32, #tpu.memory_space<vmem>>, vector<16xf32>,
        %parallel_loop3A_277 = tpu.vector_load_idx %arg11[%parallel_loop3A_231] : memref<128xf32, #tpu.memory_space<vmem>>[vector<16xi32>], vector<16xf32>,
        %parallel_loop3A_278 = arith.constant 3 : i32
        %parallel_loop3A_279 = arith.index_cast %parallel_loop3A_144 : i32 to index
        %parallel_loop3A_280 = arith.index_cast %parallel_loop3A_278 : i32 to index
        %parallel_loop3A_281 = arith.constant 16 : index
        %parallel_loop3A_282 = tpu.vector_load %arg6[%parallel_loop3A_279, %parallel_loop3A_280, %parallel_loop3A_281] {strides = array<i32>} : memref<16x4x200xf32, #tpu.memory_space<vmem>>, vector<16xf32>,
        tpu.vector_store %arg6[%parallel_loop3A_279, %parallel_loop3A_280, %parallel_loop3A_281], %parallel_loop3A_277 {strides = array<i32>} : memref<16x4x200xf32, #tpu.memory_space<vmem>>, vector<16xf32>,
        %parallel_loop3A_283 = tpu.vector_load_idx %arg15[%parallel_loop3A_240] : memref<128xf32, #tpu.memory_space<vmem>>[vector<16xi32>], vector<16xf32>,
        %parallel_loop3A_284 = arith.constant 3 : i32
        %parallel_loop3A_285 = arith.index_cast %parallel_loop3A_144 : i32 to index
        %parallel_loop3A_286 = arith.index_cast %parallel_loop3A_284 : i32 to index
        %parallel_loop3A_287 = arith.constant 16 : index
        %parallel_loop3A_288 = tpu.vector_load %arg7[%parallel_loop3A_285, %parallel_loop3A_286, %parallel_loop3A_287] {strides = array<i32>} : memref<16x4x200xf32, #tpu.memory_space<vmem>>, vector<16xf32>,
        tpu.vector_store %arg7[%parallel_loop3A_285, %parallel_loop3A_286, %parallel_loop3A_287], %parallel_loop3A_283 {strides = array<i32>} : memref<16x4x200xf32, #tpu.memory_space<vmem>>, vector<16xf32>,
        %parallel_loop3A_289 = arith.constant 32 : i32
        %parallel_loop3A_290 = arith.addi %parallel_loop3A_146, %parallel_loop3A_289 : i32
        %parallel_loop3A_291 = arith.index_cast %parallel_loop3A_290 : i32 to index
        %parallel_loop3A_292 = tpu.vector_load %arg5[%parallel_loop3A_291] {strides = array<i32>} : memref<3200xi32, #tpu.memory_space<vmem>>, vector<16xi32>,
        %parallel_loop3A_293 = arith.constant 184 : i32
        %parallel_loop3A_294 = arith.addi %parallel_loop3A_146, %parallel_loop3A_293 : i32
        %parallel_loop3A_295 = arith.constant 32 : i32
        %parallel_loop3A_296 = arith.subi %parallel_loop3A_294, %parallel_loop3A_295 : i32
        %parallel_loop3A_297 = arith.index_cast %parallel_loop3A_296 : i32 to index
        %parallel_loop3A_298 = tpu.vector_load %arg5[%parallel_loop3A_297] {strides = array<i32>} : memref<3200xi32, #tpu.memory_space<vmem>>, vector<16xi32>,
        %parallel_loop3A_299 = arith.constant 4 : i32
        %parallel_loop3A_300 = vector.broadcast %parallel_loop3A_299 : i32 to vector<16xi32>
        %parallel_loop3A_301 = arith.shli %parallel_loop3A_292, %parallel_loop3A_300 : vector<16xi32>
        %parallel_loop3A_302 = arith.addi %parallel_loop3A_301, %iota3A : vector<16xi32>
        %parallel_loop3A_303 = arith.constant 15 : i32
        %parallel_loop3A_304 = vector.broadcast %parallel_loop3A_303 : i32 to vector<16xi32>
        %parallel_loop3A_305 = tpu.iota {dimensions = array<i32: 0>} : vector<16xi32>
        %parallel_loop3A_306 = arith.subi %parallel_loop3A_304, %parallel_loop3A_305 : vector<16xi32>
        %parallel_loop3A_307 = tpu.dynamic_gather %parallel_loop3A_298[%parallel_loop3A_306] in [0] : vector<16xi32>, vector<16xi32> -> vector<16xi32>
        %parallel_loop3A_308 = arith.constant 4 : i32
        %parallel_loop3A_309 = vector.broadcast %parallel_loop3A_308 : i32 to vector<16xi32>
        %parallel_loop3A_310 = arith.shli %parallel_loop3A_307, %parallel_loop3A_309 : vector<16xi32>
        %parallel_loop3A_311 = arith.addi %parallel_loop3A_310, %iota3A : vector<16xi32>
        %parallel_loop3A_312 = tpu.vector_load_idx %arg8[%parallel_loop3A_302] : memref<128xf32, #tpu.memory_space<vmem>>[vector<16xi32>], vector<16xf32>,
        %parallel_loop3A_313 = arith.constant 0 : i32
        %parallel_loop3A_314 = arith.index_cast %parallel_loop3A_144 : i32 to index
        %parallel_loop3A_315 = arith.index_cast %parallel_loop3A_313 : i32 to index
        %parallel_loop3A_316 = arith.constant 32 : index
        %parallel_loop3A_317 = tpu.vector_load %arg6[%parallel_loop3A_314, %parallel_loop3A_315, %parallel_loop3A_316] {strides = array<i32>} : memref<16x4x200xf32, #tpu.memory_space<vmem>>, vector<16xf32>,
        tpu.vector_store %arg6[%parallel_loop3A_314, %parallel_loop3A_315, %parallel_loop3A_316], %parallel_loop3A_312 {strides = array<i32>} : memref<16x4x200xf32, #tpu.memory_space<vmem>>, vector<16xf32>,
        %parallel_loop3A_318 = tpu.vector_load_idx %arg12[%parallel_loop3A_311] : memref<128xf32, #tpu.memory_space<vmem>>[vector<16xi32>], vector<16xf32>,
        %parallel_loop3A_319 = arith.constant 0 : i32
        %parallel_loop3A_320 = arith.index_cast %parallel_loop3A_144 : i32 to index
        %parallel_loop3A_321 = arith.index_cast %parallel_loop3A_319 : i32 to index
        %parallel_loop3A_322 = arith.constant 32 : index
        %parallel_loop3A_323 = tpu.vector_load %arg7[%parallel_loop3A_320, %parallel_loop3A_321, %parallel_loop3A_322] {strides = array<i32>} : memref<16x4x200xf32, #tpu.memory_space<vmem>>, vector<16xf32>,
        tpu.vector_store %arg7[%parallel_loop3A_320, %parallel_loop3A_321, %parallel_loop3A_322], %parallel_loop3A_318 {strides = array<i32>} : memref<16x4x200xf32, #tpu.memory_space<vmem>>, vector<16xf32>,
        %parallel_loop3A_324 = tpu.vector_load_idx %arg9[%parallel_loop3A_302] : memref<128xf32, #tpu.memory_space<vmem>>[vector<16xi32>], vector<16xf32>,
        %parallel_loop3A_325 = arith.constant 1 : i32
        %parallel_loop3A_326 = arith.index_cast %parallel_loop3A_144 : i32 to index
        %parallel_loop3A_327 = arith.index_cast %parallel_loop3A_325 : i32 to index
        %parallel_loop3A_328 = arith.constant 32 : index
        %parallel_loop3A_329 = tpu.vector_load %arg6[%parallel_loop3A_326, %parallel_loop3A_327, %parallel_loop3A_328] {strides = array<i32>} : memref<16x4x200xf32, #tpu.memory_space<vmem>>, vector<16xf32>,
        tpu.vector_store %arg6[%parallel_loop3A_326, %parallel_loop3A_327, %parallel_loop3A_328], %parallel_loop3A_324 {strides = array<i32>} : memref<16x4x200xf32, #tpu.memory_space<vmem>>, vector<16xf32>,
        %parallel_loop3A_330 = tpu.vector_load_idx %arg13[%parallel_loop3A_311] : memref<128xf32, #tpu.memory_space<vmem>>[vector<16xi32>], vector<16xf32>,
        %parallel_loop3A_331 = arith.constant 1 : i32
        %parallel_loop3A_332 = arith.index_cast %parallel_loop3A_144 : i32 to index
        %parallel_loop3A_333 = arith.index_cast %parallel_loop3A_331 : i32 to index
        %parallel_loop3A_334 = arith.constant 32 : index
        %parallel_loop3A_335 = tpu.vector_load %arg7[%parallel_loop3A_332, %parallel_loop3A_333, %parallel_loop3A_334] {strides = array<i32>} : memref<16x4x200xf32, #tpu.memory_space<vmem>>, vector<16xf32>,
        tpu.vector_store %arg7[%parallel_loop3A_332, %parallel_loop3A_333, %parallel_loop3A_334], %parallel_loop3A_330 {strides = array<i32>} : memref<16x4x200xf32, #tpu.memory_space<vmem>>, vector<16xf32>,
        %parallel_loop3A_336 = tpu.vector_load_idx %arg10[%parallel_loop3A_302] : memref<128xf32, #tpu.memory_space<vmem>>[vector<16xi32>], vector<16xf32>,
        %parallel_loop3A_337 = arith.constant 2 : i32
        %parallel_loop3A_338 = arith.index_cast %parallel_loop3A_144 : i32 to index
        %parallel_loop3A_339 = arith.index_cast %parallel_loop3A_337 : i32 to index
        %parallel_loop3A_340 = arith.constant 32 : index
        %parallel_loop3A_341 = tpu.vector_load %arg6[%parallel_loop3A_338, %parallel_loop3A_339, %parallel_loop3A_340] {strides = array<i32>} : memref<16x4x200xf32, #tpu.memory_space<vmem>>, vector<16xf32>,
        tpu.vector_store %arg6[%parallel_loop3A_338, %parallel_loop3A_339, %parallel_loop3A_340], %parallel_loop3A_336 {strides = array<i32>} : memref<16x4x200xf32, #tpu.memory_space<vmem>>, vector<16xf32>,
        %parallel_loop3A_342 = tpu.vector_load_idx %arg14[%parallel_loop3A_311] : memref<128xf32, #tpu.memory_space<vmem>>[vector<16xi32>], vector<16xf32>,
        %parallel_loop3A_343 = arith.constant 2 : i32
        %parallel_loop3A_344 = arith.index_cast %parallel_loop3A_144 : i32 to index
        %parallel_loop3A_345 = arith.index_cast %parallel_loop3A_343 : i32 to index
        %parallel_loop3A_346 = arith.constant 32 : index
        %parallel_loop3A_347 = tpu.vector_load %arg7[%parallel_loop3A_344, %parallel_loop3A_345, %parallel_loop3A_346] {strides = array<i32>} : memref<16x4x200xf32, #tpu.memory_space<vmem>>, vector<16xf32>,
        tpu.vector_store %arg7[%parallel_loop3A_344, %parallel_loop3A_345, %parallel_loop3A_346], %parallel_loop3A_342 {strides = array<i32>} : memref<16x4x200xf32, #tpu.memory_space<vmem>>, vector<16xf32>,
        %parallel_loop3A_348 = tpu.vector_load_idx %arg11[%parallel_loop3A_302] : memref<128xf32, #tpu.memory_space<vmem>>[vector<16xi32>], vector<16xf32>,
        %parallel_loop3A_349 = arith.constant 3 : i32
        %parallel_loop3A_350 = arith.index_cast %parallel_loop3A_144 : i32 to index
        %parallel_loop3A_351 = arith.index_cast %parallel_loop3A_349 : i32 to index
        %parallel_loop3A_352 = arith.constant 32 : index
        %parallel_loop3A_353 = tpu.vector_load %arg6[%parallel_loop3A_350, %parallel_loop3A_351, %parallel_loop3A_352] {strides = array<i32>} : memref<16x4x200xf32, #tpu.memory_space<vmem>>, vector<16xf32>,
        tpu.vector_store %arg6[%parallel_loop3A_350, %parallel_loop3A_351, %parallel_loop3A_352], %parallel_loop3A_348 {strides = array<i32>} : memref<16x4x200xf32, #tpu.memory_space<vmem>>, vector<16xf32>,
        %parallel_loop3A_354 = tpu.vector_load_idx %arg15[%parallel_loop3A_311] : memref<128xf32, #tpu.memory_space<vmem>>[vector<16xi32>], vector<16xf32>,
        %parallel_loop3A_355 = arith.constant 3 : i32
        %parallel_loop3A_356 = arith.index_cast %parallel_loop3A_144 : i32 to index
        %parallel_loop3A_357 = arith.index_cast %parallel_loop3A_355 : i32 to index
        %parallel_loop3A_358 = arith.constant 32 : index
        %parallel_loop3A_359 = tpu.vector_load %arg7[%parallel_loop3A_356, %parallel_loop3A_357, %parallel_loop3A_358] {strides = array<i32>} : memref<16x4x200xf32, #tpu.memory_space<vmem>>, vector<16xf32>,
        tpu.vector_store %arg7[%parallel_loop3A_356, %parallel_loop3A_357, %parallel_loop3A_358], %parallel_loop3A_354 {strides = array<i32>} : memref<16x4x200xf32, #tpu.memory_space<vmem>>, vector<16xf32>,
        %parallel_loop3A_360 = arith.constant 48 : i32
        %parallel_loop3A_361 = arith.addi %parallel_loop3A_146, %parallel_loop3A_360 : i32
        %parallel_loop3A_362 = arith.index_cast %parallel_loop3A_361 : i32 to index
        %parallel_loop3A_363 = tpu.vector_load %arg5[%parallel_loop3A_362] {strides = array<i32>} : memref<3200xi32, #tpu.memory_space<vmem>>, vector<16xi32>,
        %parallel_loop3A_364 = arith.constant 184 : i32
        %parallel_loop3A_365 = arith.addi %parallel_loop3A_146, %parallel_loop3A_364 : i32
        %parallel_loop3A_366 = arith.constant 48 : i32
        %parallel_loop3A_367 = arith.subi %parallel_loop3A_365, %parallel_loop3A_366 : i32
        %parallel_loop3A_368 = arith.index_cast %parallel_loop3A_367 : i32 to index
        %parallel_loop3A_369 = tpu.vector_load %arg5[%parallel_loop3A_368] {strides = array<i32>} : memref<3200xi32, #tpu.memory_space<vmem>>, vector<16xi32>,
        %parallel_loop3A_370 = arith.constant 4 : i32
        %parallel_loop3A_371 = vector.broadcast %parallel_loop3A_370 : i32 to vector<16xi32>
        %parallel_loop3A_372 = arith.shli %parallel_loop3A_363, %parallel_loop3A_371 : vector<16xi32>
        %parallel_loop3A_373 = arith.addi %parallel_loop3A_372, %iota3A : vector<16xi32>
        %parallel_loop3A_374 = arith.constant 15 : i32
        %parallel_loop3A_375 = vector.broadcast %parallel_loop3A_374 : i32 to vector<16xi32>
        %parallel_loop3A_376 = tpu.iota {dimensions = array<i32: 0>} : vector<16xi32>
        %parallel_loop3A_377 = arith.subi %parallel_loop3A_375, %parallel_loop3A_376 : vector<16xi32>
        %parallel_loop3A_378 = tpu.dynamic_gather %parallel_loop3A_369[%parallel_loop3A_377] in [0] : vector<16xi32>, vector<16xi32> -> vector<16xi32>
        %parallel_loop3A_379 = arith.constant 4 : i32
        %parallel_loop3A_380 = vector.broadcast %parallel_loop3A_379 : i32 to vector<16xi32>
        %parallel_loop3A_381 = arith.shli %parallel_loop3A_378, %parallel_loop3A_380 : vector<16xi32>
        %parallel_loop3A_382 = arith.addi %parallel_loop3A_381, %iota3A : vector<16xi32>
        %parallel_loop3A_383 = tpu.vector_load_idx %arg8[%parallel_loop3A_373] : memref<128xf32, #tpu.memory_space<vmem>>[vector<16xi32>], vector<16xf32>,
        %parallel_loop3A_384 = arith.constant 0 : i32
        %parallel_loop3A_385 = arith.index_cast %parallel_loop3A_144 : i32 to index
        %parallel_loop3A_386 = arith.index_cast %parallel_loop3A_384 : i32 to index
        %parallel_loop3A_387 = arith.constant 48 : index
        %parallel_loop3A_388 = tpu.vector_load %arg6[%parallel_loop3A_385, %parallel_loop3A_386, %parallel_loop3A_387] {strides = array<i32>} : memref<16x4x200xf32, #tpu.memory_space<vmem>>, vector<16xf32>,
        tpu.vector_store %arg6[%parallel_loop3A_385, %parallel_loop3A_386, %parallel_loop3A_387], %parallel_loop3A_383 {strides = array<i32>} : memref<16x4x200xf32, #tpu.memory_space<vmem>>, vector<16xf32>,
        %parallel_loop3A_389 = tpu.vector_load_idx %arg12[%parallel_loop3A_382] : memref<128xf32, #tpu.memory_space<vmem>>[vector<16xi32>], vector<16xf32>,
        %parallel_loop3A_390 = arith.constant 0 : i32
        %parallel_loop3A_391 = arith.index_cast %parallel_loop3A_144 : i32 to index
        %parallel_loop3A_392 = arith.index_cast %parallel_loop3A_390 : i32 to index
        %parallel_loop3A_393 = arith.constant 48 : index
        %parallel_loop3A_394 = tpu.vector_load %arg7[%parallel_loop3A_391, %parallel_loop3A_392, %parallel_loop3A_393] {strides = array<i32>} : memref<16x4x200xf32, #tpu.memory_space<vmem>>, vector<16xf32>,
        tpu.vector_store %arg7[%parallel_loop3A_391, %parallel_loop3A_392, %parallel_loop3A_393], %parallel_loop3A_389 {strides = array<i32>} : memref<16x4x200xf32, #tpu.memory_space<vmem>>, vector<16xf32>,
        %parallel_loop3A_395 = tpu.vector_load_idx %arg9[%parallel_loop3A_373] : memref<128xf32, #tpu.memory_space<vmem>>[vector<16xi32>], vector<16xf32>,
        %parallel_loop3A_396 = arith.constant 1 : i32
        %parallel_loop3A_397 = arith.index_cast %parallel_loop3A_144 : i32 to index
        %parallel_loop3A_398 = arith.index_cast %parallel_loop3A_396 : i32 to index
        %parallel_loop3A_399 = arith.constant 48 : index
        %parallel_loop3A_400 = tpu.vector_load %arg6[%parallel_loop3A_397, %parallel_loop3A_398, %parallel_loop3A_399] {strides = array<i32>} : memref<16x4x200xf32, #tpu.memory_space<vmem>>, vector<16xf32>,
        tpu.vector_store %arg6[%parallel_loop3A_397, %parallel_loop3A_398, %parallel_loop3A_399], %parallel_loop3A_395 {strides = array<i32>} : memref<16x4x200xf32, #tpu.memory_space<vmem>>, vector<16xf32>,
        %parallel_loop3A_401 = tpu.vector_load_idx %arg13[%parallel_loop3A_382] : memref<128xf32, #tpu.memory_space<vmem>>[vector<16xi32>], vector<16xf32>,
        %parallel_loop3A_402 = arith.constant 1 : i32
        %parallel_loop3A_403 = arith.index_cast %parallel_loop3A_144 : i32 to index
        %parallel_loop3A_404 = arith.index_cast %parallel_loop3A_402 : i32 to index
        %parallel_loop3A_405 = arith.constant 48 : index
        %parallel_loop3A_406 = tpu.vector_load %arg7[%parallel_loop3A_403, %parallel_loop3A_404, %parallel_loop3A_405] {strides = array<i32>} : memref<16x4x200xf32, #tpu.memory_space<vmem>>, vector<16xf32>,
        tpu.vector_store %arg7[%parallel_loop3A_403, %parallel_loop3A_404, %parallel_loop3A_405], %parallel_loop3A_401 {strides = array<i32>} : memref<16x4x200xf32, #tpu.memory_space<vmem>>, vector<16xf32>,
        %parallel_loop3A_407 = tpu.vector_load_idx %arg10[%parallel_loop3A_373] : memref<128xf32, #tpu.memory_space<vmem>>[vector<16xi32>], vector<16xf32>,
        %parallel_loop3A_408 = arith.constant 2 : i32
        %parallel_loop3A_409 = arith.index_cast %parallel_loop3A_144 : i32 to index
        %parallel_loop3A_410 = arith.index_cast %parallel_loop3A_408 : i32 to index
        %parallel_loop3A_411 = arith.constant 48 : index
        %parallel_loop3A_412 = tpu.vector_load %arg6[%parallel_loop3A_409, %parallel_loop3A_410, %parallel_loop3A_411] {strides = array<i32>} : memref<16x4x200xf32, #tpu.memory_space<vmem>>, vector<16xf32>,
        tpu.vector_store %arg6[%parallel_loop3A_409, %parallel_loop3A_410, %parallel_loop3A_411], %parallel_loop3A_407 {strides = array<i32>} : memref<16x4x200xf32, #tpu.memory_space<vmem>>, vector<16xf32>,
        %parallel_loop3A_413 = tpu.vector_load_idx %arg14[%parallel_loop3A_382] : memref<128xf32, #tpu.memory_space<vmem>>[vector<16xi32>], vector<16xf32>,
        %parallel_loop3A_414 = arith.constant 2 : i32
        %parallel_loop3A_415 = arith.index_cast %parallel_loop3A_144 : i32 to index
        %parallel_loop3A_416 = arith.index_cast %parallel_loop3A_414 : i32 to index
        %parallel_loop3A_417 = arith.constant 48 : index
        %parallel_loop3A_418 = tpu.vector_load %arg7[%parallel_loop3A_415, %parallel_loop3A_416, %parallel_loop3A_417] {strides = array<i32>} : memref<16x4x200xf32, #tpu.memory_space<vmem>>, vector<16xf32>,
        tpu.vector_store %arg7[%parallel_loop3A_415, %parallel_loop3A_416, %parallel_loop3A_417], %parallel_loop3A_413 {strides = array<i32>} : memref<16x4x200xf32, #tpu.memory_space<vmem>>, vector<16xf32>,
        %parallel_loop3A_419 = tpu.vector_load_idx %arg11[%parallel_loop3A_373] : memref<128xf32, #tpu.memory_space<vmem>>[vector<16xi32>], vector<16xf32>,
        %parallel_loop3A_420 = arith.constant 3 : i32
        %parallel_loop3A_421 = arith.index_cast %parallel_loop3A_144 : i32 to index
        %parallel_loop3A_422 = arith.index_cast %parallel_loop3A_420 : i32 to index
        %parallel_loop3A_423 = arith.constant 48 : index
        %parallel_loop3A_424 = tpu.vector_load %arg6[%parallel_loop3A_421, %parallel_loop3A_422, %parallel_loop3A_423] {strides = array<i32>} : memref<16x4x200xf32, #tpu.memory_space<vmem>>, vector<16xf32>,
        tpu.vector_store %arg6[%parallel_loop3A_421, %parallel_loop3A_422, %parallel_loop3A_423], %parallel_loop3A_419 {strides = array<i32>} : memref<16x4x200xf32, #tpu.memory_space<vmem>>, vector<16xf32>,
        %parallel_loop3A_425 = tpu.vector_load_idx %arg15[%parallel_loop3A_382] : memref<128xf32, #tpu.memory_space<vmem>>[vector<16xi32>], vector<16xf32>,
        %parallel_loop3A_426 = arith.constant 3 : i32
        %parallel_loop3A_427 = arith.index_cast %parallel_loop3A_144 : i32 to index
        %parallel_loop3A_428 = arith.index_cast %parallel_loop3A_426 : i32 to index
        %parallel_loop3A_429 = arith.constant 48 : index
        %parallel_loop3A_430 = tpu.vector_load %arg7[%parallel_loop3A_427, %parallel_loop3A_428, %parallel_loop3A_429] {strides = array<i32>} : memref<16x4x200xf32, #tpu.memory_space<vmem>>, vector<16xf32>,
        tpu.vector_store %arg7[%parallel_loop3A_427, %parallel_loop3A_428, %parallel_loop3A_429], %parallel_loop3A_425 {strides = array<i32>} : memref<16x4x200xf32, #tpu.memory_space<vmem>>, vector<16xf32>,
        %parallel_loop3A_431 = arith.constant 64 : i32
        %parallel_loop3A_432 = arith.addi %parallel_loop3A_146, %parallel_loop3A_431 : i32
        %parallel_loop3A_433 = arith.index_cast %parallel_loop3A_432 : i32 to index
        %parallel_loop3A_434 = tpu.vector_load %arg5[%parallel_loop3A_433] {strides = array<i32>} : memref<3200xi32, #tpu.memory_space<vmem>>, vector<16xi32>,
        %parallel_loop3A_435 = arith.constant 184 : i32
        %parallel_loop3A_436 = arith.addi %parallel_loop3A_146, %parallel_loop3A_435 : i32
        %parallel_loop3A_437 = arith.constant 64 : i32
        %parallel_loop3A_438 = arith.subi %parallel_loop3A_436, %parallel_loop3A_437 : i32
        %parallel_loop3A_439 = arith.index_cast %parallel_loop3A_438 : i32 to index
        %parallel_loop3A_440 = tpu.vector_load %arg5[%parallel_loop3A_439] {strides = array<i32>} : memref<3200xi32, #tpu.memory_space<vmem>>, vector<16xi32>,
        %parallel_loop3A_441 = arith.constant 4 : i32
        %parallel_loop3A_442 = vector.broadcast %parallel_loop3A_441 : i32 to vector<16xi32>
        %parallel_loop3A_443 = arith.shli %parallel_loop3A_434, %parallel_loop3A_442 : vector<16xi32>
        %parallel_loop3A_444 = arith.addi %parallel_loop3A_443, %iota3A : vector<16xi32>
        %parallel_loop3A_445 = arith.constant 15 : i32
        %parallel_loop3A_446 = vector.broadcast %parallel_loop3A_445 : i32 to vector<16xi32>
        %parallel_loop3A_447 = tpu.iota {dimensions = array<i32: 0>} : vector<16xi32>
        %parallel_loop3A_448 = arith.subi %parallel_loop3A_446, %parallel_loop3A_447 : vector<16xi32>
        %parallel_loop3A_449 = tpu.dynamic_gather %parallel_loop3A_440[%parallel_loop3A_448] in [0] : vector<16xi32>, vector<16xi32> -> vector<16xi32>
        %parallel_loop3A_450 = arith.constant 4 : i32
        %parallel_loop3A_451 = vector.broadcast %parallel_loop3A_450 : i32 to vector<16xi32>
        %parallel_loop3A_452 = arith.shli %parallel_loop3A_449, %parallel_loop3A_451 : vector<16xi32>
        %parallel_loop3A_453 = arith.addi %parallel_loop3A_452, %iota3A : vector<16xi32>
        %parallel_loop3A_454 = tpu.vector_load_idx %arg8[%parallel_loop3A_444] : memref<128xf32, #tpu.memory_space<vmem>>[vector<16xi32>], vector<16xf32>,
        %parallel_loop3A_455 = arith.constant 0 : i32
        %parallel_loop3A_456 = arith.index_cast %parallel_loop3A_144 : i32 to index
        %parallel_loop3A_457 = arith.index_cast %parallel_loop3A_455 : i32 to index
        %parallel_loop3A_458 = arith.constant 64 : index
        %parallel_loop3A_459 = tpu.vector_load %arg6[%parallel_loop3A_456, %parallel_loop3A_457, %parallel_loop3A_458] {strides = array<i32>} : memref<16x4x200xf32, #tpu.memory_space<vmem>>, vector<16xf32>,
        tpu.vector_store %arg6[%parallel_loop3A_456, %parallel_loop3A_457, %parallel_loop3A_458], %parallel_loop3A_454 {strides = array<i32>} : memref<16x4x200xf32, #tpu.memory_space<vmem>>, vector<16xf32>,
        %parallel_loop3A_460 = tpu.vector_load_idx %arg12[%parallel_loop3A_453] : memref<128xf32, #tpu.memory_space<vmem>>[vector<16xi32>], vector<16xf32>,
        %parallel_loop3A_461 = arith.constant 0 : i32
        %parallel_loop3A_462 = arith.index_cast %parallel_loop3A_144 : i32 to index
        %parallel_loop3A_463 = arith.index_cast %parallel_loop3A_461 : i32 to index
        %parallel_loop3A_464 = arith.constant 64 : index
        %parallel_loop3A_465 = tpu.vector_load %arg7[%parallel_loop3A_462, %parallel_loop3A_463, %parallel_loop3A_464] {strides = array<i32>} : memref<16x4x200xf32, #tpu.memory_space<vmem>>, vector<16xf32>,
        tpu.vector_store %arg7[%parallel_loop3A_462, %parallel_loop3A_463, %parallel_loop3A_464], %parallel_loop3A_460 {strides = array<i32>} : memref<16x4x200xf32, #tpu.memory_space<vmem>>, vector<16xf32>,
        %parallel_loop3A_466 = tpu.vector_load_idx %arg9[%parallel_loop3A_444] : memref<128xf32, #tpu.memory_space<vmem>>[vector<16xi32>], vector<16xf32>,
        %parallel_loop3A_467 = arith.constant 1 : i32
        %parallel_loop3A_468 = arith.index_cast %parallel_loop3A_144 : i32 to index
        %parallel_loop3A_469 = arith.index_cast %parallel_loop3A_467 : i32 to index
        %parallel_loop3A_470 = arith.constant 64 : index
        %parallel_loop3A_471 = tpu.vector_load %arg6[%parallel_loop3A_468, %parallel_loop3A_469, %parallel_loop3A_470] {strides = array<i32>} : memref<16x4x200xf32, #tpu.memory_space<vmem>>, vector<16xf32>,
        tpu.vector_store %arg6[%parallel_loop3A_468, %parallel_loop3A_469, %parallel_loop3A_470], %parallel_loop3A_466 {strides = array<i32>} : memref<16x4x200xf32, #tpu.memory_space<vmem>>, vector<16xf32>,
        %parallel_loop3A_472 = tpu.vector_load_idx %arg13[%parallel_loop3A_453] : memref<128xf32, #tpu.memory_space<vmem>>[vector<16xi32>], vector<16xf32>,
        %parallel_loop3A_473 = arith.constant 1 : i32
        %parallel_loop3A_474 = arith.index_cast %parallel_loop3A_144 : i32 to index
        %parallel_loop3A_475 = arith.index_cast %parallel_loop3A_473 : i32 to index
        %parallel_loop3A_476 = arith.constant 64 : index
        %parallel_loop3A_477 = tpu.vector_load %arg7[%parallel_loop3A_474, %parallel_loop3A_475, %parallel_loop3A_476] {strides = array<i32>} : memref<16x4x200xf32, #tpu.memory_space<vmem>>, vector<16xf32>,
        tpu.vector_store %arg7[%parallel_loop3A_474, %parallel_loop3A_475, %parallel_loop3A_476], %parallel_loop3A_472 {strides = array<i32>} : memref<16x4x200xf32, #tpu.memory_space<vmem>>, vector<16xf32>,
        %parallel_loop3A_478 = tpu.vector_load_idx %arg10[%parallel_loop3A_444] : memref<128xf32, #tpu.memory_space<vmem>>[vector<16xi32>], vector<16xf32>,
        %parallel_loop3A_479 = arith.constant 2 : i32
        %parallel_loop3A_480 = arith.index_cast %parallel_loop3A_144 : i32 to index
        %parallel_loop3A_481 = arith.index_cast %parallel_loop3A_479 : i32 to index
        %parallel_loop3A_482 = arith.constant 64 : index
        %parallel_loop3A_483 = tpu.vector_load %arg6[%parallel_loop3A_480, %parallel_loop3A_481, %parallel_loop3A_482] {strides = array<i32>} : memref<16x4x200xf32, #tpu.memory_space<vmem>>, vector<16xf32>,
        tpu.vector_store %arg6[%parallel_loop3A_480, %parallel_loop3A_481, %parallel_loop3A_482], %parallel_loop3A_478 {strides = array<i32>} : memref<16x4x200xf32, #tpu.memory_space<vmem>>, vector<16xf32>,
        %parallel_loop3A_484 = tpu.vector_load_idx %arg14[%parallel_loop3A_453] : memref<128xf32, #tpu.memory_space<vmem>>[vector<16xi32>], vector<16xf32>,
        %parallel_loop3A_485 = arith.constant 2 : i32
        %parallel_loop3A_486 = arith.index_cast %parallel_loop3A_144 : i32 to index
        %parallel_loop3A_487 = arith.index_cast %parallel_loop3A_485 : i32 to index
        %parallel_loop3A_488 = arith.constant 64 : index
        %parallel_loop3A_489 = tpu.vector_load %arg7[%parallel_loop3A_486, %parallel_loop3A_487, %parallel_loop3A_488] {strides = array<i32>} : memref<16x4x200xf32, #tpu.memory_space<vmem>>, vector<16xf32>,
        tpu.vector_store %arg7[%parallel_loop3A_486, %parallel_loop3A_487, %parallel_loop3A_488], %parallel_loop3A_484 {strides = array<i32>} : memref<16x4x200xf32, #tpu.memory_space<vmem>>, vector<16xf32>,
        %parallel_loop3A_490 = tpu.vector_load_idx %arg11[%parallel_loop3A_444] : memref<128xf32, #tpu.memory_space<vmem>>[vector<16xi32>], vector<16xf32>,
        %parallel_loop3A_491 = arith.constant 3 : i32
        %parallel_loop3A_492 = arith.index_cast %parallel_loop3A_144 : i32 to index
        %parallel_loop3A_493 = arith.index_cast %parallel_loop3A_491 : i32 to index
        %parallel_loop3A_494 = arith.constant 64 : index
        %parallel_loop3A_495 = tpu.vector_load %arg6[%parallel_loop3A_492, %parallel_loop3A_493, %parallel_loop3A_494] {strides = array<i32>} : memref<16x4x200xf32, #tpu.memory_space<vmem>>, vector<16xf32>,
        tpu.vector_store %arg6[%parallel_loop3A_492, %parallel_loop3A_493, %parallel_loop3A_494], %parallel_loop3A_490 {strides = array<i32>} : memref<16x4x200xf32, #tpu.memory_space<vmem>>, vector<16xf32>,
        %parallel_loop3A_496 = tpu.vector_load_idx %arg15[%parallel_loop3A_453] : memref<128xf32, #tpu.memory_space<vmem>>[vector<16xi32>], vector<16xf32>,
        %parallel_loop3A_497 = arith.constant 3 : i32
        %parallel_loop3A_498 = arith.index_cast %parallel_loop3A_144 : i32 to index
        %parallel_loop3A_499 = arith.index_cast %parallel_loop3A_497 : i32 to index
        %parallel_loop3A_500 = arith.constant 64 : index
        %parallel_loop3A_501 = tpu.vector_load %arg7[%parallel_loop3A_498, %parallel_loop3A_499, %parallel_loop3A_500] {strides = array<i32>} : memref<16x4x200xf32, #tpu.memory_space<vmem>>, vector<16xf32>,
        tpu.vector_store %arg7[%parallel_loop3A_498, %parallel_loop3A_499, %parallel_loop3A_500], %parallel_loop3A_496 {strides = array<i32>} : memref<16x4x200xf32, #tpu.memory_space<vmem>>, vector<16xf32>,
        %parallel_loop3A_502 = arith.constant 80 : i32
        %parallel_loop3A_503 = arith.addi %parallel_loop3A_146, %parallel_loop3A_502 : i32
        %parallel_loop3A_504 = arith.index_cast %parallel_loop3A_503 : i32 to index
        %parallel_loop3A_505 = tpu.vector_load %arg5[%parallel_loop3A_504] {strides = array<i32>} : memref<3200xi32, #tpu.memory_space<vmem>>, vector<16xi32>,
        %parallel_loop3A_506 = arith.constant 184 : i32
        %parallel_loop3A_507 = arith.addi %parallel_loop3A_146, %parallel_loop3A_506 : i32
        %parallel_loop3A_508 = arith.constant 80 : i32
        %parallel_loop3A_509 = arith.subi %parallel_loop3A_507, %parallel_loop3A_508 : i32
        %parallel_loop3A_510 = arith.index_cast %parallel_loop3A_509 : i32 to index
        %parallel_loop3A_511 = tpu.vector_load %arg5[%parallel_loop3A_510] {strides = array<i32>} : memref<3200xi32, #tpu.memory_space<vmem>>, vector<16xi32>,
        %parallel_loop3A_512 = arith.constant 4 : i32
        %parallel_loop3A_513 = vector.broadcast %parallel_loop3A_512 : i32 to vector<16xi32>
        %parallel_loop3A_514 = arith.shli %parallel_loop3A_505, %parallel_loop3A_513 : vector<16xi32>
        %parallel_loop3A_515 = arith.addi %parallel_loop3A_514, %iota3A : vector<16xi32>
        %parallel_loop3A_516 = arith.constant 15 : i32
        %parallel_loop3A_517 = vector.broadcast %parallel_loop3A_516 : i32 to vector<16xi32>
        %parallel_loop3A_518 = tpu.iota {dimensions = array<i32: 0>} : vector<16xi32>
        %parallel_loop3A_519 = arith.subi %parallel_loop3A_517, %parallel_loop3A_518 : vector<16xi32>
        %parallel_loop3A_520 = tpu.dynamic_gather %parallel_loop3A_511[%parallel_loop3A_519] in [0] : vector<16xi32>, vector<16xi32> -> vector<16xi32>
        %parallel_loop3A_521 = arith.constant 4 : i32
        %parallel_loop3A_522 = vector.broadcast %parallel_loop3A_521 : i32 to vector<16xi32>
        %parallel_loop3A_523 = arith.shli %parallel_loop3A_520, %parallel_loop3A_522 : vector<16xi32>
        %parallel_loop3A_524 = arith.addi %parallel_loop3A_523, %iota3A : vector<16xi32>
        %parallel_loop3A_525 = tpu.vector_load_idx %arg8[%parallel_loop3A_515] : memref<128xf32, #tpu.memory_space<vmem>>[vector<16xi32>], vector<16xf32>,
        %parallel_loop3A_526 = arith.constant 0 : i32
        %parallel_loop3A_527 = arith.index_cast %parallel_loop3A_144 : i32 to index
        %parallel_loop3A_528 = arith.index_cast %parallel_loop3A_526 : i32 to index
        %parallel_loop3A_529 = arith.constant 80 : index
        %parallel_loop3A_530 = tpu.vector_load %arg6[%parallel_loop3A_527, %parallel_loop3A_528, %parallel_loop3A_529] {strides = array<i32>} : memref<16x4x200xf32, #tpu.memory_space<vmem>>, vector<16xf32>,
        tpu.vector_store %arg6[%parallel_loop3A_527, %parallel_loop3A_528, %parallel_loop3A_529], %parallel_loop3A_525 {strides = array<i32>} : memref<16x4x200xf32, #tpu.memory_space<vmem>>, vector<16xf32>,
        %parallel_loop3A_531 = tpu.vector_load_idx %arg12[%parallel_loop3A_524] : memref<128xf32, #tpu.memory_space<vmem>>[vector<16xi32>], vector<16xf32>,
        %parallel_loop3A_532 = arith.constant 0 : i32
        %parallel_loop3A_533 = arith.index_cast %parallel_loop3A_144 : i32 to index
        %parallel_loop3A_534 = arith.index_cast %parallel_loop3A_532 : i32 to index
        %parallel_loop3A_535 = arith.constant 80 : index
        %parallel_loop3A_536 = tpu.vector_load %arg7[%parallel_loop3A_533, %parallel_loop3A_534, %parallel_loop3A_535] {strides = array<i32>} : memref<16x4x200xf32, #tpu.memory_space<vmem>>, vector<16xf32>,
        tpu.vector_store %arg7[%parallel_loop3A_533, %parallel_loop3A_534, %parallel_loop3A_535], %parallel_loop3A_531 {strides = array<i32>} : memref<16x4x200xf32, #tpu.memory_space<vmem>>, vector<16xf32>,
        %parallel_loop3A_537 = tpu.vector_load_idx %arg9[%parallel_loop3A_515] : memref<128xf32, #tpu.memory_space<vmem>>[vector<16xi32>], vector<16xf32>,
        %parallel_loop3A_538 = arith.constant 1 : i32
        %parallel_loop3A_539 = arith.index_cast %parallel_loop3A_144 : i32 to index
        %parallel_loop3A_540 = arith.index_cast %parallel_loop3A_538 : i32 to index
        %parallel_loop3A_541 = arith.constant 80 : index
        %parallel_loop3A_542 = tpu.vector_load %arg6[%parallel_loop3A_539, %parallel_loop3A_540, %parallel_loop3A_541] {strides = array<i32>} : memref<16x4x200xf32, #tpu.memory_space<vmem>>, vector<16xf32>,
        tpu.vector_store %arg6[%parallel_loop3A_539, %parallel_loop3A_540, %parallel_loop3A_541], %parallel_loop3A_537 {strides = array<i32>} : memref<16x4x200xf32, #tpu.memory_space<vmem>>, vector<16xf32>,
        %parallel_loop3A_543 = tpu.vector_load_idx %arg13[%parallel_loop3A_524] : memref<128xf32, #tpu.memory_space<vmem>>[vector<16xi32>], vector<16xf32>,
        %parallel_loop3A_544 = arith.constant 1 : i32
        %parallel_loop3A_545 = arith.index_cast %parallel_loop3A_144 : i32 to index
        %parallel_loop3A_546 = arith.index_cast %parallel_loop3A_544 : i32 to index
        %parallel_loop3A_547 = arith.constant 80 : index
        %parallel_loop3A_548 = tpu.vector_load %arg7[%parallel_loop3A_545, %parallel_loop3A_546, %parallel_loop3A_547] {strides = array<i32>} : memref<16x4x200xf32, #tpu.memory_space<vmem>>, vector<16xf32>,
        tpu.vector_store %arg7[%parallel_loop3A_545, %parallel_loop3A_546, %parallel_loop3A_547], %parallel_loop3A_543 {strides = array<i32>} : memref<16x4x200xf32, #tpu.memory_space<vmem>>, vector<16xf32>,
        %parallel_loop3A_549 = tpu.vector_load_idx %arg10[%parallel_loop3A_515] : memref<128xf32, #tpu.memory_space<vmem>>[vector<16xi32>], vector<16xf32>,
        %parallel_loop3A_550 = arith.constant 2 : i32
        %parallel_loop3A_551 = arith.index_cast %parallel_loop3A_144 : i32 to index
        %parallel_loop3A_552 = arith.index_cast %parallel_loop3A_550 : i32 to index
        %parallel_loop3A_553 = arith.constant 80 : index
        %parallel_loop3A_554 = tpu.vector_load %arg6[%parallel_loop3A_551, %parallel_loop3A_552, %parallel_loop3A_553] {strides = array<i32>} : memref<16x4x200xf32, #tpu.memory_space<vmem>>, vector<16xf32>,
        tpu.vector_store %arg6[%parallel_loop3A_551, %parallel_loop3A_552, %parallel_loop3A_553], %parallel_loop3A_549 {strides = array<i32>} : memref<16x4x200xf32, #tpu.memory_space<vmem>>, vector<16xf32>,
        %parallel_loop3A_555 = tpu.vector_load_idx %arg14[%parallel_loop3A_524] : memref<128xf32, #tpu.memory_space<vmem>>[vector<16xi32>], vector<16xf32>,
        %parallel_loop3A_556 = arith.constant 2 : i32
        %parallel_loop3A_557 = arith.index_cast %parallel_loop3A_144 : i32 to index
        %parallel_loop3A_558 = arith.index_cast %parallel_loop3A_556 : i32 to index
        %parallel_loop3A_559 = arith.constant 80 : index
        %parallel_loop3A_560 = tpu.vector_load %arg7[%parallel_loop3A_557, %parallel_loop3A_558, %parallel_loop3A_559] {strides = array<i32>} : memref<16x4x200xf32, #tpu.memory_space<vmem>>, vector<16xf32>,
        tpu.vector_store %arg7[%parallel_loop3A_557, %parallel_loop3A_558, %parallel_loop3A_559], %parallel_loop3A_555 {strides = array<i32>} : memref<16x4x200xf32, #tpu.memory_space<vmem>>, vector<16xf32>,
        %parallel_loop3A_561 = tpu.vector_load_idx %arg11[%parallel_loop3A_515] : memref<128xf32, #tpu.memory_space<vmem>>[vector<16xi32>], vector<16xf32>,
        %parallel_loop3A_562 = arith.constant 3 : i32
        %parallel_loop3A_563 = arith.index_cast %parallel_loop3A_144 : i32 to index
        %parallel_loop3A_564 = arith.index_cast %parallel_loop3A_562 : i32 to index
        %parallel_loop3A_565 = arith.constant 80 : index
        %parallel_loop3A_566 = tpu.vector_load %arg6[%parallel_loop3A_563, %parallel_loop3A_564, %parallel_loop3A_565] {strides = array<i32>} : memref<16x4x200xf32, #tpu.memory_space<vmem>>, vector<16xf32>,
        tpu.vector_store %arg6[%parallel_loop3A_563, %parallel_loop3A_564, %parallel_loop3A_565], %parallel_loop3A_561 {strides = array<i32>} : memref<16x4x200xf32, #tpu.memory_space<vmem>>, vector<16xf32>,
        %parallel_loop3A_567 = tpu.vector_load_idx %arg15[%parallel_loop3A_524] : memref<128xf32, #tpu.memory_space<vmem>>[vector<16xi32>], vector<16xf32>,
        %parallel_loop3A_568 = arith.constant 3 : i32
        %parallel_loop3A_569 = arith.index_cast %parallel_loop3A_144 : i32 to index
        %parallel_loop3A_570 = arith.index_cast %parallel_loop3A_568 : i32 to index
        %parallel_loop3A_571 = arith.constant 80 : index
        %parallel_loop3A_572 = tpu.vector_load %arg7[%parallel_loop3A_569, %parallel_loop3A_570, %parallel_loop3A_571] {strides = array<i32>} : memref<16x4x200xf32, #tpu.memory_space<vmem>>, vector<16xf32>,
        tpu.vector_store %arg7[%parallel_loop3A_569, %parallel_loop3A_570, %parallel_loop3A_571], %parallel_loop3A_567 {strides = array<i32>} : memref<16x4x200xf32, #tpu.memory_space<vmem>>, vector<16xf32>,
        %parallel_loop3A_573 = arith.constant 96 : i32
        %parallel_loop3A_574 = arith.addi %parallel_loop3A_146, %parallel_loop3A_573 : i32
        %parallel_loop3A_575 = arith.index_cast %parallel_loop3A_574 : i32 to index
        %parallel_loop3A_576 = tpu.vector_load %arg5[%parallel_loop3A_575] {strides = array<i32>} : memref<3200xi32, #tpu.memory_space<vmem>>, vector<16xi32>,
        %parallel_loop3A_577 = arith.constant 184 : i32
        %parallel_loop3A_578 = arith.addi %parallel_loop3A_146, %parallel_loop3A_577 : i32
        %parallel_loop3A_579 = arith.constant 96 : i32
        %parallel_loop3A_580 = arith.subi %parallel_loop3A_578, %parallel_loop3A_579 : i32
        %parallel_loop3A_581 = arith.index_cast %parallel_loop3A_580 : i32 to index
        %parallel_loop3A_582 = tpu.vector_load %arg5[%parallel_loop3A_581] {strides = array<i32>} : memref<3200xi32, #tpu.memory_space<vmem>>, vector<16xi32>,
        %parallel_loop3A_583 = arith.constant 4 : i32
        %parallel_loop3A_584 = vector.broadcast %parallel_loop3A_583 : i32 to vector<16xi32>
        %parallel_loop3A_585 = arith.shli %parallel_loop3A_576, %parallel_loop3A_584 : vector<16xi32>
        %parallel_loop3A_586 = arith.addi %parallel_loop3A_585, %iota3A : vector<16xi32>
        %parallel_loop3A_587 = arith.constant 15 : i32
        %parallel_loop3A_588 = vector.broadcast %parallel_loop3A_587 : i32 to vector<16xi32>
        %parallel_loop3A_589 = tpu.iota {dimensions = array<i32: 0>} : vector<16xi32>
        %parallel_loop3A_590 = arith.subi %parallel_loop3A_588, %parallel_loop3A_589 : vector<16xi32>
        %parallel_loop3A_591 = tpu.dynamic_gather %parallel_loop3A_582[%parallel_loop3A_590] in [0] : vector<16xi32>, vector<16xi32> -> vector<16xi32>
        %parallel_loop3A_592 = arith.constant 4 : i32
        %parallel_loop3A_593 = vector.broadcast %parallel_loop3A_592 : i32 to vector<16xi32>
        %parallel_loop3A_594 = arith.shli %parallel_loop3A_591, %parallel_loop3A_593 : vector<16xi32>
        %parallel_loop3A_595 = arith.addi %parallel_loop3A_594, %iota3A : vector<16xi32>
        %parallel_loop3A_596 = tpu.vector_load_idx %arg8[%parallel_loop3A_586] : memref<128xf32, #tpu.memory_space<vmem>>[vector<16xi32>], vector<16xf32>,
        %parallel_loop3A_597 = arith.constant 0 : i32
        %parallel_loop3A_598 = arith.index_cast %parallel_loop3A_144 : i32 to index
        %parallel_loop3A_599 = arith.index_cast %parallel_loop3A_597 : i32 to index
        %parallel_loop3A_600 = arith.constant 96 : index
        %parallel_loop3A_601 = tpu.vector_load %arg6[%parallel_loop3A_598, %parallel_loop3A_599, %parallel_loop3A_600] {strides = array<i32>} : memref<16x4x200xf32, #tpu.memory_space<vmem>>, vector<16xf32>,
        tpu.vector_store %arg6[%parallel_loop3A_598, %parallel_loop3A_599, %parallel_loop3A_600], %parallel_loop3A_596 {strides = array<i32>} : memref<16x4x200xf32, #tpu.memory_space<vmem>>, vector<16xf32>,
        %parallel_loop3A_602 = tpu.vector_load_idx %arg12[%parallel_loop3A_595] : memref<128xf32, #tpu.memory_space<vmem>>[vector<16xi32>], vector<16xf32>,
        %parallel_loop3A_603 = arith.constant 0 : i32
        %parallel_loop3A_604 = arith.index_cast %parallel_loop3A_144 : i32 to index
        %parallel_loop3A_605 = arith.index_cast %parallel_loop3A_603 : i32 to index
        %parallel_loop3A_606 = arith.constant 96 : index
        %parallel_loop3A_607 = tpu.vector_load %arg7[%parallel_loop3A_604, %parallel_loop3A_605, %parallel_loop3A_606] {strides = array<i32>} : memref<16x4x200xf32, #tpu.memory_space<vmem>>, vector<16xf32>,
        tpu.vector_store %arg7[%parallel_loop3A_604, %parallel_loop3A_605, %parallel_loop3A_606], %parallel_loop3A_602 {strides = array<i32>} : memref<16x4x200xf32, #tpu.memory_space<vmem>>, vector<16xf32>,
        %parallel_loop3A_608 = tpu.vector_load_idx %arg9[%parallel_loop3A_586] : memref<128xf32, #tpu.memory_space<vmem>>[vector<16xi32>], vector<16xf32>,
        %parallel_loop3A_609 = arith.constant 1 : i32
        %parallel_loop3A_610 = arith.index_cast %parallel_loop3A_144 : i32 to index
        %parallel_loop3A_611 = arith.index_cast %parallel_loop3A_609 : i32 to index
        %parallel_loop3A_612 = arith.constant 96 : index
        %parallel_loop3A_613 = tpu.vector_load %arg6[%parallel_loop3A_610, %parallel_loop3A_611, %parallel_loop3A_612] {strides = array<i32>} : memref<16x4x200xf32, #tpu.memory_space<vmem>>, vector<16xf32>,
        tpu.vector_store %arg6[%parallel_loop3A_610, %parallel_loop3A_611, %parallel_loop3A_612], %parallel_loop3A_608 {strides = array<i32>} : memref<16x4x200xf32, #tpu.memory_space<vmem>>, vector<16xf32>,
        %parallel_loop3A_614 = tpu.vector_load_idx %arg13[%parallel_loop3A_595] : memref<128xf32, #tpu.memory_space<vmem>>[vector<16xi32>], vector<16xf32>,
        %parallel_loop3A_615 = arith.constant 1 : i32
        %parallel_loop3A_616 = arith.index_cast %parallel_loop3A_144 : i32 to index
        %parallel_loop3A_617 = arith.index_cast %parallel_loop3A_615 : i32 to index
        %parallel_loop3A_618 = arith.constant 96 : index
        %parallel_loop3A_619 = tpu.vector_load %arg7[%parallel_loop3A_616, %parallel_loop3A_617, %parallel_loop3A_618] {strides = array<i32>} : memref<16x4x200xf32, #tpu.memory_space<vmem>>, vector<16xf32>,
        tpu.vector_store %arg7[%parallel_loop3A_616, %parallel_loop3A_617, %parallel_loop3A_618], %parallel_loop3A_614 {strides = array<i32>} : memref<16x4x200xf32, #tpu.memory_space<vmem>>, vector<16xf32>,
        %parallel_loop3A_620 = tpu.vector_load_idx %arg10[%parallel_loop3A_586] : memref<128xf32, #tpu.memory_space<vmem>>[vector<16xi32>], vector<16xf32>,
        %parallel_loop3A_621 = arith.constant 2 : i32
        %parallel_loop3A_622 = arith.index_cast %parallel_loop3A_144 : i32 to index
        %parallel_loop3A_623 = arith.index_cast %parallel_loop3A_621 : i32 to index
        %parallel_loop3A_624 = arith.constant 96 : index
        %parallel_loop3A_625 = tpu.vector_load %arg6[%parallel_loop3A_622, %parallel_loop3A_623, %parallel_loop3A_624] {strides = array<i32>} : memref<16x4x200xf32, #tpu.memory_space<vmem>>, vector<16xf32>,
        tpu.vector_store %arg6[%parallel_loop3A_622, %parallel_loop3A_623, %parallel_loop3A_624], %parallel_loop3A_620 {strides = array<i32>} : memref<16x4x200xf32, #tpu.memory_space<vmem>>, vector<16xf32>,
        %parallel_loop3A_626 = tpu.vector_load_idx %arg14[%parallel_loop3A_595] : memref<128xf32, #tpu.memory_space<vmem>>[vector<16xi32>], vector<16xf32>,
        %parallel_loop3A_627 = arith.constant 2 : i32
        %parallel_loop3A_628 = arith.index_cast %parallel_loop3A_144 : i32 to index
        %parallel_loop3A_629 = arith.index_cast %parallel_loop3A_627 : i32 to index
        %parallel_loop3A_630 = arith.constant 96 : index
        %parallel_loop3A_631 = tpu.vector_load %arg7[%parallel_loop3A_628, %parallel_loop3A_629, %parallel_loop3A_630] {strides = array<i32>} : memref<16x4x200xf32, #tpu.memory_space<vmem>>, vector<16xf32>,
        tpu.vector_store %arg7[%parallel_loop3A_628, %parallel_loop3A_629, %parallel_loop3A_630], %parallel_loop3A_626 {strides = array<i32>} : memref<16x4x200xf32, #tpu.memory_space<vmem>>, vector<16xf32>,
        %parallel_loop3A_632 = tpu.vector_load_idx %arg11[%parallel_loop3A_586] : memref<128xf32, #tpu.memory_space<vmem>>[vector<16xi32>], vector<16xf32>,
        %parallel_loop3A_633 = arith.constant 3 : i32
        %parallel_loop3A_634 = arith.index_cast %parallel_loop3A_144 : i32 to index
        %parallel_loop3A_635 = arith.index_cast %parallel_loop3A_633 : i32 to index
        %parallel_loop3A_636 = arith.constant 96 : index
        %parallel_loop3A_637 = tpu.vector_load %arg6[%parallel_loop3A_634, %parallel_loop3A_635, %parallel_loop3A_636] {strides = array<i32>} : memref<16x4x200xf32, #tpu.memory_space<vmem>>, vector<16xf32>,
        tpu.vector_store %arg6[%parallel_loop3A_634, %parallel_loop3A_635, %parallel_loop3A_636], %parallel_loop3A_632 {strides = array<i32>} : memref<16x4x200xf32, #tpu.memory_space<vmem>>, vector<16xf32>,
        %parallel_loop3A_638 = tpu.vector_load_idx %arg15[%parallel_loop3A_595] : memref<128xf32, #tpu.memory_space<vmem>>[vector<16xi32>], vector<16xf32>,
        %parallel_loop3A_639 = arith.constant 3 : i32
        %parallel_loop3A_640 = arith.index_cast %parallel_loop3A_144 : i32 to index
        %parallel_loop3A_641 = arith.index_cast %parallel_loop3A_639 : i32 to index
        %parallel_loop3A_642 = arith.constant 96 : index
        %parallel_loop3A_643 = tpu.vector_load %arg7[%parallel_loop3A_640, %parallel_loop3A_641, %parallel_loop3A_642] {strides = array<i32>} : memref<16x4x200xf32, #tpu.memory_space<vmem>>, vector<16xf32>,
        tpu.vector_store %arg7[%parallel_loop3A_640, %parallel_loop3A_641, %parallel_loop3A_642], %parallel_loop3A_638 {strides = array<i32>} : memref<16x4x200xf32, #tpu.memory_space<vmem>>, vector<16xf32>,
        %parallel_loop3A_644 = arith.constant 112 : i32
        %parallel_loop3A_645 = arith.addi %parallel_loop3A_146, %parallel_loop3A_644 : i32
        %parallel_loop3A_646 = arith.index_cast %parallel_loop3A_645 : i32 to index
        %parallel_loop3A_647 = tpu.vector_load %arg5[%parallel_loop3A_646] {strides = array<i32>} : memref<3200xi32, #tpu.memory_space<vmem>>, vector<16xi32>,
        %parallel_loop3A_648 = arith.constant 184 : i32
        %parallel_loop3A_649 = arith.addi %parallel_loop3A_146, %parallel_loop3A_648 : i32
        %parallel_loop3A_650 = arith.constant 112 : i32
        %parallel_loop3A_651 = arith.subi %parallel_loop3A_649, %parallel_loop3A_650 : i32
        %parallel_loop3A_652 = arith.index_cast %parallel_loop3A_651 : i32 to index
        %parallel_loop3A_653 = tpu.vector_load %arg5[%parallel_loop3A_652] {strides = array<i32>} : memref<3200xi32, #tpu.memory_space<vmem>>, vector<16xi32>,
        %parallel_loop3A_654 = arith.constant 4 : i32
        %parallel_loop3A_655 = vector.broadcast %parallel_loop3A_654 : i32 to vector<16xi32>
        %parallel_loop3A_656 = arith.shli %parallel_loop3A_647, %parallel_loop3A_655 : vector<16xi32>
        %parallel_loop3A_657 = arith.addi %parallel_loop3A_656, %iota3A : vector<16xi32>
        %parallel_loop3A_658 = arith.constant 15 : i32
        %parallel_loop3A_659 = vector.broadcast %parallel_loop3A_658 : i32 to vector<16xi32>
        %parallel_loop3A_660 = tpu.iota {dimensions = array<i32: 0>} : vector<16xi32>
        %parallel_loop3A_661 = arith.subi %parallel_loop3A_659, %parallel_loop3A_660 : vector<16xi32>
        %parallel_loop3A_662 = tpu.dynamic_gather %parallel_loop3A_653[%parallel_loop3A_661] in [0] : vector<16xi32>, vector<16xi32> -> vector<16xi32>
        %parallel_loop3A_663 = arith.constant 4 : i32
        %parallel_loop3A_664 = vector.broadcast %parallel_loop3A_663 : i32 to vector<16xi32>
        %parallel_loop3A_665 = arith.shli %parallel_loop3A_662, %parallel_loop3A_664 : vector<16xi32>
        %parallel_loop3A_666 = arith.addi %parallel_loop3A_665, %iota3A : vector<16xi32>
        %parallel_loop3A_667 = tpu.vector_load_idx %arg8[%parallel_loop3A_657] : memref<128xf32, #tpu.memory_space<vmem>>[vector<16xi32>], vector<16xf32>,
        %parallel_loop3A_668 = arith.constant 0 : i32
        %parallel_loop3A_669 = arith.index_cast %parallel_loop3A_144 : i32 to index
        %parallel_loop3A_670 = arith.index_cast %parallel_loop3A_668 : i32 to index
        %parallel_loop3A_671 = arith.constant 112 : index
        %parallel_loop3A_672 = tpu.vector_load %arg6[%parallel_loop3A_669, %parallel_loop3A_670, %parallel_loop3A_671] {strides = array<i32>} : memref<16x4x200xf32, #tpu.memory_space<vmem>>, vector<16xf32>,
        tpu.vector_store %arg6[%parallel_loop3A_669, %parallel_loop3A_670, %parallel_loop3A_671], %parallel_loop3A_667 {strides = array<i32>} : memref<16x4x200xf32, #tpu.memory_space<vmem>>, vector<16xf32>,
        %parallel_loop3A_673 = tpu.vector_load_idx %arg12[%parallel_loop3A_666] : memref<128xf32, #tpu.memory_space<vmem>>[vector<16xi32>], vector<16xf32>,
        %parallel_loop3A_674 = arith.constant 0 : i32
        %parallel_loop3A_675 = arith.index_cast %parallel_loop3A_144 : i32 to index
        %parallel_loop3A_676 = arith.index_cast %parallel_loop3A_674 : i32 to index
        %parallel_loop3A_677 = arith.constant 112 : index
        %parallel_loop3A_678 = tpu.vector_load %arg7[%parallel_loop3A_675, %parallel_loop3A_676, %parallel_loop3A_677] {strides = array<i32>} : memref<16x4x200xf32, #tpu.memory_space<vmem>>, vector<16xf32>,
        tpu.vector_store %arg7[%parallel_loop3A_675, %parallel_loop3A_676, %parallel_loop3A_677], %parallel_loop3A_673 {strides = array<i32>} : memref<16x4x200xf32, #tpu.memory_space<vmem>>, vector<16xf32>,
        %parallel_loop3A_679 = tpu.vector_load_idx %arg9[%parallel_loop3A_657] : memref<128xf32, #tpu.memory_space<vmem>>[vector<16xi32>], vector<16xf32>,
        %parallel_loop3A_680 = arith.constant 1 : i32
        %parallel_loop3A_681 = arith.index_cast %parallel_loop3A_144 : i32 to index
        %parallel_loop3A_682 = arith.index_cast %parallel_loop3A_680 : i32 to index
        %parallel_loop3A_683 = arith.constant 112 : index
        %parallel_loop3A_684 = tpu.vector_load %arg6[%parallel_loop3A_681, %parallel_loop3A_682, %parallel_loop3A_683] {strides = array<i32>} : memref<16x4x200xf32, #tpu.memory_space<vmem>>, vector<16xf32>,
        tpu.vector_store %arg6[%parallel_loop3A_681, %parallel_loop3A_682, %parallel_loop3A_683], %parallel_loop3A_679 {strides = array<i32>} : memref<16x4x200xf32, #tpu.memory_space<vmem>>, vector<16xf32>,
        %parallel_loop3A_685 = tpu.vector_load_idx %arg13[%parallel_loop3A_666] : memref<128xf32, #tpu.memory_space<vmem>>[vector<16xi32>], vector<16xf32>,
        %parallel_loop3A_686 = arith.constant 1 : i32
        %parallel_loop3A_687 = arith.index_cast %parallel_loop3A_144 : i32 to index
        %parallel_loop3A_688 = arith.index_cast %parallel_loop3A_686 : i32 to index
        %parallel_loop3A_689 = arith.constant 112 : index
        %parallel_loop3A_690 = tpu.vector_load %arg7[%parallel_loop3A_687, %parallel_loop3A_688, %parallel_loop3A_689] {strides = array<i32>} : memref<16x4x200xf32, #tpu.memory_space<vmem>>, vector<16xf32>,
        tpu.vector_store %arg7[%parallel_loop3A_687, %parallel_loop3A_688, %parallel_loop3A_689], %parallel_loop3A_685 {strides = array<i32>} : memref<16x4x200xf32, #tpu.memory_space<vmem>>, vector<16xf32>,
        %parallel_loop3A_691 = tpu.vector_load_idx %arg10[%parallel_loop3A_657] : memref<128xf32, #tpu.memory_space<vmem>>[vector<16xi32>], vector<16xf32>,
        %parallel_loop3A_692 = arith.constant 2 : i32
        %parallel_loop3A_693 = arith.index_cast %parallel_loop3A_144 : i32 to index
        %parallel_loop3A_694 = arith.index_cast %parallel_loop3A_692 : i32 to index
        %parallel_loop3A_695 = arith.constant 112 : index
        %parallel_loop3A_696 = tpu.vector_load %arg6[%parallel_loop3A_693, %parallel_loop3A_694, %parallel_loop3A_695] {strides = array<i32>} : memref<16x4x200xf32, #tpu.memory_space<vmem>>, vector<16xf32>,
        tpu.vector_store %arg6[%parallel_loop3A_693, %parallel_loop3A_694, %parallel_loop3A_695], %parallel_loop3A_691 {strides = array<i32>} : memref<16x4x200xf32, #tpu.memory_space<vmem>>, vector<16xf32>,
        %parallel_loop3A_697 = tpu.vector_load_idx %arg14[%parallel_loop3A_666] : memref<128xf32, #tpu.memory_space<vmem>>[vector<16xi32>], vector<16xf32>,
        %parallel_loop3A_698 = arith.constant 2 : i32
        %parallel_loop3A_699 = arith.index_cast %parallel_loop3A_144 : i32 to index
        %parallel_loop3A_700 = arith.index_cast %parallel_loop3A_698 : i32 to index
        %parallel_loop3A_701 = arith.constant 112 : index
        %parallel_loop3A_702 = tpu.vector_load %arg7[%parallel_loop3A_699, %parallel_loop3A_700, %parallel_loop3A_701] {strides = array<i32>} : memref<16x4x200xf32, #tpu.memory_space<vmem>>, vector<16xf32>,
        tpu.vector_store %arg7[%parallel_loop3A_699, %parallel_loop3A_700, %parallel_loop3A_701], %parallel_loop3A_697 {strides = array<i32>} : memref<16x4x200xf32, #tpu.memory_space<vmem>>, vector<16xf32>,
        %parallel_loop3A_703 = tpu.vector_load_idx %arg11[%parallel_loop3A_657] : memref<128xf32, #tpu.memory_space<vmem>>[vector<16xi32>], vector<16xf32>,
        %parallel_loop3A_704 = arith.constant 3 : i32
        %parallel_loop3A_705 = arith.index_cast %parallel_loop3A_144 : i32 to index
        %parallel_loop3A_706 = arith.index_cast %parallel_loop3A_704 : i32 to index
        %parallel_loop3A_707 = arith.constant 112 : index
        %parallel_loop3A_708 = tpu.vector_load %arg6[%parallel_loop3A_705, %parallel_loop3A_706, %parallel_loop3A_707] {strides = array<i32>} : memref<16x4x200xf32, #tpu.memory_space<vmem>>, vector<16xf32>,
        tpu.vector_store %arg6[%parallel_loop3A_705, %parallel_loop3A_706, %parallel_loop3A_707], %parallel_loop3A_703 {strides = array<i32>} : memref<16x4x200xf32, #tpu.memory_space<vmem>>, vector<16xf32>,
        %parallel_loop3A_709 = tpu.vector_load_idx %arg15[%parallel_loop3A_666] : memref<128xf32, #tpu.memory_space<vmem>>[vector<16xi32>], vector<16xf32>,
        %parallel_loop3A_710 = arith.constant 3 : i32
        %parallel_loop3A_711 = arith.index_cast %parallel_loop3A_144 : i32 to index
        %parallel_loop3A_712 = arith.index_cast %parallel_loop3A_710 : i32 to index
        %parallel_loop3A_713 = arith.constant 112 : index
        %parallel_loop3A_714 = tpu.vector_load %arg7[%parallel_loop3A_711, %parallel_loop3A_712, %parallel_loop3A_713] {strides = array<i32>} : memref<16x4x200xf32, #tpu.memory_space<vmem>>, vector<16xf32>,
        tpu.vector_store %arg7[%parallel_loop3A_711, %parallel_loop3A_712, %parallel_loop3A_713], %parallel_loop3A_709 {strides = array<i32>} : memref<16x4x200xf32, #tpu.memory_space<vmem>>, vector<16xf32>,
        %parallel_loop3A_715 = arith.constant 128 : i32
        %parallel_loop3A_716 = arith.addi %parallel_loop3A_146, %parallel_loop3A_715 : i32
        %parallel_loop3A_717 = arith.index_cast %parallel_loop3A_716 : i32 to index
        %parallel_loop3A_718 = tpu.vector_load %arg5[%parallel_loop3A_717] {strides = array<i32>} : memref<3200xi32, #tpu.memory_space<vmem>>, vector<16xi32>,
        %parallel_loop3A_719 = arith.constant 184 : i32
        %parallel_loop3A_720 = arith.addi %parallel_loop3A_146, %parallel_loop3A_719 : i32
        %parallel_loop3A_721 = arith.constant 128 : i32
        %parallel_loop3A_722 = arith.subi %parallel_loop3A_720, %parallel_loop3A_721 : i32
        %parallel_loop3A_723 = arith.index_cast %parallel_loop3A_722 : i32 to index
        %parallel_loop3A_724 = tpu.vector_load %arg5[%parallel_loop3A_723] {strides = array<i32>} : memref<3200xi32, #tpu.memory_space<vmem>>, vector<16xi32>,
        %parallel_loop3A_725 = arith.constant 4 : i32
        %parallel_loop3A_726 = vector.broadcast %parallel_loop3A_725 : i32 to vector<16xi32>
        %parallel_loop3A_727 = arith.shli %parallel_loop3A_718, %parallel_loop3A_726 : vector<16xi32>
        %parallel_loop3A_728 = arith.addi %parallel_loop3A_727, %iota3A : vector<16xi32>
        %parallel_loop3A_729 = arith.constant 15 : i32
        %parallel_loop3A_730 = vector.broadcast %parallel_loop3A_729 : i32 to vector<16xi32>
        %parallel_loop3A_731 = tpu.iota {dimensions = array<i32: 0>} : vector<16xi32>
        %parallel_loop3A_732 = arith.subi %parallel_loop3A_730, %parallel_loop3A_731 : vector<16xi32>
        %parallel_loop3A_733 = tpu.dynamic_gather %parallel_loop3A_724[%parallel_loop3A_732] in [0] : vector<16xi32>, vector<16xi32> -> vector<16xi32>
        %parallel_loop3A_734 = arith.constant 4 : i32
        %parallel_loop3A_735 = vector.broadcast %parallel_loop3A_734 : i32 to vector<16xi32>
        %parallel_loop3A_736 = arith.shli %parallel_loop3A_733, %parallel_loop3A_735 : vector<16xi32>
        %parallel_loop3A_737 = arith.addi %parallel_loop3A_736, %iota3A : vector<16xi32>
        %parallel_loop3A_738 = tpu.vector_load_idx %arg8[%parallel_loop3A_728] : memref<128xf32, #tpu.memory_space<vmem>>[vector<16xi32>], vector<16xf32>,
        %parallel_loop3A_739 = arith.constant 0 : i32
        %parallel_loop3A_740 = arith.index_cast %parallel_loop3A_144 : i32 to index
        %parallel_loop3A_741 = arith.index_cast %parallel_loop3A_739 : i32 to index
        %parallel_loop3A_742 = arith.constant 128 : index
        %parallel_loop3A_743 = tpu.vector_load %arg6[%parallel_loop3A_740, %parallel_loop3A_741, %parallel_loop3A_742] {strides = array<i32>} : memref<16x4x200xf32, #tpu.memory_space<vmem>>, vector<16xf32>,
        tpu.vector_store %arg6[%parallel_loop3A_740, %parallel_loop3A_741, %parallel_loop3A_742], %parallel_loop3A_738 {strides = array<i32>} : memref<16x4x200xf32, #tpu.memory_space<vmem>>, vector<16xf32>,
        %parallel_loop3A_744 = tpu.vector_load_idx %arg12[%parallel_loop3A_737] : memref<128xf32, #tpu.memory_space<vmem>>[vector<16xi32>], vector<16xf32>,
        %parallel_loop3A_745 = arith.constant 0 : i32
        %parallel_loop3A_746 = arith.index_cast %parallel_loop3A_144 : i32 to index
        %parallel_loop3A_747 = arith.index_cast %parallel_loop3A_745 : i32 to index
        %parallel_loop3A_748 = arith.constant 128 : index
        %parallel_loop3A_749 = tpu.vector_load %arg7[%parallel_loop3A_746, %parallel_loop3A_747, %parallel_loop3A_748] {strides = array<i32>} : memref<16x4x200xf32, #tpu.memory_space<vmem>>, vector<16xf32>,
        tpu.vector_store %arg7[%parallel_loop3A_746, %parallel_loop3A_747, %parallel_loop3A_748], %parallel_loop3A_744 {strides = array<i32>} : memref<16x4x200xf32, #tpu.memory_space<vmem>>, vector<16xf32>,
        %parallel_loop3A_750 = tpu.vector_load_idx %arg9[%parallel_loop3A_728] : memref<128xf32, #tpu.memory_space<vmem>>[vector<16xi32>], vector<16xf32>,
        %parallel_loop3A_751 = arith.constant 1 : i32
        %parallel_loop3A_752 = arith.index_cast %parallel_loop3A_144 : i32 to index
        %parallel_loop3A_753 = arith.index_cast %parallel_loop3A_751 : i32 to index
        %parallel_loop3A_754 = arith.constant 128 : index
        %parallel_loop3A_755 = tpu.vector_load %arg6[%parallel_loop3A_752, %parallel_loop3A_753, %parallel_loop3A_754] {strides = array<i32>} : memref<16x4x200xf32, #tpu.memory_space<vmem>>, vector<16xf32>,
        tpu.vector_store %arg6[%parallel_loop3A_752, %parallel_loop3A_753, %parallel_loop3A_754], %parallel_loop3A_750 {strides = array<i32>} : memref<16x4x200xf32, #tpu.memory_space<vmem>>, vector<16xf32>,
        %parallel_loop3A_756 = tpu.vector_load_idx %arg13[%parallel_loop3A_737] : memref<128xf32, #tpu.memory_space<vmem>>[vector<16xi32>], vector<16xf32>,
        %parallel_loop3A_757 = arith.constant 1 : i32
        %parallel_loop3A_758 = arith.index_cast %parallel_loop3A_144 : i32 to index
        %parallel_loop3A_759 = arith.index_cast %parallel_loop3A_757 : i32 to index
        %parallel_loop3A_760 = arith.constant 128 : index
        %parallel_loop3A_761 = tpu.vector_load %arg7[%parallel_loop3A_758, %parallel_loop3A_759, %parallel_loop3A_760] {strides = array<i32>} : memref<16x4x200xf32, #tpu.memory_space<vmem>>, vector<16xf32>,
        tpu.vector_store %arg7[%parallel_loop3A_758, %parallel_loop3A_759, %parallel_loop3A_760], %parallel_loop3A_756 {strides = array<i32>} : memref<16x4x200xf32, #tpu.memory_space<vmem>>, vector<16xf32>,
        %parallel_loop3A_762 = tpu.vector_load_idx %arg10[%parallel_loop3A_728] : memref<128xf32, #tpu.memory_space<vmem>>[vector<16xi32>], vector<16xf32>,
        %parallel_loop3A_763 = arith.constant 2 : i32
        %parallel_loop3A_764 = arith.index_cast %parallel_loop3A_144 : i32 to index
        %parallel_loop3A_765 = arith.index_cast %parallel_loop3A_763 : i32 to index
        %parallel_loop3A_766 = arith.constant 128 : index
        %parallel_loop3A_767 = tpu.vector_load %arg6[%parallel_loop3A_764, %parallel_loop3A_765, %parallel_loop3A_766] {strides = array<i32>} : memref<16x4x200xf32, #tpu.memory_space<vmem>>, vector<16xf32>,
        tpu.vector_store %arg6[%parallel_loop3A_764, %parallel_loop3A_765, %parallel_loop3A_766], %parallel_loop3A_762 {strides = array<i32>} : memref<16x4x200xf32, #tpu.memory_space<vmem>>, vector<16xf32>,
        %parallel_loop3A_768 = tpu.vector_load_idx %arg14[%parallel_loop3A_737] : memref<128xf32, #tpu.memory_space<vmem>>[vector<16xi32>], vector<16xf32>,
        %parallel_loop3A_769 = arith.constant 2 : i32
        %parallel_loop3A_770 = arith.index_cast %parallel_loop3A_144 : i32 to index
        %parallel_loop3A_771 = arith.index_cast %parallel_loop3A_769 : i32 to index
        %parallel_loop3A_772 = arith.constant 128 : index
        %parallel_loop3A_773 = tpu.vector_load %arg7[%parallel_loop3A_770, %parallel_loop3A_771, %parallel_loop3A_772] {strides = array<i32>} : memref<16x4x200xf32, #tpu.memory_space<vmem>>, vector<16xf32>,
        tpu.vector_store %arg7[%parallel_loop3A_770, %parallel_loop3A_771, %parallel_loop3A_772], %parallel_loop3A_768 {strides = array<i32>} : memref<16x4x200xf32, #tpu.memory_space<vmem>>, vector<16xf32>,
        %parallel_loop3A_774 = tpu.vector_load_idx %arg11[%parallel_loop3A_728] : memref<128xf32, #tpu.memory_space<vmem>>[vector<16xi32>], vector<16xf32>,
        %parallel_loop3A_775 = arith.constant 3 : i32
        %parallel_loop3A_776 = arith.index_cast %parallel_loop3A_144 : i32 to index
        %parallel_loop3A_777 = arith.index_cast %parallel_loop3A_775 : i32 to index
        %parallel_loop3A_778 = arith.constant 128 : index
        %parallel_loop3A_779 = tpu.vector_load %arg6[%parallel_loop3A_776, %parallel_loop3A_777, %parallel_loop3A_778] {strides = array<i32>} : memref<16x4x200xf32, #tpu.memory_space<vmem>>, vector<16xf32>,
        tpu.vector_store %arg6[%parallel_loop3A_776, %parallel_loop3A_777, %parallel_loop3A_778], %parallel_loop3A_774 {strides = array<i32>} : memref<16x4x200xf32, #tpu.memory_space<vmem>>, vector<16xf32>,
        %parallel_loop3A_780 = tpu.vector_load_idx %arg15[%parallel_loop3A_737] : memref<128xf32, #tpu.memory_space<vmem>>[vector<16xi32>], vector<16xf32>,
        %parallel_loop3A_781 = arith.constant 3 : i32
        %parallel_loop3A_782 = arith.index_cast %parallel_loop3A_144 : i32 to index
        %parallel_loop3A_783 = arith.index_cast %parallel_loop3A_781 : i32 to index
        %parallel_loop3A_784 = arith.constant 128 : index
        %parallel_loop3A_785 = tpu.vector_load %arg7[%parallel_loop3A_782, %parallel_loop3A_783, %parallel_loop3A_784] {strides = array<i32>} : memref<16x4x200xf32, #tpu.memory_space<vmem>>, vector<16xf32>,
        tpu.vector_store %arg7[%parallel_loop3A_782, %parallel_loop3A_783, %parallel_loop3A_784], %parallel_loop3A_780 {strides = array<i32>} : memref<16x4x200xf32, #tpu.memory_space<vmem>>, vector<16xf32>,
        %parallel_loop3A_786 = arith.constant 144 : i32
        %parallel_loop3A_787 = arith.addi %parallel_loop3A_146, %parallel_loop3A_786 : i32
        %parallel_loop3A_788 = arith.index_cast %parallel_loop3A_787 : i32 to index
        %parallel_loop3A_789 = tpu.vector_load %arg5[%parallel_loop3A_788] {strides = array<i32>} : memref<3200xi32, #tpu.memory_space<vmem>>, vector<16xi32>,
        %parallel_loop3A_790 = arith.constant 184 : i32
        %parallel_loop3A_791 = arith.addi %parallel_loop3A_146, %parallel_loop3A_790 : i32
        %parallel_loop3A_792 = arith.constant 144 : i32
        %parallel_loop3A_793 = arith.subi %parallel_loop3A_791, %parallel_loop3A_792 : i32
        %parallel_loop3A_794 = arith.index_cast %parallel_loop3A_793 : i32 to index
        %parallel_loop3A_795 = tpu.vector_load %arg5[%parallel_loop3A_794] {strides = array<i32>} : memref<3200xi32, #tpu.memory_space<vmem>>, vector<16xi32>,
        %parallel_loop3A_796 = arith.constant 4 : i32
        %parallel_loop3A_797 = vector.broadcast %parallel_loop3A_796 : i32 to vector<16xi32>
        %parallel_loop3A_798 = arith.shli %parallel_loop3A_789, %parallel_loop3A_797 : vector<16xi32>
        %parallel_loop3A_799 = arith.addi %parallel_loop3A_798, %iota3A : vector<16xi32>
        %parallel_loop3A_800 = arith.constant 15 : i32
        %parallel_loop3A_801 = vector.broadcast %parallel_loop3A_800 : i32 to vector<16xi32>
        %parallel_loop3A_802 = tpu.iota {dimensions = array<i32: 0>} : vector<16xi32>
        %parallel_loop3A_803 = arith.subi %parallel_loop3A_801, %parallel_loop3A_802 : vector<16xi32>
        %parallel_loop3A_804 = tpu.dynamic_gather %parallel_loop3A_795[%parallel_loop3A_803] in [0] : vector<16xi32>, vector<16xi32> -> vector<16xi32>
        %parallel_loop3A_805 = arith.constant 4 : i32
        %parallel_loop3A_806 = vector.broadcast %parallel_loop3A_805 : i32 to vector<16xi32>
        %parallel_loop3A_807 = arith.shli %parallel_loop3A_804, %parallel_loop3A_806 : vector<16xi32>
        %parallel_loop3A_808 = arith.addi %parallel_loop3A_807, %iota3A : vector<16xi32>
        %parallel_loop3A_809 = tpu.vector_load_idx %arg8[%parallel_loop3A_799] : memref<128xf32, #tpu.memory_space<vmem>>[vector<16xi32>], vector<16xf32>,
        %parallel_loop3A_810 = arith.constant 0 : i32
        %parallel_loop3A_811 = arith.index_cast %parallel_loop3A_144 : i32 to index
        %parallel_loop3A_812 = arith.index_cast %parallel_loop3A_810 : i32 to index
        %parallel_loop3A_813 = arith.constant 144 : index
        %parallel_loop3A_814 = tpu.vector_load %arg6[%parallel_loop3A_811, %parallel_loop3A_812, %parallel_loop3A_813] {strides = array<i32>} : memref<16x4x200xf32, #tpu.memory_space<vmem>>, vector<16xf32>,
        tpu.vector_store %arg6[%parallel_loop3A_811, %parallel_loop3A_812, %parallel_loop3A_813], %parallel_loop3A_809 {strides = array<i32>} : memref<16x4x200xf32, #tpu.memory_space<vmem>>, vector<16xf32>,
        %parallel_loop3A_815 = tpu.vector_load_idx %arg12[%parallel_loop3A_808] : memref<128xf32, #tpu.memory_space<vmem>>[vector<16xi32>], vector<16xf32>,
        %parallel_loop3A_816 = arith.constant 0 : i32
        %parallel_loop3A_817 = arith.index_cast %parallel_loop3A_144 : i32 to index
        %parallel_loop3A_818 = arith.index_cast %parallel_loop3A_816 : i32 to index
        %parallel_loop3A_819 = arith.constant 144 : index
        %parallel_loop3A_820 = tpu.vector_load %arg7[%parallel_loop3A_817, %parallel_loop3A_818, %parallel_loop3A_819] {strides = array<i32>} : memref<16x4x200xf32, #tpu.memory_space<vmem>>, vector<16xf32>,
        tpu.vector_store %arg7[%parallel_loop3A_817, %parallel_loop3A_818, %parallel_loop3A_819], %parallel_loop3A_815 {strides = array<i32>} : memref<16x4x200xf32, #tpu.memory_space<vmem>>, vector<16xf32>,
        %parallel_loop3A_821 = tpu.vector_load_idx %arg9[%parallel_loop3A_799] : memref<128xf32, #tpu.memory_space<vmem>>[vector<16xi32>], vector<16xf32>,
        %parallel_loop3A_822 = arith.constant 1 : i32
        %parallel_loop3A_823 = arith.index_cast %parallel_loop3A_144 : i32 to index
        %parallel_loop3A_824 = arith.index_cast %parallel_loop3A_822 : i32 to index
        %parallel_loop3A_825 = arith.constant 144 : index
        %parallel_loop3A_826 = tpu.vector_load %arg6[%parallel_loop3A_823, %parallel_loop3A_824, %parallel_loop3A_825] {strides = array<i32>} : memref<16x4x200xf32, #tpu.memory_space<vmem>>, vector<16xf32>,
        tpu.vector_store %arg6[%parallel_loop3A_823, %parallel_loop3A_824, %parallel_loop3A_825], %parallel_loop3A_821 {strides = array<i32>} : memref<16x4x200xf32, #tpu.memory_space<vmem>>, vector<16xf32>,
        %parallel_loop3A_827 = tpu.vector_load_idx %arg13[%parallel_loop3A_808] : memref<128xf32, #tpu.memory_space<vmem>>[vector<16xi32>], vector<16xf32>,
        %parallel_loop3A_828 = arith.constant 1 : i32
        %parallel_loop3A_829 = arith.index_cast %parallel_loop3A_144 : i32 to index
        %parallel_loop3A_830 = arith.index_cast %parallel_loop3A_828 : i32 to index
        %parallel_loop3A_831 = arith.constant 144 : index
        %parallel_loop3A_832 = tpu.vector_load %arg7[%parallel_loop3A_829, %parallel_loop3A_830, %parallel_loop3A_831] {strides = array<i32>} : memref<16x4x200xf32, #tpu.memory_space<vmem>>, vector<16xf32>,
        tpu.vector_store %arg7[%parallel_loop3A_829, %parallel_loop3A_830, %parallel_loop3A_831], %parallel_loop3A_827 {strides = array<i32>} : memref<16x4x200xf32, #tpu.memory_space<vmem>>, vector<16xf32>,
        %parallel_loop3A_833 = tpu.vector_load_idx %arg10[%parallel_loop3A_799] : memref<128xf32, #tpu.memory_space<vmem>>[vector<16xi32>], vector<16xf32>,
        %parallel_loop3A_834 = arith.constant 2 : i32
        %parallel_loop3A_835 = arith.index_cast %parallel_loop3A_144 : i32 to index
        %parallel_loop3A_836 = arith.index_cast %parallel_loop3A_834 : i32 to index
        %parallel_loop3A_837 = arith.constant 144 : index
        %parallel_loop3A_838 = tpu.vector_load %arg6[%parallel_loop3A_835, %parallel_loop3A_836, %parallel_loop3A_837] {strides = array<i32>} : memref<16x4x200xf32, #tpu.memory_space<vmem>>, vector<16xf32>,
        tpu.vector_store %arg6[%parallel_loop3A_835, %parallel_loop3A_836, %parallel_loop3A_837], %parallel_loop3A_833 {strides = array<i32>} : memref<16x4x200xf32, #tpu.memory_space<vmem>>, vector<16xf32>,
        %parallel_loop3A_839 = tpu.vector_load_idx %arg14[%parallel_loop3A_808] : memref<128xf32, #tpu.memory_space<vmem>>[vector<16xi32>], vector<16xf32>,
        %parallel_loop3A_840 = arith.constant 2 : i32
        %parallel_loop3A_841 = arith.index_cast %parallel_loop3A_144 : i32 to index
        %parallel_loop3A_842 = arith.index_cast %parallel_loop3A_840 : i32 to index
        %parallel_loop3A_843 = arith.constant 144 : index
        %parallel_loop3A_844 = tpu.vector_load %arg7[%parallel_loop3A_841, %parallel_loop3A_842, %parallel_loop3A_843] {strides = array<i32>} : memref<16x4x200xf32, #tpu.memory_space<vmem>>, vector<16xf32>,
        tpu.vector_store %arg7[%parallel_loop3A_841, %parallel_loop3A_842, %parallel_loop3A_843], %parallel_loop3A_839 {strides = array<i32>} : memref<16x4x200xf32, #tpu.memory_space<vmem>>, vector<16xf32>,
        %parallel_loop3A_845 = tpu.vector_load_idx %arg11[%parallel_loop3A_799] : memref<128xf32, #tpu.memory_space<vmem>>[vector<16xi32>], vector<16xf32>,
        %parallel_loop3A_846 = arith.constant 3 : i32
        %parallel_loop3A_847 = arith.index_cast %parallel_loop3A_144 : i32 to index
        %parallel_loop3A_848 = arith.index_cast %parallel_loop3A_846 : i32 to index
        %parallel_loop3A_849 = arith.constant 144 : index
        %parallel_loop3A_850 = tpu.vector_load %arg6[%parallel_loop3A_847, %parallel_loop3A_848, %parallel_loop3A_849] {strides = array<i32>} : memref<16x4x200xf32, #tpu.memory_space<vmem>>, vector<16xf32>,
        tpu.vector_store %arg6[%parallel_loop3A_847, %parallel_loop3A_848, %parallel_loop3A_849], %parallel_loop3A_845 {strides = array<i32>} : memref<16x4x200xf32, #tpu.memory_space<vmem>>, vector<16xf32>,
        %parallel_loop3A_851 = tpu.vector_load_idx %arg15[%parallel_loop3A_808] : memref<128xf32, #tpu.memory_space<vmem>>[vector<16xi32>], vector<16xf32>,
        %parallel_loop3A_852 = arith.constant 3 : i32
        %parallel_loop3A_853 = arith.index_cast %parallel_loop3A_144 : i32 to index
        %parallel_loop3A_854 = arith.index_cast %parallel_loop3A_852 : i32 to index
        %parallel_loop3A_855 = arith.constant 144 : index
        %parallel_loop3A_856 = tpu.vector_load %arg7[%parallel_loop3A_853, %parallel_loop3A_854, %parallel_loop3A_855] {strides = array<i32>} : memref<16x4x200xf32, #tpu.memory_space<vmem>>, vector<16xf32>,
        tpu.vector_store %arg7[%parallel_loop3A_853, %parallel_loop3A_854, %parallel_loop3A_855], %parallel_loop3A_851 {strides = array<i32>} : memref<16x4x200xf32, #tpu.memory_space<vmem>>, vector<16xf32>,
        %parallel_loop3A_857 = arith.constant 160 : i32
        %parallel_loop3A_858 = arith.addi %parallel_loop3A_146, %parallel_loop3A_857 : i32
        %parallel_loop3A_859 = arith.index_cast %parallel_loop3A_858 : i32 to index
        %parallel_loop3A_860 = tpu.vector_load %arg5[%parallel_loop3A_859] {strides = array<i32>} : memref<3200xi32, #tpu.memory_space<vmem>>, vector<16xi32>,
        %parallel_loop3A_861 = arith.constant 184 : i32
        %parallel_loop3A_862 = arith.addi %parallel_loop3A_146, %parallel_loop3A_861 : i32
        %parallel_loop3A_863 = arith.constant 160 : i32
        %parallel_loop3A_864 = arith.subi %parallel_loop3A_862, %parallel_loop3A_863 : i32
        %parallel_loop3A_865 = arith.index_cast %parallel_loop3A_864 : i32 to index
        %parallel_loop3A_866 = tpu.vector_load %arg5[%parallel_loop3A_865] {strides = array<i32>} : memref<3200xi32, #tpu.memory_space<vmem>>, vector<16xi32>,
        %parallel_loop3A_867 = arith.constant 4 : i32
        %parallel_loop3A_868 = vector.broadcast %parallel_loop3A_867 : i32 to vector<16xi32>
        %parallel_loop3A_869 = arith.shli %parallel_loop3A_860, %parallel_loop3A_868 : vector<16xi32>
        %parallel_loop3A_870 = arith.addi %parallel_loop3A_869, %iota3A : vector<16xi32>
        %parallel_loop3A_871 = arith.constant 15 : i32
        %parallel_loop3A_872 = vector.broadcast %parallel_loop3A_871 : i32 to vector<16xi32>
        %parallel_loop3A_873 = tpu.iota {dimensions = array<i32: 0>} : vector<16xi32>
        %parallel_loop3A_874 = arith.subi %parallel_loop3A_872, %parallel_loop3A_873 : vector<16xi32>
        %parallel_loop3A_875 = tpu.dynamic_gather %parallel_loop3A_866[%parallel_loop3A_874] in [0] : vector<16xi32>, vector<16xi32> -> vector<16xi32>
        %parallel_loop3A_876 = arith.constant 4 : i32
        %parallel_loop3A_877 = vector.broadcast %parallel_loop3A_876 : i32 to vector<16xi32>
        %parallel_loop3A_878 = arith.shli %parallel_loop3A_875, %parallel_loop3A_877 : vector<16xi32>
        %parallel_loop3A_879 = arith.addi %parallel_loop3A_878, %iota3A : vector<16xi32>
        %parallel_loop3A_880 = tpu.vector_load_idx %arg8[%parallel_loop3A_870] : memref<128xf32, #tpu.memory_space<vmem>>[vector<16xi32>], vector<16xf32>,
        %parallel_loop3A_881 = arith.constant 0 : i32
        %parallel_loop3A_882 = arith.index_cast %parallel_loop3A_144 : i32 to index
        %parallel_loop3A_883 = arith.index_cast %parallel_loop3A_881 : i32 to index
        %parallel_loop3A_884 = arith.constant 160 : index
        %parallel_loop3A_885 = tpu.vector_load %arg6[%parallel_loop3A_882, %parallel_loop3A_883, %parallel_loop3A_884] {strides = array<i32>} : memref<16x4x200xf32, #tpu.memory_space<vmem>>, vector<16xf32>,
        tpu.vector_store %arg6[%parallel_loop3A_882, %parallel_loop3A_883, %parallel_loop3A_884], %parallel_loop3A_880 {strides = array<i32>} : memref<16x4x200xf32, #tpu.memory_space<vmem>>, vector<16xf32>,
        %parallel_loop3A_886 = tpu.vector_load_idx %arg12[%parallel_loop3A_879] : memref<128xf32, #tpu.memory_space<vmem>>[vector<16xi32>], vector<16xf32>,
        %parallel_loop3A_887 = arith.constant 0 : i32
        %parallel_loop3A_888 = arith.index_cast %parallel_loop3A_144 : i32 to index
        %parallel_loop3A_889 = arith.index_cast %parallel_loop3A_887 : i32 to index
        %parallel_loop3A_890 = arith.constant 160 : index
        %parallel_loop3A_891 = tpu.vector_load %arg7[%parallel_loop3A_888, %parallel_loop3A_889, %parallel_loop3A_890] {strides = array<i32>} : memref<16x4x200xf32, #tpu.memory_space<vmem>>, vector<16xf32>,
        tpu.vector_store %arg7[%parallel_loop3A_888, %parallel_loop3A_889, %parallel_loop3A_890], %parallel_loop3A_886 {strides = array<i32>} : memref<16x4x200xf32, #tpu.memory_space<vmem>>, vector<16xf32>,
        %parallel_loop3A_892 = tpu.vector_load_idx %arg9[%parallel_loop3A_870] : memref<128xf32, #tpu.memory_space<vmem>>[vector<16xi32>], vector<16xf32>,
        %parallel_loop3A_893 = arith.constant 1 : i32
        %parallel_loop3A_894 = arith.index_cast %parallel_loop3A_144 : i32 to index
        %parallel_loop3A_895 = arith.index_cast %parallel_loop3A_893 : i32 to index
        %parallel_loop3A_896 = arith.constant 160 : index
        %parallel_loop3A_897 = tpu.vector_load %arg6[%parallel_loop3A_894, %parallel_loop3A_895, %parallel_loop3A_896] {strides = array<i32>} : memref<16x4x200xf32, #tpu.memory_space<vmem>>, vector<16xf32>,
        tpu.vector_store %arg6[%parallel_loop3A_894, %parallel_loop3A_895, %parallel_loop3A_896], %parallel_loop3A_892 {strides = array<i32>} : memref<16x4x200xf32, #tpu.memory_space<vmem>>, vector<16xf32>,
        %parallel_loop3A_898 = tpu.vector_load_idx %arg13[%parallel_loop3A_879] : memref<128xf32, #tpu.memory_space<vmem>>[vector<16xi32>], vector<16xf32>,
        %parallel_loop3A_899 = arith.constant 1 : i32
        %parallel_loop3A_900 = arith.index_cast %parallel_loop3A_144 : i32 to index
        %parallel_loop3A_901 = arith.index_cast %parallel_loop3A_899 : i32 to index
        %parallel_loop3A_902 = arith.constant 160 : index
        %parallel_loop3A_903 = tpu.vector_load %arg7[%parallel_loop3A_900, %parallel_loop3A_901, %parallel_loop3A_902] {strides = array<i32>} : memref<16x4x200xf32, #tpu.memory_space<vmem>>, vector<16xf32>,
        tpu.vector_store %arg7[%parallel_loop3A_900, %parallel_loop3A_901, %parallel_loop3A_902], %parallel_loop3A_898 {strides = array<i32>} : memref<16x4x200xf32, #tpu.memory_space<vmem>>, vector<16xf32>,
        %parallel_loop3A_904 = tpu.vector_load_idx %arg10[%parallel_loop3A_870] : memref<128xf32, #tpu.memory_space<vmem>>[vector<16xi32>], vector<16xf32>,
        %parallel_loop3A_905 = arith.constant 2 : i32
        %parallel_loop3A_906 = arith.index_cast %parallel_loop3A_144 : i32 to index
        %parallel_loop3A_907 = arith.index_cast %parallel_loop3A_905 : i32 to index
        %parallel_loop3A_908 = arith.constant 160 : index
        %parallel_loop3A_909 = tpu.vector_load %arg6[%parallel_loop3A_906, %parallel_loop3A_907, %parallel_loop3A_908] {strides = array<i32>} : memref<16x4x200xf32, #tpu.memory_space<vmem>>, vector<16xf32>,
        tpu.vector_store %arg6[%parallel_loop3A_906, %parallel_loop3A_907, %parallel_loop3A_908], %parallel_loop3A_904 {strides = array<i32>} : memref<16x4x200xf32, #tpu.memory_space<vmem>>, vector<16xf32>,
        %parallel_loop3A_910 = tpu.vector_load_idx %arg14[%parallel_loop3A_879] : memref<128xf32, #tpu.memory_space<vmem>>[vector<16xi32>], vector<16xf32>,
        %parallel_loop3A_911 = arith.constant 2 : i32
        %parallel_loop3A_912 = arith.index_cast %parallel_loop3A_144 : i32 to index
        %parallel_loop3A_913 = arith.index_cast %parallel_loop3A_911 : i32 to index
        %parallel_loop3A_914 = arith.constant 160 : index
        %parallel_loop3A_915 = tpu.vector_load %arg7[%parallel_loop3A_912, %parallel_loop3A_913, %parallel_loop3A_914] {strides = array<i32>} : memref<16x4x200xf32, #tpu.memory_space<vmem>>, vector<16xf32>,
        tpu.vector_store %arg7[%parallel_loop3A_912, %parallel_loop3A_913, %parallel_loop3A_914], %parallel_loop3A_910 {strides = array<i32>} : memref<16x4x200xf32, #tpu.memory_space<vmem>>, vector<16xf32>,
        %parallel_loop3A_916 = tpu.vector_load_idx %arg11[%parallel_loop3A_870] : memref<128xf32, #tpu.memory_space<vmem>>[vector<16xi32>], vector<16xf32>,
        %parallel_loop3A_917 = arith.constant 3 : i32
        %parallel_loop3A_918 = arith.index_cast %parallel_loop3A_144 : i32 to index
        %parallel_loop3A_919 = arith.index_cast %parallel_loop3A_917 : i32 to index
        %parallel_loop3A_920 = arith.constant 160 : index
        %parallel_loop3A_921 = tpu.vector_load %arg6[%parallel_loop3A_918, %parallel_loop3A_919, %parallel_loop3A_920] {strides = array<i32>} : memref<16x4x200xf32, #tpu.memory_space<vmem>>, vector<16xf32>,
        tpu.vector_store %arg6[%parallel_loop3A_918, %parallel_loop3A_919, %parallel_loop3A_920], %parallel_loop3A_916 {strides = array<i32>} : memref<16x4x200xf32, #tpu.memory_space<vmem>>, vector<16xf32>,
        %parallel_loop3A_922 = tpu.vector_load_idx %arg15[%parallel_loop3A_879] : memref<128xf32, #tpu.memory_space<vmem>>[vector<16xi32>], vector<16xf32>,
        %parallel_loop3A_923 = arith.constant 3 : i32
        %parallel_loop3A_924 = arith.index_cast %parallel_loop3A_144 : i32 to index
        %parallel_loop3A_925 = arith.index_cast %parallel_loop3A_923 : i32 to index
        %parallel_loop3A_926 = arith.constant 160 : index
        %parallel_loop3A_927 = tpu.vector_load %arg7[%parallel_loop3A_924, %parallel_loop3A_925, %parallel_loop3A_926] {strides = array<i32>} : memref<16x4x200xf32, #tpu.memory_space<vmem>>, vector<16xf32>,
        tpu.vector_store %arg7[%parallel_loop3A_924, %parallel_loop3A_925, %parallel_loop3A_926], %parallel_loop3A_922 {strides = array<i32>} : memref<16x4x200xf32, #tpu.memory_space<vmem>>, vector<16xf32>,
        %parallel_loop3A_928 = arith.constant 176 : i32
        %parallel_loop3A_929 = arith.addi %parallel_loop3A_146, %parallel_loop3A_928 : i32
        %parallel_loop3A_930 = arith.index_cast %parallel_loop3A_929 : i32 to index
        %parallel_loop3A_931 = tpu.vector_load %arg5[%parallel_loop3A_930] {strides = array<i32>} : memref<3200xi32, #tpu.memory_space<vmem>>, vector<16xi32>,
        %parallel_loop3A_932 = arith.constant 184 : i32
        %parallel_loop3A_933 = arith.addi %parallel_loop3A_146, %parallel_loop3A_932 : i32
        %parallel_loop3A_934 = arith.constant 176 : i32
        %parallel_loop3A_935 = arith.subi %parallel_loop3A_933, %parallel_loop3A_934 : i32
        %parallel_loop3A_936 = arith.index_cast %parallel_loop3A_935 : i32 to index
        %parallel_loop3A_937 = tpu.vector_load %arg5[%parallel_loop3A_936] {strides = array<i32>} : memref<3200xi32, #tpu.memory_space<vmem>>, vector<16xi32>,
        %parallel_loop3A_938 = arith.constant 4 : i32
        %parallel_loop3A_939 = vector.broadcast %parallel_loop3A_938 : i32 to vector<16xi32>
        %parallel_loop3A_940 = arith.shli %parallel_loop3A_931, %parallel_loop3A_939 : vector<16xi32>
        %parallel_loop3A_941 = arith.addi %parallel_loop3A_940, %iota3A : vector<16xi32>
        %parallel_loop3A_942 = arith.constant 15 : i32
        %parallel_loop3A_943 = vector.broadcast %parallel_loop3A_942 : i32 to vector<16xi32>
        %parallel_loop3A_944 = tpu.iota {dimensions = array<i32: 0>} : vector<16xi32>
        %parallel_loop3A_945 = arith.subi %parallel_loop3A_943, %parallel_loop3A_944 : vector<16xi32>
        %parallel_loop3A_946 = tpu.dynamic_gather %parallel_loop3A_937[%parallel_loop3A_945] in [0] : vector<16xi32>, vector<16xi32> -> vector<16xi32>
        %parallel_loop3A_947 = arith.constant 4 : i32
        %parallel_loop3A_948 = vector.broadcast %parallel_loop3A_947 : i32 to vector<16xi32>
        %parallel_loop3A_949 = arith.shli %parallel_loop3A_946, %parallel_loop3A_948 : vector<16xi32>
        %parallel_loop3A_950 = arith.addi %parallel_loop3A_949, %iota3A : vector<16xi32>
        %parallel_loop3A_951 = tpu.vector_load_idx %arg8[%parallel_loop3A_941] : memref<128xf32, #tpu.memory_space<vmem>>[vector<16xi32>], vector<16xf32>,
        %parallel_loop3A_952 = arith.constant 0 : i32
        %parallel_loop3A_953 = arith.index_cast %parallel_loop3A_144 : i32 to index
        %parallel_loop3A_954 = arith.index_cast %parallel_loop3A_952 : i32 to index
        %parallel_loop3A_955 = arith.constant 176 : index
        %parallel_loop3A_956 = tpu.vector_load %arg6[%parallel_loop3A_953, %parallel_loop3A_954, %parallel_loop3A_955] {strides = array<i32>} : memref<16x4x200xf32, #tpu.memory_space<vmem>>, vector<16xf32>,
        tpu.vector_store %arg6[%parallel_loop3A_953, %parallel_loop3A_954, %parallel_loop3A_955], %parallel_loop3A_951 {strides = array<i32>} : memref<16x4x200xf32, #tpu.memory_space<vmem>>, vector<16xf32>,
        %parallel_loop3A_957 = tpu.vector_load_idx %arg12[%parallel_loop3A_950] : memref<128xf32, #tpu.memory_space<vmem>>[vector<16xi32>], vector<16xf32>,
        %parallel_loop3A_958 = arith.constant 0 : i32
        %parallel_loop3A_959 = arith.index_cast %parallel_loop3A_144 : i32 to index
        %parallel_loop3A_960 = arith.index_cast %parallel_loop3A_958 : i32 to index
        %parallel_loop3A_961 = arith.constant 176 : index
        %parallel_loop3A_962 = tpu.vector_load %arg7[%parallel_loop3A_959, %parallel_loop3A_960, %parallel_loop3A_961] {strides = array<i32>} : memref<16x4x200xf32, #tpu.memory_space<vmem>>, vector<16xf32>,
        tpu.vector_store %arg7[%parallel_loop3A_959, %parallel_loop3A_960, %parallel_loop3A_961], %parallel_loop3A_957 {strides = array<i32>} : memref<16x4x200xf32, #tpu.memory_space<vmem>>, vector<16xf32>,
        %parallel_loop3A_963 = tpu.vector_load_idx %arg9[%parallel_loop3A_941] : memref<128xf32, #tpu.memory_space<vmem>>[vector<16xi32>], vector<16xf32>,
        %parallel_loop3A_964 = arith.constant 1 : i32
        %parallel_loop3A_965 = arith.index_cast %parallel_loop3A_144 : i32 to index
        %parallel_loop3A_966 = arith.index_cast %parallel_loop3A_964 : i32 to index
        %parallel_loop3A_967 = arith.constant 176 : index
        %parallel_loop3A_968 = tpu.vector_load %arg6[%parallel_loop3A_965, %parallel_loop3A_966, %parallel_loop3A_967] {strides = array<i32>} : memref<16x4x200xf32, #tpu.memory_space<vmem>>, vector<16xf32>,
        tpu.vector_store %arg6[%parallel_loop3A_965, %parallel_loop3A_966, %parallel_loop3A_967], %parallel_loop3A_963 {strides = array<i32>} : memref<16x4x200xf32, #tpu.memory_space<vmem>>, vector<16xf32>,
        %parallel_loop3A_969 = tpu.vector_load_idx %arg13[%parallel_loop3A_950] : memref<128xf32, #tpu.memory_space<vmem>>[vector<16xi32>], vector<16xf32>,
        %parallel_loop3A_970 = arith.constant 1 : i32
        %parallel_loop3A_971 = arith.index_cast %parallel_loop3A_144 : i32 to index
        %parallel_loop3A_972 = arith.index_cast %parallel_loop3A_970 : i32 to index
        %parallel_loop3A_973 = arith.constant 176 : index
        %parallel_loop3A_974 = tpu.vector_load %arg7[%parallel_loop3A_971, %parallel_loop3A_972, %parallel_loop3A_973] {strides = array<i32>} : memref<16x4x200xf32, #tpu.memory_space<vmem>>, vector<16xf32>,
        tpu.vector_store %arg7[%parallel_loop3A_971, %parallel_loop3A_972, %parallel_loop3A_973], %parallel_loop3A_969 {strides = array<i32>} : memref<16x4x200xf32, #tpu.memory_space<vmem>>, vector<16xf32>,
        %parallel_loop3A_975 = tpu.vector_load_idx %arg10[%parallel_loop3A_941] : memref<128xf32, #tpu.memory_space<vmem>>[vector<16xi32>], vector<16xf32>,
        %parallel_loop3A_976 = arith.constant 2 : i32
        %parallel_loop3A_977 = arith.index_cast %parallel_loop3A_144 : i32 to index
        %parallel_loop3A_978 = arith.index_cast %parallel_loop3A_976 : i32 to index
        %parallel_loop3A_979 = arith.constant 176 : index
        %parallel_loop3A_980 = tpu.vector_load %arg6[%parallel_loop3A_977, %parallel_loop3A_978, %parallel_loop3A_979] {strides = array<i32>} : memref<16x4x200xf32, #tpu.memory_space<vmem>>, vector<16xf32>,
        tpu.vector_store %arg6[%parallel_loop3A_977, %parallel_loop3A_978, %parallel_loop3A_979], %parallel_loop3A_975 {strides = array<i32>} : memref<16x4x200xf32, #tpu.memory_space<vmem>>, vector<16xf32>,
        %parallel_loop3A_981 = tpu.vector_load_idx %arg14[%parallel_loop3A_950] : memref<128xf32, #tpu.memory_space<vmem>>[vector<16xi32>], vector<16xf32>,
        %parallel_loop3A_982 = arith.constant 2 : i32
        %parallel_loop3A_983 = arith.index_cast %parallel_loop3A_144 : i32 to index
        %parallel_loop3A_984 = arith.index_cast %parallel_loop3A_982 : i32 to index
        %parallel_loop3A_985 = arith.constant 176 : index
        %parallel_loop3A_986 = tpu.vector_load %arg7[%parallel_loop3A_983, %parallel_loop3A_984, %parallel_loop3A_985] {strides = array<i32>} : memref<16x4x200xf32, #tpu.memory_space<vmem>>, vector<16xf32>,
        tpu.vector_store %arg7[%parallel_loop3A_983, %parallel_loop3A_984, %parallel_loop3A_985], %parallel_loop3A_981 {strides = array<i32>} : memref<16x4x200xf32, #tpu.memory_space<vmem>>, vector<16xf32>,
        %parallel_loop3A_987 = tpu.vector_load_idx %arg11[%parallel_loop3A_941] : memref<128xf32, #tpu.memory_space<vmem>>[vector<16xi32>], vector<16xf32>,
        %parallel_loop3A_988 = arith.constant 3 : i32
        %parallel_loop3A_989 = arith.index_cast %parallel_loop3A_144 : i32 to index
        %parallel_loop3A_990 = arith.index_cast %parallel_loop3A_988 : i32 to index
        %parallel_loop3A_991 = arith.constant 176 : index
        %parallel_loop3A_992 = tpu.vector_load %arg6[%parallel_loop3A_989, %parallel_loop3A_990, %parallel_loop3A_991] {strides = array<i32>} : memref<16x4x200xf32, #tpu.memory_space<vmem>>, vector<16xf32>,
        tpu.vector_store %arg6[%parallel_loop3A_989, %parallel_loop3A_990, %parallel_loop3A_991], %parallel_loop3A_987 {strides = array<i32>} : memref<16x4x200xf32, #tpu.memory_space<vmem>>, vector<16xf32>,
        %parallel_loop3A_993 = tpu.vector_load_idx %arg15[%parallel_loop3A_950] : memref<128xf32, #tpu.memory_space<vmem>>[vector<16xi32>], vector<16xf32>,
        %parallel_loop3A_994 = arith.constant 3 : i32
        %parallel_loop3A_995 = arith.index_cast %parallel_loop3A_144 : i32 to index
        %parallel_loop3A_996 = arith.index_cast %parallel_loop3A_994 : i32 to index
        %parallel_loop3A_997 = arith.constant 176 : index
        %parallel_loop3A_998 = tpu.vector_load %arg7[%parallel_loop3A_995, %parallel_loop3A_996, %parallel_loop3A_997] {strides = array<i32>} : memref<16x4x200xf32, #tpu.memory_space<vmem>>, vector<16xf32>,
        tpu.vector_store %arg7[%parallel_loop3A_995, %parallel_loop3A_996, %parallel_loop3A_997], %parallel_loop3A_993 {strides = array<i32>} : memref<16x4x200xf32, #tpu.memory_space<vmem>>, vector<16xf32>,
        %parallel_loop3A_999 = arith.constant 184 : i32
        %parallel_loop3A_1000 = arith.addi %parallel_loop3A_146, %parallel_loop3A_999 : i32
        %parallel_loop3A_1001 = arith.index_cast %parallel_loop3A_1000 : i32 to index
        %parallel_loop3A_1002 = tpu.vector_load %arg5[%parallel_loop3A_1001] {strides = array<i32>} : memref<3200xi32, #tpu.memory_space<vmem>>, vector<16xi32>,
        %parallel_loop3A_1003 = arith.constant 184 : i32
        %parallel_loop3A_1004 = arith.addi %parallel_loop3A_146, %parallel_loop3A_1003 : i32
        %parallel_loop3A_1005 = arith.constant 184 : i32
        %parallel_loop3A_1006 = arith.subi %parallel_loop3A_1004, %parallel_loop3A_1005 : i32
        %parallel_loop3A_1007 = arith.index_cast %parallel_loop3A_1006 : i32 to index
        %parallel_loop3A_1008 = tpu.vector_load %arg5[%parallel_loop3A_1007] {strides = array<i32>} : memref<3200xi32, #tpu.memory_space<vmem>>, vector<16xi32>,
        %parallel_loop3A_1009 = arith.constant 4 : i32
        %parallel_loop3A_1010 = vector.broadcast %parallel_loop3A_1009 : i32 to vector<16xi32>
        %parallel_loop3A_1011 = arith.shli %parallel_loop3A_1002, %parallel_loop3A_1010 : vector<16xi32>
        %parallel_loop3A_1012 = arith.addi %parallel_loop3A_1011, %iota3A : vector<16xi32>
        %parallel_loop3A_1013 = arith.constant 15 : i32
        %parallel_loop3A_1014 = vector.broadcast %parallel_loop3A_1013 : i32 to vector<16xi32>
        %parallel_loop3A_1015 = tpu.iota {dimensions = array<i32: 0>} : vector<16xi32>
        %parallel_loop3A_1016 = arith.subi %parallel_loop3A_1014, %parallel_loop3A_1015 : vector<16xi32>
        %parallel_loop3A_1017 = tpu.dynamic_gather %parallel_loop3A_1008[%parallel_loop3A_1016] in [0] : vector<16xi32>, vector<16xi32> -> vector<16xi32>
        %parallel_loop3A_1018 = arith.constant 4 : i32
        %parallel_loop3A_1019 = vector.broadcast %parallel_loop3A_1018 : i32 to vector<16xi32>
        %parallel_loop3A_1020 = arith.shli %parallel_loop3A_1017, %parallel_loop3A_1019 : vector<16xi32>
        %parallel_loop3A_1021 = arith.addi %parallel_loop3A_1020, %iota3A : vector<16xi32>
        %parallel_loop3A_1022 = tpu.vector_load_idx %arg8[%parallel_loop3A_1012] : memref<128xf32, #tpu.memory_space<vmem>>[vector<16xi32>], vector<16xf32>,
        %parallel_loop3A_1023 = arith.constant 0 : i32
        %parallel_loop3A_1024 = arith.index_cast %parallel_loop3A_144 : i32 to index
        %parallel_loop3A_1025 = arith.index_cast %parallel_loop3A_1023 : i32 to index
        %parallel_loop3A_1026 = arith.constant 184 : index
        %parallel_loop3A_1027 = tpu.vector_load %arg6[%parallel_loop3A_1024, %parallel_loop3A_1025, %parallel_loop3A_1026] {strides = array<i32>} : memref<16x4x200xf32, #tpu.memory_space<vmem>>, vector<16xf32>,
        tpu.vector_store %arg6[%parallel_loop3A_1024, %parallel_loop3A_1025, %parallel_loop3A_1026], %parallel_loop3A_1022 {strides = array<i32>} : memref<16x4x200xf32, #tpu.memory_space<vmem>>, vector<16xf32>,
        %parallel_loop3A_1028 = tpu.vector_load_idx %arg12[%parallel_loop3A_1021] : memref<128xf32, #tpu.memory_space<vmem>>[vector<16xi32>], vector<16xf32>,
        %parallel_loop3A_1029 = arith.constant 0 : i32
        %parallel_loop3A_1030 = arith.index_cast %parallel_loop3A_144 : i32 to index
        %parallel_loop3A_1031 = arith.index_cast %parallel_loop3A_1029 : i32 to index
        %parallel_loop3A_1032 = arith.constant 184 : index
        %parallel_loop3A_1033 = tpu.vector_load %arg7[%parallel_loop3A_1030, %parallel_loop3A_1031, %parallel_loop3A_1032] {strides = array<i32>} : memref<16x4x200xf32, #tpu.memory_space<vmem>>, vector<16xf32>,
        tpu.vector_store %arg7[%parallel_loop3A_1030, %parallel_loop3A_1031, %parallel_loop3A_1032], %parallel_loop3A_1028 {strides = array<i32>} : memref<16x4x200xf32, #tpu.memory_space<vmem>>, vector<16xf32>,
        %parallel_loop3A_1034 = tpu.vector_load_idx %arg9[%parallel_loop3A_1012] : memref<128xf32, #tpu.memory_space<vmem>>[vector<16xi32>], vector<16xf32>,
        %parallel_loop3A_1035 = arith.constant 1 : i32
        %parallel_loop3A_1036 = arith.index_cast %parallel_loop3A_144 : i32 to index
        %parallel_loop3A_1037 = arith.index_cast %parallel_loop3A_1035 : i32 to index
        %parallel_loop3A_1038 = arith.constant 184 : index
        %parallel_loop3A_1039 = tpu.vector_load %arg6[%parallel_loop3A_1036, %parallel_loop3A_1037, %parallel_loop3A_1038] {strides = array<i32>} : memref<16x4x200xf32, #tpu.memory_space<vmem>>, vector<16xf32>,
        tpu.vector_store %arg6[%parallel_loop3A_1036, %parallel_loop3A_1037, %parallel_loop3A_1038], %parallel_loop3A_1034 {strides = array<i32>} : memref<16x4x200xf32, #tpu.memory_space<vmem>>, vector<16xf32>,
        %parallel_loop3A_1040 = tpu.vector_load_idx %arg13[%parallel_loop3A_1021] : memref<128xf32, #tpu.memory_space<vmem>>[vector<16xi32>], vector<16xf32>,
        %parallel_loop3A_1041 = arith.constant 1 : i32
        %parallel_loop3A_1042 = arith.index_cast %parallel_loop3A_144 : i32 to index
        %parallel_loop3A_1043 = arith.index_cast %parallel_loop3A_1041 : i32 to index
        %parallel_loop3A_1044 = arith.constant 184 : index
        %parallel_loop3A_1045 = tpu.vector_load %arg7[%parallel_loop3A_1042, %parallel_loop3A_1043, %parallel_loop3A_1044] {strides = array<i32>} : memref<16x4x200xf32, #tpu.memory_space<vmem>>, vector<16xf32>,
        tpu.vector_store %arg7[%parallel_loop3A_1042, %parallel_loop3A_1043, %parallel_loop3A_1044], %parallel_loop3A_1040 {strides = array<i32>} : memref<16x4x200xf32, #tpu.memory_space<vmem>>, vector<16xf32>,
        %parallel_loop3A_1046 = tpu.vector_load_idx %arg10[%parallel_loop3A_1012] : memref<128xf32, #tpu.memory_space<vmem>>[vector<16xi32>], vector<16xf32>,
        %parallel_loop3A_1047 = arith.constant 2 : i32
        %parallel_loop3A_1048 = arith.index_cast %parallel_loop3A_144 : i32 to index
        %parallel_loop3A_1049 = arith.index_cast %parallel_loop3A_1047 : i32 to index
        %parallel_loop3A_1050 = arith.constant 184 : index
        %parallel_loop3A_1051 = tpu.vector_load %arg6[%parallel_loop3A_1048, %parallel_loop3A_1049, %parallel_loop3A_1050] {strides = array<i32>} : memref<16x4x200xf32, #tpu.memory_space<vmem>>, vector<16xf32>,
        tpu.vector_store %arg6[%parallel_loop3A_1048, %parallel_loop3A_1049, %parallel_loop3A_1050], %parallel_loop3A_1046 {strides = array<i32>} : memref<16x4x200xf32, #tpu.memory_space<vmem>>, vector<16xf32>,
        %parallel_loop3A_1052 = tpu.vector_load_idx %arg14[%parallel_loop3A_1021] : memref<128xf32, #tpu.memory_space<vmem>>[vector<16xi32>], vector<16xf32>,
        %parallel_loop3A_1053 = arith.constant 2 : i32
        %parallel_loop3A_1054 = arith.index_cast %parallel_loop3A_144 : i32 to index
        %parallel_loop3A_1055 = arith.index_cast %parallel_loop3A_1053 : i32 to index
        %parallel_loop3A_1056 = arith.constant 184 : index
        %parallel_loop3A_1057 = tpu.vector_load %arg7[%parallel_loop3A_1054, %parallel_loop3A_1055, %parallel_loop3A_1056] {strides = array<i32>} : memref<16x4x200xf32, #tpu.memory_space<vmem>>, vector<16xf32>,
        tpu.vector_store %arg7[%parallel_loop3A_1054, %parallel_loop3A_1055, %parallel_loop3A_1056], %parallel_loop3A_1052 {strides = array<i32>} : memref<16x4x200xf32, #tpu.memory_space<vmem>>, vector<16xf32>,
        %parallel_loop3A_1058 = tpu.vector_load_idx %arg11[%parallel_loop3A_1012] : memref<128xf32, #tpu.memory_space<vmem>>[vector<16xi32>], vector<16xf32>,
        %parallel_loop3A_1059 = arith.constant 3 : i32
        %parallel_loop3A_1060 = arith.index_cast %parallel_loop3A_144 : i32 to index
        %parallel_loop3A_1061 = arith.index_cast %parallel_loop3A_1059 : i32 to index
        %parallel_loop3A_1062 = arith.constant 184 : index
        %parallel_loop3A_1063 = tpu.vector_load %arg6[%parallel_loop3A_1060, %parallel_loop3A_1061, %parallel_loop3A_1062] {strides = array<i32>} : memref<16x4x200xf32, #tpu.memory_space<vmem>>, vector<16xf32>,
        tpu.vector_store %arg6[%parallel_loop3A_1060, %parallel_loop3A_1061, %parallel_loop3A_1062], %parallel_loop3A_1058 {strides = array<i32>} : memref<16x4x200xf32, #tpu.memory_space<vmem>>, vector<16xf32>,
        %parallel_loop3A_1064 = tpu.vector_load_idx %arg15[%parallel_loop3A_1021] : memref<128xf32, #tpu.memory_space<vmem>>[vector<16xi32>], vector<16xf32>,
        %parallel_loop3A_1065 = arith.constant 3 : i32
        %parallel_loop3A_1066 = arith.index_cast %parallel_loop3A_144 : i32 to index
        %parallel_loop3A_1067 = arith.index_cast %parallel_loop3A_1065 : i32 to index
        %parallel_loop3A_1068 = arith.constant 184 : index
        %parallel_loop3A_1069 = tpu.vector_load %arg7[%parallel_loop3A_1066, %parallel_loop3A_1067, %parallel_loop3A_1068] {strides = array<i32>} : memref<16x4x200xf32, #tpu.memory_space<vmem>>, vector<16xf32>,
        tpu.vector_store %arg7[%parallel_loop3A_1066, %parallel_loop3A_1067, %parallel_loop3A_1068], %parallel_loop3A_1064 {strides = array<i32>} : memref<16x4x200xf32, #tpu.memory_space<vmem>>, vector<16xf32>,
      } {sc.loop_unroll_factor = 2 : i64, sc.parallel_access}
      %dma_start3A = arith.constant 0 : i32
      %dma_start3A_23 = arith.constant 0 : i32
      %dma_start3A_24 = arith.constant 0 : i32
      %dma_start3A_25 = tpu.memref_slice %arg6[%dma_start3A, %dma_start3A_23, %dma_start3A_24] : memref<16x4x200xf32, #tpu.memory_space<vmem>> -> memref<8x4x200xf32, #tpu.memory_space<vmem>>
      %dma_start3A_26 = arith.constant 0 : i32
      %dma_start3A_27 = arith.constant 0 : i32
      %dma_start3A_28 = tpu.memref_slice %arg4[%add3A_18, %dma_start3A_26, %dma_start3A_27] : memref<8192x4x200xf32, #tpu.memory_space<hbm>> -> memref<8x4x200xf32, #tpu.memory_space<hbm>>
      %dma_start3A_29 = arith.constant 0 : i32
      %dma_start3A_30 = arith.constant 0 : i32
      %dma_start3A_31 = tpu.memref_slice %arg4[%add3A_18, %dma_start3A_29, %dma_start3A_30] : memref<8192x4x200xf32, #tpu.memory_space<hbm>> -> memref<8x4x200xf32, #tpu.memory_space<hbm>>
      %dma_start3A_32 = arith.constant 0 : i32
      %dma_start3A_33 = arith.constant 0 : i32
      %dma_start3A_34 = arith.constant 0 : i32
      %dma_start3A_35 = tpu.memref_slice %arg6[%dma_start3A_32, %dma_start3A_33, %dma_start3A_34] : memref<16x4x200xf32, #tpu.memory_space<vmem>> -> memref<8x4x200xf32, #tpu.memory_space<vmem>>
      tpu.enqueue_dma source(%dma_start3A_35 : memref<8x4x200xf32, #tpu.memory_space<vmem>>) target(%dma_start3A_31 : memref<8x4x200xf32, #tpu.memory_space<hbm>>) target_semaphore(%arg16 : memref<!tpu.dma_semaphore, #tpu.memory_space<semaphore_mem>>)
      %add3A_36 = arith.constant 4096 : i32
      %add3A_37 = arith.addi %add3A_36, %add3A_18 : i32
      %dma_start3A_38 = arith.constant 0 : i32
      %dma_start3A_39 = arith.constant 0 : i32
      %dma_start3A_40 = arith.constant 0 : i32
      %dma_start3A_41 = tpu.memref_slice %arg7[%dma_start3A_38, %dma_start3A_39, %dma_start3A_40] : memref<16x4x200xf32, #tpu.memory_space<vmem>> -> memref<8x4x200xf32, #tpu.memory_space<vmem>>
      %dma_start3A_42 = arith.constant 0 : i32
      %dma_start3A_43 = arith.constant 0 : i32
      %dma_start3A_44 = tpu.memref_slice %arg4[%add3A_37, %dma_start3A_42, %dma_start3A_43] : memref<8192x4x200xf32, #tpu.memory_space<hbm>> -> memref<8x4x200xf32, #tpu.memory_space<hbm>>
      %dma_start3A_45 = arith.constant 0 : i32
      %dma_start3A_46 = arith.constant 0 : i32
      %dma_start3A_47 = tpu.memref_slice %arg4[%add3A_37, %dma_start3A_45, %dma_start3A_46] : memref<8192x4x200xf32, #tpu.memory_space<hbm>> -> memref<8x4x200xf32, #tpu.memory_space<hbm>>
      %dma_start3A_48 = arith.constant 0 : i32
      %dma_start3A_49 = arith.constant 0 : i32
      %dma_start3A_50 = arith.constant 0 : i32
      %dma_start3A_51 = tpu.memref_slice %arg7[%dma_start3A_48, %dma_start3A_49, %dma_start3A_50] : memref<16x4x200xf32, #tpu.memory_space<vmem>> -> memref<8x4x200xf32, #tpu.memory_space<vmem>>
      tpu.enqueue_dma source(%dma_start3A_51 : memref<8x4x200xf32, #tpu.memory_space<vmem>>) target(%dma_start3A_47 : memref<8x4x200xf32, #tpu.memory_space<hbm>>) target_semaphore(%arg17 : memref<!tpu.dma_semaphore, #tpu.memory_space<semaphore_mem>>)
      %parallel_loop3A_52 = arith.constant 8 : i32
      %parallel_loop3A_53 = arith.constant 16 : i32
      %parallel_loop3A_54 = arith.constant 1 : i32
      scf.for %parallel_loop3A_144 = %parallel_loop3A_52 to %parallel_loop3A_53 step %parallel_loop3A_54  : i32 {
        %parallel_loop3A_145 = arith.constant 200 : i32
        %parallel_loop3A_146 = arith.muli %parallel_loop3A_144, %parallel_loop3A_145 : i32
        %parallel_loop3A_147 = arith.constant 0 : i32
        %parallel_loop3A_148 = arith.addi %parallel_loop3A_146, %parallel_loop3A_147 : i32
        %parallel_loop3A_149 = arith.index_cast %parallel_loop3A_148 : i32 to index
        %parallel_loop3A_150 = tpu.vector_load %arg5[%parallel_loop3A_149] {strides = array<i32>} : memref<3200xi32, #tpu.memory_space<vmem>>, vector<16xi32>,
        %parallel_loop3A_151 = arith.constant 184 : i32
        %parallel_loop3A_152 = arith.addi %parallel_loop3A_146, %parallel_loop3A_151 : i32
        %parallel_loop3A_153 = arith.constant 0 : i32
        %parallel_loop3A_154 = arith.subi %parallel_loop3A_152, %parallel_loop3A_153 : i32
        %parallel_loop3A_155 = arith.index_cast %parallel_loop3A_154 : i32 to index
        %parallel_loop3A_156 = tpu.vector_load %arg5[%parallel_loop3A_155] {strides = array<i32>} : memref<3200xi32, #tpu.memory_space<vmem>>, vector<16xi32>,
        %parallel_loop3A_157 = arith.constant 4 : i32
        %parallel_loop3A_158 = vector.broadcast %parallel_loop3A_157 : i32 to vector<16xi32>
        %parallel_loop3A_159 = arith.shli %parallel_loop3A_150, %parallel_loop3A_158 : vector<16xi32>
        %parallel_loop3A_160 = arith.addi %parallel_loop3A_159, %iota3A : vector<16xi32>
        %parallel_loop3A_161 = arith.constant 15 : i32
        %parallel_loop3A_162 = vector.broadcast %parallel_loop3A_161 : i32 to vector<16xi32>
        %parallel_loop3A_163 = tpu.iota {dimensions = array<i32: 0>} : vector<16xi32>
        %parallel_loop3A_164 = arith.subi %parallel_loop3A_162, %parallel_loop3A_163 : vector<16xi32>
        %parallel_loop3A_165 = tpu.dynamic_gather %parallel_loop3A_156[%parallel_loop3A_164] in [0] : vector<16xi32>, vector<16xi32> -> vector<16xi32>
        %parallel_loop3A_166 = arith.constant 4 : i32
        %parallel_loop3A_167 = vector.broadcast %parallel_loop3A_166 : i32 to vector<16xi32>
        %parallel_loop3A_168 = arith.shli %parallel_loop3A_165, %parallel_loop3A_167 : vector<16xi32>
        %parallel_loop3A_169 = arith.addi %parallel_loop3A_168, %iota3A : vector<16xi32>
        %parallel_loop3A_170 = tpu.vector_load_idx %arg8[%parallel_loop3A_160] : memref<128xf32, #tpu.memory_space<vmem>>[vector<16xi32>], vector<16xf32>,
        %parallel_loop3A_171 = arith.constant 0 : i32
        %parallel_loop3A_172 = arith.index_cast %parallel_loop3A_144 : i32 to index
        %parallel_loop3A_173 = arith.index_cast %parallel_loop3A_171 : i32 to index
        %parallel_loop3A_174 = arith.constant 0 : index
        %parallel_loop3A_175 = tpu.vector_load %arg6[%parallel_loop3A_172, %parallel_loop3A_173, %parallel_loop3A_174] {strides = array<i32>} : memref<16x4x200xf32, #tpu.memory_space<vmem>>, vector<16xf32>,
        tpu.vector_store %arg6[%parallel_loop3A_172, %parallel_loop3A_173, %parallel_loop3A_174], %parallel_loop3A_170 {strides = array<i32>} : memref<16x4x200xf32, #tpu.memory_space<vmem>>, vector<16xf32>,
        %parallel_loop3A_176 = tpu.vector_load_idx %arg12[%parallel_loop3A_169] : memref<128xf32, #tpu.memory_space<vmem>>[vector<16xi32>], vector<16xf32>,
        %parallel_loop3A_177 = arith.constant 0 : i32
        %parallel_loop3A_178 = arith.index_cast %parallel_loop3A_144 : i32 to index
        %parallel_loop3A_179 = arith.index_cast %parallel_loop3A_177 : i32 to index
        %parallel_loop3A_180 = arith.constant 0 : index
        %parallel_loop3A_181 = tpu.vector_load %arg7[%parallel_loop3A_178, %parallel_loop3A_179, %parallel_loop3A_180] {strides = array<i32>} : memref<16x4x200xf32, #tpu.memory_space<vmem>>, vector<16xf32>,
        tpu.vector_store %arg7[%parallel_loop3A_178, %parallel_loop3A_179, %parallel_loop3A_180], %parallel_loop3A_176 {strides = array<i32>} : memref<16x4x200xf32, #tpu.memory_space<vmem>>, vector<16xf32>,
        %parallel_loop3A_182 = tpu.vector_load_idx %arg9[%parallel_loop3A_160] : memref<128xf32, #tpu.memory_space<vmem>>[vector<16xi32>], vector<16xf32>,
        %parallel_loop3A_183 = arith.constant 1 : i32
        %parallel_loop3A_184 = arith.index_cast %parallel_loop3A_144 : i32 to index
        %parallel_loop3A_185 = arith.index_cast %parallel_loop3A_183 : i32 to index
        %parallel_loop3A_186 = arith.constant 0 : index
        %parallel_loop3A_187 = tpu.vector_load %arg6[%parallel_loop3A_184, %parallel_loop3A_185, %parallel_loop3A_186] {strides = array<i32>} : memref<16x4x200xf32, #tpu.memory_space<vmem>>, vector<16xf32>,
        tpu.vector_store %arg6[%parallel_loop3A_184, %parallel_loop3A_185, %parallel_loop3A_186], %parallel_loop3A_182 {strides = array<i32>} : memref<16x4x200xf32, #tpu.memory_space<vmem>>, vector<16xf32>,
        %parallel_loop3A_188 = tpu.vector_load_idx %arg13[%parallel_loop3A_169] : memref<128xf32, #tpu.memory_space<vmem>>[vector<16xi32>], vector<16xf32>,
        %parallel_loop3A_189 = arith.constant 1 : i32
        %parallel_loop3A_190 = arith.index_cast %parallel_loop3A_144 : i32 to index
        %parallel_loop3A_191 = arith.index_cast %parallel_loop3A_189 : i32 to index
        %parallel_loop3A_192 = arith.constant 0 : index
        %parallel_loop3A_193 = tpu.vector_load %arg7[%parallel_loop3A_190, %parallel_loop3A_191, %parallel_loop3A_192] {strides = array<i32>} : memref<16x4x200xf32, #tpu.memory_space<vmem>>, vector<16xf32>,
        tpu.vector_store %arg7[%parallel_loop3A_190, %parallel_loop3A_191, %parallel_loop3A_192], %parallel_loop3A_188 {strides = array<i32>} : memref<16x4x200xf32, #tpu.memory_space<vmem>>, vector<16xf32>,
        %parallel_loop3A_194 = tpu.vector_load_idx %arg10[%parallel_loop3A_160] : memref<128xf32, #tpu.memory_space<vmem>>[vector<16xi32>], vector<16xf32>,
        %parallel_loop3A_195 = arith.constant 2 : i32
        %parallel_loop3A_196 = arith.index_cast %parallel_loop3A_144 : i32 to index
        %parallel_loop3A_197 = arith.index_cast %parallel_loop3A_195 : i32 to index
        %parallel_loop3A_198 = arith.constant 0 : index
        %parallel_loop3A_199 = tpu.vector_load %arg6[%parallel_loop3A_196, %parallel_loop3A_197, %parallel_loop3A_198] {strides = array<i32>} : memref<16x4x200xf32, #tpu.memory_space<vmem>>, vector<16xf32>,
        tpu.vector_store %arg6[%parallel_loop3A_196, %parallel_loop3A_197, %parallel_loop3A_198], %parallel_loop3A_194 {strides = array<i32>} : memref<16x4x200xf32, #tpu.memory_space<vmem>>, vector<16xf32>,
        %parallel_loop3A_200 = tpu.vector_load_idx %arg14[%parallel_loop3A_169] : memref<128xf32, #tpu.memory_space<vmem>>[vector<16xi32>], vector<16xf32>,
        %parallel_loop3A_201 = arith.constant 2 : i32
        %parallel_loop3A_202 = arith.index_cast %parallel_loop3A_144 : i32 to index
        %parallel_loop3A_203 = arith.index_cast %parallel_loop3A_201 : i32 to index
        %parallel_loop3A_204 = arith.constant 0 : index
        %parallel_loop3A_205 = tpu.vector_load %arg7[%parallel_loop3A_202, %parallel_loop3A_203, %parallel_loop3A_204] {strides = array<i32>} : memref<16x4x200xf32, #tpu.memory_space<vmem>>, vector<16xf32>,
        tpu.vector_store %arg7[%parallel_loop3A_202, %parallel_loop3A_203, %parallel_loop3A_204], %parallel_loop3A_200 {strides = array<i32>} : memref<16x4x200xf32, #tpu.memory_space<vmem>>, vector<16xf32>,
        %parallel_loop3A_206 = tpu.vector_load_idx %arg11[%parallel_loop3A_160] : memref<128xf32, #tpu.memory_space<vmem>>[vector<16xi32>], vector<16xf32>,
        %parallel_loop3A_207 = arith.constant 3 : i32
        %parallel_loop3A_208 = arith.index_cast %parallel_loop3A_144 : i32 to index
        %parallel_loop3A_209 = arith.index_cast %parallel_loop3A_207 : i32 to index
        %parallel_loop3A_210 = arith.constant 0 : index
        %parallel_loop3A_211 = tpu.vector_load %arg6[%parallel_loop3A_208, %parallel_loop3A_209, %parallel_loop3A_210] {strides = array<i32>} : memref<16x4x200xf32, #tpu.memory_space<vmem>>, vector<16xf32>,
        tpu.vector_store %arg6[%parallel_loop3A_208, %parallel_loop3A_209, %parallel_loop3A_210], %parallel_loop3A_206 {strides = array<i32>} : memref<16x4x200xf32, #tpu.memory_space<vmem>>, vector<16xf32>,
        %parallel_loop3A_212 = tpu.vector_load_idx %arg15[%parallel_loop3A_169] : memref<128xf32, #tpu.memory_space<vmem>>[vector<16xi32>], vector<16xf32>,
        %parallel_loop3A_213 = arith.constant 3 : i32
        %parallel_loop3A_214 = arith.index_cast %parallel_loop3A_144 : i32 to index
        %parallel_loop3A_215 = arith.index_cast %parallel_loop3A_213 : i32 to index
        %parallel_loop3A_216 = arith.constant 0 : index
        %parallel_loop3A_217 = tpu.vector_load %arg7[%parallel_loop3A_214, %parallel_loop3A_215, %parallel_loop3A_216] {strides = array<i32>} : memref<16x4x200xf32, #tpu.memory_space<vmem>>, vector<16xf32>,
        tpu.vector_store %arg7[%parallel_loop3A_214, %parallel_loop3A_215, %parallel_loop3A_216], %parallel_loop3A_212 {strides = array<i32>} : memref<16x4x200xf32, #tpu.memory_space<vmem>>, vector<16xf32>,
        %parallel_loop3A_218 = arith.constant 16 : i32
        %parallel_loop3A_219 = arith.addi %parallel_loop3A_146, %parallel_loop3A_218 : i32
        %parallel_loop3A_220 = arith.index_cast %parallel_loop3A_219 : i32 to index
        %parallel_loop3A_221 = tpu.vector_load %arg5[%parallel_loop3A_220] {strides = array<i32>} : memref<3200xi32, #tpu.memory_space<vmem>>, vector<16xi32>,
        %parallel_loop3A_222 = arith.constant 184 : i32
        %parallel_loop3A_223 = arith.addi %parallel_loop3A_146, %parallel_loop3A_222 : i32
        %parallel_loop3A_224 = arith.constant 16 : i32
        %parallel_loop3A_225 = arith.subi %parallel_loop3A_223, %parallel_loop3A_224 : i32
        %parallel_loop3A_226 = arith.index_cast %parallel_loop3A_225 : i32 to index
        %parallel_loop3A_227 = tpu.vector_load %arg5[%parallel_loop3A_226] {strides = array<i32>} : memref<3200xi32, #tpu.memory_space<vmem>>, vector<16xi32>,
        %parallel_loop3A_228 = arith.constant 4 : i32
        %parallel_loop3A_229 = vector.broadcast %parallel_loop3A_228 : i32 to vector<16xi32>
        %parallel_loop3A_230 = arith.shli %parallel_loop3A_221, %parallel_loop3A_229 : vector<16xi32>
        %parallel_loop3A_231 = arith.addi %parallel_loop3A_230, %iota3A : vector<16xi32>
        %parallel_loop3A_232 = arith.constant 15 : i32
        %parallel_loop3A_233 = vector.broadcast %parallel_loop3A_232 : i32 to vector<16xi32>
        %parallel_loop3A_234 = tpu.iota {dimensions = array<i32: 0>} : vector<16xi32>
        %parallel_loop3A_235 = arith.subi %parallel_loop3A_233, %parallel_loop3A_234 : vector<16xi32>
        %parallel_loop3A_236 = tpu.dynamic_gather %parallel_loop3A_227[%parallel_loop3A_235] in [0] : vector<16xi32>, vector<16xi32> -> vector<16xi32>
        %parallel_loop3A_237 = arith.constant 4 : i32
        %parallel_loop3A_238 = vector.broadcast %parallel_loop3A_237 : i32 to vector<16xi32>
        %parallel_loop3A_239 = arith.shli %parallel_loop3A_236, %parallel_loop3A_238 : vector<16xi32>
        %parallel_loop3A_240 = arith.addi %parallel_loop3A_239, %iota3A : vector<16xi32>
        %parallel_loop3A_241 = tpu.vector_load_idx %arg8[%parallel_loop3A_231] : memref<128xf32, #tpu.memory_space<vmem>>[vector<16xi32>], vector<16xf32>,
        %parallel_loop3A_242 = arith.constant 0 : i32
        %parallel_loop3A_243 = arith.index_cast %parallel_loop3A_144 : i32 to index
        %parallel_loop3A_244 = arith.index_cast %parallel_loop3A_242 : i32 to index
        %parallel_loop3A_245 = arith.constant 16 : index
        %parallel_loop3A_246 = tpu.vector_load %arg6[%parallel_loop3A_243, %parallel_loop3A_244, %parallel_loop3A_245] {strides = array<i32>} : memref<16x4x200xf32, #tpu.memory_space<vmem>>, vector<16xf32>,
        tpu.vector_store %arg6[%parallel_loop3A_243, %parallel_loop3A_244, %parallel_loop3A_245], %parallel_loop3A_241 {strides = array<i32>} : memref<16x4x200xf32, #tpu.memory_space<vmem>>, vector<16xf32>,
        %parallel_loop3A_247 = tpu.vector_load_idx %arg12[%parallel_loop3A_240] : memref<128xf32, #tpu.memory_space<vmem>>[vector<16xi32>], vector<16xf32>,
        %parallel_loop3A_248 = arith.constant 0 : i32
        %parallel_loop3A_249 = arith.index_cast %parallel_loop3A_144 : i32 to index
        %parallel_loop3A_250 = arith.index_cast %parallel_loop3A_248 : i32 to index
        %parallel_loop3A_251 = arith.constant 16 : index
        %parallel_loop3A_252 = tpu.vector_load %arg7[%parallel_loop3A_249, %parallel_loop3A_250, %parallel_loop3A_251] {strides = array<i32>} : memref<16x4x200xf32, #tpu.memory_space<vmem>>, vector<16xf32>,
        tpu.vector_store %arg7[%parallel_loop3A_249, %parallel_loop3A_250, %parallel_loop3A_251], %parallel_loop3A_247 {strides = array<i32>} : memref<16x4x200xf32, #tpu.memory_space<vmem>>, vector<16xf32>,
        %parallel_loop3A_253 = tpu.vector_load_idx %arg9[%parallel_loop3A_231] : memref<128xf32, #tpu.memory_space<vmem>>[vector<16xi32>], vector<16xf32>,
        %parallel_loop3A_254 = arith.constant 1 : i32
        %parallel_loop3A_255 = arith.index_cast %parallel_loop3A_144 : i32 to index
        %parallel_loop3A_256 = arith.index_cast %parallel_loop3A_254 : i32 to index
        %parallel_loop3A_257 = arith.constant 16 : index
        %parallel_loop3A_258 = tpu.vector_load %arg6[%parallel_loop3A_255, %parallel_loop3A_256, %parallel_loop3A_257] {strides = array<i32>} : memref<16x4x200xf32, #tpu.memory_space<vmem>>, vector<16xf32>,
        tpu.vector_store %arg6[%parallel_loop3A_255, %parallel_loop3A_256, %parallel_loop3A_257], %parallel_loop3A_253 {strides = array<i32>} : memref<16x4x200xf32, #tpu.memory_space<vmem>>, vector<16xf32>,
        %parallel_loop3A_259 = tpu.vector_load_idx %arg13[%parallel_loop3A_240] : memref<128xf32, #tpu.memory_space<vmem>>[vector<16xi32>], vector<16xf32>,
        %parallel_loop3A_260 = arith.constant 1 : i32
        %parallel_loop3A_261 = arith.index_cast %parallel_loop3A_144 : i32 to index
        %parallel_loop3A_262 = arith.index_cast %parallel_loop3A_260 : i32 to index
        %parallel_loop3A_263 = arith.constant 16 : index
        %parallel_loop3A_264 = tpu.vector_load %arg7[%parallel_loop3A_261, %parallel_loop3A_262, %parallel_loop3A_263] {strides = array<i32>} : memref<16x4x200xf32, #tpu.memory_space<vmem>>, vector<16xf32>,
        tpu.vector_store %arg7[%parallel_loop3A_261, %parallel_loop3A_262, %parallel_loop3A_263], %parallel_loop3A_259 {strides = array<i32>} : memref<16x4x200xf32, #tpu.memory_space<vmem>>, vector<16xf32>,
        %parallel_loop3A_265 = tpu.vector_load_idx %arg10[%parallel_loop3A_231] : memref<128xf32, #tpu.memory_space<vmem>>[vector<16xi32>], vector<16xf32>,
        %parallel_loop3A_266 = arith.constant 2 : i32
        %parallel_loop3A_267 = arith.index_cast %parallel_loop3A_144 : i32 to index
        %parallel_loop3A_268 = arith.index_cast %parallel_loop3A_266 : i32 to index
        %parallel_loop3A_269 = arith.constant 16 : index
        %parallel_loop3A_270 = tpu.vector_load %arg6[%parallel_loop3A_267, %parallel_loop3A_268, %parallel_loop3A_269] {strides = array<i32>} : memref<16x4x200xf32, #tpu.memory_space<vmem>>, vector<16xf32>,
        tpu.vector_store %arg6[%parallel_loop3A_267, %parallel_loop3A_268, %parallel_loop3A_269], %parallel_loop3A_265 {strides = array<i32>} : memref<16x4x200xf32, #tpu.memory_space<vmem>>, vector<16xf32>,
        %parallel_loop3A_271 = tpu.vector_load_idx %arg14[%parallel_loop3A_240] : memref<128xf32, #tpu.memory_space<vmem>>[vector<16xi32>], vector<16xf32>,
        %parallel_loop3A_272 = arith.constant 2 : i32
        %parallel_loop3A_273 = arith.index_cast %parallel_loop3A_144 : i32 to index
        %parallel_loop3A_274 = arith.index_cast %parallel_loop3A_272 : i32 to index
        %parallel_loop3A_275 = arith.constant 16 : index
        %parallel_loop3A_276 = tpu.vector_load %arg7[%parallel_loop3A_273, %parallel_loop3A_274, %parallel_loop3A_275] {strides = array<i32>} : memref<16x4x200xf32, #tpu.memory_space<vmem>>, vector<16xf32>,
        tpu.vector_store %arg7[%parallel_loop3A_273, %parallel_loop3A_274, %parallel_loop3A_275], %parallel_loop3A_271 {strides = array<i32>} : memref<16x4x200xf32, #tpu.memory_space<vmem>>, vector<16xf32>,
        %parallel_loop3A_277 = tpu.vector_load_idx %arg11[%parallel_loop3A_231] : memref<128xf32, #tpu.memory_space<vmem>>[vector<16xi32>], vector<16xf32>,
        %parallel_loop3A_278 = arith.constant 3 : i32
        %parallel_loop3A_279 = arith.index_cast %parallel_loop3A_144 : i32 to index
        %parallel_loop3A_280 = arith.index_cast %parallel_loop3A_278 : i32 to index
        %parallel_loop3A_281 = arith.constant 16 : index
        %parallel_loop3A_282 = tpu.vector_load %arg6[%parallel_loop3A_279, %parallel_loop3A_280, %parallel_loop3A_281] {strides = array<i32>} : memref<16x4x200xf32, #tpu.memory_space<vmem>>, vector<16xf32>,
        tpu.vector_store %arg6[%parallel_loop3A_279, %parallel_loop3A_280, %parallel_loop3A_281], %parallel_loop3A_277 {strides = array<i32>} : memref<16x4x200xf32, #tpu.memory_space<vmem>>, vector<16xf32>,
        %parallel_loop3A_283 = tpu.vector_load_idx %arg15[%parallel_loop3A_240] : memref<128xf32, #tpu.memory_space<vmem>>[vector<16xi32>], vector<16xf32>,
        %parallel_loop3A_284 = arith.constant 3 : i32
        %parallel_loop3A_285 = arith.index_cast %parallel_loop3A_144 : i32 to index
        %parallel_loop3A_286 = arith.index_cast %parallel_loop3A_284 : i32 to index
        %parallel_loop3A_287 = arith.constant 16 : index
        %parallel_loop3A_288 = tpu.vector_load %arg7[%parallel_loop3A_285, %parallel_loop3A_286, %parallel_loop3A_287] {strides = array<i32>} : memref<16x4x200xf32, #tpu.memory_space<vmem>>, vector<16xf32>,
        tpu.vector_store %arg7[%parallel_loop3A_285, %parallel_loop3A_286, %parallel_loop3A_287], %parallel_loop3A_283 {strides = array<i32>} : memref<16x4x200xf32, #tpu.memory_space<vmem>>, vector<16xf32>,
        %parallel_loop3A_289 = arith.constant 32 : i32
        %parallel_loop3A_290 = arith.addi %parallel_loop3A_146, %parallel_loop3A_289 : i32
        %parallel_loop3A_291 = arith.index_cast %parallel_loop3A_290 : i32 to index
        %parallel_loop3A_292 = tpu.vector_load %arg5[%parallel_loop3A_291] {strides = array<i32>} : memref<3200xi32, #tpu.memory_space<vmem>>, vector<16xi32>,
        %parallel_loop3A_293 = arith.constant 184 : i32
        %parallel_loop3A_294 = arith.addi %parallel_loop3A_146, %parallel_loop3A_293 : i32
        %parallel_loop3A_295 = arith.constant 32 : i32
        %parallel_loop3A_296 = arith.subi %parallel_loop3A_294, %parallel_loop3A_295 : i32
        %parallel_loop3A_297 = arith.index_cast %parallel_loop3A_296 : i32 to index
        %parallel_loop3A_298 = tpu.vector_load %arg5[%parallel_loop3A_297] {strides = array<i32>} : memref<3200xi32, #tpu.memory_space<vmem>>, vector<16xi32>,
        %parallel_loop3A_299 = arith.constant 4 : i32
        %parallel_loop3A_300 = vector.broadcast %parallel_loop3A_299 : i32 to vector<16xi32>
        %parallel_loop3A_301 = arith.shli %parallel_loop3A_292, %parallel_loop3A_300 : vector<16xi32>
        %parallel_loop3A_302 = arith.addi %parallel_loop3A_301, %iota3A : vector<16xi32>
        %parallel_loop3A_303 = arith.constant 15 : i32
        %parallel_loop3A_304 = vector.broadcast %parallel_loop3A_303 : i32 to vector<16xi32>
        %parallel_loop3A_305 = tpu.iota {dimensions = array<i32: 0>} : vector<16xi32>
        %parallel_loop3A_306 = arith.subi %parallel_loop3A_304, %parallel_loop3A_305 : vector<16xi32>
        %parallel_loop3A_307 = tpu.dynamic_gather %parallel_loop3A_298[%parallel_loop3A_306] in [0] : vector<16xi32>, vector<16xi32> -> vector<16xi32>
        %parallel_loop3A_308 = arith.constant 4 : i32
        %parallel_loop3A_309 = vector.broadcast %parallel_loop3A_308 : i32 to vector<16xi32>
        %parallel_loop3A_310 = arith.shli %parallel_loop3A_307, %parallel_loop3A_309 : vector<16xi32>
        %parallel_loop3A_311 = arith.addi %parallel_loop3A_310, %iota3A : vector<16xi32>
        %parallel_loop3A_312 = tpu.vector_load_idx %arg8[%parallel_loop3A_302] : memref<128xf32, #tpu.memory_space<vmem>>[vector<16xi32>], vector<16xf32>,
        %parallel_loop3A_313 = arith.constant 0 : i32
        %parallel_loop3A_314 = arith.index_cast %parallel_loop3A_144 : i32 to index
        %parallel_loop3A_315 = arith.index_cast %parallel_loop3A_313 : i32 to index
        %parallel_loop3A_316 = arith.constant 32 : index
        %parallel_loop3A_317 = tpu.vector_load %arg6[%parallel_loop3A_314, %parallel_loop3A_315, %parallel_loop3A_316] {strides = array<i32>} : memref<16x4x200xf32, #tpu.memory_space<vmem>>, vector<16xf32>,
        tpu.vector_store %arg6[%parallel_loop3A_314, %parallel_loop3A_315, %parallel_loop3A_316], %parallel_loop3A_312 {strides = array<i32>} : memref<16x4x200xf32, #tpu.memory_space<vmem>>, vector<16xf32>,
        %parallel_loop3A_318 = tpu.vector_load_idx %arg12[%parallel_loop3A_311] : memref<128xf32, #tpu.memory_space<vmem>>[vector<16xi32>], vector<16xf32>,
        %parallel_loop3A_319 = arith.constant 0 : i32
        %parallel_loop3A_320 = arith.index_cast %parallel_loop3A_144 : i32 to index
        %parallel_loop3A_321 = arith.index_cast %parallel_loop3A_319 : i32 to index
        %parallel_loop3A_322 = arith.constant 32 : index
        %parallel_loop3A_323 = tpu.vector_load %arg7[%parallel_loop3A_320, %parallel_loop3A_321, %parallel_loop3A_322] {strides = array<i32>} : memref<16x4x200xf32, #tpu.memory_space<vmem>>, vector<16xf32>,
        tpu.vector_store %arg7[%parallel_loop3A_320, %parallel_loop3A_321, %parallel_loop3A_322], %parallel_loop3A_318 {strides = array<i32>} : memref<16x4x200xf32, #tpu.memory_space<vmem>>, vector<16xf32>,
        %parallel_loop3A_324 = tpu.vector_load_idx %arg9[%parallel_loop3A_302] : memref<128xf32, #tpu.memory_space<vmem>>[vector<16xi32>], vector<16xf32>,
        %parallel_loop3A_325 = arith.constant 1 : i32
        %parallel_loop3A_326 = arith.index_cast %parallel_loop3A_144 : i32 to index
        %parallel_loop3A_327 = arith.index_cast %parallel_loop3A_325 : i32 to index
        %parallel_loop3A_328 = arith.constant 32 : index
        %parallel_loop3A_329 = tpu.vector_load %arg6[%parallel_loop3A_326, %parallel_loop3A_327, %parallel_loop3A_328] {strides = array<i32>} : memref<16x4x200xf32, #tpu.memory_space<vmem>>, vector<16xf32>,
        tpu.vector_store %arg6[%parallel_loop3A_326, %parallel_loop3A_327, %parallel_loop3A_328], %parallel_loop3A_324 {strides = array<i32>} : memref<16x4x200xf32, #tpu.memory_space<vmem>>, vector<16xf32>,
        %parallel_loop3A_330 = tpu.vector_load_idx %arg13[%parallel_loop3A_311] : memref<128xf32, #tpu.memory_space<vmem>>[vector<16xi32>], vector<16xf32>,
        %parallel_loop3A_331 = arith.constant 1 : i32
        %parallel_loop3A_332 = arith.index_cast %parallel_loop3A_144 : i32 to index
        %parallel_loop3A_333 = arith.index_cast %parallel_loop3A_331 : i32 to index
        %parallel_loop3A_334 = arith.constant 32 : index
        %parallel_loop3A_335 = tpu.vector_load %arg7[%parallel_loop3A_332, %parallel_loop3A_333, %parallel_loop3A_334] {strides = array<i32>} : memref<16x4x200xf32, #tpu.memory_space<vmem>>, vector<16xf32>,
        tpu.vector_store %arg7[%parallel_loop3A_332, %parallel_loop3A_333, %parallel_loop3A_334], %parallel_loop3A_330 {strides = array<i32>} : memref<16x4x200xf32, #tpu.memory_space<vmem>>, vector<16xf32>,
        %parallel_loop3A_336 = tpu.vector_load_idx %arg10[%parallel_loop3A_302] : memref<128xf32, #tpu.memory_space<vmem>>[vector<16xi32>], vector<16xf32>,
        %parallel_loop3A_337 = arith.constant 2 : i32
        %parallel_loop3A_338 = arith.index_cast %parallel_loop3A_144 : i32 to index
        %parallel_loop3A_339 = arith.index_cast %parallel_loop3A_337 : i32 to index
        %parallel_loop3A_340 = arith.constant 32 : index
        %parallel_loop3A_341 = tpu.vector_load %arg6[%parallel_loop3A_338, %parallel_loop3A_339, %parallel_loop3A_340] {strides = array<i32>} : memref<16x4x200xf32, #tpu.memory_space<vmem>>, vector<16xf32>,
        tpu.vector_store %arg6[%parallel_loop3A_338, %parallel_loop3A_339, %parallel_loop3A_340], %parallel_loop3A_336 {strides = array<i32>} : memref<16x4x200xf32, #tpu.memory_space<vmem>>, vector<16xf32>,
        %parallel_loop3A_342 = tpu.vector_load_idx %arg14[%parallel_loop3A_311] : memref<128xf32, #tpu.memory_space<vmem>>[vector<16xi32>], vector<16xf32>,
        %parallel_loop3A_343 = arith.constant 2 : i32
        %parallel_loop3A_344 = arith.index_cast %parallel_loop3A_144 : i32 to index
        %parallel_loop3A_345 = arith.index_cast %parallel_loop3A_343 : i32 to index
        %parallel_loop3A_346 = arith.constant 32 : index
        %parallel_loop3A_347 = tpu.vector_load %arg7[%parallel_loop3A_344, %parallel_loop3A_345, %parallel_loop3A_346] {strides = array<i32>} : memref<16x4x200xf32, #tpu.memory_space<vmem>>, vector<16xf32>,
        tpu.vector_store %arg7[%parallel_loop3A_344, %parallel_loop3A_345, %parallel_loop3A_346], %parallel_loop3A_342 {strides = array<i32>} : memref<16x4x200xf32, #tpu.memory_space<vmem>>, vector<16xf32>,
        %parallel_loop3A_348 = tpu.vector_load_idx %arg11[%parallel_loop3A_302] : memref<128xf32, #tpu.memory_space<vmem>>[vector<16xi32>], vector<16xf32>,
        %parallel_loop3A_349 = arith.constant 3 : i32
        %parallel_loop3A_350 = arith.index_cast %parallel_loop3A_144 : i32 to index
        %parallel_loop3A_351 = arith.index_cast %parallel_loop3A_349 : i32 to index
        %parallel_loop3A_352 = arith.constant 32 : index
        %parallel_loop3A_353 = tpu.vector_load %arg6[%parallel_loop3A_350, %parallel_loop3A_351, %parallel_loop3A_352] {strides = array<i32>} : memref<16x4x200xf32, #tpu.memory_space<vmem>>, vector<16xf32>,
        tpu.vector_store %arg6[%parallel_loop3A_350, %parallel_loop3A_351, %parallel_loop3A_352], %parallel_loop3A_348 {strides = array<i32>} : memref<16x4x200xf32, #tpu.memory_space<vmem>>, vector<16xf32>,
        %parallel_loop3A_354 = tpu.vector_load_idx %arg15[%parallel_loop3A_311] : memref<128xf32, #tpu.memory_space<vmem>>[vector<16xi32>], vector<16xf32>,
        %parallel_loop3A_355 = arith.constant 3 : i32
        %parallel_loop3A_356 = arith.index_cast %parallel_loop3A_144 : i32 to index
        %parallel_loop3A_357 = arith.index_cast %parallel_loop3A_355 : i32 to index
        %parallel_loop3A_358 = arith.constant 32 : index
        %parallel_loop3A_359 = tpu.vector_load %arg7[%parallel_loop3A_356, %parallel_loop3A_357, %parallel_loop3A_358] {strides = array<i32>} : memref<16x4x200xf32, #tpu.memory_space<vmem>>, vector<16xf32>,
        tpu.vector_store %arg7[%parallel_loop3A_356, %parallel_loop3A_357, %parallel_loop3A_358], %parallel_loop3A_354 {strides = array<i32>} : memref<16x4x200xf32, #tpu.memory_space<vmem>>, vector<16xf32>,
        %parallel_loop3A_360 = arith.constant 48 : i32
        %parallel_loop3A_361 = arith.addi %parallel_loop3A_146, %parallel_loop3A_360 : i32
        %parallel_loop3A_362 = arith.index_cast %parallel_loop3A_361 : i32 to index
        %parallel_loop3A_363 = tpu.vector_load %arg5[%parallel_loop3A_362] {strides = array<i32>} : memref<3200xi32, #tpu.memory_space<vmem>>, vector<16xi32>,
        %parallel_loop3A_364 = arith.constant 184 : i32
        %parallel_loop3A_365 = arith.addi %parallel_loop3A_146, %parallel_loop3A_364 : i32
        %parallel_loop3A_366 = arith.constant 48 : i32
        %parallel_loop3A_367 = arith.subi %parallel_loop3A_365, %parallel_loop3A_366 : i32
        %parallel_loop3A_368 = arith.index_cast %parallel_loop3A_367 : i32 to index
        %parallel_loop3A_369 = tpu.vector_load %arg5[%parallel_loop3A_368] {strides = array<i32>} : memref<3200xi32, #tpu.memory_space<vmem>>, vector<16xi32>,
        %parallel_loop3A_370 = arith.constant 4 : i32
        %parallel_loop3A_371 = vector.broadcast %parallel_loop3A_370 : i32 to vector<16xi32>
        %parallel_loop3A_372 = arith.shli %parallel_loop3A_363, %parallel_loop3A_371 : vector<16xi32>
        %parallel_loop3A_373 = arith.addi %parallel_loop3A_372, %iota3A : vector<16xi32>
        %parallel_loop3A_374 = arith.constant 15 : i32
        %parallel_loop3A_375 = vector.broadcast %parallel_loop3A_374 : i32 to vector<16xi32>
        %parallel_loop3A_376 = tpu.iota {dimensions = array<i32: 0>} : vector<16xi32>
        %parallel_loop3A_377 = arith.subi %parallel_loop3A_375, %parallel_loop3A_376 : vector<16xi32>
        %parallel_loop3A_378 = tpu.dynamic_gather %parallel_loop3A_369[%parallel_loop3A_377] in [0] : vector<16xi32>, vector<16xi32> -> vector<16xi32>
        %parallel_loop3A_379 = arith.constant 4 : i32
        %parallel_loop3A_380 = vector.broadcast %parallel_loop3A_379 : i32 to vector<16xi32>
        %parallel_loop3A_381 = arith.shli %parallel_loop3A_378, %parallel_loop3A_380 : vector<16xi32>
        %parallel_loop3A_382 = arith.addi %parallel_loop3A_381, %iota3A : vector<16xi32>
        %parallel_loop3A_383 = tpu.vector_load_idx %arg8[%parallel_loop3A_373] : memref<128xf32, #tpu.memory_space<vmem>>[vector<16xi32>], vector<16xf32>,
        %parallel_loop3A_384 = arith.constant 0 : i32
        %parallel_loop3A_385 = arith.index_cast %parallel_loop3A_144 : i32 to index
        %parallel_loop3A_386 = arith.index_cast %parallel_loop3A_384 : i32 to index
        %parallel_loop3A_387 = arith.constant 48 : index
        %parallel_loop3A_388 = tpu.vector_load %arg6[%parallel_loop3A_385, %parallel_loop3A_386, %parallel_loop3A_387] {strides = array<i32>} : memref<16x4x200xf32, #tpu.memory_space<vmem>>, vector<16xf32>,
        tpu.vector_store %arg6[%parallel_loop3A_385, %parallel_loop3A_386, %parallel_loop3A_387], %parallel_loop3A_383 {strides = array<i32>} : memref<16x4x200xf32, #tpu.memory_space<vmem>>, vector<16xf32>,
        %parallel_loop3A_389 = tpu.vector_load_idx %arg12[%parallel_loop3A_382] : memref<128xf32, #tpu.memory_space<vmem>>[vector<16xi32>], vector<16xf32>,
        %parallel_loop3A_390 = arith.constant 0 : i32
        %parallel_loop3A_391 = arith.index_cast %parallel_loop3A_144 : i32 to index
        %parallel_loop3A_392 = arith.index_cast %parallel_loop3A_390 : i32 to index
        %parallel_loop3A_393 = arith.constant 48 : index
        %parallel_loop3A_394 = tpu.vector_load %arg7[%parallel_loop3A_391, %parallel_loop3A_392, %parallel_loop3A_393] {strides = array<i32>} : memref<16x4x200xf32, #tpu.memory_space<vmem>>, vector<16xf32>,
        tpu.vector_store %arg7[%parallel_loop3A_391, %parallel_loop3A_392, %parallel_loop3A_393], %parallel_loop3A_389 {strides = array<i32>} : memref<16x4x200xf32, #tpu.memory_space<vmem>>, vector<16xf32>,
        %parallel_loop3A_395 = tpu.vector_load_idx %arg9[%parallel_loop3A_373] : memref<128xf32, #tpu.memory_space<vmem>>[vector<16xi32>], vector<16xf32>,
        %parallel_loop3A_396 = arith.constant 1 : i32
        %parallel_loop3A_397 = arith.index_cast %parallel_loop3A_144 : i32 to index
        %parallel_loop3A_398 = arith.index_cast %parallel_loop3A_396 : i32 to index
        %parallel_loop3A_399 = arith.constant 48 : index
        %parallel_loop3A_400 = tpu.vector_load %arg6[%parallel_loop3A_397, %parallel_loop3A_398, %parallel_loop3A_399] {strides = array<i32>} : memref<16x4x200xf32, #tpu.memory_space<vmem>>, vector<16xf32>,
        tpu.vector_store %arg6[%parallel_loop3A_397, %parallel_loop3A_398, %parallel_loop3A_399], %parallel_loop3A_395 {strides = array<i32>} : memref<16x4x200xf32, #tpu.memory_space<vmem>>, vector<16xf32>,
        %parallel_loop3A_401 = tpu.vector_load_idx %arg13[%parallel_loop3A_382] : memref<128xf32, #tpu.memory_space<vmem>>[vector<16xi32>], vector<16xf32>,
        %parallel_loop3A_402 = arith.constant 1 : i32
        %parallel_loop3A_403 = arith.index_cast %parallel_loop3A_144 : i32 to index
        %parallel_loop3A_404 = arith.index_cast %parallel_loop3A_402 : i32 to index
        %parallel_loop3A_405 = arith.constant 48 : index
        %parallel_loop3A_406 = tpu.vector_load %arg7[%parallel_loop3A_403, %parallel_loop3A_404, %parallel_loop3A_405] {strides = array<i32>} : memref<16x4x200xf32, #tpu.memory_space<vmem>>, vector<16xf32>,
        tpu.vector_store %arg7[%parallel_loop3A_403, %parallel_loop3A_404, %parallel_loop3A_405], %parallel_loop3A_401 {strides = array<i32>} : memref<16x4x200xf32, #tpu.memory_space<vmem>>, vector<16xf32>,
        %parallel_loop3A_407 = tpu.vector_load_idx %arg10[%parallel_loop3A_373] : memref<128xf32, #tpu.memory_space<vmem>>[vector<16xi32>], vector<16xf32>,
        %parallel_loop3A_408 = arith.constant 2 : i32
        %parallel_loop3A_409 = arith.index_cast %parallel_loop3A_144 : i32 to index
        %parallel_loop3A_410 = arith.index_cast %parallel_loop3A_408 : i32 to index
        %parallel_loop3A_411 = arith.constant 48 : index
        %parallel_loop3A_412 = tpu.vector_load %arg6[%parallel_loop3A_409, %parallel_loop3A_410, %parallel_loop3A_411] {strides = array<i32>} : memref<16x4x200xf32, #tpu.memory_space<vmem>>, vector<16xf32>,
        tpu.vector_store %arg6[%parallel_loop3A_409, %parallel_loop3A_410, %parallel_loop3A_411], %parallel_loop3A_407 {strides = array<i32>} : memref<16x4x200xf32, #tpu.memory_space<vmem>>, vector<16xf32>,
        %parallel_loop3A_413 = tpu.vector_load_idx %arg14[%parallel_loop3A_382] : memref<128xf32, #tpu.memory_space<vmem>>[vector<16xi32>], vector<16xf32>,
        %parallel_loop3A_414 = arith.constant 2 : i32
        %parallel_loop3A_415 = arith.index_cast %parallel_loop3A_144 : i32 to index
        %parallel_loop3A_416 = arith.index_cast %parallel_loop3A_414 : i32 to index
        %parallel_loop3A_417 = arith.constant 48 : index
        %parallel_loop3A_418 = tpu.vector_load %arg7[%parallel_loop3A_415, %parallel_loop3A_416, %parallel_loop3A_417] {strides = array<i32>} : memref<16x4x200xf32, #tpu.memory_space<vmem>>, vector<16xf32>,
        tpu.vector_store %arg7[%parallel_loop3A_415, %parallel_loop3A_416, %parallel_loop3A_417], %parallel_loop3A_413 {strides = array<i32>} : memref<16x4x200xf32, #tpu.memory_space<vmem>>, vector<16xf32>,
        %parallel_loop3A_419 = tpu.vector_load_idx %arg11[%parallel_loop3A_373] : memref<128xf32, #tpu.memory_space<vmem>>[vector<16xi32>], vector<16xf32>,
        %parallel_loop3A_420 = arith.constant 3 : i32
        %parallel_loop3A_421 = arith.index_cast %parallel_loop3A_144 : i32 to index
        %parallel_loop3A_422 = arith.index_cast %parallel_loop3A_420 : i32 to index
        %parallel_loop3A_423 = arith.constant 48 : index
        %parallel_loop3A_424 = tpu.vector_load %arg6[%parallel_loop3A_421, %parallel_loop3A_422, %parallel_loop3A_423] {strides = array<i32>} : memref<16x4x200xf32, #tpu.memory_space<vmem>>, vector<16xf32>,
        tpu.vector_store %arg6[%parallel_loop3A_421, %parallel_loop3A_422, %parallel_loop3A_423], %parallel_loop3A_419 {strides = array<i32>} : memref<16x4x200xf32, #tpu.memory_space<vmem>>, vector<16xf32>,
        %parallel_loop3A_425 = tpu.vector_load_idx %arg15[%parallel_loop3A_382] : memref<128xf32, #tpu.memory_space<vmem>>[vector<16xi32>], vector<16xf32>,
        %parallel_loop3A_426 = arith.constant 3 : i32
        %parallel_loop3A_427 = arith.index_cast %parallel_loop3A_144 : i32 to index
        %parallel_loop3A_428 = arith.index_cast %parallel_loop3A_426 : i32 to index
        %parallel_loop3A_429 = arith.constant 48 : index
        %parallel_loop3A_430 = tpu.vector_load %arg7[%parallel_loop3A_427, %parallel_loop3A_428, %parallel_loop3A_429] {strides = array<i32>} : memref<16x4x200xf32, #tpu.memory_space<vmem>>, vector<16xf32>,
        tpu.vector_store %arg7[%parallel_loop3A_427, %parallel_loop3A_428, %parallel_loop3A_429], %parallel_loop3A_425 {strides = array<i32>} : memref<16x4x200xf32, #tpu.memory_space<vmem>>, vector<16xf32>,
        %parallel_loop3A_431 = arith.constant 64 : i32
        %parallel_loop3A_432 = arith.addi %parallel_loop3A_146, %parallel_loop3A_431 : i32
        %parallel_loop3A_433 = arith.index_cast %parallel_loop3A_432 : i32 to index
        %parallel_loop3A_434 = tpu.vector_load %arg5[%parallel_loop3A_433] {strides = array<i32>} : memref<3200xi32, #tpu.memory_space<vmem>>, vector<16xi32>,
        %parallel_loop3A_435 = arith.constant 184 : i32
        %parallel_loop3A_436 = arith.addi %parallel_loop3A_146, %parallel_loop3A_435 : i32
        %parallel_loop3A_437 = arith.constant 64 : i32
        %parallel_loop3A_438 = arith.subi %parallel_loop3A_436, %parallel_loop3A_437 : i32
        %parallel_loop3A_439 = arith.index_cast %parallel_loop3A_438 : i32 to index
        %parallel_loop3A_440 = tpu.vector_load %arg5[%parallel_loop3A_439] {strides = array<i32>} : memref<3200xi32, #tpu.memory_space<vmem>>, vector<16xi32>,
        %parallel_loop3A_441 = arith.constant 4 : i32
        %parallel_loop3A_442 = vector.broadcast %parallel_loop3A_441 : i32 to vector<16xi32>
        %parallel_loop3A_443 = arith.shli %parallel_loop3A_434, %parallel_loop3A_442 : vector<16xi32>
        %parallel_loop3A_444 = arith.addi %parallel_loop3A_443, %iota3A : vector<16xi32>
        %parallel_loop3A_445 = arith.constant 15 : i32
        %parallel_loop3A_446 = vector.broadcast %parallel_loop3A_445 : i32 to vector<16xi32>
        %parallel_loop3A_447 = tpu.iota {dimensions = array<i32: 0>} : vector<16xi32>
        %parallel_loop3A_448 = arith.subi %parallel_loop3A_446, %parallel_loop3A_447 : vector<16xi32>
        %parallel_loop3A_449 = tpu.dynamic_gather %parallel_loop3A_440[%parallel_loop3A_448] in [0] : vector<16xi32>, vector<16xi32> -> vector<16xi32>
        %parallel_loop3A_450 = arith.constant 4 : i32
        %parallel_loop3A_451 = vector.broadcast %parallel_loop3A_450 : i32 to vector<16xi32>
        %parallel_loop3A_452 = arith.shli %parallel_loop3A_449, %parallel_loop3A_451 : vector<16xi32>
        %parallel_loop3A_453 = arith.addi %parallel_loop3A_452, %iota3A : vector<16xi32>
        %parallel_loop3A_454 = tpu.vector_load_idx %arg8[%parallel_loop3A_444] : memref<128xf32, #tpu.memory_space<vmem>>[vector<16xi32>], vector<16xf32>,
        %parallel_loop3A_455 = arith.constant 0 : i32
        %parallel_loop3A_456 = arith.index_cast %parallel_loop3A_144 : i32 to index
        %parallel_loop3A_457 = arith.index_cast %parallel_loop3A_455 : i32 to index
        %parallel_loop3A_458 = arith.constant 64 : index
        %parallel_loop3A_459 = tpu.vector_load %arg6[%parallel_loop3A_456, %parallel_loop3A_457, %parallel_loop3A_458] {strides = array<i32>} : memref<16x4x200xf32, #tpu.memory_space<vmem>>, vector<16xf32>,
        tpu.vector_store %arg6[%parallel_loop3A_456, %parallel_loop3A_457, %parallel_loop3A_458], %parallel_loop3A_454 {strides = array<i32>} : memref<16x4x200xf32, #tpu.memory_space<vmem>>, vector<16xf32>,
        %parallel_loop3A_460 = tpu.vector_load_idx %arg12[%parallel_loop3A_453] : memref<128xf32, #tpu.memory_space<vmem>>[vector<16xi32>], vector<16xf32>,
        %parallel_loop3A_461 = arith.constant 0 : i32
        %parallel_loop3A_462 = arith.index_cast %parallel_loop3A_144 : i32 to index
        %parallel_loop3A_463 = arith.index_cast %parallel_loop3A_461 : i32 to index
        %parallel_loop3A_464 = arith.constant 64 : index
        %parallel_loop3A_465 = tpu.vector_load %arg7[%parallel_loop3A_462, %parallel_loop3A_463, %parallel_loop3A_464] {strides = array<i32>} : memref<16x4x200xf32, #tpu.memory_space<vmem>>, vector<16xf32>,
        tpu.vector_store %arg7[%parallel_loop3A_462, %parallel_loop3A_463, %parallel_loop3A_464], %parallel_loop3A_460 {strides = array<i32>} : memref<16x4x200xf32, #tpu.memory_space<vmem>>, vector<16xf32>,
        %parallel_loop3A_466 = tpu.vector_load_idx %arg9[%parallel_loop3A_444] : memref<128xf32, #tpu.memory_space<vmem>>[vector<16xi32>], vector<16xf32>,
        %parallel_loop3A_467 = arith.constant 1 : i32
        %parallel_loop3A_468 = arith.index_cast %parallel_loop3A_144 : i32 to index
        %parallel_loop3A_469 = arith.index_cast %parallel_loop3A_467 : i32 to index
        %parallel_loop3A_470 = arith.constant 64 : index
        %parallel_loop3A_471 = tpu.vector_load %arg6[%parallel_loop3A_468, %parallel_loop3A_469, %parallel_loop3A_470] {strides = array<i32>} : memref<16x4x200xf32, #tpu.memory_space<vmem>>, vector<16xf32>,
        tpu.vector_store %arg6[%parallel_loop3A_468, %parallel_loop3A_469, %parallel_loop3A_470], %parallel_loop3A_466 {strides = array<i32>} : memref<16x4x200xf32, #tpu.memory_space<vmem>>, vector<16xf32>,
        %parallel_loop3A_472 = tpu.vector_load_idx %arg13[%parallel_loop3A_453] : memref<128xf32, #tpu.memory_space<vmem>>[vector<16xi32>], vector<16xf32>,
        %parallel_loop3A_473 = arith.constant 1 : i32
        %parallel_loop3A_474 = arith.index_cast %parallel_loop3A_144 : i32 to index
        %parallel_loop3A_475 = arith.index_cast %parallel_loop3A_473 : i32 to index
        %parallel_loop3A_476 = arith.constant 64 : index
        %parallel_loop3A_477 = tpu.vector_load %arg7[%parallel_loop3A_474, %parallel_loop3A_475, %parallel_loop3A_476] {strides = array<i32>} : memref<16x4x200xf32, #tpu.memory_space<vmem>>, vector<16xf32>,
        tpu.vector_store %arg7[%parallel_loop3A_474, %parallel_loop3A_475, %parallel_loop3A_476], %parallel_loop3A_472 {strides = array<i32>} : memref<16x4x200xf32, #tpu.memory_space<vmem>>, vector<16xf32>,
        %parallel_loop3A_478 = tpu.vector_load_idx %arg10[%parallel_loop3A_444] : memref<128xf32, #tpu.memory_space<vmem>>[vector<16xi32>], vector<16xf32>,
        %parallel_loop3A_479 = arith.constant 2 : i32
        %parallel_loop3A_480 = arith.index_cast %parallel_loop3A_144 : i32 to index
        %parallel_loop3A_481 = arith.index_cast %parallel_loop3A_479 : i32 to index
        %parallel_loop3A_482 = arith.constant 64 : index
        %parallel_loop3A_483 = tpu.vector_load %arg6[%parallel_loop3A_480, %parallel_loop3A_481, %parallel_loop3A_482] {strides = array<i32>} : memref<16x4x200xf32, #tpu.memory_space<vmem>>, vector<16xf32>,
        tpu.vector_store %arg6[%parallel_loop3A_480, %parallel_loop3A_481, %parallel_loop3A_482], %parallel_loop3A_478 {strides = array<i32>} : memref<16x4x200xf32, #tpu.memory_space<vmem>>, vector<16xf32>,
        %parallel_loop3A_484 = tpu.vector_load_idx %arg14[%parallel_loop3A_453] : memref<128xf32, #tpu.memory_space<vmem>>[vector<16xi32>], vector<16xf32>,
        %parallel_loop3A_485 = arith.constant 2 : i32
        %parallel_loop3A_486 = arith.index_cast %parallel_loop3A_144 : i32 to index
        %parallel_loop3A_487 = arith.index_cast %parallel_loop3A_485 : i32 to index
        %parallel_loop3A_488 = arith.constant 64 : index
        %parallel_loop3A_489 = tpu.vector_load %arg7[%parallel_loop3A_486, %parallel_loop3A_487, %parallel_loop3A_488] {strides = array<i32>} : memref<16x4x200xf32, #tpu.memory_space<vmem>>, vector<16xf32>,
        tpu.vector_store %arg7[%parallel_loop3A_486, %parallel_loop3A_487, %parallel_loop3A_488], %parallel_loop3A_484 {strides = array<i32>} : memref<16x4x200xf32, #tpu.memory_space<vmem>>, vector<16xf32>,
        %parallel_loop3A_490 = tpu.vector_load_idx %arg11[%parallel_loop3A_444] : memref<128xf32, #tpu.memory_space<vmem>>[vector<16xi32>], vector<16xf32>,
        %parallel_loop3A_491 = arith.constant 3 : i32
        %parallel_loop3A_492 = arith.index_cast %parallel_loop3A_144 : i32 to index
        %parallel_loop3A_493 = arith.index_cast %parallel_loop3A_491 : i32 to index
        %parallel_loop3A_494 = arith.constant 64 : index
        %parallel_loop3A_495 = tpu.vector_load %arg6[%parallel_loop3A_492, %parallel_loop3A_493, %parallel_loop3A_494] {strides = array<i32>} : memref<16x4x200xf32, #tpu.memory_space<vmem>>, vector<16xf32>,
        tpu.vector_store %arg6[%parallel_loop3A_492, %parallel_loop3A_493, %parallel_loop3A_494], %parallel_loop3A_490 {strides = array<i32>} : memref<16x4x200xf32, #tpu.memory_space<vmem>>, vector<16xf32>,
        %parallel_loop3A_496 = tpu.vector_load_idx %arg15[%parallel_loop3A_453] : memref<128xf32, #tpu.memory_space<vmem>>[vector<16xi32>], vector<16xf32>,
        %parallel_loop3A_497 = arith.constant 3 : i32
        %parallel_loop3A_498 = arith.index_cast %parallel_loop3A_144 : i32 to index
        %parallel_loop3A_499 = arith.index_cast %parallel_loop3A_497 : i32 to index
        %parallel_loop3A_500 = arith.constant 64 : index
        %parallel_loop3A_501 = tpu.vector_load %arg7[%parallel_loop3A_498, %parallel_loop3A_499, %parallel_loop3A_500] {strides = array<i32>} : memref<16x4x200xf32, #tpu.memory_space<vmem>>, vector<16xf32>,
        tpu.vector_store %arg7[%parallel_loop3A_498, %parallel_loop3A_499, %parallel_loop3A_500], %parallel_loop3A_496 {strides = array<i32>} : memref<16x4x200xf32, #tpu.memory_space<vmem>>, vector<16xf32>,
        %parallel_loop3A_502 = arith.constant 80 : i32
        %parallel_loop3A_503 = arith.addi %parallel_loop3A_146, %parallel_loop3A_502 : i32
        %parallel_loop3A_504 = arith.index_cast %parallel_loop3A_503 : i32 to index
        %parallel_loop3A_505 = tpu.vector_load %arg5[%parallel_loop3A_504] {strides = array<i32>} : memref<3200xi32, #tpu.memory_space<vmem>>, vector<16xi32>,
        %parallel_loop3A_506 = arith.constant 184 : i32
        %parallel_loop3A_507 = arith.addi %parallel_loop3A_146, %parallel_loop3A_506 : i32
        %parallel_loop3A_508 = arith.constant 80 : i32
        %parallel_loop3A_509 = arith.subi %parallel_loop3A_507, %parallel_loop3A_508 : i32
        %parallel_loop3A_510 = arith.index_cast %parallel_loop3A_509 : i32 to index
        %parallel_loop3A_511 = tpu.vector_load %arg5[%parallel_loop3A_510] {strides = array<i32>} : memref<3200xi32, #tpu.memory_space<vmem>>, vector<16xi32>,
        %parallel_loop3A_512 = arith.constant 4 : i32
        %parallel_loop3A_513 = vector.broadcast %parallel_loop3A_512 : i32 to vector<16xi32>
        %parallel_loop3A_514 = arith.shli %parallel_loop3A_505, %parallel_loop3A_513 : vector<16xi32>
        %parallel_loop3A_515 = arith.addi %parallel_loop3A_514, %iota3A : vector<16xi32>
        %parallel_loop3A_516 = arith.constant 15 : i32
        %parallel_loop3A_517 = vector.broadcast %parallel_loop3A_516 : i32 to vector<16xi32>
        %parallel_loop3A_518 = tpu.iota {dimensions = array<i32: 0>} : vector<16xi32>
        %parallel_loop3A_519 = arith.subi %parallel_loop3A_517, %parallel_loop3A_518 : vector<16xi32>
        %parallel_loop3A_520 = tpu.dynamic_gather %parallel_loop3A_511[%parallel_loop3A_519] in [0] : vector<16xi32>, vector<16xi32> -> vector<16xi32>
        %parallel_loop3A_521 = arith.constant 4 : i32
        %parallel_loop3A_522 = vector.broadcast %parallel_loop3A_521 : i32 to vector<16xi32>
        %parallel_loop3A_523 = arith.shli %parallel_loop3A_520, %parallel_loop3A_522 : vector<16xi32>
        %parallel_loop3A_524 = arith.addi %parallel_loop3A_523, %iota3A : vector<16xi32>
        %parallel_loop3A_525 = tpu.vector_load_idx %arg8[%parallel_loop3A_515] : memref<128xf32, #tpu.memory_space<vmem>>[vector<16xi32>], vector<16xf32>,
        %parallel_loop3A_526 = arith.constant 0 : i32
        %parallel_loop3A_527 = arith.index_cast %parallel_loop3A_144 : i32 to index
        %parallel_loop3A_528 = arith.index_cast %parallel_loop3A_526 : i32 to index
        %parallel_loop3A_529 = arith.constant 80 : index
        %parallel_loop3A_530 = tpu.vector_load %arg6[%parallel_loop3A_527, %parallel_loop3A_528, %parallel_loop3A_529] {strides = array<i32>} : memref<16x4x200xf32, #tpu.memory_space<vmem>>, vector<16xf32>,
        tpu.vector_store %arg6[%parallel_loop3A_527, %parallel_loop3A_528, %parallel_loop3A_529], %parallel_loop3A_525 {strides = array<i32>} : memref<16x4x200xf32, #tpu.memory_space<vmem>>, vector<16xf32>,
        %parallel_loop3A_531 = tpu.vector_load_idx %arg12[%parallel_loop3A_524] : memref<128xf32, #tpu.memory_space<vmem>>[vector<16xi32>], vector<16xf32>,
        %parallel_loop3A_532 = arith.constant 0 : i32
        %parallel_loop3A_533 = arith.index_cast %parallel_loop3A_144 : i32 to index
        %parallel_loop3A_534 = arith.index_cast %parallel_loop3A_532 : i32 to index
        %parallel_loop3A_535 = arith.constant 80 : index
        %parallel_loop3A_536 = tpu.vector_load %arg7[%parallel_loop3A_533, %parallel_loop3A_534, %parallel_loop3A_535] {strides = array<i32>} : memref<16x4x200xf32, #tpu.memory_space<vmem>>, vector<16xf32>,
        tpu.vector_store %arg7[%parallel_loop3A_533, %parallel_loop3A_534, %parallel_loop3A_535], %parallel_loop3A_531 {strides = array<i32>} : memref<16x4x200xf32, #tpu.memory_space<vmem>>, vector<16xf32>,
        %parallel_loop3A_537 = tpu.vector_load_idx %arg9[%parallel_loop3A_515] : memref<128xf32, #tpu.memory_space<vmem>>[vector<16xi32>], vector<16xf32>,
        %parallel_loop3A_538 = arith.constant 1 : i32
        %parallel_loop3A_539 = arith.index_cast %parallel_loop3A_144 : i32 to index
        %parallel_loop3A_540 = arith.index_cast %parallel_loop3A_538 : i32 to index
        %parallel_loop3A_541 = arith.constant 80 : index
        %parallel_loop3A_542 = tpu.vector_load %arg6[%parallel_loop3A_539, %parallel_loop3A_540, %parallel_loop3A_541] {strides = array<i32>} : memref<16x4x200xf32, #tpu.memory_space<vmem>>, vector<16xf32>,
        tpu.vector_store %arg6[%parallel_loop3A_539, %parallel_loop3A_540, %parallel_loop3A_541], %parallel_loop3A_537 {strides = array<i32>} : memref<16x4x200xf32, #tpu.memory_space<vmem>>, vector<16xf32>,
        %parallel_loop3A_543 = tpu.vector_load_idx %arg13[%parallel_loop3A_524] : memref<128xf32, #tpu.memory_space<vmem>>[vector<16xi32>], vector<16xf32>,
        %parallel_loop3A_544 = arith.constant 1 : i32
        %parallel_loop3A_545 = arith.index_cast %parallel_loop3A_144 : i32 to index
        %parallel_loop3A_546 = arith.index_cast %parallel_loop3A_544 : i32 to index
        %parallel_loop3A_547 = arith.constant 80 : index
        %parallel_loop3A_548 = tpu.vector_load %arg7[%parallel_loop3A_545, %parallel_loop3A_546, %parallel_loop3A_547] {strides = array<i32>} : memref<16x4x200xf32, #tpu.memory_space<vmem>>, vector<16xf32>,
        tpu.vector_store %arg7[%parallel_loop3A_545, %parallel_loop3A_546, %parallel_loop3A_547], %parallel_loop3A_543 {strides = array<i32>} : memref<16x4x200xf32, #tpu.memory_space<vmem>>, vector<16xf32>,
        %parallel_loop3A_549 = tpu.vector_load_idx %arg10[%parallel_loop3A_515] : memref<128xf32, #tpu.memory_space<vmem>>[vector<16xi32>], vector<16xf32>,
        %parallel_loop3A_550 = arith.constant 2 : i32
        %parallel_loop3A_551 = arith.index_cast %parallel_loop3A_144 : i32 to index
        %parallel_loop3A_552 = arith.index_cast %parallel_loop3A_550 : i32 to index
        %parallel_loop3A_553 = arith.constant 80 : index
        %parallel_loop3A_554 = tpu.vector_load %arg6[%parallel_loop3A_551, %parallel_loop3A_552, %parallel_loop3A_553] {strides = array<i32>} : memref<16x4x200xf32, #tpu.memory_space<vmem>>, vector<16xf32>,
        tpu.vector_store %arg6[%parallel_loop3A_551, %parallel_loop3A_552, %parallel_loop3A_553], %parallel_loop3A_549 {strides = array<i32>} : memref<16x4x200xf32, #tpu.memory_space<vmem>>, vector<16xf32>,
        %parallel_loop3A_555 = tpu.vector_load_idx %arg14[%parallel_loop3A_524] : memref<128xf32, #tpu.memory_space<vmem>>[vector<16xi32>], vector<16xf32>,
        %parallel_loop3A_556 = arith.constant 2 : i32
        %parallel_loop3A_557 = arith.index_cast %parallel_loop3A_144 : i32 to index
        %parallel_loop3A_558 = arith.index_cast %parallel_loop3A_556 : i32 to index
        %parallel_loop3A_559 = arith.constant 80 : index
        %parallel_loop3A_560 = tpu.vector_load %arg7[%parallel_loop3A_557, %parallel_loop3A_558, %parallel_loop3A_559] {strides = array<i32>} : memref<16x4x200xf32, #tpu.memory_space<vmem>>, vector<16xf32>,
        tpu.vector_store %arg7[%parallel_loop3A_557, %parallel_loop3A_558, %parallel_loop3A_559], %parallel_loop3A_555 {strides = array<i32>} : memref<16x4x200xf32, #tpu.memory_space<vmem>>, vector<16xf32>,
        %parallel_loop3A_561 = tpu.vector_load_idx %arg11[%parallel_loop3A_515] : memref<128xf32, #tpu.memory_space<vmem>>[vector<16xi32>], vector<16xf32>,
        %parallel_loop3A_562 = arith.constant 3 : i32
        %parallel_loop3A_563 = arith.index_cast %parallel_loop3A_144 : i32 to index
        %parallel_loop3A_564 = arith.index_cast %parallel_loop3A_562 : i32 to index
        %parallel_loop3A_565 = arith.constant 80 : index
        %parallel_loop3A_566 = tpu.vector_load %arg6[%parallel_loop3A_563, %parallel_loop3A_564, %parallel_loop3A_565] {strides = array<i32>} : memref<16x4x200xf32, #tpu.memory_space<vmem>>, vector<16xf32>,
        tpu.vector_store %arg6[%parallel_loop3A_563, %parallel_loop3A_564, %parallel_loop3A_565], %parallel_loop3A_561 {strides = array<i32>} : memref<16x4x200xf32, #tpu.memory_space<vmem>>, vector<16xf32>,
        %parallel_loop3A_567 = tpu.vector_load_idx %arg15[%parallel_loop3A_524] : memref<128xf32, #tpu.memory_space<vmem>>[vector<16xi32>], vector<16xf32>,
        %parallel_loop3A_568 = arith.constant 3 : i32
        %parallel_loop3A_569 = arith.index_cast %parallel_loop3A_144 : i32 to index
        %parallel_loop3A_570 = arith.index_cast %parallel_loop3A_568 : i32 to index
        %parallel_loop3A_571 = arith.constant 80 : index
        %parallel_loop3A_572 = tpu.vector_load %arg7[%parallel_loop3A_569, %parallel_loop3A_570, %parallel_loop3A_571] {strides = array<i32>} : memref<16x4x200xf32, #tpu.memory_space<vmem>>, vector<16xf32>,
        tpu.vector_store %arg7[%parallel_loop3A_569, %parallel_loop3A_570, %parallel_loop3A_571], %parallel_loop3A_567 {strides = array<i32>} : memref<16x4x200xf32, #tpu.memory_space<vmem>>, vector<16xf32>,
        %parallel_loop3A_573 = arith.constant 96 : i32
        %parallel_loop3A_574 = arith.addi %parallel_loop3A_146, %parallel_loop3A_573 : i32
        %parallel_loop3A_575 = arith.index_cast %parallel_loop3A_574 : i32 to index
        %parallel_loop3A_576 = tpu.vector_load %arg5[%parallel_loop3A_575] {strides = array<i32>} : memref<3200xi32, #tpu.memory_space<vmem>>, vector<16xi32>,
        %parallel_loop3A_577 = arith.constant 184 : i32
        %parallel_loop3A_578 = arith.addi %parallel_loop3A_146, %parallel_loop3A_577 : i32
        %parallel_loop3A_579 = arith.constant 96 : i32
        %parallel_loop3A_580 = arith.subi %parallel_loop3A_578, %parallel_loop3A_579 : i32
        %parallel_loop3A_581 = arith.index_cast %parallel_loop3A_580 : i32 to index
        %parallel_loop3A_582 = tpu.vector_load %arg5[%parallel_loop3A_581] {strides = array<i32>} : memref<3200xi32, #tpu.memory_space<vmem>>, vector<16xi32>,
        %parallel_loop3A_583 = arith.constant 4 : i32
        %parallel_loop3A_584 = vector.broadcast %parallel_loop3A_583 : i32 to vector<16xi32>
        %parallel_loop3A_585 = arith.shli %parallel_loop3A_576, %parallel_loop3A_584 : vector<16xi32>
        %parallel_loop3A_586 = arith.addi %parallel_loop3A_585, %iota3A : vector<16xi32>
        %parallel_loop3A_587 = arith.constant 15 : i32
        %parallel_loop3A_588 = vector.broadcast %parallel_loop3A_587 : i32 to vector<16xi32>
        %parallel_loop3A_589 = tpu.iota {dimensions = array<i32: 0>} : vector<16xi32>
        %parallel_loop3A_590 = arith.subi %parallel_loop3A_588, %parallel_loop3A_589 : vector<16xi32>
        %parallel_loop3A_591 = tpu.dynamic_gather %parallel_loop3A_582[%parallel_loop3A_590] in [0] : vector<16xi32>, vector<16xi32> -> vector<16xi32>
        %parallel_loop3A_592 = arith.constant 4 : i32
        %parallel_loop3A_593 = vector.broadcast %parallel_loop3A_592 : i32 to vector<16xi32>
        %parallel_loop3A_594 = arith.shli %parallel_loop3A_591, %parallel_loop3A_593 : vector<16xi32>
        %parallel_loop3A_595 = arith.addi %parallel_loop3A_594, %iota3A : vector<16xi32>
        %parallel_loop3A_596 = tpu.vector_load_idx %arg8[%parallel_loop3A_586] : memref<128xf32, #tpu.memory_space<vmem>>[vector<16xi32>], vector<16xf32>,
        %parallel_loop3A_597 = arith.constant 0 : i32
        %parallel_loop3A_598 = arith.index_cast %parallel_loop3A_144 : i32 to index
        %parallel_loop3A_599 = arith.index_cast %parallel_loop3A_597 : i32 to index
        %parallel_loop3A_600 = arith.constant 96 : index
        %parallel_loop3A_601 = tpu.vector_load %arg6[%parallel_loop3A_598, %parallel_loop3A_599, %parallel_loop3A_600] {strides = array<i32>} : memref<16x4x200xf32, #tpu.memory_space<vmem>>, vector<16xf32>,
        tpu.vector_store %arg6[%parallel_loop3A_598, %parallel_loop3A_599, %parallel_loop3A_600], %parallel_loop3A_596 {strides = array<i32>} : memref<16x4x200xf32, #tpu.memory_space<vmem>>, vector<16xf32>,
        %parallel_loop3A_602 = tpu.vector_load_idx %arg12[%parallel_loop3A_595] : memref<128xf32, #tpu.memory_space<vmem>>[vector<16xi32>], vector<16xf32>,
        %parallel_loop3A_603 = arith.constant 0 : i32
        %parallel_loop3A_604 = arith.index_cast %parallel_loop3A_144 : i32 to index
        %parallel_loop3A_605 = arith.index_cast %parallel_loop3A_603 : i32 to index
        %parallel_loop3A_606 = arith.constant 96 : index
        %parallel_loop3A_607 = tpu.vector_load %arg7[%parallel_loop3A_604, %parallel_loop3A_605, %parallel_loop3A_606] {strides = array<i32>} : memref<16x4x200xf32, #tpu.memory_space<vmem>>, vector<16xf32>,
        tpu.vector_store %arg7[%parallel_loop3A_604, %parallel_loop3A_605, %parallel_loop3A_606], %parallel_loop3A_602 {strides = array<i32>} : memref<16x4x200xf32, #tpu.memory_space<vmem>>, vector<16xf32>,
        %parallel_loop3A_608 = tpu.vector_load_idx %arg9[%parallel_loop3A_586] : memref<128xf32, #tpu.memory_space<vmem>>[vector<16xi32>], vector<16xf32>,
        %parallel_loop3A_609 = arith.constant 1 : i32
        %parallel_loop3A_610 = arith.index_cast %parallel_loop3A_144 : i32 to index
        %parallel_loop3A_611 = arith.index_cast %parallel_loop3A_609 : i32 to index
        %parallel_loop3A_612 = arith.constant 96 : index
        %parallel_loop3A_613 = tpu.vector_load %arg6[%parallel_loop3A_610, %parallel_loop3A_611, %parallel_loop3A_612] {strides = array<i32>} : memref<16x4x200xf32, #tpu.memory_space<vmem>>, vector<16xf32>,
        tpu.vector_store %arg6[%parallel_loop3A_610, %parallel_loop3A_611, %parallel_loop3A_612], %parallel_loop3A_608 {strides = array<i32>} : memref<16x4x200xf32, #tpu.memory_space<vmem>>, vector<16xf32>,
        %parallel_loop3A_614 = tpu.vector_load_idx %arg13[%parallel_loop3A_595] : memref<128xf32, #tpu.memory_space<vmem>>[vector<16xi32>], vector<16xf32>,
        %parallel_loop3A_615 = arith.constant 1 : i32
        %parallel_loop3A_616 = arith.index_cast %parallel_loop3A_144 : i32 to index
        %parallel_loop3A_617 = arith.index_cast %parallel_loop3A_615 : i32 to index
        %parallel_loop3A_618 = arith.constant 96 : index
        %parallel_loop3A_619 = tpu.vector_load %arg7[%parallel_loop3A_616, %parallel_loop3A_617, %parallel_loop3A_618] {strides = array<i32>} : memref<16x4x200xf32, #tpu.memory_space<vmem>>, vector<16xf32>,
        tpu.vector_store %arg7[%parallel_loop3A_616, %parallel_loop3A_617, %parallel_loop3A_618], %parallel_loop3A_614 {strides = array<i32>} : memref<16x4x200xf32, #tpu.memory_space<vmem>>, vector<16xf32>,
        %parallel_loop3A_620 = tpu.vector_load_idx %arg10[%parallel_loop3A_586] : memref<128xf32, #tpu.memory_space<vmem>>[vector<16xi32>], vector<16xf32>,
        %parallel_loop3A_621 = arith.constant 2 : i32
        %parallel_loop3A_622 = arith.index_cast %parallel_loop3A_144 : i32 to index
        %parallel_loop3A_623 = arith.index_cast %parallel_loop3A_621 : i32 to index
        %parallel_loop3A_624 = arith.constant 96 : index
        %parallel_loop3A_625 = tpu.vector_load %arg6[%parallel_loop3A_622, %parallel_loop3A_623, %parallel_loop3A_624] {strides = array<i32>} : memref<16x4x200xf32, #tpu.memory_space<vmem>>, vector<16xf32>,
        tpu.vector_store %arg6[%parallel_loop3A_622, %parallel_loop3A_623, %parallel_loop3A_624], %parallel_loop3A_620 {strides = array<i32>} : memref<16x4x200xf32, #tpu.memory_space<vmem>>, vector<16xf32>,
        %parallel_loop3A_626 = tpu.vector_load_idx %arg14[%parallel_loop3A_595] : memref<128xf32, #tpu.memory_space<vmem>>[vector<16xi32>], vector<16xf32>,
        %parallel_loop3A_627 = arith.constant 2 : i32
        %parallel_loop3A_628 = arith.index_cast %parallel_loop3A_144 : i32 to index
        %parallel_loop3A_629 = arith.index_cast %parallel_loop3A_627 : i32 to index
        %parallel_loop3A_630 = arith.constant 96 : index
        %parallel_loop3A_631 = tpu.vector_load %arg7[%parallel_loop3A_628, %parallel_loop3A_629, %parallel_loop3A_630] {strides = array<i32>} : memref<16x4x200xf32, #tpu.memory_space<vmem>>, vector<16xf32>,
        tpu.vector_store %arg7[%parallel_loop3A_628, %parallel_loop3A_629, %parallel_loop3A_630], %parallel_loop3A_626 {strides = array<i32>} : memref<16x4x200xf32, #tpu.memory_space<vmem>>, vector<16xf32>,
        %parallel_loop3A_632 = tpu.vector_load_idx %arg11[%parallel_loop3A_586] : memref<128xf32, #tpu.memory_space<vmem>>[vector<16xi32>], vector<16xf32>,
        %parallel_loop3A_633 = arith.constant 3 : i32
        %parallel_loop3A_634 = arith.index_cast %parallel_loop3A_144 : i32 to index
        %parallel_loop3A_635 = arith.index_cast %parallel_loop3A_633 : i32 to index
        %parallel_loop3A_636 = arith.constant 96 : index
        %parallel_loop3A_637 = tpu.vector_load %arg6[%parallel_loop3A_634, %parallel_loop3A_635, %parallel_loop3A_636] {strides = array<i32>} : memref<16x4x200xf32, #tpu.memory_space<vmem>>, vector<16xf32>,
        tpu.vector_store %arg6[%parallel_loop3A_634, %parallel_loop3A_635, %parallel_loop3A_636], %parallel_loop3A_632 {strides = array<i32>} : memref<16x4x200xf32, #tpu.memory_space<vmem>>, vector<16xf32>,
        %parallel_loop3A_638 = tpu.vector_load_idx %arg15[%parallel_loop3A_595] : memref<128xf32, #tpu.memory_space<vmem>>[vector<16xi32>], vector<16xf32>,
        %parallel_loop3A_639 = arith.constant 3 : i32
        %parallel_loop3A_640 = arith.index_cast %parallel_loop3A_144 : i32 to index
        %parallel_loop3A_641 = arith.index_cast %parallel_loop3A_639 : i32 to index
        %parallel_loop3A_642 = arith.constant 96 : index
        %parallel_loop3A_643 = tpu.vector_load %arg7[%parallel_loop3A_640, %parallel_loop3A_641, %parallel_loop3A_642] {strides = array<i32>} : memref<16x4x200xf32, #tpu.memory_space<vmem>>, vector<16xf32>,
        tpu.vector_store %arg7[%parallel_loop3A_640, %parallel_loop3A_641, %parallel_loop3A_642], %parallel_loop3A_638 {strides = array<i32>} : memref<16x4x200xf32, #tpu.memory_space<vmem>>, vector<16xf32>,
        %parallel_loop3A_644 = arith.constant 112 : i32
        %parallel_loop3A_645 = arith.addi %parallel_loop3A_146, %parallel_loop3A_644 : i32
        %parallel_loop3A_646 = arith.index_cast %parallel_loop3A_645 : i32 to index
        %parallel_loop3A_647 = tpu.vector_load %arg5[%parallel_loop3A_646] {strides = array<i32>} : memref<3200xi32, #tpu.memory_space<vmem>>, vector<16xi32>,
        %parallel_loop3A_648 = arith.constant 184 : i32
        %parallel_loop3A_649 = arith.addi %parallel_loop3A_146, %parallel_loop3A_648 : i32
        %parallel_loop3A_650 = arith.constant 112 : i32
        %parallel_loop3A_651 = arith.subi %parallel_loop3A_649, %parallel_loop3A_650 : i32
        %parallel_loop3A_652 = arith.index_cast %parallel_loop3A_651 : i32 to index
        %parallel_loop3A_653 = tpu.vector_load %arg5[%parallel_loop3A_652] {strides = array<i32>} : memref<3200xi32, #tpu.memory_space<vmem>>, vector<16xi32>,
        %parallel_loop3A_654 = arith.constant 4 : i32
        %parallel_loop3A_655 = vector.broadcast %parallel_loop3A_654 : i32 to vector<16xi32>
        %parallel_loop3A_656 = arith.shli %parallel_loop3A_647, %parallel_loop3A_655 : vector<16xi32>
        %parallel_loop3A_657 = arith.addi %parallel_loop3A_656, %iota3A : vector<16xi32>
        %parallel_loop3A_658 = arith.constant 15 : i32
        %parallel_loop3A_659 = vector.broadcast %parallel_loop3A_658 : i32 to vector<16xi32>
        %parallel_loop3A_660 = tpu.iota {dimensions = array<i32: 0>} : vector<16xi32>
        %parallel_loop3A_661 = arith.subi %parallel_loop3A_659, %parallel_loop3A_660 : vector<16xi32>
        %parallel_loop3A_662 = tpu.dynamic_gather %parallel_loop3A_653[%parallel_loop3A_661] in [0] : vector<16xi32>, vector<16xi32> -> vector<16xi32>
        %parallel_loop3A_663 = arith.constant 4 : i32
        %parallel_loop3A_664 = vector.broadcast %parallel_loop3A_663 : i32 to vector<16xi32>
        %parallel_loop3A_665 = arith.shli %parallel_loop3A_662, %parallel_loop3A_664 : vector<16xi32>
        %parallel_loop3A_666 = arith.addi %parallel_loop3A_665, %iota3A : vector<16xi32>
        %parallel_loop3A_667 = tpu.vector_load_idx %arg8[%parallel_loop3A_657] : memref<128xf32, #tpu.memory_space<vmem>>[vector<16xi32>], vector<16xf32>,
        %parallel_loop3A_668 = arith.constant 0 : i32
        %parallel_loop3A_669 = arith.index_cast %parallel_loop3A_144 : i32 to index
        %parallel_loop3A_670 = arith.index_cast %parallel_loop3A_668 : i32 to index
        %parallel_loop3A_671 = arith.constant 112 : index
        %parallel_loop3A_672 = tpu.vector_load %arg6[%parallel_loop3A_669, %parallel_loop3A_670, %parallel_loop3A_671] {strides = array<i32>} : memref<16x4x200xf32, #tpu.memory_space<vmem>>, vector<16xf32>,
        tpu.vector_store %arg6[%parallel_loop3A_669, %parallel_loop3A_670, %parallel_loop3A_671], %parallel_loop3A_667 {strides = array<i32>} : memref<16x4x200xf32, #tpu.memory_space<vmem>>, vector<16xf32>,
        %parallel_loop3A_673 = tpu.vector_load_idx %arg12[%parallel_loop3A_666] : memref<128xf32, #tpu.memory_space<vmem>>[vector<16xi32>], vector<16xf32>,
        %parallel_loop3A_674 = arith.constant 0 : i32
        %parallel_loop3A_675 = arith.index_cast %parallel_loop3A_144 : i32 to index
        %parallel_loop3A_676 = arith.index_cast %parallel_loop3A_674 : i32 to index
        %parallel_loop3A_677 = arith.constant 112 : index
        %parallel_loop3A_678 = tpu.vector_load %arg7[%parallel_loop3A_675, %parallel_loop3A_676, %parallel_loop3A_677] {strides = array<i32>} : memref<16x4x200xf32, #tpu.memory_space<vmem>>, vector<16xf32>,
        tpu.vector_store %arg7[%parallel_loop3A_675, %parallel_loop3A_676, %parallel_loop3A_677], %parallel_loop3A_673 {strides = array<i32>} : memref<16x4x200xf32, #tpu.memory_space<vmem>>, vector<16xf32>,
        %parallel_loop3A_679 = tpu.vector_load_idx %arg9[%parallel_loop3A_657] : memref<128xf32, #tpu.memory_space<vmem>>[vector<16xi32>], vector<16xf32>,
        %parallel_loop3A_680 = arith.constant 1 : i32
        %parallel_loop3A_681 = arith.index_cast %parallel_loop3A_144 : i32 to index
        %parallel_loop3A_682 = arith.index_cast %parallel_loop3A_680 : i32 to index
        %parallel_loop3A_683 = arith.constant 112 : index
        %parallel_loop3A_684 = tpu.vector_load %arg6[%parallel_loop3A_681, %parallel_loop3A_682, %parallel_loop3A_683] {strides = array<i32>} : memref<16x4x200xf32, #tpu.memory_space<vmem>>, vector<16xf32>,
        tpu.vector_store %arg6[%parallel_loop3A_681, %parallel_loop3A_682, %parallel_loop3A_683], %parallel_loop3A_679 {strides = array<i32>} : memref<16x4x200xf32, #tpu.memory_space<vmem>>, vector<16xf32>,
        %parallel_loop3A_685 = tpu.vector_load_idx %arg13[%parallel_loop3A_666] : memref<128xf32, #tpu.memory_space<vmem>>[vector<16xi32>], vector<16xf32>,
        %parallel_loop3A_686 = arith.constant 1 : i32
        %parallel_loop3A_687 = arith.index_cast %parallel_loop3A_144 : i32 to index
        %parallel_loop3A_688 = arith.index_cast %parallel_loop3A_686 : i32 to index
        %parallel_loop3A_689 = arith.constant 112 : index
        %parallel_loop3A_690 = tpu.vector_load %arg7[%parallel_loop3A_687, %parallel_loop3A_688, %parallel_loop3A_689] {strides = array<i32>} : memref<16x4x200xf32, #tpu.memory_space<vmem>>, vector<16xf32>,
        tpu.vector_store %arg7[%parallel_loop3A_687, %parallel_loop3A_688, %parallel_loop3A_689], %parallel_loop3A_685 {strides = array<i32>} : memref<16x4x200xf32, #tpu.memory_space<vmem>>, vector<16xf32>,
        %parallel_loop3A_691 = tpu.vector_load_idx %arg10[%parallel_loop3A_657] : memref<128xf32, #tpu.memory_space<vmem>>[vector<16xi32>], vector<16xf32>,
        %parallel_loop3A_692 = arith.constant 2 : i32
        %parallel_loop3A_693 = arith.index_cast %parallel_loop3A_144 : i32 to index
        %parallel_loop3A_694 = arith.index_cast %parallel_loop3A_692 : i32 to index
        %parallel_loop3A_695 = arith.constant 112 : index
        %parallel_loop3A_696 = tpu.vector_load %arg6[%parallel_loop3A_693, %parallel_loop3A_694, %parallel_loop3A_695] {strides = array<i32>} : memref<16x4x200xf32, #tpu.memory_space<vmem>>, vector<16xf32>,
        tpu.vector_store %arg6[%parallel_loop3A_693, %parallel_loop3A_694, %parallel_loop3A_695], %parallel_loop3A_691 {strides = array<i32>} : memref<16x4x200xf32, #tpu.memory_space<vmem>>, vector<16xf32>,
        %parallel_loop3A_697 = tpu.vector_load_idx %arg14[%parallel_loop3A_666] : memref<128xf32, #tpu.memory_space<vmem>>[vector<16xi32>], vector<16xf32>,
        %parallel_loop3A_698 = arith.constant 2 : i32
        %parallel_loop3A_699 = arith.index_cast %parallel_loop3A_144 : i32 to index
        %parallel_loop3A_700 = arith.index_cast %parallel_loop3A_698 : i32 to index
        %parallel_loop3A_701 = arith.constant 112 : index
        %parallel_loop3A_702 = tpu.vector_load %arg7[%parallel_loop3A_699, %parallel_loop3A_700, %parallel_loop3A_701] {strides = array<i32>} : memref<16x4x200xf32, #tpu.memory_space<vmem>>, vector<16xf32>,
        tpu.vector_store %arg7[%parallel_loop3A_699, %parallel_loop3A_700, %parallel_loop3A_701], %parallel_loop3A_697 {strides = array<i32>} : memref<16x4x200xf32, #tpu.memory_space<vmem>>, vector<16xf32>,
        %parallel_loop3A_703 = tpu.vector_load_idx %arg11[%parallel_loop3A_657] : memref<128xf32, #tpu.memory_space<vmem>>[vector<16xi32>], vector<16xf32>,
        %parallel_loop3A_704 = arith.constant 3 : i32
        %parallel_loop3A_705 = arith.index_cast %parallel_loop3A_144 : i32 to index
        %parallel_loop3A_706 = arith.index_cast %parallel_loop3A_704 : i32 to index
        %parallel_loop3A_707 = arith.constant 112 : index
        %parallel_loop3A_708 = tpu.vector_load %arg6[%parallel_loop3A_705, %parallel_loop3A_706, %parallel_loop3A_707] {strides = array<i32>} : memref<16x4x200xf32, #tpu.memory_space<vmem>>, vector<16xf32>,
        tpu.vector_store %arg6[%parallel_loop3A_705, %parallel_loop3A_706, %parallel_loop3A_707], %parallel_loop3A_703 {strides = array<i32>} : memref<16x4x200xf32, #tpu.memory_space<vmem>>, vector<16xf32>,
        %parallel_loop3A_709 = tpu.vector_load_idx %arg15[%parallel_loop3A_666] : memref<128xf32, #tpu.memory_space<vmem>>[vector<16xi32>], vector<16xf32>,
        %parallel_loop3A_710 = arith.constant 3 : i32
        %parallel_loop3A_711 = arith.index_cast %parallel_loop3A_144 : i32 to index
        %parallel_loop3A_712 = arith.index_cast %parallel_loop3A_710 : i32 to index
        %parallel_loop3A_713 = arith.constant 112 : index
        %parallel_loop3A_714 = tpu.vector_load %arg7[%parallel_loop3A_711, %parallel_loop3A_712, %parallel_loop3A_713] {strides = array<i32>} : memref<16x4x200xf32, #tpu.memory_space<vmem>>, vector<16xf32>,
        tpu.vector_store %arg7[%parallel_loop3A_711, %parallel_loop3A_712, %parallel_loop3A_713], %parallel_loop3A_709 {strides = array<i32>} : memref<16x4x200xf32, #tpu.memory_space<vmem>>, vector<16xf32>,
        %parallel_loop3A_715 = arith.constant 128 : i32
        %parallel_loop3A_716 = arith.addi %parallel_loop3A_146, %parallel_loop3A_715 : i32
        %parallel_loop3A_717 = arith.index_cast %parallel_loop3A_716 : i32 to index
        %parallel_loop3A_718 = tpu.vector_load %arg5[%parallel_loop3A_717] {strides = array<i32>} : memref<3200xi32, #tpu.memory_space<vmem>>, vector<16xi32>,
        %parallel_loop3A_719 = arith.constant 184 : i32
        %parallel_loop3A_720 = arith.addi %parallel_loop3A_146, %parallel_loop3A_719 : i32
        %parallel_loop3A_721 = arith.constant 128 : i32
        %parallel_loop3A_722 = arith.subi %parallel_loop3A_720, %parallel_loop3A_721 : i32
        %parallel_loop3A_723 = arith.index_cast %parallel_loop3A_722 : i32 to index
        %parallel_loop3A_724 = tpu.vector_load %arg5[%parallel_loop3A_723] {strides = array<i32>} : memref<3200xi32, #tpu.memory_space<vmem>>, vector<16xi32>,
        %parallel_loop3A_725 = arith.constant 4 : i32
        %parallel_loop3A_726 = vector.broadcast %parallel_loop3A_725 : i32 to vector<16xi32>
        %parallel_loop3A_727 = arith.shli %parallel_loop3A_718, %parallel_loop3A_726 : vector<16xi32>
        %parallel_loop3A_728 = arith.addi %parallel_loop3A_727, %iota3A : vector<16xi32>
        %parallel_loop3A_729 = arith.constant 15 : i32
        %parallel_loop3A_730 = vector.broadcast %parallel_loop3A_729 : i32 to vector<16xi32>
        %parallel_loop3A_731 = tpu.iota {dimensions = array<i32: 0>} : vector<16xi32>
        %parallel_loop3A_732 = arith.subi %parallel_loop3A_730, %parallel_loop3A_731 : vector<16xi32>
        %parallel_loop3A_733 = tpu.dynamic_gather %parallel_loop3A_724[%parallel_loop3A_732] in [0] : vector<16xi32>, vector<16xi32> -> vector<16xi32>
        %parallel_loop3A_734 = arith.constant 4 : i32
        %parallel_loop3A_735 = vector.broadcast %parallel_loop3A_734 : i32 to vector<16xi32>
        %parallel_loop3A_736 = arith.shli %parallel_loop3A_733, %parallel_loop3A_735 : vector<16xi32>
        %parallel_loop3A_737 = arith.addi %parallel_loop3A_736, %iota3A : vector<16xi32>
        %parallel_loop3A_738 = tpu.vector_load_idx %arg8[%parallel_loop3A_728] : memref<128xf32, #tpu.memory_space<vmem>>[vector<16xi32>], vector<16xf32>,
        %parallel_loop3A_739 = arith.constant 0 : i32
        %parallel_loop3A_740 = arith.index_cast %parallel_loop3A_144 : i32 to index
        %parallel_loop3A_741 = arith.index_cast %parallel_loop3A_739 : i32 to index
        %parallel_loop3A_742 = arith.constant 128 : index
        %parallel_loop3A_743 = tpu.vector_load %arg6[%parallel_loop3A_740, %parallel_loop3A_741, %parallel_loop3A_742] {strides = array<i32>} : memref<16x4x200xf32, #tpu.memory_space<vmem>>, vector<16xf32>,
        tpu.vector_store %arg6[%parallel_loop3A_740, %parallel_loop3A_741, %parallel_loop3A_742], %parallel_loop3A_738 {strides = array<i32>} : memref<16x4x200xf32, #tpu.memory_space<vmem>>, vector<16xf32>,
        %parallel_loop3A_744 = tpu.vector_load_idx %arg12[%parallel_loop3A_737] : memref<128xf32, #tpu.memory_space<vmem>>[vector<16xi32>], vector<16xf32>,
        %parallel_loop3A_745 = arith.constant 0 : i32
        %parallel_loop3A_746 = arith.index_cast %parallel_loop3A_144 : i32 to index
        %parallel_loop3A_747 = arith.index_cast %parallel_loop3A_745 : i32 to index
        %parallel_loop3A_748 = arith.constant 128 : index
        %parallel_loop3A_749 = tpu.vector_load %arg7[%parallel_loop3A_746, %parallel_loop3A_747, %parallel_loop3A_748] {strides = array<i32>} : memref<16x4x200xf32, #tpu.memory_space<vmem>>, vector<16xf32>,
        tpu.vector_store %arg7[%parallel_loop3A_746, %parallel_loop3A_747, %parallel_loop3A_748], %parallel_loop3A_744 {strides = array<i32>} : memref<16x4x200xf32, #tpu.memory_space<vmem>>, vector<16xf32>,
        %parallel_loop3A_750 = tpu.vector_load_idx %arg9[%parallel_loop3A_728] : memref<128xf32, #tpu.memory_space<vmem>>[vector<16xi32>], vector<16xf32>,
        %parallel_loop3A_751 = arith.constant 1 : i32
        %parallel_loop3A_752 = arith.index_cast %parallel_loop3A_144 : i32 to index
        %parallel_loop3A_753 = arith.index_cast %parallel_loop3A_751 : i32 to index
        %parallel_loop3A_754 = arith.constant 128 : index
        %parallel_loop3A_755 = tpu.vector_load %arg6[%parallel_loop3A_752, %parallel_loop3A_753, %parallel_loop3A_754] {strides = array<i32>} : memref<16x4x200xf32, #tpu.memory_space<vmem>>, vector<16xf32>,
        tpu.vector_store %arg6[%parallel_loop3A_752, %parallel_loop3A_753, %parallel_loop3A_754], %parallel_loop3A_750 {strides = array<i32>} : memref<16x4x200xf32, #tpu.memory_space<vmem>>, vector<16xf32>,
        %parallel_loop3A_756 = tpu.vector_load_idx %arg13[%parallel_loop3A_737] : memref<128xf32, #tpu.memory_space<vmem>>[vector<16xi32>], vector<16xf32>,
        %parallel_loop3A_757 = arith.constant 1 : i32
        %parallel_loop3A_758 = arith.index_cast %parallel_loop3A_144 : i32 to index
        %parallel_loop3A_759 = arith.index_cast %parallel_loop3A_757 : i32 to index
        %parallel_loop3A_760 = arith.constant 128 : index
        %parallel_loop3A_761 = tpu.vector_load %arg7[%parallel_loop3A_758, %parallel_loop3A_759, %parallel_loop3A_760] {strides = array<i32>} : memref<16x4x200xf32, #tpu.memory_space<vmem>>, vector<16xf32>,
        tpu.vector_store %arg7[%parallel_loop3A_758, %parallel_loop3A_759, %parallel_loop3A_760], %parallel_loop3A_756 {strides = array<i32>} : memref<16x4x200xf32, #tpu.memory_space<vmem>>, vector<16xf32>,
        %parallel_loop3A_762 = tpu.vector_load_idx %arg10[%parallel_loop3A_728] : memref<128xf32, #tpu.memory_space<vmem>>[vector<16xi32>], vector<16xf32>,
        %parallel_loop3A_763 = arith.constant 2 : i32
        %parallel_loop3A_764 = arith.index_cast %parallel_loop3A_144 : i32 to index
        %parallel_loop3A_765 = arith.index_cast %parallel_loop3A_763 : i32 to index
        %parallel_loop3A_766 = arith.constant 128 : index
        %parallel_loop3A_767 = tpu.vector_load %arg6[%parallel_loop3A_764, %parallel_loop3A_765, %parallel_loop3A_766] {strides = array<i32>} : memref<16x4x200xf32, #tpu.memory_space<vmem>>, vector<16xf32>,
        tpu.vector_store %arg6[%parallel_loop3A_764, %parallel_loop3A_765, %parallel_loop3A_766], %parallel_loop3A_762 {strides = array<i32>} : memref<16x4x200xf32, #tpu.memory_space<vmem>>, vector<16xf32>,
        %parallel_loop3A_768 = tpu.vector_load_idx %arg14[%parallel_loop3A_737] : memref<128xf32, #tpu.memory_space<vmem>>[vector<16xi32>], vector<16xf32>,
        %parallel_loop3A_769 = arith.constant 2 : i32
        %parallel_loop3A_770 = arith.index_cast %parallel_loop3A_144 : i32 to index
        %parallel_loop3A_771 = arith.index_cast %parallel_loop3A_769 : i32 to index
        %parallel_loop3A_772 = arith.constant 128 : index
        %parallel_loop3A_773 = tpu.vector_load %arg7[%parallel_loop3A_770, %parallel_loop3A_771, %parallel_loop3A_772] {strides = array<i32>} : memref<16x4x200xf32, #tpu.memory_space<vmem>>, vector<16xf32>,
        tpu.vector_store %arg7[%parallel_loop3A_770, %parallel_loop3A_771, %parallel_loop3A_772], %parallel_loop3A_768 {strides = array<i32>} : memref<16x4x200xf32, #tpu.memory_space<vmem>>, vector<16xf32>,
        %parallel_loop3A_774 = tpu.vector_load_idx %arg11[%parallel_loop3A_728] : memref<128xf32, #tpu.memory_space<vmem>>[vector<16xi32>], vector<16xf32>,
        %parallel_loop3A_775 = arith.constant 3 : i32
        %parallel_loop3A_776 = arith.index_cast %parallel_loop3A_144 : i32 to index
        %parallel_loop3A_777 = arith.index_cast %parallel_loop3A_775 : i32 to index
        %parallel_loop3A_778 = arith.constant 128 : index
        %parallel_loop3A_779 = tpu.vector_load %arg6[%parallel_loop3A_776, %parallel_loop3A_777, %parallel_loop3A_778] {strides = array<i32>} : memref<16x4x200xf32, #tpu.memory_space<vmem>>, vector<16xf32>,
        tpu.vector_store %arg6[%parallel_loop3A_776, %parallel_loop3A_777, %parallel_loop3A_778], %parallel_loop3A_774 {strides = array<i32>} : memref<16x4x200xf32, #tpu.memory_space<vmem>>, vector<16xf32>,
        %parallel_loop3A_780 = tpu.vector_load_idx %arg15[%parallel_loop3A_737] : memref<128xf32, #tpu.memory_space<vmem>>[vector<16xi32>], vector<16xf32>,
        %parallel_loop3A_781 = arith.constant 3 : i32
        %parallel_loop3A_782 = arith.index_cast %parallel_loop3A_144 : i32 to index
        %parallel_loop3A_783 = arith.index_cast %parallel_loop3A_781 : i32 to index
        %parallel_loop3A_784 = arith.constant 128 : index
        %parallel_loop3A_785 = tpu.vector_load %arg7[%parallel_loop3A_782, %parallel_loop3A_783, %parallel_loop3A_784] {strides = array<i32>} : memref<16x4x200xf32, #tpu.memory_space<vmem>>, vector<16xf32>,
        tpu.vector_store %arg7[%parallel_loop3A_782, %parallel_loop3A_783, %parallel_loop3A_784], %parallel_loop3A_780 {strides = array<i32>} : memref<16x4x200xf32, #tpu.memory_space<vmem>>, vector<16xf32>,
        %parallel_loop3A_786 = arith.constant 144 : i32
        %parallel_loop3A_787 = arith.addi %parallel_loop3A_146, %parallel_loop3A_786 : i32
        %parallel_loop3A_788 = arith.index_cast %parallel_loop3A_787 : i32 to index
        %parallel_loop3A_789 = tpu.vector_load %arg5[%parallel_loop3A_788] {strides = array<i32>} : memref<3200xi32, #tpu.memory_space<vmem>>, vector<16xi32>,
        %parallel_loop3A_790 = arith.constant 184 : i32
        %parallel_loop3A_791 = arith.addi %parallel_loop3A_146, %parallel_loop3A_790 : i32
        %parallel_loop3A_792 = arith.constant 144 : i32
        %parallel_loop3A_793 = arith.subi %parallel_loop3A_791, %parallel_loop3A_792 : i32
        %parallel_loop3A_794 = arith.index_cast %parallel_loop3A_793 : i32 to index
        %parallel_loop3A_795 = tpu.vector_load %arg5[%parallel_loop3A_794] {strides = array<i32>} : memref<3200xi32, #tpu.memory_space<vmem>>, vector<16xi32>,
        %parallel_loop3A_796 = arith.constant 4 : i32
        %parallel_loop3A_797 = vector.broadcast %parallel_loop3A_796 : i32 to vector<16xi32>
        %parallel_loop3A_798 = arith.shli %parallel_loop3A_789, %parallel_loop3A_797 : vector<16xi32>
        %parallel_loop3A_799 = arith.addi %parallel_loop3A_798, %iota3A : vector<16xi32>
        %parallel_loop3A_800 = arith.constant 15 : i32
        %parallel_loop3A_801 = vector.broadcast %parallel_loop3A_800 : i32 to vector<16xi32>
        %parallel_loop3A_802 = tpu.iota {dimensions = array<i32: 0>} : vector<16xi32>
        %parallel_loop3A_803 = arith.subi %parallel_loop3A_801, %parallel_loop3A_802 : vector<16xi32>
        %parallel_loop3A_804 = tpu.dynamic_gather %parallel_loop3A_795[%parallel_loop3A_803] in [0] : vector<16xi32>, vector<16xi32> -> vector<16xi32>
        %parallel_loop3A_805 = arith.constant 4 : i32
        %parallel_loop3A_806 = vector.broadcast %parallel_loop3A_805 : i32 to vector<16xi32>
        %parallel_loop3A_807 = arith.shli %parallel_loop3A_804, %parallel_loop3A_806 : vector<16xi32>
        %parallel_loop3A_808 = arith.addi %parallel_loop3A_807, %iota3A : vector<16xi32>
        %parallel_loop3A_809 = tpu.vector_load_idx %arg8[%parallel_loop3A_799] : memref<128xf32, #tpu.memory_space<vmem>>[vector<16xi32>], vector<16xf32>,
        %parallel_loop3A_810 = arith.constant 0 : i32
        %parallel_loop3A_811 = arith.index_cast %parallel_loop3A_144 : i32 to index
        %parallel_loop3A_812 = arith.index_cast %parallel_loop3A_810 : i32 to index
        %parallel_loop3A_813 = arith.constant 144 : index
        %parallel_loop3A_814 = tpu.vector_load %arg6[%parallel_loop3A_811, %parallel_loop3A_812, %parallel_loop3A_813] {strides = array<i32>} : memref<16x4x200xf32, #tpu.memory_space<vmem>>, vector<16xf32>,
        tpu.vector_store %arg6[%parallel_loop3A_811, %parallel_loop3A_812, %parallel_loop3A_813], %parallel_loop3A_809 {strides = array<i32>} : memref<16x4x200xf32, #tpu.memory_space<vmem>>, vector<16xf32>,
        %parallel_loop3A_815 = tpu.vector_load_idx %arg12[%parallel_loop3A_808] : memref<128xf32, #tpu.memory_space<vmem>>[vector<16xi32>], vector<16xf32>,
        %parallel_loop3A_816 = arith.constant 0 : i32
        %parallel_loop3A_817 = arith.index_cast %parallel_loop3A_144 : i32 to index
        %parallel_loop3A_818 = arith.index_cast %parallel_loop3A_816 : i32 to index
        %parallel_loop3A_819 = arith.constant 144 : index
        %parallel_loop3A_820 = tpu.vector_load %arg7[%parallel_loop3A_817, %parallel_loop3A_818, %parallel_loop3A_819] {strides = array<i32>} : memref<16x4x200xf32, #tpu.memory_space<vmem>>, vector<16xf32>,
        tpu.vector_store %arg7[%parallel_loop3A_817, %parallel_loop3A_818, %parallel_loop3A_819], %parallel_loop3A_815 {strides = array<i32>} : memref<16x4x200xf32, #tpu.memory_space<vmem>>, vector<16xf32>,
        %parallel_loop3A_821 = tpu.vector_load_idx %arg9[%parallel_loop3A_799] : memref<128xf32, #tpu.memory_space<vmem>>[vector<16xi32>], vector<16xf32>,
        %parallel_loop3A_822 = arith.constant 1 : i32
        %parallel_loop3A_823 = arith.index_cast %parallel_loop3A_144 : i32 to index
        %parallel_loop3A_824 = arith.index_cast %parallel_loop3A_822 : i32 to index
        %parallel_loop3A_825 = arith.constant 144 : index
        %parallel_loop3A_826 = tpu.vector_load %arg6[%parallel_loop3A_823, %parallel_loop3A_824, %parallel_loop3A_825] {strides = array<i32>} : memref<16x4x200xf32, #tpu.memory_space<vmem>>, vector<16xf32>,
        tpu.vector_store %arg6[%parallel_loop3A_823, %parallel_loop3A_824, %parallel_loop3A_825], %parallel_loop3A_821 {strides = array<i32>} : memref<16x4x200xf32, #tpu.memory_space<vmem>>, vector<16xf32>,
        %parallel_loop3A_827 = tpu.vector_load_idx %arg13[%parallel_loop3A_808] : memref<128xf32, #tpu.memory_space<vmem>>[vector<16xi32>], vector<16xf32>,
        %parallel_loop3A_828 = arith.constant 1 : i32
        %parallel_loop3A_829 = arith.index_cast %parallel_loop3A_144 : i32 to index
        %parallel_loop3A_830 = arith.index_cast %parallel_loop3A_828 : i32 to index
        %parallel_loop3A_831 = arith.constant 144 : index
        %parallel_loop3A_832 = tpu.vector_load %arg7[%parallel_loop3A_829, %parallel_loop3A_830, %parallel_loop3A_831] {strides = array<i32>} : memref<16x4x200xf32, #tpu.memory_space<vmem>>, vector<16xf32>,
        tpu.vector_store %arg7[%parallel_loop3A_829, %parallel_loop3A_830, %parallel_loop3A_831], %parallel_loop3A_827 {strides = array<i32>} : memref<16x4x200xf32, #tpu.memory_space<vmem>>, vector<16xf32>,
        %parallel_loop3A_833 = tpu.vector_load_idx %arg10[%parallel_loop3A_799] : memref<128xf32, #tpu.memory_space<vmem>>[vector<16xi32>], vector<16xf32>,
        %parallel_loop3A_834 = arith.constant 2 : i32
        %parallel_loop3A_835 = arith.index_cast %parallel_loop3A_144 : i32 to index
        %parallel_loop3A_836 = arith.index_cast %parallel_loop3A_834 : i32 to index
        %parallel_loop3A_837 = arith.constant 144 : index
        %parallel_loop3A_838 = tpu.vector_load %arg6[%parallel_loop3A_835, %parallel_loop3A_836, %parallel_loop3A_837] {strides = array<i32>} : memref<16x4x200xf32, #tpu.memory_space<vmem>>, vector<16xf32>,
        tpu.vector_store %arg6[%parallel_loop3A_835, %parallel_loop3A_836, %parallel_loop3A_837], %parallel_loop3A_833 {strides = array<i32>} : memref<16x4x200xf32, #tpu.memory_space<vmem>>, vector<16xf32>,
        %parallel_loop3A_839 = tpu.vector_load_idx %arg14[%parallel_loop3A_808] : memref<128xf32, #tpu.memory_space<vmem>>[vector<16xi32>], vector<16xf32>,
        %parallel_loop3A_840 = arith.constant 2 : i32
        %parallel_loop3A_841 = arith.index_cast %parallel_loop3A_144 : i32 to index
        %parallel_loop3A_842 = arith.index_cast %parallel_loop3A_840 : i32 to index
        %parallel_loop3A_843 = arith.constant 144 : index
        %parallel_loop3A_844 = tpu.vector_load %arg7[%parallel_loop3A_841, %parallel_loop3A_842, %parallel_loop3A_843] {strides = array<i32>} : memref<16x4x200xf32, #tpu.memory_space<vmem>>, vector<16xf32>,
        tpu.vector_store %arg7[%parallel_loop3A_841, %parallel_loop3A_842, %parallel_loop3A_843], %parallel_loop3A_839 {strides = array<i32>} : memref<16x4x200xf32, #tpu.memory_space<vmem>>, vector<16xf32>,
        %parallel_loop3A_845 = tpu.vector_load_idx %arg11[%parallel_loop3A_799] : memref<128xf32, #tpu.memory_space<vmem>>[vector<16xi32>], vector<16xf32>,
        %parallel_loop3A_846 = arith.constant 3 : i32
        %parallel_loop3A_847 = arith.index_cast %parallel_loop3A_144 : i32 to index
        %parallel_loop3A_848 = arith.index_cast %parallel_loop3A_846 : i32 to index
        %parallel_loop3A_849 = arith.constant 144 : index
        %parallel_loop3A_850 = tpu.vector_load %arg6[%parallel_loop3A_847, %parallel_loop3A_848, %parallel_loop3A_849] {strides = array<i32>} : memref<16x4x200xf32, #tpu.memory_space<vmem>>, vector<16xf32>,
        tpu.vector_store %arg6[%parallel_loop3A_847, %parallel_loop3A_848, %parallel_loop3A_849], %parallel_loop3A_845 {strides = array<i32>} : memref<16x4x200xf32, #tpu.memory_space<vmem>>, vector<16xf32>,
        %parallel_loop3A_851 = tpu.vector_load_idx %arg15[%parallel_loop3A_808] : memref<128xf32, #tpu.memory_space<vmem>>[vector<16xi32>], vector<16xf32>,
        %parallel_loop3A_852 = arith.constant 3 : i32
        %parallel_loop3A_853 = arith.index_cast %parallel_loop3A_144 : i32 to index
        %parallel_loop3A_854 = arith.index_cast %parallel_loop3A_852 : i32 to index
        %parallel_loop3A_855 = arith.constant 144 : index
        %parallel_loop3A_856 = tpu.vector_load %arg7[%parallel_loop3A_853, %parallel_loop3A_854, %parallel_loop3A_855] {strides = array<i32>} : memref<16x4x200xf32, #tpu.memory_space<vmem>>, vector<16xf32>,
        tpu.vector_store %arg7[%parallel_loop3A_853, %parallel_loop3A_854, %parallel_loop3A_855], %parallel_loop3A_851 {strides = array<i32>} : memref<16x4x200xf32, #tpu.memory_space<vmem>>, vector<16xf32>,
        %parallel_loop3A_857 = arith.constant 160 : i32
        %parallel_loop3A_858 = arith.addi %parallel_loop3A_146, %parallel_loop3A_857 : i32
        %parallel_loop3A_859 = arith.index_cast %parallel_loop3A_858 : i32 to index
        %parallel_loop3A_860 = tpu.vector_load %arg5[%parallel_loop3A_859] {strides = array<i32>} : memref<3200xi32, #tpu.memory_space<vmem>>, vector<16xi32>,
        %parallel_loop3A_861 = arith.constant 184 : i32
        %parallel_loop3A_862 = arith.addi %parallel_loop3A_146, %parallel_loop3A_861 : i32
        %parallel_loop3A_863 = arith.constant 160 : i32
        %parallel_loop3A_864 = arith.subi %parallel_loop3A_862, %parallel_loop3A_863 : i32
        %parallel_loop3A_865 = arith.index_cast %parallel_loop3A_864 : i32 to index
        %parallel_loop3A_866 = tpu.vector_load %arg5[%parallel_loop3A_865] {strides = array<i32>} : memref<3200xi32, #tpu.memory_space<vmem>>, vector<16xi32>,
        %parallel_loop3A_867 = arith.constant 4 : i32
        %parallel_loop3A_868 = vector.broadcast %parallel_loop3A_867 : i32 to vector<16xi32>
        %parallel_loop3A_869 = arith.shli %parallel_loop3A_860, %parallel_loop3A_868 : vector<16xi32>
        %parallel_loop3A_870 = arith.addi %parallel_loop3A_869, %iota3A : vector<16xi32>
        %parallel_loop3A_871 = arith.constant 15 : i32
        %parallel_loop3A_872 = vector.broadcast %parallel_loop3A_871 : i32 to vector<16xi32>
        %parallel_loop3A_873 = tpu.iota {dimensions = array<i32: 0>} : vector<16xi32>
        %parallel_loop3A_874 = arith.subi %parallel_loop3A_872, %parallel_loop3A_873 : vector<16xi32>
        %parallel_loop3A_875 = tpu.dynamic_gather %parallel_loop3A_866[%parallel_loop3A_874] in [0] : vector<16xi32>, vector<16xi32> -> vector<16xi32>
        %parallel_loop3A_876 = arith.constant 4 : i32
        %parallel_loop3A_877 = vector.broadcast %parallel_loop3A_876 : i32 to vector<16xi32>
        %parallel_loop3A_878 = arith.shli %parallel_loop3A_875, %parallel_loop3A_877 : vector<16xi32>
        %parallel_loop3A_879 = arith.addi %parallel_loop3A_878, %iota3A : vector<16xi32>
        %parallel_loop3A_880 = tpu.vector_load_idx %arg8[%parallel_loop3A_870] : memref<128xf32, #tpu.memory_space<vmem>>[vector<16xi32>], vector<16xf32>,
        %parallel_loop3A_881 = arith.constant 0 : i32
        %parallel_loop3A_882 = arith.index_cast %parallel_loop3A_144 : i32 to index
        %parallel_loop3A_883 = arith.index_cast %parallel_loop3A_881 : i32 to index
        %parallel_loop3A_884 = arith.constant 160 : index
        %parallel_loop3A_885 = tpu.vector_load %arg6[%parallel_loop3A_882, %parallel_loop3A_883, %parallel_loop3A_884] {strides = array<i32>} : memref<16x4x200xf32, #tpu.memory_space<vmem>>, vector<16xf32>,
        tpu.vector_store %arg6[%parallel_loop3A_882, %parallel_loop3A_883, %parallel_loop3A_884], %parallel_loop3A_880 {strides = array<i32>} : memref<16x4x200xf32, #tpu.memory_space<vmem>>, vector<16xf32>,
        %parallel_loop3A_886 = tpu.vector_load_idx %arg12[%parallel_loop3A_879] : memref<128xf32, #tpu.memory_space<vmem>>[vector<16xi32>], vector<16xf32>,
        %parallel_loop3A_887 = arith.constant 0 : i32
        %parallel_loop3A_888 = arith.index_cast %parallel_loop3A_144 : i32 to index
        %parallel_loop3A_889 = arith.index_cast %parallel_loop3A_887 : i32 to index
        %parallel_loop3A_890 = arith.constant 160 : index
        %parallel_loop3A_891 = tpu.vector_load %arg7[%parallel_loop3A_888, %parallel_loop3A_889, %parallel_loop3A_890] {strides = array<i32>} : memref<16x4x200xf32, #tpu.memory_space<vmem>>, vector<16xf32>,
        tpu.vector_store %arg7[%parallel_loop3A_888, %parallel_loop3A_889, %parallel_loop3A_890], %parallel_loop3A_886 {strides = array<i32>} : memref<16x4x200xf32, #tpu.memory_space<vmem>>, vector<16xf32>,
        %parallel_loop3A_892 = tpu.vector_load_idx %arg9[%parallel_loop3A_870] : memref<128xf32, #tpu.memory_space<vmem>>[vector<16xi32>], vector<16xf32>,
        %parallel_loop3A_893 = arith.constant 1 : i32
        %parallel_loop3A_894 = arith.index_cast %parallel_loop3A_144 : i32 to index
        %parallel_loop3A_895 = arith.index_cast %parallel_loop3A_893 : i32 to index
        %parallel_loop3A_896 = arith.constant 160 : index
        %parallel_loop3A_897 = tpu.vector_load %arg6[%parallel_loop3A_894, %parallel_loop3A_895, %parallel_loop3A_896] {strides = array<i32>} : memref<16x4x200xf32, #tpu.memory_space<vmem>>, vector<16xf32>,
        tpu.vector_store %arg6[%parallel_loop3A_894, %parallel_loop3A_895, %parallel_loop3A_896], %parallel_loop3A_892 {strides = array<i32>} : memref<16x4x200xf32, #tpu.memory_space<vmem>>, vector<16xf32>,
        %parallel_loop3A_898 = tpu.vector_load_idx %arg13[%parallel_loop3A_879] : memref<128xf32, #tpu.memory_space<vmem>>[vector<16xi32>], vector<16xf32>,
        %parallel_loop3A_899 = arith.constant 1 : i32
        %parallel_loop3A_900 = arith.index_cast %parallel_loop3A_144 : i32 to index
        %parallel_loop3A_901 = arith.index_cast %parallel_loop3A_899 : i32 to index
        %parallel_loop3A_902 = arith.constant 160 : index
        %parallel_loop3A_903 = tpu.vector_load %arg7[%parallel_loop3A_900, %parallel_loop3A_901, %parallel_loop3A_902] {strides = array<i32>} : memref<16x4x200xf32, #tpu.memory_space<vmem>>, vector<16xf32>,
        tpu.vector_store %arg7[%parallel_loop3A_900, %parallel_loop3A_901, %parallel_loop3A_902], %parallel_loop3A_898 {strides = array<i32>} : memref<16x4x200xf32, #tpu.memory_space<vmem>>, vector<16xf32>,
        %parallel_loop3A_904 = tpu.vector_load_idx %arg10[%parallel_loop3A_870] : memref<128xf32, #tpu.memory_space<vmem>>[vector<16xi32>], vector<16xf32>,
        %parallel_loop3A_905 = arith.constant 2 : i32
        %parallel_loop3A_906 = arith.index_cast %parallel_loop3A_144 : i32 to index
        %parallel_loop3A_907 = arith.index_cast %parallel_loop3A_905 : i32 to index
        %parallel_loop3A_908 = arith.constant 160 : index
        %parallel_loop3A_909 = tpu.vector_load %arg6[%parallel_loop3A_906, %parallel_loop3A_907, %parallel_loop3A_908] {strides = array<i32>} : memref<16x4x200xf32, #tpu.memory_space<vmem>>, vector<16xf32>,
        tpu.vector_store %arg6[%parallel_loop3A_906, %parallel_loop3A_907, %parallel_loop3A_908], %parallel_loop3A_904 {strides = array<i32>} : memref<16x4x200xf32, #tpu.memory_space<vmem>>, vector<16xf32>,
        %parallel_loop3A_910 = tpu.vector_load_idx %arg14[%parallel_loop3A_879] : memref<128xf32, #tpu.memory_space<vmem>>[vector<16xi32>], vector<16xf32>,
        %parallel_loop3A_911 = arith.constant 2 : i32
        %parallel_loop3A_912 = arith.index_cast %parallel_loop3A_144 : i32 to index
        %parallel_loop3A_913 = arith.index_cast %parallel_loop3A_911 : i32 to index
        %parallel_loop3A_914 = arith.constant 160 : index
        %parallel_loop3A_915 = tpu.vector_load %arg7[%parallel_loop3A_912, %parallel_loop3A_913, %parallel_loop3A_914] {strides = array<i32>} : memref<16x4x200xf32, #tpu.memory_space<vmem>>, vector<16xf32>,
        tpu.vector_store %arg7[%parallel_loop3A_912, %parallel_loop3A_913, %parallel_loop3A_914], %parallel_loop3A_910 {strides = array<i32>} : memref<16x4x200xf32, #tpu.memory_space<vmem>>, vector<16xf32>,
        %parallel_loop3A_916 = tpu.vector_load_idx %arg11[%parallel_loop3A_870] : memref<128xf32, #tpu.memory_space<vmem>>[vector<16xi32>], vector<16xf32>,
        %parallel_loop3A_917 = arith.constant 3 : i32
        %parallel_loop3A_918 = arith.index_cast %parallel_loop3A_144 : i32 to index
        %parallel_loop3A_919 = arith.index_cast %parallel_loop3A_917 : i32 to index
        %parallel_loop3A_920 = arith.constant 160 : index
        %parallel_loop3A_921 = tpu.vector_load %arg6[%parallel_loop3A_918, %parallel_loop3A_919, %parallel_loop3A_920] {strides = array<i32>} : memref<16x4x200xf32, #tpu.memory_space<vmem>>, vector<16xf32>,
        tpu.vector_store %arg6[%parallel_loop3A_918, %parallel_loop3A_919, %parallel_loop3A_920], %parallel_loop3A_916 {strides = array<i32>} : memref<16x4x200xf32, #tpu.memory_space<vmem>>, vector<16xf32>,
        %parallel_loop3A_922 = tpu.vector_load_idx %arg15[%parallel_loop3A_879] : memref<128xf32, #tpu.memory_space<vmem>>[vector<16xi32>], vector<16xf32>,
        %parallel_loop3A_923 = arith.constant 3 : i32
        %parallel_loop3A_924 = arith.index_cast %parallel_loop3A_144 : i32 to index
        %parallel_loop3A_925 = arith.index_cast %parallel_loop3A_923 : i32 to index
        %parallel_loop3A_926 = arith.constant 160 : index
        %parallel_loop3A_927 = tpu.vector_load %arg7[%parallel_loop3A_924, %parallel_loop3A_925, %parallel_loop3A_926] {strides = array<i32>} : memref<16x4x200xf32, #tpu.memory_space<vmem>>, vector<16xf32>,
        tpu.vector_store %arg7[%parallel_loop3A_924, %parallel_loop3A_925, %parallel_loop3A_926], %parallel_loop3A_922 {strides = array<i32>} : memref<16x4x200xf32, #tpu.memory_space<vmem>>, vector<16xf32>,
        %parallel_loop3A_928 = arith.constant 176 : i32
        %parallel_loop3A_929 = arith.addi %parallel_loop3A_146, %parallel_loop3A_928 : i32
        %parallel_loop3A_930 = arith.index_cast %parallel_loop3A_929 : i32 to index
        %parallel_loop3A_931 = tpu.vector_load %arg5[%parallel_loop3A_930] {strides = array<i32>} : memref<3200xi32, #tpu.memory_space<vmem>>, vector<16xi32>,
        %parallel_loop3A_932 = arith.constant 184 : i32
        %parallel_loop3A_933 = arith.addi %parallel_loop3A_146, %parallel_loop3A_932 : i32
        %parallel_loop3A_934 = arith.constant 176 : i32
        %parallel_loop3A_935 = arith.subi %parallel_loop3A_933, %parallel_loop3A_934 : i32
        %parallel_loop3A_936 = arith.index_cast %parallel_loop3A_935 : i32 to index
        %parallel_loop3A_937 = tpu.vector_load %arg5[%parallel_loop3A_936] {strides = array<i32>} : memref<3200xi32, #tpu.memory_space<vmem>>, vector<16xi32>,
        %parallel_loop3A_938 = arith.constant 4 : i32
        %parallel_loop3A_939 = vector.broadcast %parallel_loop3A_938 : i32 to vector<16xi32>
        %parallel_loop3A_940 = arith.shli %parallel_loop3A_931, %parallel_loop3A_939 : vector<16xi32>
        %parallel_loop3A_941 = arith.addi %parallel_loop3A_940, %iota3A : vector<16xi32>
        %parallel_loop3A_942 = arith.constant 15 : i32
        %parallel_loop3A_943 = vector.broadcast %parallel_loop3A_942 : i32 to vector<16xi32>
        %parallel_loop3A_944 = tpu.iota {dimensions = array<i32: 0>} : vector<16xi32>
        %parallel_loop3A_945 = arith.subi %parallel_loop3A_943, %parallel_loop3A_944 : vector<16xi32>
        %parallel_loop3A_946 = tpu.dynamic_gather %parallel_loop3A_937[%parallel_loop3A_945] in [0] : vector<16xi32>, vector<16xi32> -> vector<16xi32>
        %parallel_loop3A_947 = arith.constant 4 : i32
        %parallel_loop3A_948 = vector.broadcast %parallel_loop3A_947 : i32 to vector<16xi32>
        %parallel_loop3A_949 = arith.shli %parallel_loop3A_946, %parallel_loop3A_948 : vector<16xi32>
        %parallel_loop3A_950 = arith.addi %parallel_loop3A_949, %iota3A : vector<16xi32>
        %parallel_loop3A_951 = tpu.vector_load_idx %arg8[%parallel_loop3A_941] : memref<128xf32, #tpu.memory_space<vmem>>[vector<16xi32>], vector<16xf32>,
        %parallel_loop3A_952 = arith.constant 0 : i32
        %parallel_loop3A_953 = arith.index_cast %parallel_loop3A_144 : i32 to index
        %parallel_loop3A_954 = arith.index_cast %parallel_loop3A_952 : i32 to index
        %parallel_loop3A_955 = arith.constant 176 : index
        %parallel_loop3A_956 = tpu.vector_load %arg6[%parallel_loop3A_953, %parallel_loop3A_954, %parallel_loop3A_955] {strides = array<i32>} : memref<16x4x200xf32, #tpu.memory_space<vmem>>, vector<16xf32>,
        tpu.vector_store %arg6[%parallel_loop3A_953, %parallel_loop3A_954, %parallel_loop3A_955], %parallel_loop3A_951 {strides = array<i32>} : memref<16x4x200xf32, #tpu.memory_space<vmem>>, vector<16xf32>,
        %parallel_loop3A_957 = tpu.vector_load_idx %arg12[%parallel_loop3A_950] : memref<128xf32, #tpu.memory_space<vmem>>[vector<16xi32>], vector<16xf32>,
        %parallel_loop3A_958 = arith.constant 0 : i32
        %parallel_loop3A_959 = arith.index_cast %parallel_loop3A_144 : i32 to index
        %parallel_loop3A_960 = arith.index_cast %parallel_loop3A_958 : i32 to index
        %parallel_loop3A_961 = arith.constant 176 : index
        %parallel_loop3A_962 = tpu.vector_load %arg7[%parallel_loop3A_959, %parallel_loop3A_960, %parallel_loop3A_961] {strides = array<i32>} : memref<16x4x200xf32, #tpu.memory_space<vmem>>, vector<16xf32>,
        tpu.vector_store %arg7[%parallel_loop3A_959, %parallel_loop3A_960, %parallel_loop3A_961], %parallel_loop3A_957 {strides = array<i32>} : memref<16x4x200xf32, #tpu.memory_space<vmem>>, vector<16xf32>,
        %parallel_loop3A_963 = tpu.vector_load_idx %arg9[%parallel_loop3A_941] : memref<128xf32, #tpu.memory_space<vmem>>[vector<16xi32>], vector<16xf32>,
        %parallel_loop3A_964 = arith.constant 1 : i32
        %parallel_loop3A_965 = arith.index_cast %parallel_loop3A_144 : i32 to index
        %parallel_loop3A_966 = arith.index_cast %parallel_loop3A_964 : i32 to index
        %parallel_loop3A_967 = arith.constant 176 : index
        %parallel_loop3A_968 = tpu.vector_load %arg6[%parallel_loop3A_965, %parallel_loop3A_966, %parallel_loop3A_967] {strides = array<i32>} : memref<16x4x200xf32, #tpu.memory_space<vmem>>, vector<16xf32>,
        tpu.vector_store %arg6[%parallel_loop3A_965, %parallel_loop3A_966, %parallel_loop3A_967], %parallel_loop3A_963 {strides = array<i32>} : memref<16x4x200xf32, #tpu.memory_space<vmem>>, vector<16xf32>,
        %parallel_loop3A_969 = tpu.vector_load_idx %arg13[%parallel_loop3A_950] : memref<128xf32, #tpu.memory_space<vmem>>[vector<16xi32>], vector<16xf32>,
        %parallel_loop3A_970 = arith.constant 1 : i32
        %parallel_loop3A_971 = arith.index_cast %parallel_loop3A_144 : i32 to index
        %parallel_loop3A_972 = arith.index_cast %parallel_loop3A_970 : i32 to index
        %parallel_loop3A_973 = arith.constant 176 : index
        %parallel_loop3A_974 = tpu.vector_load %arg7[%parallel_loop3A_971, %parallel_loop3A_972, %parallel_loop3A_973] {strides = array<i32>} : memref<16x4x200xf32, #tpu.memory_space<vmem>>, vector<16xf32>,
        tpu.vector_store %arg7[%parallel_loop3A_971, %parallel_loop3A_972, %parallel_loop3A_973], %parallel_loop3A_969 {strides = array<i32>} : memref<16x4x200xf32, #tpu.memory_space<vmem>>, vector<16xf32>,
        %parallel_loop3A_975 = tpu.vector_load_idx %arg10[%parallel_loop3A_941] : memref<128xf32, #tpu.memory_space<vmem>>[vector<16xi32>], vector<16xf32>,
        %parallel_loop3A_976 = arith.constant 2 : i32
        %parallel_loop3A_977 = arith.index_cast %parallel_loop3A_144 : i32 to index
        %parallel_loop3A_978 = arith.index_cast %parallel_loop3A_976 : i32 to index
        %parallel_loop3A_979 = arith.constant 176 : index
        %parallel_loop3A_980 = tpu.vector_load %arg6[%parallel_loop3A_977, %parallel_loop3A_978, %parallel_loop3A_979] {strides = array<i32>} : memref<16x4x200xf32, #tpu.memory_space<vmem>>, vector<16xf32>,
        tpu.vector_store %arg6[%parallel_loop3A_977, %parallel_loop3A_978, %parallel_loop3A_979], %parallel_loop3A_975 {strides = array<i32>} : memref<16x4x200xf32, #tpu.memory_space<vmem>>, vector<16xf32>,
        %parallel_loop3A_981 = tpu.vector_load_idx %arg14[%parallel_loop3A_950] : memref<128xf32, #tpu.memory_space<vmem>>[vector<16xi32>], vector<16xf32>,
        %parallel_loop3A_982 = arith.constant 2 : i32
        %parallel_loop3A_983 = arith.index_cast %parallel_loop3A_144 : i32 to index
        %parallel_loop3A_984 = arith.index_cast %parallel_loop3A_982 : i32 to index
        %parallel_loop3A_985 = arith.constant 176 : index
        %parallel_loop3A_986 = tpu.vector_load %arg7[%parallel_loop3A_983, %parallel_loop3A_984, %parallel_loop3A_985] {strides = array<i32>} : memref<16x4x200xf32, #tpu.memory_space<vmem>>, vector<16xf32>,
        tpu.vector_store %arg7[%parallel_loop3A_983, %parallel_loop3A_984, %parallel_loop3A_985], %parallel_loop3A_981 {strides = array<i32>} : memref<16x4x200xf32, #tpu.memory_space<vmem>>, vector<16xf32>,
        %parallel_loop3A_987 = tpu.vector_load_idx %arg11[%parallel_loop3A_941] : memref<128xf32, #tpu.memory_space<vmem>>[vector<16xi32>], vector<16xf32>,
        %parallel_loop3A_988 = arith.constant 3 : i32
        %parallel_loop3A_989 = arith.index_cast %parallel_loop3A_144 : i32 to index
        %parallel_loop3A_990 = arith.index_cast %parallel_loop3A_988 : i32 to index
        %parallel_loop3A_991 = arith.constant 176 : index
        %parallel_loop3A_992 = tpu.vector_load %arg6[%parallel_loop3A_989, %parallel_loop3A_990, %parallel_loop3A_991] {strides = array<i32>} : memref<16x4x200xf32, #tpu.memory_space<vmem>>, vector<16xf32>,
        tpu.vector_store %arg6[%parallel_loop3A_989, %parallel_loop3A_990, %parallel_loop3A_991], %parallel_loop3A_987 {strides = array<i32>} : memref<16x4x200xf32, #tpu.memory_space<vmem>>, vector<16xf32>,
        %parallel_loop3A_993 = tpu.vector_load_idx %arg15[%parallel_loop3A_950] : memref<128xf32, #tpu.memory_space<vmem>>[vector<16xi32>], vector<16xf32>,
        %parallel_loop3A_994 = arith.constant 3 : i32
        %parallel_loop3A_995 = arith.index_cast %parallel_loop3A_144 : i32 to index
        %parallel_loop3A_996 = arith.index_cast %parallel_loop3A_994 : i32 to index
        %parallel_loop3A_997 = arith.constant 176 : index
        %parallel_loop3A_998 = tpu.vector_load %arg7[%parallel_loop3A_995, %parallel_loop3A_996, %parallel_loop3A_997] {strides = array<i32>} : memref<16x4x200xf32, #tpu.memory_space<vmem>>, vector<16xf32>,
        tpu.vector_store %arg7[%parallel_loop3A_995, %parallel_loop3A_996, %parallel_loop3A_997], %parallel_loop3A_993 {strides = array<i32>} : memref<16x4x200xf32, #tpu.memory_space<vmem>>, vector<16xf32>,
        %parallel_loop3A_999 = arith.constant 184 : i32
        %parallel_loop3A_1000 = arith.addi %parallel_loop3A_146, %parallel_loop3A_999 : i32
        %parallel_loop3A_1001 = arith.index_cast %parallel_loop3A_1000 : i32 to index
        %parallel_loop3A_1002 = tpu.vector_load %arg5[%parallel_loop3A_1001] {strides = array<i32>} : memref<3200xi32, #tpu.memory_space<vmem>>, vector<16xi32>,
        %parallel_loop3A_1003 = arith.constant 184 : i32
        %parallel_loop3A_1004 = arith.addi %parallel_loop3A_146, %parallel_loop3A_1003 : i32
        %parallel_loop3A_1005 = arith.constant 184 : i32
        %parallel_loop3A_1006 = arith.subi %parallel_loop3A_1004, %parallel_loop3A_1005 : i32
        %parallel_loop3A_1007 = arith.index_cast %parallel_loop3A_1006 : i32 to index
        %parallel_loop3A_1008 = tpu.vector_load %arg5[%parallel_loop3A_1007] {strides = array<i32>} : memref<3200xi32, #tpu.memory_space<vmem>>, vector<16xi32>,
        %parallel_loop3A_1009 = arith.constant 4 : i32
        %parallel_loop3A_1010 = vector.broadcast %parallel_loop3A_1009 : i32 to vector<16xi32>
        %parallel_loop3A_1011 = arith.shli %parallel_loop3A_1002, %parallel_loop3A_1010 : vector<16xi32>
        %parallel_loop3A_1012 = arith.addi %parallel_loop3A_1011, %iota3A : vector<16xi32>
        %parallel_loop3A_1013 = arith.constant 15 : i32
        %parallel_loop3A_1014 = vector.broadcast %parallel_loop3A_1013 : i32 to vector<16xi32>
        %parallel_loop3A_1015 = tpu.iota {dimensions = array<i32: 0>} : vector<16xi32>
        %parallel_loop3A_1016 = arith.subi %parallel_loop3A_1014, %parallel_loop3A_1015 : vector<16xi32>
        %parallel_loop3A_1017 = tpu.dynamic_gather %parallel_loop3A_1008[%parallel_loop3A_1016] in [0] : vector<16xi32>, vector<16xi32> -> vector<16xi32>
        %parallel_loop3A_1018 = arith.constant 4 : i32
        %parallel_loop3A_1019 = vector.broadcast %parallel_loop3A_1018 : i32 to vector<16xi32>
        %parallel_loop3A_1020 = arith.shli %parallel_loop3A_1017, %parallel_loop3A_1019 : vector<16xi32>
        %parallel_loop3A_1021 = arith.addi %parallel_loop3A_1020, %iota3A : vector<16xi32>
        %parallel_loop3A_1022 = tpu.vector_load_idx %arg8[%parallel_loop3A_1012] : memref<128xf32, #tpu.memory_space<vmem>>[vector<16xi32>], vector<16xf32>,
        %parallel_loop3A_1023 = arith.constant 0 : i32
        %parallel_loop3A_1024 = arith.index_cast %parallel_loop3A_144 : i32 to index
        %parallel_loop3A_1025 = arith.index_cast %parallel_loop3A_1023 : i32 to index
        %parallel_loop3A_1026 = arith.constant 184 : index
        %parallel_loop3A_1027 = tpu.vector_load %arg6[%parallel_loop3A_1024, %parallel_loop3A_1025, %parallel_loop3A_1026] {strides = array<i32>} : memref<16x4x200xf32, #tpu.memory_space<vmem>>, vector<16xf32>,
        tpu.vector_store %arg6[%parallel_loop3A_1024, %parallel_loop3A_1025, %parallel_loop3A_1026], %parallel_loop3A_1022 {strides = array<i32>} : memref<16x4x200xf32, #tpu.memory_space<vmem>>, vector<16xf32>,
        %parallel_loop3A_1028 = tpu.vector_load_idx %arg12[%parallel_loop3A_1021] : memref<128xf32, #tpu.memory_space<vmem>>[vector<16xi32>], vector<16xf32>,
        %parallel_loop3A_1029 = arith.constant 0 : i32
        %parallel_loop3A_1030 = arith.index_cast %parallel_loop3A_144 : i32 to index
        %parallel_loop3A_1031 = arith.index_cast %parallel_loop3A_1029 : i32 to index
        %parallel_loop3A_1032 = arith.constant 184 : index
        %parallel_loop3A_1033 = tpu.vector_load %arg7[%parallel_loop3A_1030, %parallel_loop3A_1031, %parallel_loop3A_1032] {strides = array<i32>} : memref<16x4x200xf32, #tpu.memory_space<vmem>>, vector<16xf32>,
        tpu.vector_store %arg7[%parallel_loop3A_1030, %parallel_loop3A_1031, %parallel_loop3A_1032], %parallel_loop3A_1028 {strides = array<i32>} : memref<16x4x200xf32, #tpu.memory_space<vmem>>, vector<16xf32>,
        %parallel_loop3A_1034 = tpu.vector_load_idx %arg9[%parallel_loop3A_1012] : memref<128xf32, #tpu.memory_space<vmem>>[vector<16xi32>], vector<16xf32>,
        %parallel_loop3A_1035 = arith.constant 1 : i32
        %parallel_loop3A_1036 = arith.index_cast %parallel_loop3A_144 : i32 to index
        %parallel_loop3A_1037 = arith.index_cast %parallel_loop3A_1035 : i32 to index
        %parallel_loop3A_1038 = arith.constant 184 : index
        %parallel_loop3A_1039 = tpu.vector_load %arg6[%parallel_loop3A_1036, %parallel_loop3A_1037, %parallel_loop3A_1038] {strides = array<i32>} : memref<16x4x200xf32, #tpu.memory_space<vmem>>, vector<16xf32>,
        tpu.vector_store %arg6[%parallel_loop3A_1036, %parallel_loop3A_1037, %parallel_loop3A_1038], %parallel_loop3A_1034 {strides = array<i32>} : memref<16x4x200xf32, #tpu.memory_space<vmem>>, vector<16xf32>,
        %parallel_loop3A_1040 = tpu.vector_load_idx %arg13[%parallel_loop3A_1021] : memref<128xf32, #tpu.memory_space<vmem>>[vector<16xi32>], vector<16xf32>,
        %parallel_loop3A_1041 = arith.constant 1 : i32
        %parallel_loop3A_1042 = arith.index_cast %parallel_loop3A_144 : i32 to index
        %parallel_loop3A_1043 = arith.index_cast %parallel_loop3A_1041 : i32 to index
        %parallel_loop3A_1044 = arith.constant 184 : index
        %parallel_loop3A_1045 = tpu.vector_load %arg7[%parallel_loop3A_1042, %parallel_loop3A_1043, %parallel_loop3A_1044] {strides = array<i32>} : memref<16x4x200xf32, #tpu.memory_space<vmem>>, vector<16xf32>,
        tpu.vector_store %arg7[%parallel_loop3A_1042, %parallel_loop3A_1043, %parallel_loop3A_1044], %parallel_loop3A_1040 {strides = array<i32>} : memref<16x4x200xf32, #tpu.memory_space<vmem>>, vector<16xf32>,
        %parallel_loop3A_1046 = tpu.vector_load_idx %arg10[%parallel_loop3A_1012] : memref<128xf32, #tpu.memory_space<vmem>>[vector<16xi32>], vector<16xf32>,
        %parallel_loop3A_1047 = arith.constant 2 : i32
        %parallel_loop3A_1048 = arith.index_cast %parallel_loop3A_144 : i32 to index
        %parallel_loop3A_1049 = arith.index_cast %parallel_loop3A_1047 : i32 to index
        %parallel_loop3A_1050 = arith.constant 184 : index
        %parallel_loop3A_1051 = tpu.vector_load %arg6[%parallel_loop3A_1048, %parallel_loop3A_1049, %parallel_loop3A_1050] {strides = array<i32>} : memref<16x4x200xf32, #tpu.memory_space<vmem>>, vector<16xf32>,
        tpu.vector_store %arg6[%parallel_loop3A_1048, %parallel_loop3A_1049, %parallel_loop3A_1050], %parallel_loop3A_1046 {strides = array<i32>} : memref<16x4x200xf32, #tpu.memory_space<vmem>>, vector<16xf32>,
        %parallel_loop3A_1052 = tpu.vector_load_idx %arg14[%parallel_loop3A_1021] : memref<128xf32, #tpu.memory_space<vmem>>[vector<16xi32>], vector<16xf32>,
        %parallel_loop3A_1053 = arith.constant 2 : i32
        %parallel_loop3A_1054 = arith.index_cast %parallel_loop3A_144 : i32 to index
        %parallel_loop3A_1055 = arith.index_cast %parallel_loop3A_1053 : i32 to index
        %parallel_loop3A_1056 = arith.constant 184 : index
        %parallel_loop3A_1057 = tpu.vector_load %arg7[%parallel_loop3A_1054, %parallel_loop3A_1055, %parallel_loop3A_1056] {strides = array<i32>} : memref<16x4x200xf32, #tpu.memory_space<vmem>>, vector<16xf32>,
        tpu.vector_store %arg7[%parallel_loop3A_1054, %parallel_loop3A_1055, %parallel_loop3A_1056], %parallel_loop3A_1052 {strides = array<i32>} : memref<16x4x200xf32, #tpu.memory_space<vmem>>, vector<16xf32>,
        %parallel_loop3A_1058 = tpu.vector_load_idx %arg11[%parallel_loop3A_1012] : memref<128xf32, #tpu.memory_space<vmem>>[vector<16xi32>], vector<16xf32>,
        %parallel_loop3A_1059 = arith.constant 3 : i32
        %parallel_loop3A_1060 = arith.index_cast %parallel_loop3A_144 : i32 to index
        %parallel_loop3A_1061 = arith.index_cast %parallel_loop3A_1059 : i32 to index
        %parallel_loop3A_1062 = arith.constant 184 : index
        %parallel_loop3A_1063 = tpu.vector_load %arg6[%parallel_loop3A_1060, %parallel_loop3A_1061, %parallel_loop3A_1062] {strides = array<i32>} : memref<16x4x200xf32, #tpu.memory_space<vmem>>, vector<16xf32>,
        tpu.vector_store %arg6[%parallel_loop3A_1060, %parallel_loop3A_1061, %parallel_loop3A_1062], %parallel_loop3A_1058 {strides = array<i32>} : memref<16x4x200xf32, #tpu.memory_space<vmem>>, vector<16xf32>,
        %parallel_loop3A_1064 = tpu.vector_load_idx %arg15[%parallel_loop3A_1021] : memref<128xf32, #tpu.memory_space<vmem>>[vector<16xi32>], vector<16xf32>,
        %parallel_loop3A_1065 = arith.constant 3 : i32
        %parallel_loop3A_1066 = arith.index_cast %parallel_loop3A_144 : i32 to index
        %parallel_loop3A_1067 = arith.index_cast %parallel_loop3A_1065 : i32 to index
        %parallel_loop3A_1068 = arith.constant 184 : index
        %parallel_loop3A_1069 = tpu.vector_load %arg7[%parallel_loop3A_1066, %parallel_loop3A_1067, %parallel_loop3A_1068] {strides = array<i32>} : memref<16x4x200xf32, #tpu.memory_space<vmem>>, vector<16xf32>,
        tpu.vector_store %arg7[%parallel_loop3A_1066, %parallel_loop3A_1067, %parallel_loop3A_1068], %parallel_loop3A_1064 {strides = array<i32>} : memref<16x4x200xf32, #tpu.memory_space<vmem>>, vector<16xf32>,
      } {sc.loop_unroll_factor = 2 : i64, sc.parallel_access}
      %add3A_55 = arith.constant 8 : i32
      %add3A_56 = arith.addi %add3A_18, %add3A_55 : i32
      %dma_start3A_57 = arith.constant 8 : i32
      %dma_start3A_58 = arith.constant 0 : i32
      %dma_start3A_59 = arith.constant 0 : i32
      %dma_start3A_60 = tpu.memref_slice %arg6[%dma_start3A_57, %dma_start3A_58, %dma_start3A_59] : memref<16x4x200xf32, #tpu.memory_space<vmem>> -> memref<8x4x200xf32, #tpu.memory_space<vmem>>
      %dma_start3A_61 = arith.constant 0 : i32
      %dma_start3A_62 = arith.constant 0 : i32
      %dma_start3A_63 = tpu.memref_slice %arg4[%add3A_56, %dma_start3A_61, %dma_start3A_62] : memref<8192x4x200xf32, #tpu.memory_space<hbm>> -> memref<8x4x200xf32, #tpu.memory_space<hbm>>
      %dma_start3A_64 = arith.constant 0 : i32
      %dma_start3A_65 = arith.constant 0 : i32
      %dma_start3A_66 = tpu.memref_slice %arg4[%add3A_56, %dma_start3A_64, %dma_start3A_65] : memref<8192x4x200xf32, #tpu.memory_space<hbm>> -> memref<8x4x200xf32, #tpu.memory_space<hbm>>
      %dma_start3A_67 = arith.constant 8 : i32
      %dma_start3A_68 = arith.constant 0 : i32
      %dma_start3A_69 = arith.constant 0 : i32
      %dma_start3A_70 = tpu.memref_slice %arg6[%dma_start3A_67, %dma_start3A_68, %dma_start3A_69] : memref<16x4x200xf32, #tpu.memory_space<vmem>> -> memref<8x4x200xf32, #tpu.memory_space<vmem>>
      tpu.enqueue_dma source(%dma_start3A_70 : memref<8x4x200xf32, #tpu.memory_space<vmem>>) target(%dma_start3A_66 : memref<8x4x200xf32, #tpu.memory_space<hbm>>) target_semaphore(%arg18 : memref<!tpu.dma_semaphore, #tpu.memory_space<semaphore_mem>>)
      %add3A_71 = arith.constant 4096 : i32
      %add3A_72 = arith.addi %add3A_71, %add3A_18 : i32
      %add3A_73 = arith.constant 8 : i32
      %add3A_74 = arith.addi %add3A_72, %add3A_73 : i32
      %dma_start3A_75 = arith.constant 8 : i32
      %dma_start3A_76 = arith.constant 0 : i32
      %dma_start3A_77 = arith.constant 0 : i32
      %dma_start3A_78 = tpu.memref_slice %arg7[%dma_start3A_75, %dma_start3A_76, %dma_start3A_77] : memref<16x4x200xf32, #tpu.memory_space<vmem>> -> memref<8x4x200xf32, #tpu.memory_space<vmem>>
      %dma_start3A_79 = arith.constant 0 : i32
      %dma_start3A_80 = arith.constant 0 : i32
      %dma_start3A_81 = tpu.memref_slice %arg4[%add3A_74, %dma_start3A_79, %dma_start3A_80] : memref<8192x4x200xf32, #tpu.memory_space<hbm>> -> memref<8x4x200xf32, #tpu.memory_space<hbm>>
      %dma_start3A_82 = arith.constant 0 : i32
      %dma_start3A_83 = arith.constant 0 : i32
      %dma_start3A_84 = tpu.memref_slice %arg4[%add3A_74, %dma_start3A_82, %dma_start3A_83] : memref<8192x4x200xf32, #tpu.memory_space<hbm>> -> memref<8x4x200xf32, #tpu.memory_space<hbm>>
      %dma_start3A_85 = arith.constant 8 : i32
      %dma_start3A_86 = arith.constant 0 : i32
      %dma_start3A_87 = arith.constant 0 : i32
      %dma_start3A_88 = tpu.memref_slice %arg7[%dma_start3A_85, %dma_start3A_86, %dma_start3A_87] : memref<16x4x200xf32, #tpu.memory_space<vmem>> -> memref<8x4x200xf32, #tpu.memory_space<vmem>>
      tpu.enqueue_dma source(%dma_start3A_88 : memref<8x4x200xf32, #tpu.memory_space<vmem>>) target(%dma_start3A_84 : memref<8x4x200xf32, #tpu.memory_space<hbm>>) target_semaphore(%arg19 : memref<!tpu.dma_semaphore, #tpu.memory_space<semaphore_mem>>)
      %dma_wait3A = arith.constant 0 : i32
      %dma_wait3A_89 = arith.constant 0 : i32
      %dma_wait3A_90 = arith.constant 0 : i32
      %dma_wait3A_91 = tpu.memref_slice %arg6[%dma_wait3A, %dma_wait3A_89, %dma_wait3A_90] : memref<16x4x200xf32, #tpu.memory_space<vmem>> -> memref<8x4x200xf32, #tpu.memory_space<vmem>>
      %dma_wait3A_92 = arith.constant 0 : i32
      %dma_wait3A_93 = arith.constant 0 : i32
      %dma_wait3A_94 = tpu.memref_slice %arg4[%add3A_18, %dma_wait3A_92, %dma_wait3A_93] : memref<8192x4x200xf32, #tpu.memory_space<hbm>> -> memref<8x4x200xf32, #tpu.memory_space<hbm>>
      %dma_wait3A_95 = arith.constant 0 : i32
      %dma_wait3A_96 = arith.constant 0 : i32
      %dma_wait3A_97 = tpu.memref_slice %arg4[%add3A_18, %dma_wait3A_95, %dma_wait3A_96] : memref<8192x4x200xf32, #tpu.memory_space<hbm>> -> memref<8x4x200xf32, #tpu.memory_space<hbm>>
      %dma_wait3A_98 = arith.constant 0 : i32
      %dma_wait3A_99 = arith.constant 0 : i32
      %dma_wait3A_100 = arith.constant 0 : i32
      %dma_wait3A_101 = tpu.memref_slice %arg6[%dma_wait3A_98, %dma_wait3A_99, %dma_wait3A_100] : memref<16x4x200xf32, #tpu.memory_space<vmem>> -> memref<8x4x200xf32, #tpu.memory_space<vmem>>
      tpu.wait_dma2 semaphore(%arg16 : memref<!tpu.dma_semaphore, #tpu.memory_space<semaphore_mem>>) src(%dma_wait3A_101 : memref<8x4x200xf32, #tpu.memory_space<vmem>>) dst(%dma_wait3A_97 : memref<8x4x200xf32, #tpu.memory_space<hbm>>)
      %dma_wait3A_102 = arith.constant 0 : i32
      %dma_wait3A_103 = arith.constant 0 : i32
      %dma_wait3A_104 = arith.constant 0 : i32
      %dma_wait3A_105 = tpu.memref_slice %arg7[%dma_wait3A_102, %dma_wait3A_103, %dma_wait3A_104] : memref<16x4x200xf32, #tpu.memory_space<vmem>> -> memref<8x4x200xf32, #tpu.memory_space<vmem>>
      %dma_wait3A_106 = arith.constant 0 : i32
      %dma_wait3A_107 = arith.constant 0 : i32
      %dma_wait3A_108 = tpu.memref_slice %arg4[%add3A_37, %dma_wait3A_106, %dma_wait3A_107] : memref<8192x4x200xf32, #tpu.memory_space<hbm>> -> memref<8x4x200xf32, #tpu.memory_space<hbm>>
      %dma_wait3A_109 = arith.constant 0 : i32
      %dma_wait3A_110 = arith.constant 0 : i32
      %dma_wait3A_111 = tpu.memref_slice %arg4[%add3A_37, %dma_wait3A_109, %dma_wait3A_110] : memref<8192x4x200xf32, #tpu.memory_space<hbm>> -> memref<8x4x200xf32, #tpu.memory_space<hbm>>
      %dma_wait3A_112 = arith.constant 0 : i32
      %dma_wait3A_113 = arith.constant 0 : i32
      %dma_wait3A_114 = arith.constant 0 : i32
      %dma_wait3A_115 = tpu.memref_slice %arg7[%dma_wait3A_112, %dma_wait3A_113, %dma_wait3A_114] : memref<16x4x200xf32, #tpu.memory_space<vmem>> -> memref<8x4x200xf32, #tpu.memory_space<vmem>>
      tpu.wait_dma2 semaphore(%arg17 : memref<!tpu.dma_semaphore, #tpu.memory_space<semaphore_mem>>) src(%dma_wait3A_115 : memref<8x4x200xf32, #tpu.memory_space<vmem>>) dst(%dma_wait3A_111 : memref<8x4x200xf32, #tpu.memory_space<hbm>>)
      %dma_wait3A_116 = arith.constant 8 : i32
      %dma_wait3A_117 = arith.constant 0 : i32
      %dma_wait3A_118 = arith.constant 0 : i32
      %dma_wait3A_119 = tpu.memref_slice %arg6[%dma_wait3A_116, %dma_wait3A_117, %dma_wait3A_118] : memref<16x4x200xf32, #tpu.memory_space<vmem>> -> memref<8x4x200xf32, #tpu.memory_space<vmem>>
      %dma_wait3A_120 = arith.constant 0 : i32
      %dma_wait3A_121 = arith.constant 0 : i32
      %dma_wait3A_122 = tpu.memref_slice %arg4[%add3A_56, %dma_wait3A_120, %dma_wait3A_121] : memref<8192x4x200xf32, #tpu.memory_space<hbm>> -> memref<8x4x200xf32, #tpu.memory_space<hbm>>
      %dma_wait3A_123 = arith.constant 0 : i32
      %dma_wait3A_124 = arith.constant 0 : i32
      %dma_wait3A_125 = tpu.memref_slice %arg4[%add3A_56, %dma_wait3A_123, %dma_wait3A_124] : memref<8192x4x200xf32, #tpu.memory_space<hbm>> -> memref<8x4x200xf32, #tpu.memory_space<hbm>>
      %dma_wait3A_126 = arith.constant 8 : i32
      %dma_wait3A_127 = arith.constant 0 : i32
      %dma_wait3A_128 = arith.constant 0 : i32
      %dma_wait3A_129 = tpu.memref_slice %arg6[%dma_wait3A_126, %dma_wait3A_127, %dma_wait3A_128] : memref<16x4x200xf32, #tpu.memory_space<vmem>> -> memref<8x4x200xf32, #tpu.memory_space<vmem>>
      tpu.wait_dma2 semaphore(%arg18 : memref<!tpu.dma_semaphore, #tpu.memory_space<semaphore_mem>>) src(%dma_wait3A_129 : memref<8x4x200xf32, #tpu.memory_space<vmem>>) dst(%dma_wait3A_125 : memref<8x4x200xf32, #tpu.memory_space<hbm>>)
      %dma_wait3A_130 = arith.constant 8 : i32
      %dma_wait3A_131 = arith.constant 0 : i32
      %dma_wait3A_132 = arith.constant 0 : i32
      %dma_wait3A_133 = tpu.memref_slice %arg7[%dma_wait3A_130, %dma_wait3A_131, %dma_wait3A_132] : memref<16x4x200xf32, #tpu.memory_space<vmem>> -> memref<8x4x200xf32, #tpu.memory_space<vmem>>
      %dma_wait3A_134 = arith.constant 0 : i32
      %dma_wait3A_135 = arith.constant 0 : i32
      %dma_wait3A_136 = tpu.memref_slice %arg4[%add3A_74, %dma_wait3A_134, %dma_wait3A_135] : memref<8192x4x200xf32, #tpu.memory_space<hbm>> -> memref<8x4x200xf32, #tpu.memory_space<hbm>>
      %dma_wait3A_137 = arith.constant 0 : i32
      %dma_wait3A_138 = arith.constant 0 : i32
      %dma_wait3A_139 = tpu.memref_slice %arg4[%add3A_74, %dma_wait3A_137, %dma_wait3A_138] : memref<8192x4x200xf32, #tpu.memory_space<hbm>> -> memref<8x4x200xf32, #tpu.memory_space<hbm>>
      %dma_wait3A_140 = arith.constant 8 : i32
      %dma_wait3A_141 = arith.constant 0 : i32
      %dma_wait3A_142 = arith.constant 0 : i32
      %dma_wait3A_143 = tpu.memref_slice %arg7[%dma_wait3A_140, %dma_wait3A_141, %dma_wait3A_142] : memref<16x4x200xf32, #tpu.memory_space<vmem>> -> memref<8x4x200xf32, #tpu.memory_space<vmem>>
      tpu.wait_dma2 semaphore(%arg19 : memref<!tpu.dma_semaphore, #tpu.memory_space<semaphore_mem>>) src(%dma_wait3A_143 : memref<8x4x200xf32, #tpu.memory_space<vmem>>) dst(%dma_wait3A_139 : memref<8x4x200xf32, #tpu.memory_space<hbm>>)
    }
    %scan3A_12 = arith.constant 8 : i32
    return
  }
}

</mosaic_0001>

<sc_bundles>
// kernel: kernel.3.cloned.1.call-start
scs
__scs_entry_jumppad:
0x0: {  	(pc) =	sbr.rel $0x88, $3  }
0x1: {  	(tag) =	ssettag $0x0;
	lr =	simm.s32 $0x1  }
0x2: {  	[smem:$0x3F9E] =	sst lr;
	_ =	strace $0xD0000000  }
0x3: {  	_ = 	snop  }
0x4: {  	_ = 	snop  }
0x5: {  	_ = 	snop  }
0x6: {  	_ = 	snop  }
0x7: {  	_ = 	snop  }
__scs_overlays_trampoline_lowered:
0x8: {  	[smem:$0x3FAD] =	sst s0  }
0x9: {  	[smem:$0x3FAE] =	sst s1  }
0xa: {  	[smem:$0x3FAF] =	sst s2  }
0xb: {  	[smem:$0x3FB0] =	sst s3  }
0xc: {  	[smem:$0x3FB1] =	sst s4  }
0xd: {  	[smem:$0x3FB2] =	sst s5  }
0xe: {  	[smem:$0x3FB3] =	sst s6  }
0xf: {  	[smem:$0x3FB4] =	sst s7  }
0x10: {  	[smem:$0x3FB5] =	sst s8  }
0x11: {  	[smem:$0x3FB6] =	sst s9;
	s0 =	simm.s32 @!p0 $0x0  }
0x12: {  	s1 =	sld [smem:$0x3F9C];
	s0 =	simm.s32 @p0 $0x1  }
0x13: {  	[smem:$0x3FB7] =	sst s0;
	s0 =	simm.s32 @!p1 $0x0  }
0x14: {  	s2 =	sld [smem:$0x3F9B];
	s0 =	simm.s32 @p1 $0x1  }
0x15: {  	[smem:$0x3FB8] =	sst s0;
	s0 =	simm.s32 @!p2 $0x0  }
0x16: {  	s3 =	sld [smem:$0x3FDB];
	s0 =	simm.s32 @p2 $0x1  }
0x17: {  	s4 =	simm.s32 $0x1BF5;
	[smem:$0x3FBA] =	sst s0  }
0x18: {  	s0 =	sld [smem:$0x3F9D];
	_ =	swait.ge [sflag:s4], $0x0  }
0x19: {  	s7 =	sld [smem:$0x3F9E]  }
0x1a: {  	s8 =	sadd.s32 $0xFFFFE003, lr  }
0x1b: {  	s9 =	sadd.s32 $0xFFFFFEF7, lr;
	s5 =	simm.s32 $0xFFFFFFFF;
	p2 =	slt.u32 s8, $0xFFFFF086  }
0x1c: {  	p1 =	slt.u32 s9, $0xF7A;
	s5 =	simm.s32 @!p2 $0x0  }
0x1d: {  	s5 =	simm.s32 @p1 $0x1;
	p0 =	seq.s32 s7, s2  }
0x1e: {  	s7 =	smul.u32 @!p0 $0xF7A, s2;
	p2 =	seq.s32 @!p0 s5, $0x0  }
0x1f: {  	s9 =	smul.u32 $0xF7A, s1;
	s8 =	simm.s32 @!p0 $0x1BF5;
	p2 =	por !p2, p0  }
0x20: {  	[sflag:s8] =	ssyncset.s32 @!p0 $0xFFFFF086;
	s6 =	sadd.s32 @!p0 s3, s7;
	s7 =	simm.s32 @!p0 $0x108  }
0x21: {  	s3 =	sadd.s32 s3, s9;
	s6 =	sadd.s32 @!p0 $0x88, s6;
	s7 =	simm.s32 @p2 $0x1082  }
0x22: {  	[simem:s7], [sflag:s8] =	dma.local @!p0 [hbm:s6], $0xF7A  }
0x23: {  	s9 =	sor.u32 $0xD0000000, s2;
	s6 =	simm.s32 $0x108;
	_ =	swait.ge @!p0 [sflag:s8], $0x0  }
0x24: {  	s3 =	sadd.s32 $0x88, s3;
	s6 =	simm.s32 @!p1 $0x1082;
	[sflag:s4] =	ssyncset.s32 $0xFFFFF086  }
0x25: {  	[simem:s6], [sflag:s4] =	dma.local [hbm:s3], $0xF7A  }
0x26: {  	[smem:$0x3F9E] =	sst s1;
	(tag) =	ssettag s2;
	_ =	strace s9  }
0x27: {  	s1 =	sld [smem:$0x3FAE]  }
0x28: {  	s2 =	sld [smem:$0x3FAF]  }
0x29: {  	s4 =	sld [smem:$0x3FB1]  }
0x2a: {  	p0 =	seq.s32 s5, $0x0;
	s5 =	sld [smem:$0x3FB2]  }
0x2b: {  	s6 =	sld [smem:$0x3FB3]  }
0x2c: {  	s7 =	sld [smem:$0x3FB4]  }
0x2d: {  	s3 =	simm.s32 $0x108;
	s8 =	sld [smem:$0x3FB5]  }
0x2e: {  	s3 =	simm.s32 @!p0 $0x1082;
	s9 =	sld [smem:$0x3FB6]  }
0x2f: {  	lr =	sadd.s32 s0, s3;
	s0 =	sld [smem:$0x3FAD]  }
0x30: {  	s3 =	sld [smem:$0x3FB0]  }
0x31: {  	[smem:$0x3FB9] =	sst s10  }
0x32: {  	s10 =	sld [smem:$0x3FB7];
	_ =	sdelay $0x3  }
0x33: {  	p0 =	seq.s32 s10, $0x1;
	s10 =	sld [smem:$0x3FB9];
	_ =	sdelay $0x3  }
0x34: {  	[smem:$0x3FB9] =	sst s10  }
0x35: {  	s10 =	sld [smem:$0x3FB8];
	_ =	sdelay $0x3  }
0x36: {  	p1 =	seq.s32 s10, $0x1;
	s10 =	sld [smem:$0x3FB9];
	_ =	sdelay $0x3  }
0x37: {  	[smem:$0x3FB9] =	sst s10  }
0x38: {  	s10 =	sld [smem:$0x3FBA]  }
0x39: {  	_ = 	snop;
	(pc) =	sbr.ind lr, $3  }
0x3a: {  	_ = 	snop  }
0x3b: {  	_ = 	snop  }
0x3c: {  	p2 =	seq.s32 s10, $0x1;
	s10 =	sld [smem:$0x3FB9]  }
0x3d: {  	_ =	shalt  }
0x3e: {  	_ =	shalt  }
0x3f: {  	_ =	shalt  }
0x40: {  	_ =	shalt  }
0x41: {  	_ =	shalt  }
0x42: {  	_ =	shalt  }
0x43: {  	_ =	shalt  }
0x44: {  	_ =	shalt  }
0x45: {  	_ =	shalt  }
0x46: {  	_ =	shalt  }
0x47: {  	_ =	shalt  }
0x48: {  	_ =	shalt  }
0x49: {  	_ =	shalt  }
0x4a: {  	_ =	shalt  }
0x4b: {  	_ =	shalt  }
0x4c: {  	_ =	shalt  }
0x4d: {  	_ =	shalt  }
0x4e: {  	_ =	shalt  }
0x4f: {  	_ =	shalt  }
0x50: {  	_ =	shalt  }
0x51: {  	_ =	shalt  }
0x52: {  	_ =	shalt  }
0x53: {  	_ =	shalt  }
0x54: {  	_ =	shalt  }
0x55: {  	_ =	shalt  }
0x56: {  	_ =	shalt  }
0x57: {  	_ =	shalt  }
0x58: {  	_ =	shalt  }
0x59: {  	_ =	shalt  }
0x5a: {  	_ =	shalt  }
0x5b: {  	_ =	shalt  }
0x5c: {  	_ =	shalt  }
0x5d: {  	_ =	shalt  }
0x5e: {  	_ =	shalt  }
0x5f: {  	_ =	shalt  }
0x60: {  	_ =	shalt  }
0x61: {  	_ =	shalt  }
0x62: {  	_ =	shalt  }
0x63: {  	_ =	shalt  }
0x64: {  	_ =	shalt  }
0x65: {  	_ =	shalt  }
0x66: {  	_ =	shalt  }
0x67: {  	_ =	shalt  }
0x68: {  	_ =	shalt  }
0x69: {  	_ =	shalt  }
0x6a: {  	_ =	shalt  }
0x6b: {  	_ =	shalt  }
0x6c: {  	_ =	shalt  }
0x6d: {  	_ =	shalt  }
0x6e: {  	_ =	shalt  }
0x6f: {  	_ =	shalt  }
0x70: {  	_ =	shalt  }
0x71: {  	_ =	shalt  }
0x72: {  	_ =	shalt  }
0x73: {  	_ =	shalt  }
0x74: {  	_ =	shalt  }
0x75: {  	_ =	shalt  }
0x76: {  	_ =	shalt  }
0x77: {  	_ =	shalt  }
0x78: {  	_ =	shalt  }
0x79: {  	_ =	shalt  }
0x7a: {  	_ =	shalt  }
0x7b: {  	_ =	shalt  }
0x7c: {  	_ =	shalt  }
0x7d: {  	_ =	shalt  }
0x7e: {  	_ =	shalt  }
0x7f: {  	_ =	shalt  }
0x80: {  	_ =	shalt  }
0x81: {  	_ =	shalt  }
0x82: {  	_ =	shalt  }
0x83: {  	_ =	shalt  }
0x84: {  	_ =	shalt  }
0x85: {  	_ =	shalt  }
0x86: {  	_ =	shalt  }
0x87: {  	_ =	shalt  }
.Lfunc_end0:
.L_simem_size_0:
called_computation_lowered:
.L_overlay_start_0:
0x88: {  	s2 =	sld [smem:$0x3FD9]  }
0x89: {  	s3 =	sld [smem:$0x3FFE];
	_ =	sdelay $0x1  }
0x8a: {  	s1 =	srdreg.scid  }
0x8b: {  	s0 =	sand.u32 $0x1, s1  }
0x8c: {  	s17 =	sshll.u32 s0, $0xA;
	s2 =	sadd.s32 s3, s2  }
0x8d: {  	s2 =	sadd.s32 s2, s17  }
0x8e: {  	[smem:$0x3FC5] =	sst s2  }
0x8f: {  	_ = 	snop  }
0x90: {  	s2 =	sld [smem:$0x3FD0];
	(tm) =	ssettm $0x1  }
0x91: {  	s18 =	sld [smem:$0x3FFB];
	_ =	sdelay $0x3  }
0x92: {  	_ =	strace s18  }
0x93: {  	s3 =	sld [smem:$0x3FFC];
	_ =	sdelay $0x3  }
0x94: {  	_ =	strace s3  }
0x95: {  	s3 =	sld [smem:$0x3FFD];
	_ =	sdelay $0x3  }
0x96: {  	_ =	strace s3  }
0x97: {  	_ =	strace $0x8FFFFFFF  }
0x98: {  	s19 =	sld [smem:$0x3FDB];
	_ =	sdelay $0x1  }
0x99: {  	s4 =	simm.s32 $_scs_section_size  }
0x9a: {  	s5 =	simm.s32 $_size__tile_overlayer_lowered;
	s6 =	simm.s32 $_tile_overlayer_lowered  }
0x9b: {  	s22 =	simm.s32 $0x1BFF;
	s21 =	sshll.u32 s6, $0x1;
	s3 =	sadd.s32 s4, s19  }
0x9c: {  	s7 =	simm.s32 $0x0;
	s20 =	sshll.u32 s5, $0x1;
	s5 =	sadd.s32 s21, s3  }
0x9d: {  	[timem:s7], [sflag:s22] =	dma.local [hbm:s5], s20  }
0x9e: {  	_ =	swait.ge [sflag:s22], s20  }
0x9f: {  	s4 =	ssub.s32 $0x0, s20;
	[sflag:s22] =	ssyncset.done $0x0  }
0xa0: {  	[sflag:s22] =	ssyncadd.s32 s4;
	_ =	sdelay $0x1  }
0xa1: {  	s23 =	simm.s32 $0x1B8B  }
0xa2: {  	_ =	swait.ge [sflag:s23], $0x1  }
0xa3: {  	[sflag:s23] =	ssyncset.done $0x0  }
0xa4: {  	s25 =	simm.s32 $0x1B8E;
	s24 =	sld [smem:$0x3FFE];
	[sflag:s23] =	ssyncadd.s32 $0xFFFFFFFF  }
0xa5: {  	s26 =	simm.s32 $execute0_lowered;
	[smem:$0x3FD2] =	sst s25  }
0xa6: {  	s5 =	sshll.u32 s26, $0x1;
	_ =	strace $0x80000046;
	[dreg:$0x1] =	wrdreg $0xFFFFFFFF  }
0xa7: {  	s28 =	simm.s32 $_size_execute0_lowered;
	s3 =	sadd.s32 s3, s5;
	[dreg:$0x0] =	wrdreg $0x0  }
0xa8: {  	s5 =	sshll.u32 s28, $0x1;
	[dreg:$0x2] =	wrdreg s3  }
0xa9: {  	[dreg:$0x3] =	wrdreg s5  }
0xaa: {  	[dreg:$0x4] =	wrdreg $0xC0  }
0xab: {  	_ =	task [dreg:s7], $0x5FFFF  }
0xac: {  	[dreg:$0x1] =	wrdreg $0xFFFFFFFF  }
0xad: {  	[dreg:$0x0] =	wrdreg $0x60  }
0xae: {  	[dreg:$0x2] =	wrdreg s2  }
0xaf: {  	[dreg:$0x3] =	wrdreg s24  }
0xb0: {  	[dreg:$0x4] =	wrdreg $0x9  }
0xb1: {  	_ =	task.clear_ibuf [dreg:s7], $0x5FFFF;
	_ =	strace $0x90000046  }
0xb2: {  	s29 =	simm.s32 $0x9;
	_ =	strace $0x80000048  }
0xb3: {  	_ =	swait.ge [sflag:s29], $0x1  }
0xb4: {  	[sflag:s29] =	ssyncadd.s32 $0xFFFFFFFF  }
0xb5: {  	_ =	strace $0x90000048  }
0xb6: {  	_ =	sfence  }
0xb7: {  	s30 =	sld [smem:$0x0];
	_ =	sdelay $0x2  }
0xb8: {  	s31 =	sshll.u32 s1, $0xD;
	s1 =	sshrl.u32 s1, $0x2  }
0xb9: {  	s3 =	sand.u32 $0x4000, s31;
	s1 =	sadd.s32 s1, s30  }
0xba: {  	s0 =	sor.u32 s3, s0;
	s1 =	sshll.u32 s1, $0x11  }
0xbb: {  	s0 =	sor.u32 s1, s0  }
0xbc: {  	s0 =	sadd.s32 $0x8F2B, s0  }
0xbd: {  	[sflag:s0] =	ssyncadd.remote.s32 $0x1  }
0xbe: {  	_ =	sfence.sel $0xFFFF  }
0xbf: {  	[dreg:$0x0] =	wrdreg $0xFFFFFFFF;
	(pc) =	sbr.abs _section_cstart, $3  }
0xc0: {  	[dreg:$0x1] =	wrdreg $0xFFFFFFFF  }
0xc1: {  	_ =	task.clear_ibuf [dreg:s7], $0x2FFFF;
	_ =	strace $0x9FFFFFFF  }
0xc2: {  	(tm) =	ssettm $0x7FFFFFFF  }
0xc3: {  	_ =	shalt  }
tec
execute0_lowered:
.L_overlay_start_1:
0x0: {  	(tag) =	ssettag $0x1  }
0x1: {  	s0 =	rddreg [dreg:$0x1];
	s2 =	simm.s32 $0x0  }
0x2: {  	s1 =	srdreg.scid;
	s5 =	stileid.u32;
	s18 =	simm.s32 $0x8C80  }
0x3: {  	s19 =	simm.s32 $0x5;
	s6 =	simm.s32 $0x4;
	[smem:$0x7FF] =	sst s2  }
0x4: {  	s1 =	sand.u32 $0x1, s1;
	s3 =	sadd.s32 $0x400, s0;
	s4 =	sadd.s32 $0x600, s0  }
0x5: {  	s22 =	sadd.s32 $0x410, s0;
	_ =	strace $0x80000047;
	[dreg:$0x3] =	wrdreg s3  }
0x6: {  	s23 =	sadd.s32 $0x420, s0;
	s24 =	sadd.s32 $0x430, s0;
	[dreg:$0x4] =	wrdreg s4  }
0x7: {  	s25 =	sadd.s32 $0x440, s0;
	s26 =	sadd.s32 $0x450, s0;
	[dreg:$0x5] =	wrdreg s22  }
0x8: {  	s28 =	sadd.s32 $0x460, s0;
	s29 =	sshll.u32 s5, $0x8;
	[dreg:$0x6] =	wrdreg s23  }
0x9: {  	s30 =	sadd.s32 $0x470, s0;
	s14 =	sadd.s32 $0x80600, s0;
	[dreg:$0x7] =	wrdreg s24  }
0xa: {  	s15 =	sadd.s32 $0xA00, s0;
	s16 =	sadd.s32 $0x80A00, s0;
	[dreg:$0x8] =	wrdreg s25  }
0xb: {  	s0 =	simm.s32 $0x1;
	s5 =	simm.s32 $0x0;
	[dreg:$0x9] =	wrdreg s26  }
0xc: {  	s20 =	ssub.s32 $0x2, s1;
	[dreg:$0xa] =	wrdreg s28;
	s1 =	sshll.u32 s1, $0x7  }
0xd: {  	[dreg:$0xb] =	wrdreg s30;
	s22 =	simm.s32 $0x8E00;
	s23 =	simm.s32 $0x8E80  }
0xe: {  	v0 =	vlaneseq.u32;
	s24 =	simm.s32 $0x8F00;
	s25 =	simm.s32 $0x8F80;
	s21 =	sshrl.u32 s20, $0x1  }
0xf: {  	v1 =	vmul.u32 $0xFFFFFFFF, v0;
	s26 =	simm.s32 $0x9000;
	s4 =	simm.s32 $0x3;
	s3 =	ssub.s32 s20, s21  }
0x10: {  	s13 =	sor.u32 s1, s29;
	s20 =	simm.s32 $0x8D00;
	s31 =	smax.u32 s3, $0x1  }
0x11: {  	v1 =	vadd.s32 $0xF, v1;
	s21 =	simm.s32 $0x8D80;
	s3 =	simm.s32 $0x2;
	[dreg:$0xc] =	wrdreg s31  }
.LBB2_1:
0x12: {  	[dreg:$0xd] =	wrdreg s5  }
0x13: {  	s1 =	rddreg [dreg:$0x3]  }
0x14: {  	[tilespmem:s18], [sflag:$0x5] =	stream.linear.gather [hbm4b:s1+s2], $0x80, $0x38;
	[tilespmem:$0x9080] =	vst v63  }
0x15: {  	_ =	swait.ge [sflag:s19], $0x80  }
0x16: {  	[sflag:s19] =	ssyncset.done $0x0  }
0x17: {  	s11 =	rddreg [dreg:$0x5];
	[sflag:s19] =	ssyncadd.s32 $0xFFFFFF80  }
0x18: {  	[tilespmem:s20], [sflag:$0x5] =	stream.linear.gather [hbm4b:s11+s2], $0x80, $0x38;
	[tilespmem:$0x9080] =	vst v63  }
0x19: {  	_ =	swait.ge [sflag:s19], $0x80  }
0x1a: {  	[sflag:s19] =	ssyncset.done $0x0  }
0x1b: {  	s12 =	rddreg [dreg:$0x6];
	[sflag:s19] =	ssyncadd.s32 $0xFFFFFF80  }
0x1c: {  	[tilespmem:s21], [sflag:$0x5] =	stream.linear.gather [hbm4b:s12+s2], $0x80, $0x38;
	[tilespmem:$0x9080] =	vst v63  }
0x1d: {  	_ =	swait.ge [sflag:s19], $0x80  }
0x1e: {  	[sflag:s19] =	ssyncset.done $0x0  }
0x1f: {  	s17 =	rddreg [dreg:$0x7];
	[sflag:s19] =	ssyncadd.s32 $0xFFFFFF80  }
0x20: {  	[tilespmem:s22], [sflag:$0x5] =	stream.linear.gather [hbm4b:s17+s2], $0x80, $0x38;
	[tilespmem:$0x9080] =	vst v63  }
0x21: {  	_ =	swait.ge [sflag:s19], $0x80  }
0x22: {  	[sflag:s19] =	ssyncset.done $0x0  }
0x23: {  	s28 =	rddreg [dreg:$0x8];
	[sflag:s19] =	ssyncadd.s32 $0xFFFFFF80  }
0x24: {  	[tilespmem:s23], [sflag:$0x5] =	stream.linear.gather [hbm4b:s28+s2], $0x80, $0x38;
	[tilespmem:$0x9080] =	vst v63  }
0x25: {  	_ =	swait.ge [sflag:s19], $0x80  }
0x26: {  	[sflag:s19] =	ssyncset.done $0x0  }
0x27: {  	s29 =	rddreg [dreg:$0x9];
	[sflag:s19] =	ssyncadd.s32 $0xFFFFFF80  }
0x28: {  	[tilespmem:s24], [sflag:$0x5] =	stream.linear.gather [hbm4b:s29+s2], $0x80, $0x38;
	[tilespmem:$0x9080] =	vst v63  }
0x29: {  	_ =	swait.ge [sflag:s19], $0x80  }
0x2a: {  	[sflag:s19] =	ssyncset.done $0x0  }
0x2b: {  	s30 =	rddreg [dreg:$0xa];
	[sflag:s19] =	ssyncadd.s32 $0xFFFFFF80  }
0x2c: {  	[tilespmem:s25], [sflag:$0x5] =	stream.linear.gather [hbm4b:s30+s2], $0x80, $0x38;
	[tilespmem:$0x9080] =	vst v63  }
0x2d: {  	_ =	swait.ge [sflag:s19], $0x80  }
0x2e: {  	[sflag:s19] =	ssyncset.done $0x0  }
0x2f: {  	s31 =	rddreg [dreg:$0xb];
	[sflag:s19] =	ssyncadd.s32 $0xFFFFFF80  }
0x30: {  	[tilespmem:s26], [sflag:$0x5] =	stream.linear.gather [hbm4b:s31+s2], $0x80, $0x38;
	[tilespmem:$0x9080] =	vst v63  }
0x31: {  	_ =	swait.ge [sflag:s19], $0x80  }
0x32: {  	[sflag:s19] =	ssyncset.done $0x0  }
0x33: {  	s8 =	simm.s32 $0x0;
	[sflag:s19] =	ssyncadd.s32 $0xFFFFFF80  }
.LBB2_2:
0x34: {  	s1 =	sshll.u32 s8, $0x4  }
0x35: {  	s9 =	sadd.s32 s13, s1  }
0x36: {  	s1 =	smul.u32 $0x19, s9  }
0x37: {  	s5 =	rddreg [dreg:$0x0]  }
0x38: {  	s7 =	simm.s32 $0x0;
	s1 =	sadd.s32 s5, s1  }
0x39: {  	[tilespmem:s7], [sflag:$0x5] =	stream.linear.gather [hbm4b:s1+s7], $0xC80, $0x38;
	[tilespmem:$0x9080] =	vst v63  }
0x3a: {  	_ =	swait.ge [sflag:s19], $0xC80  }
0x3b: {  	s28 =	smul.u32 $0xC8, s7;
	[sflag:s19] =	ssyncset.done $0x0  }
0x3c: {  	s12 =	sor.u32 $0x1, s7;
	[sflag:s19] =	ssyncadd.s32 $0xFFFFF380  }
0x3d: {  	s29 =	smul.u32 $0xC8, s12;
	v2 =	vld [tilespmem:s28+$0x0];
	_ =	sdelay $0x1  }
0x3e: {  	v3 =	vld [tilespmem:s29+$0x0];
	_ =	sdelay $0x1  }
0x3f: {  	v4 =	vld [tilespmem:s28+$0xB8]  }
0x40: {  	v2 =	vshll.u32 v2, $0x4  }
0x41: {  	v5 =	vld [tilespmem:s29+$0xB8];
	v2 =	vor.u32 v0, v2  }
0x42: {  	v3 =	vshll.u32 v3, $0x4  }
0x43: {  	v3 =	vor.u32 v0, v3  }
0x44: {  	v4 =	vperm.xlane v4, v1;
	_ =	sdelay $0x1  }
0x45: {  	v5 =	vperm.xlane v5, v1;
	v4 =	vshll.u32 v4, $0x4;
	v6 =	vld.idx.msk [tilespmem:v2+s18+$0x0], $0xffff  }
0x46: {  	v4 =	vor.u32 v0, v4  }
0x47: {  	v5 =	vshll.u32 v5, $0x4;
	v7 =	vld.idx.msk [tilespmem:v3+s18+$0x0], $0xffff  }
0x48: {  	v5 =	vor.u32 v0, v5  }
0x49: {  	s11 =	simm.s32 $0x0  }
0x4a: {  	[tilespmem:s11+$0xC80] =	vst v6  }
0x4b: {  	s10 =	sshll.u32 s12, $0xA;
	v6 =	vld.idx.msk [tilespmem:v4+s23+$0x0], $0xffff  }
0x4c: {  	[tilespmem:s10+$0xC80] =	vst v7  }
0x4d: {  	v7 =	vld.idx.msk [tilespmem:v5+s23+$0x0], $0xffff;
	_ =	sdelay $0x2  }
0x4e: {  	[tilespmem:s11+$0x4C80] =	vst v6  }
0x4f: {  	v6 =	vld.idx.msk [tilespmem:v2+s20+$0x0], $0xffff  }
0x50: {  	[tilespmem:s10+$0x4C80] =	vst v7  }
0x51: {  	v7 =	vld.idx.msk [tilespmem:v3+s20+$0x0], $0xffff;
	_ =	sdelay $0x2  }
0x52: {  	[tilespmem:s11+$0xD00] =	vst v6  }
0x53: {  	v6 =	vld.idx.msk [tilespmem:v4+s24+$0x0], $0xffff  }
0x54: {  	[tilespmem:s10+$0xD00] =	vst v7  }
0x55: {  	v7 =	vld.idx.msk [tilespmem:v5+s24+$0x0], $0xffff;
	_ =	sdelay $0x2  }
0x56: {  	[tilespmem:s11+$0x4D00] =	vst v6  }
0x57: {  	v6 =	vld.idx.msk [tilespmem:v2+s21+$0x0], $0xffff  }
0x58: {  	[tilespmem:s10+$0x4D00] =	vst v7  }
0x59: {  	v7 =	vld.idx.msk [tilespmem:v3+s21+$0x0], $0xffff;
	_ =	sdelay $0x2  }
0x5a: {  	[tilespmem:s11+$0xD80] =	vst v6  }
0x5b: {  	v6 =	vld.idx.msk [tilespmem:v4+s25+$0x0], $0xffff  }
0x5c: {  	[tilespmem:s10+$0xD80] =	vst v7  }
0x5d: {  	v7 =	vld.idx.msk [tilespmem:v5+s25+$0x0], $0xffff;
	_ =	sdelay $0x2  }
0x5e: {  	[tilespmem:s11+$0x4D80] =	vst v6  }
0x5f: {  	v2 =	vld.idx.msk [tilespmem:v2+s22+$0x0], $0xffff  }
0x60: {  	[tilespmem:s10+$0x4D80] =	vst v7  }
0x61: {  	v3 =	vld.idx.msk [tilespmem:v3+s22+$0x0], $0xffff;
	_ =	sdelay $0x2  }
0x62: {  	[tilespmem:s11+$0xE00] =	vst v2  }
0x63: {  	v2 =	vld.idx.msk [tilespmem:v4+s26+$0x0], $0xffff  }
0x64: {  	[tilespmem:s10+$0xE00] =	vst v3  }
0x65: {  	v3 =	vld.idx.msk [tilespmem:v5+s26+$0x0], $0xffff;
	_ =	sdelay $0x2  }
0x66: {  	[tilespmem:s11+$0x4E00] =	vst v2  }
0x67: {  	v2 =	vld [tilespmem:s28+$0x10]  }
0x68: {  	[tilespmem:s10+$0x4E00] =	vst v3  }
0x69: {  	v3 =	vld [tilespmem:s29+$0x10];
	_ =	sdelay $0x1  }
0x6a: {  	v4 =	vld [tilespmem:s28+$0xA8]  }
0x6b: {  	v2 =	vshll.u32 v2, $0x4  }
0x6c: {  	v5 =	vld [tilespmem:s29+$0xA8];
	v2 =	vor.u32 v0, v2  }
0x6d: {  	v3 =	vshll.u32 v3, $0x4  }
0x6e: {  	v3 =	vor.u32 v0, v3  }
0x6f: {  	v4 =	vperm.xlane v4, v1;
	_ =	sdelay $0x1  }
0x70: {  	v5 =	vperm.xlane v5, v1;
	v4 =	vshll.u32 v4, $0x4;
	v6 =	vld.idx.msk [tilespmem:v2+s18+$0x0], $0xffff  }
0x71: {  	v4 =	vor.u32 v0, v4  }
0x72: {  	v5 =	vshll.u32 v5, $0x4;
	v7 =	vld.idx.msk [tilespmem:v3+s18+$0x0], $0xffff  }
0x73: {  	v5 =	vor.u32 v0, v5;
	_ =	sdelay $0x1  }
0x74: {  	[tilespmem:s11+$0xC90] =	vst v6  }
0x75: {  	v6 =	vld.idx.msk [tilespmem:v4+s23+$0x0], $0xffff  }
0x76: {  	[tilespmem:s10+$0xC90] =	vst v7  }
0x77: {  	v7 =	vld.idx.msk [tilespmem:v5+s23+$0x0], $0xffff;
	_ =	sdelay $0x2  }
0x78: {  	[tilespmem:s11+$0x4C90] =	vst v6  }
0x79: {  	v6 =	vld.idx.msk [tilespmem:v2+s20+$0x0], $0xffff  }
0x7a: {  	[tilespmem:s10+$0x4C90] =	vst v7  }
0x7b: {  	v7 =	vld.idx.msk [tilespmem:v3+s20+$0x0], $0xffff;
	_ =	sdelay $0x2  }
0x7c: {  	[tilespmem:s11+$0xD10] =	vst v6  }
0x7d: {  	v6 =	vld.idx.msk [tilespmem:v4+s24+$0x0], $0xffff  }
0x7e: {  	[tilespmem:s10+$0xD10] =	vst v7  }
0x7f: {  	v7 =	vld.idx.msk [tilespmem:v5+s24+$0x0], $0xffff;
	_ =	sdelay $0x2  }
0x80: {  	[tilespmem:s11+$0x4D10] =	vst v6  }
0x81: {  	v6 =	vld.idx.msk [tilespmem:v2+s21+$0x0], $0xffff  }
0x82: {  	[tilespmem:s10+$0x4D10] =	vst v7  }
0x83: {  	v7 =	vld.idx.msk [tilespmem:v3+s21+$0x0], $0xffff;
	_ =	sdelay $0x2  }
0x84: {  	[tilespmem:s11+$0xD90] =	vst v6  }
0x85: {  	v6 =	vld.idx.msk [tilespmem:v4+s25+$0x0], $0xffff  }
0x86: {  	[tilespmem:s10+$0xD90] =	vst v7  }
0x87: {  	v7 =	vld.idx.msk [tilespmem:v5+s25+$0x0], $0xffff;
	_ =	sdelay $0x2  }
0x88: {  	[tilespmem:s11+$0x4D90] =	vst v6  }
0x89: {  	v2 =	vld.idx.msk [tilespmem:v2+s22+$0x0], $0xffff  }
0x8a: {  	[tilespmem:s10+$0x4D90] =	vst v7  }
0x8b: {  	v3 =	vld.idx.msk [tilespmem:v3+s22+$0x0], $0xffff;
	_ =	sdelay $0x2  }
0x8c: {  	[tilespmem:s11+$0xE10] =	vst v2  }
0x8d: {  	v2 =	vld.idx.msk [tilespmem:v4+s26+$0x0], $0xffff  }
0x8e: {  	[tilespmem:s10+$0xE10] =	vst v3  }
0x8f: {  	v3 =	vld.idx.msk [tilespmem:v5+s26+$0x0], $0xffff;
	_ =	sdelay $0x2  }
0x90: {  	[tilespmem:s11+$0x4E10] =	vst v2  }
0x91: {  	v2 =	vld [tilespmem:s28+$0x20]  }
0x92: {  	[tilespmem:s10+$0x4E10] =	vst v3  }
0x93: {  	v3 =	vld [tilespmem:s29+$0x20];
	_ =	sdelay $0x1  }
0x94: {  	v4 =	vld [tilespmem:s28+$0x98]  }
0x95: {  	v2 =	vshll.u32 v2, $0x4  }
0x96: {  	v5 =	vld [tilespmem:s29+$0x98];
	v2 =	vor.u32 v0, v2  }
0x97: {  	v3 =	vshll.u32 v3, $0x4  }
0x98: {  	v3 =	vor.u32 v0, v3  }
0x99: {  	v4 =	vperm.xlane v4, v1;
	_ =	sdelay $0x1  }
0x9a: {  	v5 =	vperm.xlane v5, v1;
	v4 =	vshll.u32 v4, $0x4;
	v6 =	vld.idx.msk [tilespmem:v2+s18+$0x0], $0xffff  }
0x9b: {  	v4 =	vor.u32 v0, v4  }
0x9c: {  	v5 =	vshll.u32 v5, $0x4;
	v7 =	vld.idx.msk [tilespmem:v3+s18+$0x0], $0xffff  }
0x9d: {  	v5 =	vor.u32 v0, v5;
	_ =	sdelay $0x1  }
0x9e: {  	[tilespmem:s11+$0xCA0] =	vst v6  }
0x9f: {  	v6 =	vld.idx.msk [tilespmem:v4+s23+$0x0], $0xffff  }
0xa0: {  	[tilespmem:s10+$0xCA0] =	vst v7  }
0xa1: {  	v7 =	vld.idx.msk [tilespmem:v5+s23+$0x0], $0xffff;
	_ =	sdelay $0x2  }
0xa2: {  	[tilespmem:s11+$0x4CA0] =	vst v6  }
0xa3: {  	v6 =	vld.idx.msk [tilespmem:v2+s20+$0x0], $0xffff  }
0xa4: {  	[tilespmem:s10+$0x4CA0] =	vst v7  }
0xa5: {  	v7 =	vld.idx.msk [tilespmem:v3+s20+$0x0], $0xffff;
	_ =	sdelay $0x2  }
0xa6: {  	[tilespmem:s11+$0xD20] =	vst v6  }
0xa7: {  	v6 =	vld.idx.msk [tilespmem:v4+s24+$0x0], $0xffff  }
0xa8: {  	[tilespmem:s10+$0xD20] =	vst v7  }
0xa9: {  	v7 =	vld.idx.msk [tilespmem:v5+s24+$0x0], $0xffff;
	_ =	sdelay $0x2  }
0xaa: {  	[tilespmem:s11+$0x4D20] =	vst v6  }
0xab: {  	v6 =	vld.idx.msk [tilespmem:v2+s21+$0x0], $0xffff  }
0xac: {  	[tilespmem:s10+$0x4D20] =	vst v7  }
0xad: {  	v7 =	vld.idx.msk [tilespmem:v3+s21+$0x0], $0xffff;
	_ =	sdelay $0x2  }
0xae: {  	[tilespmem:s11+$0xDA0] =	vst v6  }
0xaf: {  	v6 =	vld.idx.msk [tilespmem:v4+s25+$0x0], $0xffff  }
0xb0: {  	[tilespmem:s10+$0xDA0] =	vst v7  }
0xb1: {  	v7 =	vld.idx.msk [tilespmem:v5+s25+$0x0], $0xffff;
	_ =	sdelay $0x2  }
0xb2: {  	[tilespmem:s11+$0x4DA0] =	vst v6  }
0xb3: {  	v2 =	vld.idx.msk [tilespmem:v2+s22+$0x0], $0xffff  }
0xb4: {  	[tilespmem:s10+$0x4DA0] =	vst v7  }
0xb5: {  	v3 =	vld.idx.msk [tilespmem:v3+s22+$0x0], $0xffff;
	_ =	sdelay $0x2  }
0xb6: {  	[tilespmem:s11+$0xE20] =	vst v2  }
0xb7: {  	v2 =	vld.idx.msk [tilespmem:v4+s26+$0x0], $0xffff  }
0xb8: {  	[tilespmem:s10+$0xE20] =	vst v3  }
0xb9: {  	v3 =	vld.idx.msk [tilespmem:v5+s26+$0x0], $0xffff;
	_ =	sdelay $0x2  }
0xba: {  	[tilespmem:s11+$0x4E20] =	vst v2  }
0xbb: {  	v2 =	vld [tilespmem:s28+$0x30]  }
0xbc: {  	[tilespmem:s10+$0x4E20] =	vst v3  }
0xbd: {  	v3 =	vld [tilespmem:s29+$0x30];
	_ =	sdelay $0x1  }
0xbe: {  	v4 =	vld [tilespmem:s28+$0x88]  }
0xbf: {  	v2 =	vshll.u32 v2, $0x4  }
0xc0: {  	v5 =	vld [tilespmem:s29+$0x88];
	v2 =	vor.u32 v0, v2  }
0xc1: {  	v3 =	vshll.u32 v3, $0x4  }
0xc2: {  	v3 =	vor.u32 v0, v3  }
0xc3: {  	v4 =	vperm.xlane v4, v1;
	_ =	sdelay $0x1  }
0xc4: {  	v5 =	vperm.xlane v5, v1;
	v4 =	vshll.u32 v4, $0x4;
	v6 =	vld.idx.msk [tilespmem:v2+s18+$0x0], $0xffff  }
0xc5: {  	v4 =	vor.u32 v0, v4  }
0xc6: {  	v5 =	vshll.u32 v5, $0x4;
	v7 =	vld.idx.msk [tilespmem:v3+s18+$0x0], $0xffff  }
0xc7: {  	v5 =	vor.u32 v0, v5;
	_ =	sdelay $0x1  }
0xc8: {  	[tilespmem:s11+$0xCB0] =	vst v6  }
0xc9: {  	v6 =	vld.idx.msk [tilespmem:v4+s23+$0x0], $0xffff  }
0xca: {  	[tilespmem:s10+$0xCB0] =	vst v7  }
0xcb: {  	v7 =	vld.idx.msk [tilespmem:v5+s23+$0x0], $0xffff;
	_ =	sdelay $0x2  }
0xcc: {  	[tilespmem:s11+$0x4CB0] =	vst v6  }
0xcd: {  	v6 =	vld.idx.msk [tilespmem:v2+s20+$0x0], $0xffff  }
0xce: {  	[tilespmem:s10+$0x4CB0] =	vst v7  }
0xcf: {  	v7 =	vld.idx.msk [tilespmem:v3+s20+$0x0], $0xffff;
	_ =	sdelay $0x2  }
0xd0: {  	[tilespmem:s11+$0xD30] =	vst v6  }
0xd1: {  	v6 =	vld.idx.msk [tilespmem:v4+s24+$0x0], $0xffff  }
0xd2: {  	[tilespmem:s10+$0xD30] =	vst v7  }
0xd3: {  	v7 =	vld.idx.msk [tilespmem:v5+s24+$0x0], $0xffff;
	_ =	sdelay $0x2  }
0xd4: {  	[tilespmem:s11+$0x4D30] =	vst v6  }
0xd5: {  	v6 =	vld.idx.msk [tilespmem:v2+s21+$0x0], $0xffff  }
0xd6: {  	[tilespmem:s10+$0x4D30] =	vst v7  }
0xd7: {  	v7 =	vld.idx.msk [tilespmem:v3+s21+$0x0], $0xffff;
	_ =	sdelay $0x2  }
0xd8: {  	[tilespmem:s11+$0xDB0] =	vst v6  }
0xd9: {  	v6 =	vld.idx.msk [tilespmem:v4+s25+$0x0], $0xffff  }
0xda: {  	[tilespmem:s10+$0xDB0] =	vst v7  }
0xdb: {  	v7 =	vld.idx.msk [tilespmem:v5+s25+$0x0], $0xffff;
	_ =	sdelay $0x2  }
0xdc: {  	[tilespmem:s11+$0x4DB0] =	vst v6  }
0xdd: {  	v2 =	vld.idx.msk [tilespmem:v2+s22+$0x0], $0xffff  }
0xde: {  	[tilespmem:s10+$0x4DB0] =	vst v7  }
0xdf: {  	v3 =	vld.idx.msk [tilespmem:v3+s22+$0x0], $0xffff;
	_ =	sdelay $0x2  }
0xe0: {  	[tilespmem:s11+$0xE30] =	vst v2  }
0xe1: {  	v2 =	vld.idx.msk [tilespmem:v4+s26+$0x0], $0xffff  }
0xe2: {  	[tilespmem:s10+$0xE30] =	vst v3  }
0xe3: {  	v3 =	vld.idx.msk [tilespmem:v5+s26+$0x0], $0xffff;
	_ =	sdelay $0x2  }
0xe4: {  	[tilespmem:s11+$0x4E30] =	vst v2  }
0xe5: {  	v2 =	vld [tilespmem:s28+$0x40]  }
0xe6: {  	[tilespmem:s10+$0x4E30] =	vst v3  }
0xe7: {  	v3 =	vld [tilespmem:s29+$0x40];
	_ =	sdelay $0x1  }
0xe8: {  	v4 =	vld [tilespmem:s28+$0x78]  }
0xe9: {  	v2 =	vshll.u32 v2, $0x4  }
0xea: {  	v5 =	vld [tilespmem:s29+$0x78];
	v2 =	vor.u32 v0, v2  }
0xeb: {  	v3 =	vshll.u32 v3, $0x4  }
0xec: {  	v3 =	vor.u32 v0, v3  }
0xed: {  	v4 =	vperm.xlane v4, v1;
	_ =	sdelay $0x1  }
0xee: {  	v5 =	vperm.xlane v5, v1;
	v4 =	vshll.u32 v4, $0x4;
	v6 =	vld.idx.msk [tilespmem:v2+s18+$0x0], $0xffff  }
0xef: {  	v4 =	vor.u32 v0, v4  }
0xf0: {  	v5 =	vshll.u32 v5, $0x4;
	v7 =	vld.idx.msk [tilespmem:v3+s18+$0x0], $0xffff  }
0xf1: {  	v5 =	vor.u32 v0, v5;
	_ =	sdelay $0x1  }
0xf2: {  	[tilespmem:s11+$0xCC0] =	vst v6  }
0xf3: {  	v6 =	vld.idx.msk [tilespmem:v4+s23+$0x0], $0xffff  }
0xf4: {  	[tilespmem:s10+$0xCC0] =	vst v7  }
0xf5: {  	v7 =	vld.idx.msk [tilespmem:v5+s23+$0x0], $0xffff;
	_ =	sdelay $0x2  }
0xf6: {  	[tilespmem:s11+$0x4CC0] =	vst v6  }
0xf7: {  	v6 =	vld.idx.msk [tilespmem:v2+s20+$0x0], $0xffff  }
0xf8: {  	[tilespmem:s10+$0x4CC0] =	vst v7  }
0xf9: {  	v7 =	vld.idx.msk [tilespmem:v3+s20+$0x0], $0xffff;
	_ =	sdelay $0x2  }
0xfa: {  	[tilespmem:s11+$0xD40] =	vst v6  }
0xfb: {  	v6 =	vld.idx.msk [tilespmem:v4+s24+$0x0], $0xffff  }
0xfc: {  	[tilespmem:s10+$0xD40] =	vst v7  }
0xfd: {  	v7 =	vld.idx.msk [tilespmem:v5+s24+$0x0], $0xffff;
	_ =	sdelay $0x2  }
0xfe: {  	[tilespmem:s11+$0x4D40] =	vst v6  }
0xff: {  	v6 =	vld.idx.msk [tilespmem:v2+s21+$0x0], $0xffff  }
0x100: {  	[tilespmem:s10+$0x4D40] =	vst v7  }
0x101: {  	v7 =	vld.idx.msk [tilespmem:v3+s21+$0x0], $0xffff;
	_ =	sdelay $0x2  }
0x102: {  	[tilespmem:s11+$0xDC0] =	vst v6  }
0x103: {  	v6 =	vld.idx.msk [tilespmem:v4+s25+$0x0], $0xffff  }
0x104: {  	[tilespmem:s10+$0xDC0] =	vst v7  }
0x105: {  	v7 =	vld.idx.msk [tilespmem:v5+s25+$0x0], $0xffff;
	_ =	sdelay $0x2  }
0x106: {  	[tilespmem:s11+$0x4DC0] =	vst v6  }
0x107: {  	v2 =	vld.idx.msk [tilespmem:v2+s22+$0x0], $0xffff  }
0x108: {  	[tilespmem:s10+$0x4DC0] =	vst v7  }
0x109: {  	v3 =	vld.idx.msk [tilespmem:v3+s22+$0x0], $0xffff;
	_ =	sdelay $0x2  }
0x10a: {  	[tilespmem:s11+$0xE40] =	vst v2  }
0x10b: {  	v2 =	vld.idx.msk [tilespmem:v4+s26+$0x0], $0xffff  }
0x10c: {  	[tilespmem:s10+$0xE40] =	vst v3  }
0x10d: {  	v3 =	vld.idx.msk [tilespmem:v5+s26+$0x0], $0xffff;
	_ =	sdelay $0x2  }
0x10e: {  	[tilespmem:s11+$0x4E40] =	vst v2  }
0x10f: {  	v2 =	vld [tilespmem:s28+$0x50]  }
0x110: {  	[tilespmem:s10+$0x4E40] =	vst v3  }
0x111: {  	v3 =	vld [tilespmem:s29+$0x50];
	_ =	sdelay $0x1  }
0x112: {  	v4 =	vld [tilespmem:s28+$0x68]  }
0x113: {  	v2 =	vshll.u32 v2, $0x4  }
0x114: {  	v5 =	vld [tilespmem:s29+$0x68];
	v2 =	vor.u32 v0, v2  }
0x115: {  	v3 =	vshll.u32 v3, $0x4  }
0x116: {  	v3 =	vor.u32 v0, v3  }
0x117: {  	v4 =	vperm.xlane v4, v1;
	_ =	sdelay $0x1  }
0x118: {  	v5 =	vperm.xlane v5, v1;
	v4 =	vshll.u32 v4, $0x4;
	v6 =	vld.idx.msk [tilespmem:v2+s18+$0x0], $0xffff  }
0x119: {  	v4 =	vor.u32 v0, v4  }
0x11a: {  	v5 =	vshll.u32 v5, $0x4;
	v7 =	vld.idx.msk [tilespmem:v3+s18+$0x0], $0xffff  }
0x11b: {  	v5 =	vor.u32 v0, v5;
	_ =	sdelay $0x1  }
0x11c: {  	[tilespmem:s11+$0xCD0] =	vst v6  }
0x11d: {  	v6 =	vld.idx.msk [tilespmem:v4+s23+$0x0], $0xffff  }
0x11e: {  	[tilespmem:s10+$0xCD0] =	vst v7  }
0x11f: {  	v7 =	vld.idx.msk [tilespmem:v5+s23+$0x0], $0xffff;
	_ =	sdelay $0x2  }
0x120: {  	[tilespmem:s11+$0x4CD0] =	vst v6  }
0x121: {  	v6 =	vld.idx.msk [tilespmem:v2+s20+$0x0], $0xffff  }
0x122: {  	[tilespmem:s10+$0x4CD0] =	vst v7  }
0x123: {  	v7 =	vld.idx.msk [tilespmem:v3+s20+$0x0], $0xffff;
	_ =	sdelay $0x2  }
0x124: {  	[tilespmem:s11+$0xD50] =	vst v6  }
0x125: {  	v6 =	vld.idx.msk [tilespmem:v4+s24+$0x0], $0xffff  }
0x126: {  	[tilespmem:s10+$0xD50] =	vst v7  }
0x127: {  	v7 =	vld.idx.msk [tilespmem:v5+s24+$0x0], $0xffff;
	_ =	sdelay $0x2  }
0x128: {  	[tilespmem:s11+$0x4D50] =	vst v6  }
0x129: {  	v6 =	vld.idx.msk [tilespmem:v2+s21+$0x0], $0xffff  }
0x12a: {  	[tilespmem:s10+$0x4D50] =	vst v7  }
0x12b: {  	v7 =	vld.idx.msk [tilespmem:v3+s21+$0x0], $0xffff;
	_ =	sdelay $0x2  }
0x12c: {  	[tilespmem:s11+$0xDD0] =	vst v6  }
0x12d: {  	v6 =	vld.idx.msk [tilespmem:v4+s25+$0x0], $0xffff  }
0x12e: {  	[tilespmem:s10+$0xDD0] =	vst v7  }
0x12f: {  	v7 =	vld.idx.msk [tilespmem:v5+s25+$0x0], $0xffff;
	_ =	sdelay $0x2  }
0x130: {  	[tilespmem:s11+$0x4DD0] =	vst v6  }
0x131: {  	v2 =	vld.idx.msk [tilespmem:v2+s22+$0x0], $0xffff  }
0x132: {  	[tilespmem:s10+$0x4DD0] =	vst v7  }
0x133: {  	v3 =	vld.idx.msk [tilespmem:v3+s22+$0x0], $0xffff;
	_ =	sdelay $0x2  }
0x134: {  	[tilespmem:s11+$0xE50] =	vst v2  }
0x135: {  	v2 =	vld.idx.msk [tilespmem:v4+s26+$0x0], $0xffff  }
0x136: {  	[tilespmem:s10+$0xE50] =	vst v3  }
0x137: {  	v3 =	vld.idx.msk [tilespmem:v5+s26+$0x0], $0xffff;
	_ =	sdelay $0x2  }
0x138: {  	[tilespmem:s11+$0x4E50] =	vst v2  }
0x139: {  	v2 =	vld [tilespmem:s28+$0x60]  }
0x13a: {  	[tilespmem:s10+$0x4E50] =	vst v3  }
0x13b: {  	v3 =	vld [tilespmem:s29+$0x60];
	_ =	sdelay $0x1  }
0x13c: {  	v4 =	vld [tilespmem:s28+$0x58]  }
0x13d: {  	v2 =	vshll.u32 v2, $0x4  }
0x13e: {  	v5 =	vld [tilespmem:s29+$0x58];
	v2 =	vor.u32 v0, v2  }
0x13f: {  	v3 =	vshll.u32 v3, $0x4  }
0x140: {  	v3 =	vor.u32 v0, v3  }
0x141: {  	v4 =	vperm.xlane v4, v1;
	_ =	sdelay $0x1  }
0x142: {  	v5 =	vperm.xlane v5, v1;
	v4 =	vshll.u32 v4, $0x4;
	v6 =	vld.idx.msk [tilespmem:v2+s18+$0x0], $0xffff  }
0x143: {  	v4 =	vor.u32 v0, v4  }
0x144: {  	v5 =	vshll.u32 v5, $0x4;
	v7 =	vld.idx.msk [tilespmem:v3+s18+$0x0], $0xffff  }
0x145: {  	v5 =	vor.u32 v0, v5;
	_ =	sdelay $0x1  }
0x146: {  	[tilespmem:s11+$0xCE0] =	vst v6  }
0x147: {  	v6 =	vld.idx.msk [tilespmem:v4+s23+$0x0], $0xffff  }
0x148: {  	[tilespmem:s10+$0xCE0] =	vst v7  }
0x149: {  	v7 =	vld.idx.msk [tilespmem:v5+s23+$0x0], $0xffff;
	_ =	sdelay $0x2  }
0x14a: {  	[tilespmem:s11+$0x4CE0] =	vst v6  }
0x14b: {  	v6 =	vld.idx.msk [tilespmem:v2+s20+$0x0], $0xffff  }
0x14c: {  	[tilespmem:s10+$0x4CE0] =	vst v7  }
0x14d: {  	v7 =	vld.idx.msk [tilespmem:v3+s20+$0x0], $0xffff;
	_ =	sdelay $0x1  }
0x14e: {  	s17 =	simm.s32 $0x2  }
0x14f: {  	s30 =	sor.u32 $0x1, s17;
	s12 =	smul.u32 $0xC8, s17;
	[tilespmem:s11+$0xD60] =	vst v6  }
0x150: {  	s17 =	smul.u32 $0xC8, s30;
	v6 =	vld.idx.msk [tilespmem:v4+s24+$0x0], $0xffff  }
0x151: {  	[tilespmem:s10+$0xD60] =	vst v7;
	v7 =	vld [tilespmem:s12+$0x0]  }
0x152: {  	v9 =	vld [tilespmem:s17+$0x0]  }
0x153: {  	v8 =	vld.idx.msk [tilespmem:v5+s24+$0x0], $0xffff;
	_ =	sdelay $0x1  }
0x154: {  	[tilespmem:s11+$0x4D60] =	vst v6;
	v6 =	vld [tilespmem:s12+$0xB8]  }
0x155: {  	v11 =	vld [tilespmem:s17+$0xB8];
	v7 =	vshll.u32 v7, $0x4  }
0x156: {  	v7 =	vor.u32 v0, v7;
	v10 =	vld.idx.msk [tilespmem:v2+s21+$0x0], $0xffff  }
0x157: {  	[tilespmem:s10+$0x4D60] =	vst v8;
	v8 =	vshll.u32 v9, $0x4  }
0x158: {  	v9 =	vld.idx.msk [tilespmem:v3+s21+$0x0], $0xffff;
	v8 =	vor.u32 v0, v8  }
0x159: {  	v6 =	vperm.xlane v6, v1;
	_ =	sdelay $0x1  }
0x15a: {  	v11 =	vperm.xlane v11, v1;
	[tilespmem:s11+$0xDE0] =	vst v10;
	v10 =	vld.idx.msk [tilespmem:v7+s18+$0x0], $0xffff;
	v6 =	vshll.u32 v6, $0x4  }
0x15b: {  	v12 =	vld.idx.msk [tilespmem:v4+s25+$0x0], $0xffff;
	v6 =	vor.u32 v0, v6  }
0x15c: {  	v11 =	vshll.u32 v11, $0x4;
	[tilespmem:s10+$0xDE0] =	vst v9;
	v9 =	vld.idx.msk [tilespmem:v8+s18+$0x0], $0xffff  }
0x15d: {  	v11 =	vor.u32 v0, v11;
	v13 =	vld.idx.msk [tilespmem:v5+s25+$0x0], $0xffff  }
0x15e: {  	s1 =	simm.s32 $0x800  }
0x15f: {  	[tilespmem:s1+$0xC80] =	vst v10  }
0x160: {  	s7 =	sshll.u32 s30, $0xA;
	[tilespmem:s11+$0x4DE0] =	vst v12;
	v10 =	vld.idx.msk [tilespmem:v6+s23+$0x0], $0xffff  }
0x161: {  	[tilespmem:s7+$0xC80] =	vst v9;
	v2 =	vld.idx.msk [tilespmem:v2+s22+$0x0], $0xffff  }
0x162: {  	v9 =	vld.idx.msk [tilespmem:v11+s23+$0x0], $0xffff;
	[tilespmem:s10+$0x4DE0] =	vst v13  }
0x163: {  	v3 =	vld.idx.msk [tilespmem:v3+s22+$0x0], $0xffff;
	_ =	sdelay $0x1  }
0x164: {  	[tilespmem:s1+$0x4C80] =	vst v10  }
0x165: {  	[tilespmem:s11+$0xE60] =	vst v2;
	v10 =	vld.idx.msk [tilespmem:v7+s20+$0x0], $0xffff  }
0x166: {  	[tilespmem:s7+$0x4C80] =	vst v9;
	v2 =	vld.idx.msk [tilespmem:v4+s26+$0x0], $0xffff  }
0x167: {  	[tilespmem:s10+$0xE60] =	vst v3;
	v4 =	vld.idx.msk [tilespmem:v8+s20+$0x0], $0xffff  }
0x168: {  	v3 =	vld.idx.msk [tilespmem:v5+s26+$0x0], $0xffff;
	_ =	sdelay $0x1  }
0x169: {  	[tilespmem:s1+$0xD00] =	vst v10  }
0x16a: {  	[tilespmem:s11+$0x4E60] =	vst v2;
	v5 =	vld.idx.msk [tilespmem:v6+s24+$0x0], $0xffff  }
0x16b: {  	[tilespmem:s7+$0xD00] =	vst v4;
	v2 =	vld [tilespmem:s28+$0x70]  }
0x16c: {  	[tilespmem:s10+$0x4E60] =	vst v3;
	v4 =	vld.idx.msk [tilespmem:v11+s24+$0x0], $0xffff  }
0x16d: {  	v3 =	vld [tilespmem:s29+$0x70];
	_ =	sdelay $0x1  }
0x16e: {  	v9 =	vld [tilespmem:s28+$0x48];
	[tilespmem:s1+$0x4D00] =	vst v5  }
0x16f: {  	v5 =	vld.idx.msk [tilespmem:v7+s21+$0x0], $0xffff  }
0x170: {  	v10 =	vld [tilespmem:s29+$0x48];
	v2 =	vshll.u32 v2, $0x4  }
0x171: {  	[tilespmem:s7+$0x4D00] =	vst v4;
	v3 =	vshll.u32 v3, $0x4;
	v2 =	vor.u32 v0, v2  }
0x172: {  	v4 =	vld.idx.msk [tilespmem:v8+s21+$0x0], $0xffff;
	v3 =	vor.u32 v0, v3;
	_ =	sdelay $0x1  }
0x173: {  	v9 =	vperm.xlane v9, v1;
	[tilespmem:s1+$0xD80] =	vst v5  }
0x174: {  	v10 =	vperm.xlane v10, v1;
	v5 =	vld.idx.msk [tilespmem:v6+s25+$0x0], $0xffff  }
0x175: {  	v9 =	vshll.u32 v9, $0x4;
	v12 =	vld.idx.msk [tilespmem:v2+s18+$0x0], $0xffff  }
0x176: {  	v10 =	vshll.u32 v10, $0x4;
	v9 =	vor.u32 v0, v9;
	[tilespmem:s7+$0xD80] =	vst v4;
	v4 =	vld.idx.msk [tilespmem:v3+s18+$0x0], $0xffff  }
0x177: {  	v10 =	vor.u32 v0, v10;
	v50 =	vld.idx.msk [tilespmem:v11+s25+$0x0], $0xffff;
	_ =	sdelay $0x1  }
0x178: {  	[tilespmem:s1+$0x4D80] =	vst v5  }
0x179: {  	[tilespmem:s11+$0xCF0] =	vst v12;
	v5 =	vld.idx.msk [tilespmem:v7+s22+$0x0], $0xffff  }
0x17a: {  	[tilespmem:s10+$0xCF0] =	vst v4;
	v12 =	vld.idx.msk [tilespmem:v9+s23+$0x0], $0xffff  }
0x17b: {  	[tilespmem:s7+$0x4D80] =	vst v50;
	v4 =	vld.idx.msk [tilespmem:v10+s23+$0x0], $0xffff  }
0x17c: {  	v7 =	vld.idx.msk [tilespmem:v8+s22+$0x0], $0xffff;
	_ =	sdelay $0x1  }
0x17d: {  	[tilespmem:s1+$0xE00] =	vst v5  }
0x17e: {  	[tilespmem:s11+$0x4CF0] =	vst v12;
	v5 =	vld.idx.msk [tilespmem:v6+s26+$0x0], $0xffff  }
0x17f: {  	[tilespmem:s10+$0x4CF0] =	vst v4;
	v8 =	vld.idx.msk [tilespmem:v2+s20+$0x0], $0xffff  }
0x180: {  	[tilespmem:s7+$0xE00] =	vst v7;
	v4 =	vld.idx.msk [tilespmem:v3+s20+$0x0], $0xffff  }
0x181: {  	v6 =	vld.idx.msk [tilespmem:v11+s26+$0x0], $0xffff;
	_ =	sdelay $0x1  }
0x182: {  	[tilespmem:s1+$0x4E00] =	vst v5  }
0x183: {  	[tilespmem:s11+$0xD70] =	vst v8;
	v5 =	vld [tilespmem:s12+$0x10]  }
0x184: {  	[tilespmem:s10+$0xD70] =	vst v4;
	v7 =	vld.idx.msk [tilespmem:v9+s24+$0x0], $0xffff  }
0x185: {  	[tilespmem:s7+$0x4E00] =	vst v6;
	v4 =	vld.idx.msk [tilespmem:v10+s24+$0x0], $0xffff  }
0x186: {  	v6 =	vld [tilespmem:s17+$0x10]  }
0x187: {  	v8 =	vld [tilespmem:s12+$0xA8]  }
0x188: {  	v5 =	vshll.u32 v5, $0x4  }
0x189: {  	v11 =	vld [tilespmem:s17+$0xA8];
	[tilespmem:s11+$0x4D70] =	vst v7;
	v5 =	vor.u32 v0, v5  }
0x18a: {  	v7 =	vld.idx.msk [tilespmem:v2+s21+$0x0], $0xffff  }
0x18b: {  	v6 =	vshll.u32 v6, $0x4  }
0x18c: {  	[tilespmem:s10+$0x4D70] =	vst v4;
	v8 =	vperm.xlane v8, v1;
	v4 =	vor.u32 v0, v6  }
0x18d: {  	v6 =	vld.idx.msk [tilespmem:v3+s21+$0x0], $0xffff  }
0x18e: {  	v8 =	vshll.u32 v8, $0x4;
	v51 =	vld.idx.msk [tilespmem:v5+s18+$0x0], $0xffff  }
0x18f: {  	v8 =	vor.u32 v0, v8;
	[tilespmem:s11+$0xDF0] =	vst v7;
	v7 =	vperm.xlane v11, v1  }
0x190: {  	v11 =	vld.idx.msk [tilespmem:v9+s25+$0x0], $0xffff  }
0x191: {  	v13 =	vld.idx.msk [tilespmem:v4+s18+$0x0], $0xffff;
	v7 =	vshll.u32 v7, $0x4  }
0x192: {  	[tilespmem:s10+$0xDF0] =	vst v6;
	v6 =	vor.u32 v0, v7  }
0x193: {  	v7 =	vld.idx.msk [tilespmem:v10+s25+$0x0], $0xffff;
	[tilespmem:s1+$0xC90] =	vst v51  }
0x194: {  	v12 =	vld.idx.msk [tilespmem:v8+s23+$0x0], $0xffff  }
0x195: {  	[tilespmem:s11+$0x4DF0] =	vst v11  }
0x196: {  	[tilespmem:s7+$0xC90] =	vst v13;
	v2 =	vld.idx.msk [tilespmem:v2+s22+$0x0], $0xffff  }
0x197: {  	v11 =	vld.idx.msk [tilespmem:v6+s23+$0x0], $0xffff  }
0x198: {  	[tilespmem:s10+$0x4DF0] =	vst v7  }
0x199: {  	v3 =	vld.idx.msk [tilespmem:v3+s22+$0x0], $0xffff;
	[tilespmem:s1+$0x4C90] =	vst v12  }
0x19a: {  	v7 =	vld.idx.msk [tilespmem:v5+s20+$0x0], $0xffff  }
0x19b: {  	[tilespmem:s11+$0xE70] =	vst v2  }
0x19c: {  	[tilespmem:s7+$0x4C90] =	vst v11;
	v2 =	vld.idx.msk [tilespmem:v9+s26+$0x0], $0xffff  }
0x19d: {  	v9 =	vld.idx.msk [tilespmem:v4+s20+$0x0], $0xffff  }
0x19e: {  	[tilespmem:s10+$0xE70] =	vst v3  }
0x19f: {  	v3 =	vld.idx.msk [tilespmem:v10+s26+$0x0], $0xffff;
	[tilespmem:s1+$0xD10] =	vst v7  }
0x1a0: {  	v7 =	vld.idx.msk [tilespmem:v8+s24+$0x0], $0xffff  }
0x1a1: {  	s30 =	sand.u32 $0x7F0, s28;
	[tilespmem:s11+$0x4E70] =	vst v2  }
0x1a2: {  	[tilespmem:s7+$0xD10] =	vst v9;
	v2 =	vld [tilespmem:s30+$0x80]  }
0x1a3: {  	v9 =	vld.idx.msk [tilespmem:v6+s24+$0x0], $0xffff  }
0x1a4: {  	s31 =	sand.u32 $0x7F8, s29;
	v10 =	vld [tilespmem:s28+$0x38];
	[tilespmem:s10+$0x4E70] =	vst v3  }
0x1a5: {  	v3 =	vld [tilespmem:s31+$0x80];
	[tilespmem:s1+$0x4D10] =	vst v7  }
0x1a6: {  	v7 =	vld.idx.msk [tilespmem:v5+s21+$0x0], $0xffff  }
0x1a7: {  	v2 =	vshll.u32 v2, $0x4  }
0x1a8: {  	v11 =	vld [tilespmem:s29+$0x38];
	v2 =	vor.u32 v0, v2;
	[tilespmem:s7+$0x4D10] =	vst v9  }
0x1a9: {  	v9 =	vld.idx.msk [tilespmem:v4+s21+$0x0], $0xffff  }
0x1aa: {  	v3 =	vshll.u32 v3, $0x4  }
0x1ab: {  	v10 =	vperm.xlane v10, v1;
	v3 =	vor.u32 v0, v3;
	[tilespmem:s1+$0xD90] =	vst v7  }
0x1ac: {  	v7 =	vld.idx.msk [tilespmem:v8+s25+$0x0], $0xffff  }
0x1ad: {  	v10 =	vshll.u32 v10, $0x4;
	v52 =	vld.idx.msk [tilespmem:v2+s18+$0x0], $0xffff  }
0x1ae: {  	v11 =	vperm.xlane v11, v1;
	v10 =	vor.u32 v0, v10;
	[tilespmem:s7+$0xD90] =	vst v9  }
0x1af: {  	v13 =	vld.idx.msk [tilespmem:v6+s25+$0x0], $0xffff  }
0x1b0: {  	v11 =	vshll.u32 v11, $0x4;
	v9 =	vld.idx.msk [tilespmem:v3+s18+$0x0], $0xffff  }
0x1b1: {  	v11 =	vor.u32 v0, v11;
	[tilespmem:s1+$0x4D90] =	vst v7  }
0x1b2: {  	[tilespmem:s11+$0xE80] =	vst v52;
	v5 =	vld.idx.msk [tilespmem:v5+s22+$0x0], $0xffff  }
0x1b3: {  	v12 =	vld.idx.msk [tilespmem:v10+s23+$0x0], $0xffff  }
0x1b4: {  	[tilespmem:s7+$0x4D90] =	vst v13  }
0x1b5: {  	[tilespmem:s10+$0xE80] =	vst v9;
	v4 =	vld.idx.msk [tilespmem:v4+s22+$0x0], $0xffff  }
0x1b6: {  	v7 =	vld.idx.msk [tilespmem:v11+s23+$0x0], $0xffff  }
0x1b7: {  	[tilespmem:s1+$0xE10] =	vst v5  }
0x1b8: {  	[tilespmem:s11+$0x4E80] =	vst v12;
	v5 =	vld.idx.msk [tilespmem:v8+s26+$0x0], $0xffff  }
0x1b9: {  	v9 =	vld.idx.msk [tilespmem:v2+s20+$0x0], $0xffff  }
0x1ba: {  	[tilespmem:s7+$0xE10] =	vst v4  }
0x1bb: {  	[tilespmem:s10+$0x4E80] =	vst v7;
	v6 =	vld.idx.msk [tilespmem:v6+s26+$0x0], $0xffff  }
0x1bc: {  	v4 =	vld.idx.msk [tilespmem:v3+s20+$0x0], $0xffff  }
0x1bd: {  	[tilespmem:s1+$0x4E10] =	vst v5  }
0x1be: {  	[tilespmem:s11+$0xF00] =	vst v9;
	v5 =	vld [tilespmem:s12+$0x20]  }
0x1bf: {  	v7 =	vld.idx.msk [tilespmem:v10+s24+$0x0], $0xffff  }
0x1c0: {  	[tilespmem:s7+$0x4E10] =	vst v6;
	v8 =	vld [tilespmem:s12+$0x98]  }
0x1c1: {  	[tilespmem:s10+$0xF00] =	vst v4;
	v6 =	vld [tilespmem:s17+$0x20]  }
0x1c2: {  	v4 =	vld.idx.msk [tilespmem:v11+s24+$0x0], $0xffff  }
0x1c3: {  	v5 =	vshll.u32 v5, $0x4  }
0x1c4: {  	v9 =	vld [tilespmem:s17+$0x98];
	[tilespmem:s11+$0x4F00] =	vst v7;
	v5 =	vor.u32 v0, v5  }
0x1c5: {  	v7 =	vld.idx.msk [tilespmem:v2+s21+$0x0], $0xffff  }
0x1c6: {  	v6 =	vshll.u32 v6, $0x4  }
0x1c7: {  	v8 =	vperm.xlane v8, v1;
	[tilespmem:s10+$0x4F00] =	vst v4;
	v4 =	vor.u32 v0, v6  }
0x1c8: {  	v6 =	vld.idx.msk [tilespmem:v3+s21+$0x0], $0xffff  }
0x1c9: {  	v8 =	vshll.u32 v8, $0x4;
	v53 =	vld.idx.msk [tilespmem:v5+s18+$0x0], $0xffff  }
0x1ca: {  	v8 =	vor.u32 v0, v8;
	[tilespmem:s11+$0xF80] =	vst v7;
	v7 =	vperm.xlane v9, v1  }
0x1cb: {  	v9 =	vld.idx.msk [tilespmem:v10+s25+$0x0], $0xffff  }
0x1cc: {  	v13 =	vld.idx.msk [tilespmem:v4+s18+$0x0], $0xffff;
	v7 =	vshll.u32 v7, $0x4  }
0x1cd: {  	[tilespmem:s10+$0xF80] =	vst v6;
	v6 =	vor.u32 v0, v7  }
0x1ce: {  	v7 =	vld.idx.msk [tilespmem:v11+s25+$0x0], $0xffff;
	[tilespmem:s1+$0xCA0] =	vst v53  }
0x1cf: {  	v12 =	vld.idx.msk [tilespmem:v8+s23+$0x0], $0xffff  }
0x1d0: {  	[tilespmem:s11+$0x4F80] =	vst v9  }
0x1d1: {  	[tilespmem:s7+$0xCA0] =	vst v13;
	v2 =	vld.idx.msk [tilespmem:v2+s22+$0x0], $0xffff  }
0x1d2: {  	v9 =	vld.idx.msk [tilespmem:v6+s23+$0x0], $0xffff  }
0x1d3: {  	[tilespmem:s10+$0x4F80] =	vst v7  }
0x1d4: {  	v3 =	vld.idx.msk [tilespmem:v3+s22+$0x0], $0xffff;
	[tilespmem:s1+$0x4CA0] =	vst v12  }
0x1d5: {  	v7 =	vld.idx.msk [tilespmem:v5+s20+$0x0], $0xffff  }
0x1d6: {  	[tilespmem:s11+$0x1000] =	vst v2  }
0x1d7: {  	[tilespmem:s7+$0x4CA0] =	vst v9;
	v2 =	vld.idx.msk [tilespmem:v10+s26+$0x0], $0xffff  }
0x1d8: {  	v9 =	vld.idx.msk [tilespmem:v4+s20+$0x0], $0xffff  }
0x1d9: {  	[tilespmem:s10+$0x1000] =	vst v3  }
0x1da: {  	v3 =	vld.idx.msk [tilespmem:v11+s26+$0x0], $0xffff;
	[tilespmem:s1+$0xD20] =	vst v7  }
0x1db: {  	v7 =	vld.idx.msk [tilespmem:v8+s24+$0x0], $0xffff  }
0x1dc: {  	[tilespmem:s11+$0x5000] =	vst v2  }
0x1dd: {  	[tilespmem:s7+$0xD20] =	vst v9;
	v2 =	vld [tilespmem:s28+$0x90]  }
0x1de: {  	v9 =	vld.idx.msk [tilespmem:v6+s24+$0x0], $0xffff  }
0x1df: {  	v10 =	vld [tilespmem:s28+$0x28];
	[tilespmem:s10+$0x5000] =	vst v3  }
0x1e0: {  	v3 =	vld [tilespmem:s29+$0x90];
	[tilespmem:s1+$0x4D20] =	vst v7  }
0x1e1: {  	v7 =	vld.idx.msk [tilespmem:v5+s21+$0x0], $0xffff  }
0x1e2: {  	v2 =	vshll.u32 v2, $0x4  }
0x1e3: {  	v11 =	vld [tilespmem:s29+$0x28];
	v2 =	vor.u32 v0, v2;
	[tilespmem:s7+$0x4D20] =	vst v9  }
0x1e4: {  	v9 =	vld.idx.msk [tilespmem:v4+s21+$0x0], $0xffff  }
0x1e5: {  	v3 =	vshll.u32 v3, $0x4  }
0x1e6: {  	v10 =	vperm.xlane v10, v1;
	v3 =	vor.u32 v0, v3;
	[tilespmem:s1+$0xDA0] =	vst v7  }
0x1e7: {  	v7 =	vld.idx.msk [tilespmem:v8+s25+$0x0], $0xffff  }
0x1e8: {  	v10 =	vshll.u32 v10, $0x4;
	v54 =	vld.idx.msk [tilespmem:v2+s18+$0x0], $0xffff  }
0x1e9: {  	v11 =	vperm.xlane v11, v1;
	v10 =	vor.u32 v0, v10;
	[tilespmem:s7+$0xDA0] =	vst v9  }
0x1ea: {  	v13 =	vld.idx.msk [tilespmem:v6+s25+$0x0], $0xffff  }
0x1eb: {  	v11 =	vshll.u32 v11, $0x4;
	v9 =	vld.idx.msk [tilespmem:v3+s18+$0x0], $0xffff  }
0x1ec: {  	v11 =	vor.u32 v0, v11;
	[tilespmem:s1+$0x4DA0] =	vst v7  }
0x1ed: {  	[tilespmem:s11+$0xE90] =	vst v54;
	v5 =	vld.idx.msk [tilespmem:v5+s22+$0x0], $0xffff  }
0x1ee: {  	v12 =	vld.idx.msk [tilespmem:v10+s23+$0x0], $0xffff  }
0x1ef: {  	[tilespmem:s7+$0x4DA0] =	vst v13  }
0x1f0: {  	[tilespmem:s10+$0xE90] =	vst v9;
	v4 =	vld.idx.msk [tilespmem:v4+s22+$0x0], $0xffff  }
0x1f1: {  	v7 =	vld.idx.msk [tilespmem:v11+s23+$0x0], $0xffff  }
0x1f2: {  	[tilespmem:s1+$0xE20] =	vst v5  }
0x1f3: {  	[tilespmem:s11+$0x4E90] =	vst v12;
	v5 =	vld.idx.msk [tilespmem:v8+s26+$0x0], $0xffff  }
0x1f4: {  	v9 =	vld.idx.msk [tilespmem:v2+s20+$0x0], $0xffff  }
0x1f5: {  	[tilespmem:s7+$0xE20] =	vst v4  }
0x1f6: {  	[tilespmem:s10+$0x4E90] =	vst v7;
	v6 =	vld.idx.msk [tilespmem:v6+s26+$0x0], $0xffff  }
0x1f7: {  	v4 =	vld.idx.msk [tilespmem:v3+s20+$0x0], $0xffff  }
0x1f8: {  	[tilespmem:s1+$0x4E20] =	vst v5  }
0x1f9: {  	[tilespmem:s11+$0xF10] =	vst v9;
	v5 =	vld [tilespmem:s12+$0x30]  }
0x1fa: {  	v7 =	vld.idx.msk [tilespmem:v10+s24+$0x0], $0xffff  }
0x1fb: {  	[tilespmem:s7+$0x4E20] =	vst v6;
	v8 =	vld [tilespmem:s12+$0x88]  }
0x1fc: {  	[tilespmem:s10+$0xF10] =	vst v4;
	v6 =	vld [tilespmem:s17+$0x30]  }
0x1fd: {  	v4 =	vld.idx.msk [tilespmem:v11+s24+$0x0], $0xffff  }
0x1fe: {  	v5 =	vshll.u32 v5, $0x4  }
0x1ff: {  	v9 =	vld [tilespmem:s17+$0x88];
	[tilespmem:s11+$0x4F10] =	vst v7;
	v5 =	vor.u32 v0, v5  }
0x200: {  	v7 =	vld.idx.msk [tilespmem:v2+s21+$0x0], $0xffff  }
0x201: {  	v6 =	vshll.u32 v6, $0x4  }
0x202: {  	v8 =	vperm.xlane v8, v1;
	[tilespmem:s10+$0x4F10] =	vst v4;
	v4 =	vor.u32 v0, v6  }
0x203: {  	v6 =	vld.idx.msk [tilespmem:v3+s21+$0x0], $0xffff  }
0x204: {  	v8 =	vshll.u32 v8, $0x4;
	v55 =	vld.idx.msk [tilespmem:v5+s18+$0x0], $0xffff  }
0x205: {  	v8 =	vor.u32 v0, v8;
	[tilespmem:s11+$0xF90] =	vst v7;
	v7 =	vperm.xlane v9, v1  }
0x206: {  	v9 =	vld.idx.msk [tilespmem:v10+s25+$0x0], $0xffff  }
0x207: {  	v13 =	vld.idx.msk [tilespmem:v4+s18+$0x0], $0xffff;
	v7 =	vshll.u32 v7, $0x4  }
0x208: {  	[tilespmem:s10+$0xF90] =	vst v6;
	v6 =	vor.u32 v0, v7  }
0x209: {  	v7 =	vld.idx.msk [tilespmem:v11+s25+$0x0], $0xffff;
	[tilespmem:s1+$0xCB0] =	vst v55  }
0x20a: {  	v12 =	vld.idx.msk [tilespmem:v8+s23+$0x0], $0xffff  }
0x20b: {  	[tilespmem:s11+$0x4F90] =	vst v9  }
0x20c: {  	[tilespmem:s7+$0xCB0] =	vst v13;
	v2 =	vld.idx.msk [tilespmem:v2+s22+$0x0], $0xffff  }
0x20d: {  	v9 =	vld.idx.msk [tilespmem:v6+s23+$0x0], $0xffff  }
0x20e: {  	[tilespmem:s10+$0x4F90] =	vst v7  }
0x20f: {  	v3 =	vld.idx.msk [tilespmem:v3+s22+$0x0], $0xffff;
	[tilespmem:s1+$0x4CB0] =	vst v12  }
0x210: {  	v7 =	vld.idx.msk [tilespmem:v5+s20+$0x0], $0xffff  }
0x211: {  	[tilespmem:s11+$0x1010] =	vst v2  }
0x212: {  	[tilespmem:s7+$0x4CB0] =	vst v9;
	v2 =	vld.idx.msk [tilespmem:v10+s26+$0x0], $0xffff  }
0x213: {  	v9 =	vld.idx.msk [tilespmem:v4+s20+$0x0], $0xffff  }
0x214: {  	[tilespmem:s10+$0x1010] =	vst v3  }
0x215: {  	v3 =	vld.idx.msk [tilespmem:v11+s26+$0x0], $0xffff;
	[tilespmem:s1+$0xD30] =	vst v7  }
0x216: {  	v7 =	vld.idx.msk [tilespmem:v8+s24+$0x0], $0xffff  }
0x217: {  	[tilespmem:s11+$0x5010] =	vst v2  }
0x218: {  	[tilespmem:s7+$0xD30] =	vst v9;
	v2 =	vld [tilespmem:s28+$0xA0]  }
0x219: {  	v9 =	vld.idx.msk [tilespmem:v6+s24+$0x0], $0xffff  }
0x21a: {  	v10 =	vld [tilespmem:s28+$0x18];
	[tilespmem:s10+$0x5010] =	vst v3  }
0x21b: {  	v3 =	vld [tilespmem:s29+$0xA0];
	[tilespmem:s1+$0x4D30] =	vst v7  }
0x21c: {  	v7 =	vld.idx.msk [tilespmem:v5+s21+$0x0], $0xffff  }
0x21d: {  	v2 =	vshll.u32 v2, $0x4  }
0x21e: {  	v11 =	vld [tilespmem:s29+$0x18];
	v2 =	vor.u32 v0, v2;
	[tilespmem:s7+$0x4D30] =	vst v9  }
0x21f: {  	v9 =	vld.idx.msk [tilespmem:v4+s21+$0x0], $0xffff  }
0x220: {  	v3 =	vshll.u32 v3, $0x4  }
0x221: {  	v10 =	vperm.xlane v10, v1;
	v3 =	vor.u32 v0, v3;
	[tilespmem:s1+$0xDB0] =	vst v7  }
0x222: {  	v7 =	vld.idx.msk [tilespmem:v8+s25+$0x0], $0xffff  }
0x223: {  	v10 =	vshll.u32 v10, $0x4;
	v56 =	vld.idx.msk [tilespmem:v2+s18+$0x0], $0xffff  }
0x224: {  	v11 =	vperm.xlane v11, v1;
	v10 =	vor.u32 v0, v10;
	[tilespmem:s7+$0xDB0] =	vst v9  }
0x225: {  	v13 =	vld.idx.msk [tilespmem:v6+s25+$0x0], $0xffff  }
0x226: {  	v11 =	vshll.u32 v11, $0x4;
	v9 =	vld.idx.msk [tilespmem:v3+s18+$0x0], $0xffff  }
0x227: {  	v11 =	vor.u32 v0, v11;
	[tilespmem:s1+$0x4DB0] =	vst v7  }
0x228: {  	[tilespmem:s11+$0xEA0] =	vst v56;
	v5 =	vld.idx.msk [tilespmem:v5+s22+$0x0], $0xffff  }
0x229: {  	v12 =	vld.idx.msk [tilespmem:v10+s23+$0x0], $0xffff  }
0x22a: {  	[tilespmem:s7+$0x4DB0] =	vst v13  }
0x22b: {  	[tilespmem:s10+$0xEA0] =	vst v9;
	v4 =	vld.idx.msk [tilespmem:v4+s22+$0x0], $0xffff  }
0x22c: {  	v7 =	vld.idx.msk [tilespmem:v11+s23+$0x0], $0xffff  }
0x22d: {  	[tilespmem:s1+$0xE30] =	vst v5  }
0x22e: {  	[tilespmem:s11+$0x4EA0] =	vst v12;
	v5 =	vld.idx.msk [tilespmem:v8+s26+$0x0], $0xffff  }
0x22f: {  	v9 =	vld.idx.msk [tilespmem:v2+s20+$0x0], $0xffff  }
0x230: {  	[tilespmem:s7+$0xE30] =	vst v4  }
0x231: {  	[tilespmem:s10+$0x4EA0] =	vst v7;
	v6 =	vld.idx.msk [tilespmem:v6+s26+$0x0], $0xffff  }
0x232: {  	v4 =	vld.idx.msk [tilespmem:v3+s20+$0x0], $0xffff  }
0x233: {  	[tilespmem:s1+$0x4E30] =	vst v5  }
0x234: {  	[tilespmem:s11+$0xF20] =	vst v9;
	v5 =	vld [tilespmem:s12+$0x40]  }
0x235: {  	v7 =	vld.idx.msk [tilespmem:v10+s24+$0x0], $0xffff  }
0x236: {  	[tilespmem:s7+$0x4E30] =	vst v6;
	v8 =	vld [tilespmem:s12+$0x78]  }
0x237: {  	[tilespmem:s10+$0xF20] =	vst v4;
	v6 =	vld [tilespmem:s17+$0x40]  }
0x238: {  	v4 =	vld.idx.msk [tilespmem:v11+s24+$0x0], $0xffff  }
0x239: {  	v5 =	vshll.u32 v5, $0x4  }
0x23a: {  	v9 =	vld [tilespmem:s17+$0x78];
	[tilespmem:s11+$0x4F20] =	vst v7;
	v5 =	vor.u32 v0, v5  }
0x23b: {  	v7 =	vld.idx.msk [tilespmem:v2+s21+$0x0], $0xffff  }
0x23c: {  	v6 =	vshll.u32 v6, $0x4  }
0x23d: {  	v8 =	vperm.xlane v8, v1;
	[tilespmem:s10+$0x4F20] =	vst v4;
	v4 =	vor.u32 v0, v6  }
0x23e: {  	v6 =	vld.idx.msk [tilespmem:v3+s21+$0x0], $0xffff  }
0x23f: {  	v8 =	vshll.u32 v8, $0x4;
	v57 =	vld.idx.msk [tilespmem:v5+s18+$0x0], $0xffff  }
0x240: {  	v8 =	vor.u32 v0, v8;
	[tilespmem:s11+$0xFA0] =	vst v7;
	v7 =	vperm.xlane v9, v1  }
0x241: {  	v9 =	vld.idx.msk [tilespmem:v10+s25+$0x0], $0xffff  }
0x242: {  	v13 =	vld.idx.msk [tilespmem:v4+s18+$0x0], $0xffff;
	v7 =	vshll.u32 v7, $0x4  }
0x243: {  	[tilespmem:s10+$0xFA0] =	vst v6;
	v6 =	vor.u32 v0, v7  }
0x244: {  	v7 =	vld.idx.msk [tilespmem:v11+s25+$0x0], $0xffff;
	[tilespmem:s1+$0xCC0] =	vst v57  }
0x245: {  	v12 =	vld.idx.msk [tilespmem:v8+s23+$0x0], $0xffff  }
0x246: {  	[tilespmem:s11+$0x4FA0] =	vst v9  }
0x247: {  	[tilespmem:s7+$0xCC0] =	vst v13;
	v2 =	vld.idx.msk [tilespmem:v2+s22+$0x0], $0xffff  }
0x248: {  	v9 =	vld.idx.msk [tilespmem:v6+s23+$0x0], $0xffff  }
0x249: {  	[tilespmem:s10+$0x4FA0] =	vst v7  }
0x24a: {  	v3 =	vld.idx.msk [tilespmem:v3+s22+$0x0], $0xffff;
	[tilespmem:s1+$0x4CC0] =	vst v12  }
0x24b: {  	v7 =	vld.idx.msk [tilespmem:v5+s20+$0x0], $0xffff  }
0x24c: {  	[tilespmem:s11+$0x1020] =	vst v2  }
0x24d: {  	[tilespmem:s7+$0x4CC0] =	vst v9;
	v2 =	vld.idx.msk [tilespmem:v10+s26+$0x0], $0xffff  }
0x24e: {  	v9 =	vld.idx.msk [tilespmem:v4+s20+$0x0], $0xffff  }
0x24f: {  	[tilespmem:s10+$0x1020] =	vst v3  }
0x250: {  	v3 =	vld.idx.msk [tilespmem:v11+s26+$0x0], $0xffff;
	[tilespmem:s1+$0xD40] =	vst v7  }
0x251: {  	v7 =	vld.idx.msk [tilespmem:v8+s24+$0x0], $0xffff  }
0x252: {  	[tilespmem:s11+$0x5020] =	vst v2  }
0x253: {  	[tilespmem:s7+$0xD40] =	vst v9;
	v2 =	vld [tilespmem:s28+$0xB0]  }
0x254: {  	v9 =	vld.idx.msk [tilespmem:v6+s24+$0x0], $0xffff  }
0x255: {  	v10 =	vld [tilespmem:s28+$0x8];
	[tilespmem:s10+$0x5020] =	vst v3  }
0x256: {  	v3 =	vld [tilespmem:s29+$0xB0];
	[tilespmem:s1+$0x4D40] =	vst v7  }
0x257: {  	v7 =	vld.idx.msk [tilespmem:v5+s21+$0x0], $0xffff  }
0x258: {  	v2 =	vshll.u32 v2, $0x4  }
0x259: {  	v11 =	vld [tilespmem:s29+$0x8];
	v2 =	vor.u32 v0, v2;
	[tilespmem:s7+$0x4D40] =	vst v9  }
0x25a: {  	v9 =	vld.idx.msk [tilespmem:v4+s21+$0x0], $0xffff  }
0x25b: {  	v3 =	vshll.u32 v3, $0x4  }
0x25c: {  	v10 =	vperm.xlane v10, v1;
	v3 =	vor.u32 v0, v3;
	[tilespmem:s1+$0xDC0] =	vst v7  }
0x25d: {  	v7 =	vld.idx.msk [tilespmem:v8+s25+$0x0], $0xffff  }
0x25e: {  	v10 =	vshll.u32 v10, $0x4;
	v58 =	vld.idx.msk [tilespmem:v2+s18+$0x0], $0xffff  }
0x25f: {  	v11 =	vperm.xlane v11, v1;
	v10 =	vor.u32 v0, v10;
	[tilespmem:s7+$0xDC0] =	vst v9  }
0x260: {  	v13 =	vld.idx.msk [tilespmem:v6+s25+$0x0], $0xffff  }
0x261: {  	v11 =	vshll.u32 v11, $0x4;
	v9 =	vld.idx.msk [tilespmem:v3+s18+$0x0], $0xffff  }
0x262: {  	v11 =	vor.u32 v0, v11;
	[tilespmem:s1+$0x4DC0] =	vst v7  }
0x263: {  	[tilespmem:s11+$0xEB0] =	vst v58;
	v5 =	vld.idx.msk [tilespmem:v5+s22+$0x0], $0xffff  }
0x264: {  	v12 =	vld.idx.msk [tilespmem:v10+s23+$0x0], $0xffff  }
0x265: {  	[tilespmem:s7+$0x4DC0] =	vst v13  }
0x266: {  	[tilespmem:s10+$0xEB0] =	vst v9;
	v4 =	vld.idx.msk [tilespmem:v4+s22+$0x0], $0xffff  }
0x267: {  	v7 =	vld.idx.msk [tilespmem:v11+s23+$0x0], $0xffff  }
0x268: {  	[tilespmem:s1+$0xE40] =	vst v5  }
0x269: {  	[tilespmem:s11+$0x4EB0] =	vst v12;
	v5 =	vld.idx.msk [tilespmem:v8+s26+$0x0], $0xffff  }
0x26a: {  	v9 =	vld.idx.msk [tilespmem:v2+s20+$0x0], $0xffff  }
0x26b: {  	[tilespmem:s7+$0xE40] =	vst v4  }
0x26c: {  	[tilespmem:s10+$0x4EB0] =	vst v7;
	v6 =	vld.idx.msk [tilespmem:v6+s26+$0x0], $0xffff  }
0x26d: {  	v4 =	vld.idx.msk [tilespmem:v3+s20+$0x0], $0xffff  }
0x26e: {  	[tilespmem:s1+$0x4E40] =	vst v5  }
0x26f: {  	[tilespmem:s11+$0xF30] =	vst v9;
	v5 =	vld [tilespmem:s12+$0x50]  }
0x270: {  	v7 =	vld.idx.msk [tilespmem:v10+s24+$0x0], $0xffff  }
0x271: {  	[tilespmem:s7+$0x4E40] =	vst v6;
	v8 =	vld [tilespmem:s12+$0x68]  }
0x272: {  	[tilespmem:s10+$0xF30] =	vst v4;
	v6 =	vld [tilespmem:s17+$0x50]  }
0x273: {  	v4 =	vld.idx.msk [tilespmem:v11+s24+$0x0], $0xffff  }
0x274: {  	v5 =	vshll.u32 v5, $0x4  }
0x275: {  	v9 =	vld [tilespmem:s17+$0x68];
	[tilespmem:s11+$0x4F30] =	vst v7;
	v5 =	vor.u32 v0, v5  }
0x276: {  	v7 =	vld.idx.msk [tilespmem:v2+s21+$0x0], $0xffff  }
0x277: {  	v6 =	vshll.u32 v6, $0x4  }
0x278: {  	v8 =	vperm.xlane v8, v1;
	[tilespmem:s10+$0x4F30] =	vst v4;
	v4 =	vor.u32 v0, v6  }
0x279: {  	v6 =	vld.idx.msk [tilespmem:v3+s21+$0x0], $0xffff  }
0x27a: {  	v8 =	vshll.u32 v8, $0x4;
	v59 =	vld.idx.msk [tilespmem:v5+s18+$0x0], $0xffff  }
0x27b: {  	v8 =	vor.u32 v0, v8;
	[tilespmem:s11+$0xFB0] =	vst v7;
	v7 =	vperm.xlane v9, v1  }
0x27c: {  	v9 =	vld.idx.msk [tilespmem:v10+s25+$0x0], $0xffff  }
0x27d: {  	v13 =	vld.idx.msk [tilespmem:v4+s18+$0x0], $0xffff;
	v7 =	vshll.u32 v7, $0x4  }
0x27e: {  	[tilespmem:s10+$0xFB0] =	vst v6;
	v6 =	vor.u32 v0, v7  }
0x27f: {  	v7 =	vld.idx.msk [tilespmem:v11+s25+$0x0], $0xffff;
	[tilespmem:s1+$0xCD0] =	vst v59  }
0x280: {  	v12 =	vld.idx.msk [tilespmem:v8+s23+$0x0], $0xffff  }
0x281: {  	[tilespmem:s11+$0x4FB0] =	vst v9  }
0x282: {  	[tilespmem:s7+$0xCD0] =	vst v13;
	v2 =	vld.idx.msk [tilespmem:v2+s22+$0x0], $0xffff  }
0x283: {  	v9 =	vld.idx.msk [tilespmem:v6+s23+$0x0], $0xffff  }
0x284: {  	[tilespmem:s10+$0x4FB0] =	vst v7  }
0x285: {  	v3 =	vld.idx.msk [tilespmem:v3+s22+$0x0], $0xffff;
	[tilespmem:s1+$0x4CD0] =	vst v12  }
0x286: {  	v7 =	vld.idx.msk [tilespmem:v5+s20+$0x0], $0xffff  }
0x287: {  	[tilespmem:s11+$0x1030] =	vst v2  }
0x288: {  	[tilespmem:s7+$0x4CD0] =	vst v9;
	v2 =	vld.idx.msk [tilespmem:v10+s26+$0x0], $0xffff  }
0x289: {  	v9 =	vld.idx.msk [tilespmem:v4+s20+$0x0], $0xffff  }
0x28a: {  	[tilespmem:s10+$0x1030] =	vst v3  }
0x28b: {  	v3 =	vld.idx.msk [tilespmem:v11+s26+$0x0], $0xffff;
	[tilespmem:s1+$0xD50] =	vst v7  }
0x28c: {  	v7 =	vld.idx.msk [tilespmem:v8+s24+$0x0], $0xffff  }
0x28d: {  	[tilespmem:s11+$0x5030] =	vst v2  }
0x28e: {  	[tilespmem:s7+$0xD50] =	vst v9;
	v2 =	vld [tilespmem:s28+$0xB8]  }
0x28f: {  	v9 =	vld.idx.msk [tilespmem:v6+s24+$0x0], $0xffff  }
0x290: {  	v10 =	vld [tilespmem:s28+$0x0];
	[tilespmem:s10+$0x5030] =	vst v3  }
0x291: {  	v3 =	vld [tilespmem:s29+$0xB8];
	[tilespmem:s1+$0x4D50] =	vst v7  }
0x292: {  	v7 =	vld.idx.msk [tilespmem:v5+s21+$0x0], $0xffff  }
0x293: {  	v11 =	vld [tilespmem:s29+$0x0];
	v2 =	vshll.u32 v2, $0x4  }
0x294: {  	v2 =	vor.u32 v0, v2;
	[tilespmem:s7+$0x4D50] =	vst v9  }
0x295: {  	v9 =	vld.idx.msk [tilespmem:v4+s21+$0x0], $0xffff  }
0x296: {  	v3 =	vshll.u32 v3, $0x4  }
0x297: {  	v10 =	vperm.xlane v10, v1;
	v3 =	vor.u32 v0, v3;
	[tilespmem:s1+$0xDD0] =	vst v7  }
0x298: {  	v7 =	vperm.xlane v11, v1;
	v11 =	vld.idx.msk [tilespmem:v8+s25+$0x0], $0xffff  }
0x299: {  	v10 =	vshll.u32 v10, $0x4;
	v60 =	vld.idx.msk [tilespmem:v2+s18+$0x0], $0xffff  }
0x29a: {  	v10 =	vor.u32 v0, v10;
	[tilespmem:s7+$0xDD0] =	vst v9;
	v7 =	vshll.u32 v7, $0x4  }
0x29b: {  	v61 =	vor.u32 v0, v7;
	v7 =	vld.idx.msk [tilespmem:v6+s25+$0x0], $0xffff  }
0x29c: {  	v9 =	vld.idx.msk [tilespmem:v3+s18+$0x0], $0xffff  }
0x29d: {  	[tilespmem:s1+$0x4DD0] =	vst v11  }
0x29e: {  	[tilespmem:s11+$0xEB8] =	vst v60;
	v5 =	vld.idx.msk [tilespmem:v5+s22+$0x0], $0xffff  }
0x29f: {  	v11 =	vld.idx.msk [tilespmem:v10+s23+$0x0], $0xffff  }
0x2a0: {  	[tilespmem:s7+$0x4DD0] =	vst v7  }
0x2a1: {  	[tilespmem:s10+$0xEB8] =	vst v9;
	v4 =	vld.idx.msk [tilespmem:v4+s22+$0x0], $0xffff  }
0x2a2: {  	v7 =	vld.idx.msk [tilespmem:v61+s23+$0x0], $0xffff  }
0x2a3: {  	[tilespmem:s1+$0xE50] =	vst v5  }
0x2a4: {  	[tilespmem:s11+$0x4EB8] =	vst v11;
	v5 =	vld.idx.msk [tilespmem:v8+s26+$0x0], $0xffff  }
0x2a5: {  	v8 =	vld.idx.msk [tilespmem:v2+s20+$0x0], $0xffff  }
0x2a6: {  	[tilespmem:s7+$0xE50] =	vst v4  }
0x2a7: {  	[tilespmem:s10+$0x4EB8] =	vst v7;
	v6 =	vld.idx.msk [tilespmem:v6+s26+$0x0], $0xffff  }
0x2a8: {  	v4 =	vld.idx.msk [tilespmem:v3+s20+$0x0], $0xffff  }
0x2a9: {  	[tilespmem:s1+$0x4E50] =	vst v5  }
0x2aa: {  	[tilespmem:s11+$0xF38] =	vst v8;
	v5 =	vld [tilespmem:s12+$0x60]  }
0x2ab: {  	v7 =	vld.idx.msk [tilespmem:v10+s24+$0x0], $0xffff  }
0x2ac: {  	[tilespmem:s7+$0x4E50] =	vst v6  }
0x2ad: {  	[tilespmem:s10+$0xF38] =	vst v4;
	v8 =	vld [tilespmem:s17+$0x60]  }
0x2ae: {  	v6 =	vld.idx.msk [tilespmem:v61+s24+$0x0], $0xffff  }
0x2af: {  	v9 =	vld [tilespmem:s12+$0x58]  }
0x2b0: {  	v11 =	vld [tilespmem:s17+$0x58];
	v4 =	vshll.u32 v5, $0x4;
	[tilespmem:s11+$0x4F38] =	vst v7  }
0x2b1: {  	v4 =	vor.u32 v0, v4;
	v7 =	vld.idx.msk [tilespmem:v2+s21+$0x0], $0xffff  }
0x2b2: {  	v5 =	vshll.u32 v8, $0x4  }
0x2b3: {  	[tilespmem:s10+$0x4F38] =	vst v6;
	v5 =	vor.u32 v0, v5  }
0x2b4: {  	v6 =	vperm.xlane v9, v1;
	v8 =	vld.idx.msk [tilespmem:v3+s21+$0x0], $0xffff;
	_ =	sdelay $0x1  }
0x2b5: {  	v6 =	vshll.u32 v6, $0x4;
	v9 =	vld.idx.msk [tilespmem:v4+s18+$0x0], $0xffff;
	[tilespmem:s11+$0xFB8] =	vst v7;
	v7 =	vperm.xlane v11, v1  }
0x2b6: {  	v6 =	vor.u32 v0, v6;
	v11 =	vld.idx.msk [tilespmem:v10+s25+$0x0], $0xffff  }
0x2b7: {  	v62 =	vld.idx.msk [tilespmem:v5+s18+$0x0], $0xffff;
	v7 =	vshll.u32 v7, $0x4  }
0x2b8: {  	[tilespmem:s10+$0xFB8] =	vst v8;
	v7 =	vor.u32 v0, v7  }
0x2b9: {  	v8 =	vld.idx.msk [tilespmem:v61+s25+$0x0], $0xffff  }
0x2ba: {  	[tilespmem:s1+$0xCE0] =	vst v9  }
0x2bb: {  	v9 =	vld.idx.msk [tilespmem:v6+s23+$0x0], $0xffff;
	[tilespmem:s11+$0x4FB8] =	vst v11  }
0x2bc: {  	[tilespmem:s7+$0xCE0] =	vst v62;
	v2 =	vld.idx.msk [tilespmem:v2+s22+$0x0], $0xffff  }
0x2bd: {  	v11 =	vld.idx.msk [tilespmem:v7+s23+$0x0], $0xffff  }
0x2be: {  	[tilespmem:s10+$0x4FB8] =	vst v8  }
0x2bf: {  	v63 =	vld.idx.msk [tilespmem:v3+s22+$0x0], $0xffff  }
0x2c0: {  	[tilespmem:s1+$0x4CE0] =	vst v9  }
0x2c1: {  	v9 =	vld.idx.msk [tilespmem:v4+s20+$0x0], $0xffff;
	[tilespmem:s11+$0x1038] =	vst v2  }
0x2c2: {  	[tilespmem:s7+$0x4CE0] =	vst v11;
	v3 =	vld.idx.msk [tilespmem:v10+s26+$0x0], $0xffff  }
0x2c3: {  	v8 =	vld.idx.msk [tilespmem:v5+s20+$0x0], $0xffff  }
0x2c4: {  	[tilespmem:s10+$0x1038] =	vst v63  }
0x2c5: {  	v2 =	vld.idx.msk [tilespmem:v61+s26+$0x0], $0xffff  }
0x2c6: {  	s28 =	simm.s32 $0x4;
	[tilespmem:s1+$0xD60] =	vst v9  }
.LBB2_3:
0x2c7: {  	p0 =	slt.u32 s28, $0x6;
	v9 =	vld.idx.msk [tilespmem:v6+s24+$0x0], $0xffff;
	[tilespmem:s11+$0x5038] =	vst v3;
	s31 =	smov.u32 s28;
	s28 =	sadd.s32 $0x2, s28  }
0x2c8: {  	s11 =	smov.u32 s1;
	s29 =	smul.u32 $0xC8, s31;
	s5 =	sor.u32 $0x1, s31;
	[tilespmem:s7+$0xD60] =	vst v8  }
0x2c9: {  	s30 =	smul.u32 $0xC8, s5;
	v3 =	vld.idx.msk [tilespmem:v7+s24+$0x0], $0xffff  }
0x2ca: {  	v8 =	vld [tilespmem:s29+$0x0];
	[tilespmem:s10+$0x5038] =	vst v2;
	s10 =	smov.u32 s7  }
0x2cb: {  	v2 =	vld [tilespmem:s30+$0x0];
	_ =	sdelay $0x1  }
0x2cc: {  	[tilespmem:s11+$0x4D60] =	vst v9  }
0x2cd: {  	v9 =	vld.idx.msk [tilespmem:v4+s21+$0x0], $0xffff  }
0x2ce: {  	v10 =	vld [tilespmem:s29+$0xB8];
	v8 =	vshll.u32 v8, $0x4;
	[tilespmem:s10+$0x4D60] =	vst v3  }
0x2cf: {  	v3 =	vor.u32 v0, v8;
	v2 =	vshll.u32 v2, $0x4;
	v8 =	vld.idx.msk [tilespmem:v5+s21+$0x0], $0xffff  }
0x2d0: {  	v11 =	vld [tilespmem:s30+$0xB8];
	v2 =	vor.u32 v0, v2;
	_ =	sdelay $0x2  }
0x2d1: {  	v10 =	vperm.xlane v10, v1;
	[tilespmem:s11+$0xDE0] =	vst v9  }
0x2d2: {  	v9 =	vld.idx.msk [tilespmem:v3+s18+$0x0], $0xffff  }
0x2d3: {  	v10 =	vshll.u32 v10, $0x4;
	v11 =	vperm.xlane v11, v1;
	v12 =	vld.idx.msk [tilespmem:v6+s25+$0x0], $0xffff;
	[tilespmem:s10+$0xDE0] =	vst v8  }
0x2d4: {  	v8 =	vor.u32 v0, v10;
	v10 =	vld.idx.msk [tilespmem:v2+s18+$0x0], $0xffff  }
0x2d5: {  	v11 =	vshll.u32 v11, $0x4;
	v13 =	vld.idx.msk [tilespmem:v7+s25+$0x0], $0xffff  }
0x2d6: {  	v11 =	vor.u32 v0, v11  }
0x2d7: {  	s1 =	sshll.u32 s31, $0xA  }
0x2d8: {  	[tilespmem:s1+$0xC80] =	vst v9  }
0x2d9: {  	s7 =	sshll.u32 s5, $0xA;
	v9 =	vld.idx.msk [tilespmem:v8+s23+$0x0], $0xffff;
	[tilespmem:s11+$0x4DE0] =	vst v12  }
0x2da: {  	[tilespmem:s7+$0xC80] =	vst v10;
	v4 =	vld.idx.msk [tilespmem:v4+s22+$0x0], $0xffff  }
0x2db: {  	v10 =	vld.idx.msk [tilespmem:v11+s23+$0x0], $0xffff;
	[tilespmem:s10+$0x4DE0] =	vst v13  }
0x2dc: {  	v5 =	vld.idx.msk [tilespmem:v5+s22+$0x0], $0xffff;
	_ =	sdelay $0x2  }
0x2dd: {  	[tilespmem:s1+$0x4C80] =	vst v9  }
0x2de: {  	v9 =	vld.idx.msk [tilespmem:v3+s20+$0x0], $0xffff;
	[tilespmem:s11+$0xE60] =	vst v4  }
0x2df: {  	[tilespmem:s7+$0x4C80] =	vst v10;
	v4 =	vld.idx.msk [tilespmem:v6+s26+$0x0], $0xffff  }
0x2e0: {  	v6 =	vld.idx.msk [tilespmem:v2+s20+$0x0], $0xffff;
	[tilespmem:s10+$0xE60] =	vst v5  }
0x2e1: {  	v5 =	vld.idx.msk [tilespmem:v7+s26+$0x0], $0xffff;
	_ =	sdelay $0x2  }
0x2e2: {  	[tilespmem:s1+$0xD00] =	vst v9  }
0x2e3: {  	v7 =	vld.idx.msk [tilespmem:v8+s24+$0x0], $0xffff;
	[tilespmem:s11+$0x4E60] =	vst v4  }
0x2e4: {  	[tilespmem:s7+$0xD00] =	vst v6;
	v4 =	vld [tilespmem:s12+$0x70]  }
0x2e5: {  	v6 =	vld.idx.msk [tilespmem:v11+s24+$0x0], $0xffff;
	[tilespmem:s10+$0x4E60] =	vst v5  }
0x2e6: {  	v5 =	vld [tilespmem:s17+$0x70]  }
0x2e7: {  	v9 =	vld [tilespmem:s17+$0x48]  }
0x2e8: {  	v10 =	vld [tilespmem:s12+$0x48]  }
0x2e9: {  	[tilespmem:s1+$0x4D00] =	vst v7;
	v4 =	vshll.u32 v4, $0x4  }
0x2ea: {  	v7 =	vld.idx.msk [tilespmem:v3+s21+$0x0], $0xffff;
	v4 =	vor.u32 v0, v4  }
0x2eb: {  	[tilespmem:s7+$0x4D00] =	vst v6;
	v5 =	vshll.u32 v5, $0x4  }
0x2ec: {  	v6 =	vld.idx.msk [tilespmem:v2+s21+$0x0], $0xffff;
	v9 =	vperm.xlane v9, v1;
	v5 =	vor.u32 v0, v5  }
0x2ed: {  	v10 =	vperm.xlane v10, v1  }
0x2ee: {  	v9 =	vshll.u32 v9, $0x4  }
0x2ef: {  	v10 =	vshll.u32 v10, $0x4;
	v12 =	vld.idx.msk [tilespmem:v4+s18+$0x0], $0xffff  }
0x2f0: {  	[tilespmem:s1+$0xD80] =	vst v7  }
0x2f1: {  	v10 =	vor.u32 v0, v10;
	v7 =	vld.idx.msk [tilespmem:v8+s25+$0x0], $0xffff  }
0x2f2: {  	v9 =	vor.u32 v0, v9;
	[tilespmem:s7+$0xD80] =	vst v6;
	v6 =	vld.idx.msk [tilespmem:v5+s18+$0x0], $0xffff  }
0x2f3: {  	v13 =	vld.idx.msk [tilespmem:v11+s25+$0x0], $0xffff;
	_ =	sdelay $0x1  }
0x2f4: {  	[tilespmem:s11+$0xCF0] =	vst v12  }
0x2f5: {  	v12 =	vld.idx.msk [tilespmem:v10+s23+$0x0], $0xffff  }
0x2f6: {  	[tilespmem:s1+$0x4D80] =	vst v7  }
0x2f7: {  	v3 =	vld.idx.msk [tilespmem:v3+s22+$0x0], $0xffff;
	[tilespmem:s10+$0xCF0] =	vst v6  }
0x2f8: {  	[tilespmem:s7+$0x4D80] =	vst v13;
	v6 =	vld.idx.msk [tilespmem:v9+s23+$0x0], $0xffff  }
0x2f9: {  	v2 =	vld.idx.msk [tilespmem:v2+s22+$0x0], $0xffff;
	_ =	sdelay $0x1  }
0x2fa: {  	[tilespmem:s11+$0x4CF0] =	vst v12  }
0x2fb: {  	v7 =	vld.idx.msk [tilespmem:v4+s20+$0x0], $0xffff  }
0x2fc: {  	[tilespmem:s1+$0xE00] =	vst v3  }
0x2fd: {  	v3 =	vld.idx.msk [tilespmem:v8+s26+$0x0], $0xffff;
	[tilespmem:s10+$0x4CF0] =	vst v6  }
0x2fe: {  	[tilespmem:s7+$0xE00] =	vst v2;
	v2 =	vld.idx.msk [tilespmem:v5+s20+$0x0], $0xffff  }
0x2ff: {  	v6 =	vld.idx.msk [tilespmem:v11+s26+$0x0], $0xffff;
	_ =	sdelay $0x1  }
0x300: {  	[tilespmem:s11+$0xD70] =	vst v7  }
0x301: {  	v7 =	vld.idx.msk [tilespmem:v10+s24+$0x0], $0xffff  }
0x302: {  	[tilespmem:s1+$0x4E00] =	vst v3  }
0x303: {  	v3 =	vld [tilespmem:s29+$0x10];
	[tilespmem:s10+$0xD70] =	vst v2  }
0x304: {  	[tilespmem:s7+$0x4E00] =	vst v6;
	v2 =	vld.idx.msk [tilespmem:v9+s24+$0x0], $0xffff  }
0x305: {  	v6 =	vld [tilespmem:s30+$0x10];
	_ =	sdelay $0x1  }
0x306: {  	v8 =	vld [tilespmem:s29+$0xA8];
	[tilespmem:s11+$0x4D70] =	vst v7  }
0x307: {  	v3 =	vshll.u32 v3, $0x4;
	v7 =	vld.idx.msk [tilespmem:v4+s21+$0x0], $0xffff  }
0x308: {  	v3 =	vor.u32 v0, v3  }
0x309: {  	v11 =	vld [tilespmem:s30+$0xA8];
	v6 =	vshll.u32 v6, $0x4;
	[tilespmem:s10+$0x4D70] =	vst v2  }
0x30a: {  	v2 =	vor.u32 v0, v6;
	v6 =	vld.idx.msk [tilespmem:v5+s21+$0x0], $0xffff  }
0x30b: {  	v8 =	vperm.xlane v8, v1;
	_ =	sdelay $0x1  }
0x30c: {  	v8 =	vshll.u32 v8, $0x4;
	v12 =	vld.idx.msk [tilespmem:v3+s18+$0x0], $0xffff;
	[tilespmem:s11+$0xDF0] =	vst v7  }
0x30d: {  	v7 =	vperm.xlane v11, v1;
	v11 =	vld.idx.msk [tilespmem:v10+s25+$0x0], $0xffff  }
0x30e: {  	v8 =	vor.u32 v0, v8;
	v13 =	vld.idx.msk [tilespmem:v2+s18+$0x0], $0xffff  }
0x30f: {  	v7 =	vshll.u32 v7, $0x4;
	[tilespmem:s10+$0xDF0] =	vst v6  }
0x310: {  	v6 =	vor.u32 v0, v7;
	v7 =	vld.idx.msk [tilespmem:v9+s25+$0x0], $0xffff;
	_ =	sdelay $0x1  }
0x311: {  	[tilespmem:s1+$0xC90] =	vst v12  }
0x312: {  	v12 =	vld.idx.msk [tilespmem:v8+s23+$0x0], $0xffff;
	[tilespmem:s11+$0x4DF0] =	vst v11  }
0x313: {  	[tilespmem:s7+$0xC90] =	vst v13;
	v4 =	vld.idx.msk [tilespmem:v4+s22+$0x0], $0xffff  }
0x314: {  	v11 =	vld.idx.msk [tilespmem:v6+s23+$0x0], $0xffff  }
0x315: {  	[tilespmem:s10+$0x4DF0] =	vst v7  }
0x316: {  	v5 =	vld.idx.msk [tilespmem:v5+s22+$0x0], $0xffff;
	_ =	sdelay $0x1  }
0x317: {  	[tilespmem:s1+$0x4C90] =	vst v12  }
0x318: {  	v7 =	vld.idx.msk [tilespmem:v3+s20+$0x0], $0xffff;
	[tilespmem:s11+$0xE70] =	vst v4  }
0x319: {  	[tilespmem:s7+$0x4C90] =	vst v11;
	v4 =	vld.idx.msk [tilespmem:v10+s26+$0x0], $0xffff  }
0x31a: {  	v10 =	vld.idx.msk [tilespmem:v2+s20+$0x0], $0xffff  }
0x31b: {  	[tilespmem:s10+$0xE70] =	vst v5  }
0x31c: {  	v5 =	vld.idx.msk [tilespmem:v9+s26+$0x0], $0xffff;
	_ =	sdelay $0x1  }
0x31d: {  	[tilespmem:s1+$0xD10] =	vst v7  }
0x31e: {  	s5 =	sand.u32 $0x7F0, s12;
	v7 =	vld.idx.msk [tilespmem:v8+s24+$0x0], $0xffff;
	[tilespmem:s11+$0x4E70] =	vst v4  }
0x31f: {  	[tilespmem:s7+$0xD10] =	vst v10;
	v4 =	vld [tilespmem:s5+$0x80];
	s5 =	sand.u32 $0x7F8, s17  }
0x320: {  	v9 =	vld.idx.msk [tilespmem:v6+s24+$0x0], $0xffff  }
0x321: {  	v10 =	vld [tilespmem:s12+$0x38];
	[tilespmem:s10+$0x4E70] =	vst v5  }
0x322: {  	v5 =	vld [tilespmem:s5+$0x80]  }
0x323: {  	v11 =	vld [tilespmem:s17+$0x38]  }
0x324: {  	[tilespmem:s1+$0x4D10] =	vst v7;
	v4 =	vshll.u32 v4, $0x4  }
0x325: {  	v7 =	vld.idx.msk [tilespmem:v3+s21+$0x0], $0xffff;
	v4 =	vor.u32 v0, v4  }
0x326: {  	[tilespmem:s7+$0x4D10] =	vst v9;
	v9 =	vperm.xlane v10, v1  }
0x327: {  	v10 =	vld.idx.msk [tilespmem:v2+s21+$0x0], $0xffff;
	v5 =	vshll.u32 v5, $0x4  }
0x328: {  	v9 =	vshll.u32 v9, $0x4;
	v11 =	vperm.xlane v11, v1;
	v5 =	vor.u32 v0, v5;
	_ =	sdelay $0x1  }
0x329: {  	v12 =	vld.idx.msk [tilespmem:v4+s18+$0x0], $0xffff;
	v11 =	vshll.u32 v11, $0x4  }
0x32a: {  	[tilespmem:s1+$0xD90] =	vst v7  }
0x32b: {  	v9 =	vor.u32 v0, v9;
	v7 =	vld.idx.msk [tilespmem:v8+s25+$0x0], $0xffff  }
0x32c: {  	v11 =	vor.u32 v0, v11;
	[tilespmem:s7+$0xD90] =	vst v10;
	v10 =	vld.idx.msk [tilespmem:v5+s18+$0x0], $0xffff  }
0x32d: {  	v13 =	vld.idx.msk [tilespmem:v6+s25+$0x0], $0xffff;
	_ =	sdelay $0x1  }
0x32e: {  	[tilespmem:s11+$0xE80] =	vst v12  }
0x32f: {  	v12 =	vld.idx.msk [tilespmem:v9+s23+$0x0], $0xffff  }
0x330: {  	[tilespmem:s1+$0x4D90] =	vst v7  }
0x331: {  	v3 =	vld.idx.msk [tilespmem:v3+s22+$0x0], $0xffff;
	[tilespmem:s10+$0xE80] =	vst v10  }
0x332: {  	[tilespmem:s7+$0x4D90] =	vst v13;
	v7 =	vld.idx.msk [tilespmem:v11+s23+$0x0], $0xffff  }
0x333: {  	v2 =	vld.idx.msk [tilespmem:v2+s22+$0x0], $0xffff;
	_ =	sdelay $0x1  }
0x334: {  	[tilespmem:s11+$0x4E80] =	vst v12  }
0x335: {  	v10 =	vld.idx.msk [tilespmem:v4+s20+$0x0], $0xffff  }
0x336: {  	[tilespmem:s1+$0xE10] =	vst v3  }
0x337: {  	v3 =	vld.idx.msk [tilespmem:v8+s26+$0x0], $0xffff;
	[tilespmem:s10+$0x4E80] =	vst v7  }
0x338: {  	[tilespmem:s7+$0xE10] =	vst v2;
	v2 =	vld.idx.msk [tilespmem:v5+s20+$0x0], $0xffff  }
0x339: {  	v6 =	vld.idx.msk [tilespmem:v6+s26+$0x0], $0xffff;
	_ =	sdelay $0x1  }
0x33a: {  	[tilespmem:s11+$0xF00] =	vst v10  }
0x33b: {  	v7 =	vld.idx.msk [tilespmem:v9+s24+$0x0], $0xffff  }
0x33c: {  	[tilespmem:s1+$0x4E10] =	vst v3  }
0x33d: {  	v3 =	vld [tilespmem:s29+$0x20];
	[tilespmem:s10+$0xF00] =	vst v2  }
0x33e: {  	[tilespmem:s7+$0x4E10] =	vst v6;
	v2 =	vld.idx.msk [tilespmem:v11+s24+$0x0], $0xffff  }
0x33f: {  	v6 =	vld [tilespmem:s30+$0x20];
	_ =	sdelay $0x1  }
0x340: {  	v8 =	vld [tilespmem:s29+$0x98];
	[tilespmem:s11+$0x4F00] =	vst v7  }
0x341: {  	v3 =	vshll.u32 v3, $0x4;
	v7 =	vld.idx.msk [tilespmem:v4+s21+$0x0], $0xffff  }
0x342: {  	v3 =	vor.u32 v0, v3  }
0x343: {  	v10 =	vld [tilespmem:s30+$0x98];
	v6 =	vshll.u32 v6, $0x4;
	[tilespmem:s10+$0x4F00] =	vst v2  }
0x344: {  	v2 =	vor.u32 v0, v6;
	v6 =	vld.idx.msk [tilespmem:v5+s21+$0x0], $0xffff  }
0x345: {  	v8 =	vperm.xlane v8, v1;
	_ =	sdelay $0x1  }
0x346: {  	v8 =	vshll.u32 v8, $0x4;
	v12 =	vld.idx.msk [tilespmem:v3+s18+$0x0], $0xffff;
	[tilespmem:s11+$0xF80] =	vst v7  }
0x347: {  	v7 =	vperm.xlane v10, v1;
	v10 =	vld.idx.msk [tilespmem:v9+s25+$0x0], $0xffff  }
0x348: {  	v8 =	vor.u32 v0, v8;
	v13 =	vld.idx.msk [tilespmem:v2+s18+$0x0], $0xffff  }
0x349: {  	v7 =	vshll.u32 v7, $0x4;
	[tilespmem:s10+$0xF80] =	vst v6  }
0x34a: {  	v6 =	vor.u32 v0, v7;
	v7 =	vld.idx.msk [tilespmem:v11+s25+$0x0], $0xffff;
	_ =	sdelay $0x1  }
0x34b: {  	[tilespmem:s1+$0xCA0] =	vst v12  }
0x34c: {  	v12 =	vld.idx.msk [tilespmem:v8+s23+$0x0], $0xffff;
	[tilespmem:s11+$0x4F80] =	vst v10  }
0x34d: {  	[tilespmem:s7+$0xCA0] =	vst v13;
	v4 =	vld.idx.msk [tilespmem:v4+s22+$0x0], $0xffff  }
0x34e: {  	v10 =	vld.idx.msk [tilespmem:v6+s23+$0x0], $0xffff  }
0x34f: {  	[tilespmem:s10+$0x4F80] =	vst v7  }
0x350: {  	v5 =	vld.idx.msk [tilespmem:v5+s22+$0x0], $0xffff;
	_ =	sdelay $0x1  }
0x351: {  	[tilespmem:s1+$0x4CA0] =	vst v12  }
0x352: {  	v7 =	vld.idx.msk [tilespmem:v3+s20+$0x0], $0xffff;
	[tilespmem:s11+$0x1000] =	vst v4  }
0x353: {  	[tilespmem:s7+$0x4CA0] =	vst v10;
	v4 =	vld.idx.msk [tilespmem:v9+s26+$0x0], $0xffff  }
0x354: {  	v9 =	vld.idx.msk [tilespmem:v2+s20+$0x0], $0xffff  }
0x355: {  	[tilespmem:s10+$0x1000] =	vst v5  }
0x356: {  	v5 =	vld.idx.msk [tilespmem:v11+s26+$0x0], $0xffff;
	_ =	sdelay $0x1  }
0x357: {  	[tilespmem:s1+$0xD20] =	vst v7  }
0x358: {  	v7 =	vld.idx.msk [tilespmem:v8+s24+$0x0], $0xffff;
	[tilespmem:s11+$0x5000] =	vst v4  }
0x359: {  	[tilespmem:s7+$0xD20] =	vst v9;
	v4 =	vld [tilespmem:s12+$0x90]  }
0x35a: {  	v9 =	vld.idx.msk [tilespmem:v6+s24+$0x0], $0xffff  }
0x35b: {  	v10 =	vld [tilespmem:s12+$0x28];
	[tilespmem:s10+$0x5000] =	vst v5  }
0x35c: {  	v5 =	vld [tilespmem:s17+$0x90]  }
0x35d: {  	v11 =	vld [tilespmem:s17+$0x28]  }
0x35e: {  	[tilespmem:s1+$0x4D20] =	vst v7;
	v4 =	vshll.u32 v4, $0x4  }
0x35f: {  	v7 =	vld.idx.msk [tilespmem:v3+s21+$0x0], $0xffff;
	v4 =	vor.u32 v0, v4  }
0x360: {  	[tilespmem:s7+$0x4D20] =	vst v9;
	v9 =	vperm.xlane v10, v1  }
0x361: {  	v10 =	vld.idx.msk [tilespmem:v2+s21+$0x0], $0xffff;
	v5 =	vshll.u32 v5, $0x4  }
0x362: {  	v9 =	vshll.u32 v9, $0x4;
	v11 =	vperm.xlane v11, v1;
	v5 =	vor.u32 v0, v5;
	_ =	sdelay $0x1  }
0x363: {  	v12 =	vld.idx.msk [tilespmem:v4+s18+$0x0], $0xffff;
	v11 =	vshll.u32 v11, $0x4  }
0x364: {  	[tilespmem:s1+$0xDA0] =	vst v7  }
0x365: {  	v9 =	vor.u32 v0, v9;
	v7 =	vld.idx.msk [tilespmem:v8+s25+$0x0], $0xffff  }
0x366: {  	v11 =	vor.u32 v0, v11;
	[tilespmem:s7+$0xDA0] =	vst v10;
	v10 =	vld.idx.msk [tilespmem:v5+s18+$0x0], $0xffff  }
0x367: {  	v13 =	vld.idx.msk [tilespmem:v6+s25+$0x0], $0xffff;
	_ =	sdelay $0x1  }
0x368: {  	[tilespmem:s11+$0xE90] =	vst v12  }
0x369: {  	v12 =	vld.idx.msk [tilespmem:v9+s23+$0x0], $0xffff  }
0x36a: {  	[tilespmem:s1+$0x4DA0] =	vst v7  }
0x36b: {  	v3 =	vld.idx.msk [tilespmem:v3+s22+$0x0], $0xffff;
	[tilespmem:s10+$0xE90] =	vst v10  }
0x36c: {  	[tilespmem:s7+$0x4DA0] =	vst v13;
	v7 =	vld.idx.msk [tilespmem:v11+s23+$0x0], $0xffff  }
0x36d: {  	v2 =	vld.idx.msk [tilespmem:v2+s22+$0x0], $0xffff;
	_ =	sdelay $0x1  }
0x36e: {  	[tilespmem:s11+$0x4E90] =	vst v12  }
0x36f: {  	v10 =	vld.idx.msk [tilespmem:v4+s20+$0x0], $0xffff  }
0x370: {  	[tilespmem:s1+$0xE20] =	vst v3  }
0x371: {  	v3 =	vld.idx.msk [tilespmem:v8+s26+$0x0], $0xffff;
	[tilespmem:s10+$0x4E90] =	vst v7  }
0x372: {  	[tilespmem:s7+$0xE20] =	vst v2;
	v2 =	vld.idx.msk [tilespmem:v5+s20+$0x0], $0xffff  }
0x373: {  	v6 =	vld.idx.msk [tilespmem:v6+s26+$0x0], $0xffff;
	_ =	sdelay $0x1  }
0x374: {  	[tilespmem:s11+$0xF10] =	vst v10  }
0x375: {  	v7 =	vld.idx.msk [tilespmem:v9+s24+$0x0], $0xffff  }
0x376: {  	[tilespmem:s1+$0x4E20] =	vst v3  }
0x377: {  	v3 =	vld [tilespmem:s29+$0x30];
	[tilespmem:s10+$0xF10] =	vst v2  }
0x378: {  	[tilespmem:s7+$0x4E20] =	vst v6;
	v2 =	vld.idx.msk [tilespmem:v11+s24+$0x0], $0xffff  }
0x379: {  	v6 =	vld [tilespmem:s30+$0x30];
	_ =	sdelay $0x1  }
0x37a: {  	v8 =	vld [tilespmem:s29+$0x88];
	[tilespmem:s11+$0x4F10] =	vst v7  }
0x37b: {  	v3 =	vshll.u32 v3, $0x4;
	v7 =	vld.idx.msk [tilespmem:v4+s21+$0x0], $0xffff  }
0x37c: {  	v3 =	vor.u32 v0, v3  }
0x37d: {  	v10 =	vld [tilespmem:s30+$0x88];
	v6 =	vshll.u32 v6, $0x4;
	[tilespmem:s10+$0x4F10] =	vst v2  }
0x37e: {  	v2 =	vor.u32 v0, v6;
	v6 =	vld.idx.msk [tilespmem:v5+s21+$0x0], $0xffff  }
0x37f: {  	v8 =	vperm.xlane v8, v1;
	_ =	sdelay $0x1  }
0x380: {  	v8 =	vshll.u32 v8, $0x4;
	v12 =	vld.idx.msk [tilespmem:v3+s18+$0x0], $0xffff;
	[tilespmem:s11+$0xF90] =	vst v7  }
0x381: {  	v7 =	vperm.xlane v10, v1;
	v10 =	vld.idx.msk [tilespmem:v9+s25+$0x0], $0xffff  }
0x382: {  	v8 =	vor.u32 v0, v8;
	v13 =	vld.idx.msk [tilespmem:v2+s18+$0x0], $0xffff  }
0x383: {  	v7 =	vshll.u32 v7, $0x4;
	[tilespmem:s10+$0xF90] =	vst v6  }
0x384: {  	v6 =	vor.u32 v0, v7;
	v7 =	vld.idx.msk [tilespmem:v11+s25+$0x0], $0xffff;
	_ =	sdelay $0x1  }
0x385: {  	[tilespmem:s1+$0xCB0] =	vst v12  }
0x386: {  	v12 =	vld.idx.msk [tilespmem:v8+s23+$0x0], $0xffff;
	[tilespmem:s11+$0x4F90] =	vst v10  }
0x387: {  	[tilespmem:s7+$0xCB0] =	vst v13;
	v4 =	vld.idx.msk [tilespmem:v4+s22+$0x0], $0xffff  }
0x388: {  	v10 =	vld.idx.msk [tilespmem:v6+s23+$0x0], $0xffff  }
0x389: {  	[tilespmem:s10+$0x4F90] =	vst v7  }
0x38a: {  	v5 =	vld.idx.msk [tilespmem:v5+s22+$0x0], $0xffff;
	_ =	sdelay $0x1  }
0x38b: {  	[tilespmem:s1+$0x4CB0] =	vst v12  }
0x38c: {  	v7 =	vld.idx.msk [tilespmem:v3+s20+$0x0], $0xffff;
	[tilespmem:s11+$0x1010] =	vst v4  }
0x38d: {  	[tilespmem:s7+$0x4CB0] =	vst v10;
	v4 =	vld.idx.msk [tilespmem:v9+s26+$0x0], $0xffff  }
0x38e: {  	v9 =	vld.idx.msk [tilespmem:v2+s20+$0x0], $0xffff  }
0x38f: {  	[tilespmem:s10+$0x1010] =	vst v5  }
0x390: {  	v5 =	vld.idx.msk [tilespmem:v11+s26+$0x0], $0xffff;
	_ =	sdelay $0x1  }
0x391: {  	[tilespmem:s1+$0xD30] =	vst v7  }
0x392: {  	v7 =	vld.idx.msk [tilespmem:v8+s24+$0x0], $0xffff;
	[tilespmem:s11+$0x5010] =	vst v4  }
0x393: {  	[tilespmem:s7+$0xD30] =	vst v9;
	v4 =	vld [tilespmem:s12+$0xA0]  }
0x394: {  	v9 =	vld.idx.msk [tilespmem:v6+s24+$0x0], $0xffff  }
0x395: {  	v10 =	vld [tilespmem:s12+$0x18];
	[tilespmem:s10+$0x5010] =	vst v5  }
0x396: {  	v5 =	vld [tilespmem:s17+$0xA0]  }
0x397: {  	v11 =	vld [tilespmem:s17+$0x18]  }
0x398: {  	[tilespmem:s1+$0x4D30] =	vst v7;
	v4 =	vshll.u32 v4, $0x4  }
0x399: {  	v7 =	vld.idx.msk [tilespmem:v3+s21+$0x0], $0xffff;
	v4 =	vor.u32 v0, v4  }
0x39a: {  	[tilespmem:s7+$0x4D30] =	vst v9;
	v9 =	vperm.xlane v10, v1  }
0x39b: {  	v10 =	vld.idx.msk [tilespmem:v2+s21+$0x0], $0xffff;
	v5 =	vshll.u32 v5, $0x4  }
0x39c: {  	v9 =	vshll.u32 v9, $0x4;
	v11 =	vperm.xlane v11, v1;
	v5 =	vor.u32 v0, v5;
	_ =	sdelay $0x1  }
0x39d: {  	v12 =	vld.idx.msk [tilespmem:v4+s18+$0x0], $0xffff;
	v11 =	vshll.u32 v11, $0x4  }
0x39e: {  	[tilespmem:s1+$0xDB0] =	vst v7  }
0x39f: {  	v9 =	vor.u32 v0, v9;
	v7 =	vld.idx.msk [tilespmem:v8+s25+$0x0], $0xffff  }
0x3a0: {  	v11 =	vor.u32 v0, v11;
	[tilespmem:s7+$0xDB0] =	vst v10;
	v10 =	vld.idx.msk [tilespmem:v5+s18+$0x0], $0xffff  }
0x3a1: {  	v13 =	vld.idx.msk [tilespmem:v6+s25+$0x0], $0xffff;
	_ =	sdelay $0x1  }
0x3a2: {  	[tilespmem:s11+$0xEA0] =	vst v12  }
0x3a3: {  	v12 =	vld.idx.msk [tilespmem:v9+s23+$0x0], $0xffff  }
0x3a4: {  	[tilespmem:s1+$0x4DB0] =	vst v7  }
0x3a5: {  	v3 =	vld.idx.msk [tilespmem:v3+s22+$0x0], $0xffff;
	[tilespmem:s10+$0xEA0] =	vst v10  }
0x3a6: {  	[tilespmem:s7+$0x4DB0] =	vst v13;
	v7 =	vld.idx.msk [tilespmem:v11+s23+$0x0], $0xffff  }
0x3a7: {  	v2 =	vld.idx.msk [tilespmem:v2+s22+$0x0], $0xffff;
	_ =	sdelay $0x1  }
0x3a8: {  	[tilespmem:s11+$0x4EA0] =	vst v12  }
0x3a9: {  	v10 =	vld.idx.msk [tilespmem:v4+s20+$0x0], $0xffff  }
0x3aa: {  	[tilespmem:s1+$0xE30] =	vst v3  }
0x3ab: {  	v3 =	vld.idx.msk [tilespmem:v8+s26+$0x0], $0xffff;
	[tilespmem:s10+$0x4EA0] =	vst v7  }
0x3ac: {  	[tilespmem:s7+$0xE30] =	vst v2;
	v2 =	vld.idx.msk [tilespmem:v5+s20+$0x0], $0xffff  }
0x3ad: {  	v6 =	vld.idx.msk [tilespmem:v6+s26+$0x0], $0xffff;
	_ =	sdelay $0x1  }
0x3ae: {  	[tilespmem:s11+$0xF20] =	vst v10  }
0x3af: {  	v7 =	vld.idx.msk [tilespmem:v9+s24+$0x0], $0xffff  }
0x3b0: {  	[tilespmem:s1+$0x4E30] =	vst v3  }
0x3b1: {  	v3 =	vld [tilespmem:s29+$0x40];
	[tilespmem:s10+$0xF20] =	vst v2  }
0x3b2: {  	[tilespmem:s7+$0x4E30] =	vst v6;
	v2 =	vld.idx.msk [tilespmem:v11+s24+$0x0], $0xffff  }
0x3b3: {  	v6 =	vld [tilespmem:s30+$0x40];
	_ =	sdelay $0x1  }
0x3b4: {  	v8 =	vld [tilespmem:s29+$0x78];
	[tilespmem:s11+$0x4F20] =	vst v7  }
0x3b5: {  	v3 =	vshll.u32 v3, $0x4;
	v7 =	vld.idx.msk [tilespmem:v4+s21+$0x0], $0xffff  }
0x3b6: {  	v3 =	vor.u32 v0, v3  }
0x3b7: {  	v10 =	vld [tilespmem:s30+$0x78];
	v6 =	vshll.u32 v6, $0x4;
	[tilespmem:s10+$0x4F20] =	vst v2  }
0x3b8: {  	v2 =	vor.u32 v0, v6;
	v6 =	vld.idx.msk [tilespmem:v5+s21+$0x0], $0xffff  }
0x3b9: {  	v8 =	vperm.xlane v8, v1;
	_ =	sdelay $0x1  }
0x3ba: {  	v8 =	vshll.u32 v8, $0x4;
	v12 =	vld.idx.msk [tilespmem:v3+s18+$0x0], $0xffff;
	[tilespmem:s11+$0xFA0] =	vst v7  }
0x3bb: {  	v7 =	vperm.xlane v10, v1;
	v10 =	vld.idx.msk [tilespmem:v9+s25+$0x0], $0xffff  }
0x3bc: {  	v8 =	vor.u32 v0, v8;
	v13 =	vld.idx.msk [tilespmem:v2+s18+$0x0], $0xffff  }
0x3bd: {  	v7 =	vshll.u32 v7, $0x4;
	[tilespmem:s10+$0xFA0] =	vst v6  }
0x3be: {  	v6 =	vor.u32 v0, v7;
	v7 =	vld.idx.msk [tilespmem:v11+s25+$0x0], $0xffff;
	_ =	sdelay $0x1  }
0x3bf: {  	[tilespmem:s1+$0xCC0] =	vst v12  }
0x3c0: {  	v12 =	vld.idx.msk [tilespmem:v8+s23+$0x0], $0xffff;
	[tilespmem:s11+$0x4FA0] =	vst v10  }
0x3c1: {  	[tilespmem:s7+$0xCC0] =	vst v13;
	v4 =	vld.idx.msk [tilespmem:v4+s22+$0x0], $0xffff  }
0x3c2: {  	v10 =	vld.idx.msk [tilespmem:v6+s23+$0x0], $0xffff  }
0x3c3: {  	[tilespmem:s10+$0x4FA0] =	vst v7  }
0x3c4: {  	v5 =	vld.idx.msk [tilespmem:v5+s22+$0x0], $0xffff;
	_ =	sdelay $0x1  }
0x3c5: {  	[tilespmem:s1+$0x4CC0] =	vst v12  }
0x3c6: {  	v7 =	vld.idx.msk [tilespmem:v3+s20+$0x0], $0xffff;
	[tilespmem:s11+$0x1020] =	vst v4  }
0x3c7: {  	[tilespmem:s7+$0x4CC0] =	vst v10;
	v4 =	vld.idx.msk [tilespmem:v9+s26+$0x0], $0xffff  }
0x3c8: {  	v9 =	vld.idx.msk [tilespmem:v2+s20+$0x0], $0xffff  }
0x3c9: {  	[tilespmem:s10+$0x1020] =	vst v5  }
0x3ca: {  	v5 =	vld.idx.msk [tilespmem:v11+s26+$0x0], $0xffff;
	_ =	sdelay $0x1  }
0x3cb: {  	[tilespmem:s1+$0xD40] =	vst v7  }
0x3cc: {  	v7 =	vld.idx.msk [tilespmem:v8+s24+$0x0], $0xffff;
	[tilespmem:s11+$0x5020] =	vst v4  }
0x3cd: {  	[tilespmem:s7+$0xD40] =	vst v9;
	v4 =	vld [tilespmem:s12+$0xB0]  }
0x3ce: {  	v9 =	vld.idx.msk [tilespmem:v6+s24+$0x0], $0xffff  }
0x3cf: {  	v10 =	vld [tilespmem:s12+$0x8];
	[tilespmem:s10+$0x5020] =	vst v5  }
0x3d0: {  	v5 =	vld [tilespmem:s17+$0xB0]  }
0x3d1: {  	v11 =	vld [tilespmem:s17+$0x8]  }
0x3d2: {  	[tilespmem:s1+$0x4D40] =	vst v7;
	v4 =	vshll.u32 v4, $0x4  }
0x3d3: {  	v7 =	vld.idx.msk [tilespmem:v3+s21+$0x0], $0xffff;
	v4 =	vor.u32 v0, v4  }
0x3d4: {  	[tilespmem:s7+$0x4D40] =	vst v9;
	v9 =	vperm.xlane v10, v1  }
0x3d5: {  	v10 =	vld.idx.msk [tilespmem:v2+s21+$0x0], $0xffff;
	v5 =	vshll.u32 v5, $0x4  }
0x3d6: {  	v9 =	vshll.u32 v9, $0x4;
	v11 =	vperm.xlane v11, v1;
	v5 =	vor.u32 v0, v5;
	_ =	sdelay $0x1  }
0x3d7: {  	v12 =	vld.idx.msk [tilespmem:v4+s18+$0x0], $0xffff;
	v11 =	vshll.u32 v11, $0x4  }
0x3d8: {  	[tilespmem:s1+$0xDC0] =	vst v7  }
0x3d9: {  	v9 =	vor.u32 v0, v9;
	v7 =	vld.idx.msk [tilespmem:v8+s25+$0x0], $0xffff  }
0x3da: {  	v11 =	vor.u32 v0, v11;
	[tilespmem:s7+$0xDC0] =	vst v10;
	v10 =	vld.idx.msk [tilespmem:v5+s18+$0x0], $0xffff  }
0x3db: {  	v13 =	vld.idx.msk [tilespmem:v6+s25+$0x0], $0xffff;
	_ =	sdelay $0x1  }
0x3dc: {  	[tilespmem:s11+$0xEB0] =	vst v12  }
0x3dd: {  	v12 =	vld.idx.msk [tilespmem:v9+s23+$0x0], $0xffff  }
0x3de: {  	[tilespmem:s1+$0x4DC0] =	vst v7  }
0x3df: {  	v3 =	vld.idx.msk [tilespmem:v3+s22+$0x0], $0xffff;
	[tilespmem:s10+$0xEB0] =	vst v10  }
0x3e0: {  	[tilespmem:s7+$0x4DC0] =	vst v13;
	v7 =	vld.idx.msk [tilespmem:v11+s23+$0x0], $0xffff  }
0x3e1: {  	v2 =	vld.idx.msk [tilespmem:v2+s22+$0x0], $0xffff;
	_ =	sdelay $0x1  }
0x3e2: {  	[tilespmem:s11+$0x4EB0] =	vst v12  }
0x3e3: {  	v10 =	vld.idx.msk [tilespmem:v4+s20+$0x0], $0xffff  }
0x3e4: {  	[tilespmem:s1+$0xE40] =	vst v3  }
0x3e5: {  	v3 =	vld.idx.msk [tilespmem:v8+s26+$0x0], $0xffff;
	[tilespmem:s10+$0x4EB0] =	vst v7  }
0x3e6: {  	[tilespmem:s7+$0xE40] =	vst v2;
	v2 =	vld.idx.msk [tilespmem:v5+s20+$0x0], $0xffff  }
0x3e7: {  	v6 =	vld.idx.msk [tilespmem:v6+s26+$0x0], $0xffff;
	_ =	sdelay $0x1  }
0x3e8: {  	[tilespmem:s11+$0xF30] =	vst v10  }
0x3e9: {  	v7 =	vld.idx.msk [tilespmem:v9+s24+$0x0], $0xffff  }
0x3ea: {  	[tilespmem:s1+$0x4E40] =	vst v3  }
0x3eb: {  	v3 =	vld [tilespmem:s29+$0x50];
	[tilespmem:s10+$0xF30] =	vst v2  }
0x3ec: {  	[tilespmem:s7+$0x4E40] =	vst v6;
	v2 =	vld.idx.msk [tilespmem:v11+s24+$0x0], $0xffff  }
0x3ed: {  	v6 =	vld [tilespmem:s30+$0x50];
	_ =	sdelay $0x1  }
0x3ee: {  	v8 =	vld [tilespmem:s29+$0x68];
	[tilespmem:s11+$0x4F30] =	vst v7  }
0x3ef: {  	v3 =	vshll.u32 v3, $0x4;
	v7 =	vld.idx.msk [tilespmem:v4+s21+$0x0], $0xffff  }
0x3f0: {  	v3 =	vor.u32 v0, v3  }
0x3f1: {  	v10 =	vld [tilespmem:s30+$0x68];
	v6 =	vshll.u32 v6, $0x4;
	[tilespmem:s10+$0x4F30] =	vst v2  }
0x3f2: {  	v2 =	vor.u32 v0, v6;
	v6 =	vld.idx.msk [tilespmem:v5+s21+$0x0], $0xffff  }
0x3f3: {  	v8 =	vperm.xlane v8, v1;
	_ =	sdelay $0x1  }
0x3f4: {  	v8 =	vshll.u32 v8, $0x4;
	v12 =	vld.idx.msk [tilespmem:v3+s18+$0x0], $0xffff;
	[tilespmem:s11+$0xFB0] =	vst v7  }
0x3f5: {  	v7 =	vperm.xlane v10, v1;
	v10 =	vld.idx.msk [tilespmem:v9+s25+$0x0], $0xffff  }
0x3f6: {  	v8 =	vor.u32 v0, v8;
	v13 =	vld.idx.msk [tilespmem:v2+s18+$0x0], $0xffff  }
0x3f7: {  	v7 =	vshll.u32 v7, $0x4;
	[tilespmem:s10+$0xFB0] =	vst v6  }
0x3f8: {  	v6 =	vor.u32 v0, v7;
	v7 =	vld.idx.msk [tilespmem:v11+s25+$0x0], $0xffff;
	_ =	sdelay $0x1  }
0x3f9: {  	[tilespmem:s1+$0xCD0] =	vst v12  }
0x3fa: {  	v12 =	vld.idx.msk [tilespmem:v8+s23+$0x0], $0xffff;
	[tilespmem:s11+$0x4FB0] =	vst v10  }
0x3fb: {  	[tilespmem:s7+$0xCD0] =	vst v13;
	v4 =	vld.idx.msk [tilespmem:v4+s22+$0x0], $0xffff  }
0x3fc: {  	v10 =	vld.idx.msk [tilespmem:v6+s23+$0x0], $0xffff  }
0x3fd: {  	[tilespmem:s10+$0x4FB0] =	vst v7  }
0x3fe: {  	v5 =	vld.idx.msk [tilespmem:v5+s22+$0x0], $0xffff;
	_ =	sdelay $0x1  }
0x3ff: {  	[tilespmem:s1+$0x4CD0] =	vst v12  }
0x400: {  	v7 =	vld.idx.msk [tilespmem:v3+s20+$0x0], $0xffff;
	[tilespmem:s11+$0x1030] =	vst v4  }
0x401: {  	[tilespmem:s7+$0x4CD0] =	vst v10;
	v4 =	vld.idx.msk [tilespmem:v9+s26+$0x0], $0xffff  }
0x402: {  	v9 =	vld.idx.msk [tilespmem:v2+s20+$0x0], $0xffff  }
0x403: {  	[tilespmem:s10+$0x1030] =	vst v5  }
0x404: {  	v5 =	vld.idx.msk [tilespmem:v11+s26+$0x0], $0xffff;
	_ =	sdelay $0x1  }
0x405: {  	[tilespmem:s1+$0xD50] =	vst v7  }
0x406: {  	v7 =	vld.idx.msk [tilespmem:v8+s24+$0x0], $0xffff;
	[tilespmem:s11+$0x5030] =	vst v4  }
0x407: {  	[tilespmem:s7+$0xD50] =	vst v9;
	v4 =	vld [tilespmem:s12+$0xB8]  }
0x408: {  	v9 =	vld.idx.msk [tilespmem:v6+s24+$0x0], $0xffff  }
0x409: {  	v10 =	vld [tilespmem:s12+$0x0];
	[tilespmem:s10+$0x5030] =	vst v5;
	s12 =	smov.u32 s29  }
0x40a: {  	v5 =	vld [tilespmem:s17+$0xB8]  }
0x40b: {  	v11 =	vld [tilespmem:s17+$0x0];
	s17 =	smov.u32 s30  }
0x40c: {  	[tilespmem:s1+$0x4D50] =	vst v7;
	v4 =	vshll.u32 v4, $0x4  }
0x40d: {  	v7 =	vld.idx.msk [tilespmem:v3+s21+$0x0], $0xffff;
	v12 =	vor.u32 v0, v4  }
0x40e: {  	[tilespmem:s7+$0x4D50] =	vst v9;
	v4 =	vperm.xlane v10, v1  }
0x40f: {  	v9 =	vld.idx.msk [tilespmem:v2+s21+$0x0], $0xffff;
	v5 =	vshll.u32 v5, $0x4  }
0x410: {  	v4 =	vshll.u32 v4, $0x4;
	v10 =	vperm.xlane v11, v1;
	v11 =	vor.u32 v0, v5;
	_ =	sdelay $0x1  }
0x411: {  	v5 =	vld.idx.msk [tilespmem:v12+s18+$0x0], $0xffff;
	v10 =	vshll.u32 v10, $0x4  }
0x412: {  	[tilespmem:s1+$0xDD0] =	vst v7  }
0x413: {  	v13 =	vor.u32 v0, v4;
	v7 =	vld.idx.msk [tilespmem:v8+s25+$0x0], $0xffff  }
0x414: {  	[tilespmem:s7+$0xDD0] =	vst v9;
	v4 =	vld.idx.msk [tilespmem:v11+s18+$0x0], $0xffff;
	v9 =	vor.u32 v0, v10  }
0x415: {  	v10 =	vld.idx.msk [tilespmem:v6+s25+$0x0], $0xffff;
	_ =	sdelay $0x1  }
0x416: {  	[tilespmem:s11+$0xEB8] =	vst v5  }
0x417: {  	v5 =	vld.idx.msk [tilespmem:v13+s23+$0x0], $0xffff  }
0x418: {  	[tilespmem:s1+$0x4DD0] =	vst v7  }
0x419: {  	v3 =	vld.idx.msk [tilespmem:v3+s22+$0x0], $0xffff;
	[tilespmem:s10+$0xEB8] =	vst v4  }
0x41a: {  	[tilespmem:s7+$0x4DD0] =	vst v10;
	v4 =	vld.idx.msk [tilespmem:v9+s23+$0x0], $0xffff  }
0x41b: {  	v2 =	vld.idx.msk [tilespmem:v2+s22+$0x0], $0xffff;
	_ =	sdelay $0x1  }
0x41c: {  	[tilespmem:s11+$0x4EB8] =	vst v5  }
0x41d: {  	v5 =	vld.idx.msk [tilespmem:v12+s20+$0x0], $0xffff  }
0x41e: {  	[tilespmem:s1+$0xE50] =	vst v3  }
0x41f: {  	v3 =	vld.idx.msk [tilespmem:v8+s26+$0x0], $0xffff;
	[tilespmem:s10+$0x4EB8] =	vst v4  }
0x420: {  	[tilespmem:s7+$0xE50] =	vst v2;
	v2 =	vld.idx.msk [tilespmem:v11+s20+$0x0], $0xffff  }
0x421: {  	v4 =	vld.idx.msk [tilespmem:v6+s26+$0x0], $0xffff;
	_ =	sdelay $0x1  }
0x422: {  	[tilespmem:s11+$0xF38] =	vst v5  }
0x423: {  	v5 =	vld.idx.msk [tilespmem:v13+s24+$0x0], $0xffff  }
0x424: {  	[tilespmem:s1+$0x4E50] =	vst v3  }
0x425: {  	v3 =	vld [tilespmem:s12+$0x60];
	[tilespmem:s10+$0xF38] =	vst v2  }
0x426: {  	[tilespmem:s7+$0x4E50] =	vst v4;
	v2 =	vld.idx.msk [tilespmem:v9+s24+$0x0], $0xffff  }
0x427: {  	v6 =	vld [tilespmem:s17+$0x60];
	_ =	sdelay $0x1  }
0x428: {  	v7 =	vld [tilespmem:s12+$0x58];
	[tilespmem:s11+$0x4F38] =	vst v5  }
0x429: {  	v3 =	vshll.u32 v3, $0x4;
	v8 =	vld.idx.msk [tilespmem:v12+s21+$0x0], $0xffff  }
0x42a: {  	v4 =	vor.u32 v0, v3  }
0x42b: {  	v3 =	vld [tilespmem:s17+$0x58];
	v5 =	vshll.u32 v6, $0x4;
	[tilespmem:s10+$0x4F38] =	vst v2  }
0x42c: {  	v5 =	vor.u32 v0, v5;
	v2 =	vld.idx.msk [tilespmem:v11+s21+$0x0], $0xffff  }
0x42d: {  	v6 =	vperm.xlane v7, v1;
	_ =	sdelay $0x1  }
0x42e: {  	v6 =	vshll.u32 v6, $0x4;
	v10 =	vld.idx.msk [tilespmem:v4+s18+$0x0], $0xffff;
	[tilespmem:s11+$0xFB8] =	vst v8  }
0x42f: {  	v3 =	vperm.xlane v3, v1;
	v8 =	vld.idx.msk [tilespmem:v13+s25+$0x0], $0xffff  }
0x430: {  	v6 =	vor.u32 v0, v6;
	v14 =	vld.idx.msk [tilespmem:v5+s18+$0x0], $0xffff  }
0x431: {  	v3 =	vshll.u32 v3, $0x4;
	[tilespmem:s10+$0xFB8] =	vst v2  }
0x432: {  	v7 =	vor.u32 v0, v3;
	v2 =	vld.idx.msk [tilespmem:v9+s25+$0x0], $0xffff;
	_ =	sdelay $0x1  }
0x433: {  	[tilespmem:s1+$0xCE0] =	vst v10  }
0x434: {  	v3 =	vld.idx.msk [tilespmem:v6+s23+$0x0], $0xffff;
	[tilespmem:s11+$0x4FB8] =	vst v8  }
0x435: {  	[tilespmem:s7+$0xCE0] =	vst v14;
	v8 =	vld.idx.msk [tilespmem:v12+s22+$0x0], $0xffff  }
0x436: {  	v10 =	vld.idx.msk [tilespmem:v7+s23+$0x0], $0xffff  }
0x437: {  	[tilespmem:s10+$0x4FB8] =	vst v2  }
0x438: {  	v2 =	vld.idx.msk [tilespmem:v11+s22+$0x0], $0xffff;
	_ =	sdelay $0x1  }
0x439: {  	[tilespmem:s1+$0x4CE0] =	vst v3  }
0x43a: {  	v11 =	vld.idx.msk [tilespmem:v4+s20+$0x0], $0xffff;
	[tilespmem:s11+$0x1038] =	vst v8  }
0x43b: {  	[tilespmem:s7+$0x4CE0] =	vst v10;
	v3 =	vld.idx.msk [tilespmem:v13+s26+$0x0], $0xffff  }
.Ltmp0:
0x43c: {  	v8 =	vld.idx.msk [tilespmem:v5+s20+$0x0], $0xffff;
	(pc) =	sbr.rel @p0 .LBB2_3-.Ltmp0, $3  }
0x43d: {  	[tilespmem:s10+$0x1038] =	vst v2  }
0x43e: {  	v2 =	vld.idx.msk [tilespmem:v9+s26+$0x0], $0xffff;
	_ =	sdelay $0x1  }
0x43f: {  	[tilespmem:s1+$0xD60] =	vst v11  }
0x440: {  	_ =	sdelay $0x3  }
0x441: {  	v9 =	vld.idx.msk [tilespmem:v6+s24+$0x0], $0xffff;
	[tilespmem:s7+$0xD60] =	vst v8  }
0x442: {  	v8 =	vld.idx.msk [tilespmem:v7+s24+$0x0], $0xffff;
	_ =	sdelay $0x3  }
0x443: {  	[tilespmem:s1+$0x4D60] =	vst v9  }
0x444: {  	v9 =	vld.idx.msk [tilespmem:v4+s21+$0x0], $0xffff;
	[tilespmem:s7+$0x4D60] =	vst v8  }
0x445: {  	v8 =	vld.idx.msk [tilespmem:v5+s21+$0x0], $0xffff;
	_ =	sdelay $0x3  }
0x446: {  	[tilespmem:s1+$0xDE0] =	vst v9  }
0x447: {  	v9 =	vld.idx.msk [tilespmem:v6+s25+$0x0], $0xffff;
	[tilespmem:s7+$0xDE0] =	vst v8  }
0x448: {  	v8 =	vld.idx.msk [tilespmem:v7+s25+$0x0], $0xffff;
	_ =	sdelay $0x3  }
0x449: {  	[tilespmem:s1+$0x4DE0] =	vst v9  }
0x44a: {  	v4 =	vld.idx.msk [tilespmem:v4+s22+$0x0], $0xffff;
	[tilespmem:s7+$0x4DE0] =	vst v8  }
0x44b: {  	v5 =	vld.idx.msk [tilespmem:v5+s22+$0x0], $0xffff;
	_ =	sdelay $0x3  }
0x44c: {  	[tilespmem:s1+$0xE60] =	vst v4  }
0x44d: {  	v4 =	vld.idx.msk [tilespmem:v6+s26+$0x0], $0xffff;
	[tilespmem:s7+$0xE60] =	vst v5  }
0x44e: {  	v5 =	vld.idx.msk [tilespmem:v7+s26+$0x0], $0xffff;
	_ =	sdelay $0x3  }
0x44f: {  	[tilespmem:s1+$0x4E60] =	vst v4  }
0x450: {  	v4 =	vld [tilespmem:s12+$0x70];
	[tilespmem:s7+$0x4E60] =	vst v5  }
0x451: {  	v5 =	vld [tilespmem:s17+$0x70];
	_ =	sdelay $0x2  }
0x452: {  	v6 =	vld [tilespmem:s12+$0x48]  }
0x453: {  	v7 =	vld [tilespmem:s17+$0x48];
	v4 =	vshll.u32 v4, $0x4  }
0x454: {  	v4 =	vor.u32 v0, v4;
	v5 =	vshll.u32 v5, $0x4  }
0x455: {  	v5 =	vor.u32 v0, v5;
	_ =	sdelay $0x1  }
0x456: {  	v6 =	vperm.xlane v6, v1  }
0x457: {  	v7 =	vperm.xlane v7, v1  }
0x458: {  	v6 =	vshll.u32 v6, $0x4;
	v8 =	vld.idx.msk [tilespmem:v4+s18+$0x0], $0xffff  }
0x459: {  	v7 =	vshll.u32 v7, $0x4;
	v6 =	vor.u32 v0, v6;
	v9 =	vld.idx.msk [tilespmem:v5+s18+$0x0], $0xffff  }
0x45a: {  	v7 =	vor.u32 v0, v7;
	_ =	sdelay $0x2  }
0x45b: {  	[tilespmem:s1+$0xCF0] =	vst v8  }
0x45c: {  	v8 =	vld.idx.msk [tilespmem:v6+s23+$0x0], $0xffff;
	[tilespmem:s7+$0xCF0] =	vst v9  }
0x45d: {  	v9 =	vld.idx.msk [tilespmem:v7+s23+$0x0], $0xffff;
	_ =	sdelay $0x3  }
0x45e: {  	[tilespmem:s1+$0x4CF0] =	vst v8  }
0x45f: {  	v8 =	vld.idx.msk [tilespmem:v4+s20+$0x0], $0xffff;
	[tilespmem:s7+$0x4CF0] =	vst v9  }
0x460: {  	v9 =	vld.idx.msk [tilespmem:v5+s20+$0x0], $0xffff;
	_ =	sdelay $0x3  }
0x461: {  	[tilespmem:s1+$0xD70] =	vst v8  }
0x462: {  	v8 =	vld.idx.msk [tilespmem:v6+s24+$0x0], $0xffff;
	[tilespmem:s7+$0xD70] =	vst v9  }
0x463: {  	v9 =	vld.idx.msk [tilespmem:v7+s24+$0x0], $0xffff;
	_ =	sdelay $0x3  }
0x464: {  	[tilespmem:s1+$0x4D70] =	vst v8  }
0x465: {  	v8 =	vld.idx.msk [tilespmem:v4+s21+$0x0], $0xffff;
	[tilespmem:s7+$0x4D70] =	vst v9  }
0x466: {  	v9 =	vld.idx.msk [tilespmem:v5+s21+$0x0], $0xffff;
	_ =	sdelay $0x3  }
0x467: {  	[tilespmem:s1+$0xDF0] =	vst v8  }
0x468: {  	v8 =	vld.idx.msk [tilespmem:v6+s25+$0x0], $0xffff;
	[tilespmem:s7+$0xDF0] =	vst v9  }
0x469: {  	v9 =	vld.idx.msk [tilespmem:v7+s25+$0x0], $0xffff;
	_ =	sdelay $0x3  }
0x46a: {  	[tilespmem:s1+$0x4DF0] =	vst v8  }
0x46b: {  	v4 =	vld.idx.msk [tilespmem:v4+s22+$0x0], $0xffff;
	[tilespmem:s7+$0x4DF0] =	vst v9  }
0x46c: {  	v5 =	vld.idx.msk [tilespmem:v5+s22+$0x0], $0xffff;
	_ =	sdelay $0x3  }
0x46d: {  	[tilespmem:s1+$0xE70] =	vst v4  }
0x46e: {  	v4 =	vld.idx.msk [tilespmem:v6+s26+$0x0], $0xffff;
	[tilespmem:s7+$0xE70] =	vst v5  }
0x46f: {  	v5 =	vld.idx.msk [tilespmem:v7+s26+$0x0], $0xffff;
	_ =	sdelay $0x3  }
0x470: {  	s5 =	sand.u32 $0x7F0, s12;
	[tilespmem:s1+$0x4E70] =	vst v4  }
0x471: {  	s31 =	sand.u32 $0x7F8, s17;
	v4 =	vld [tilespmem:s5+$0x80];
	[tilespmem:s7+$0x4E70] =	vst v5  }
0x472: {  	v5 =	vld [tilespmem:s31+$0x80];
	_ =	sdelay $0x2  }
0x473: {  	v6 =	vld [tilespmem:s12+$0x38]  }
0x474: {  	v7 =	vld [tilespmem:s17+$0x38];
	v4 =	vshll.u32 v4, $0x4  }
0x475: {  	v4 =	vor.u32 v0, v4;
	v5 =	vshll.u32 v5, $0x4  }
0x476: {  	v5 =	vor.u32 v0, v5;
	_ =	sdelay $0x1  }
0x477: {  	v6 =	vperm.xlane v6, v1  }
0x478: {  	v7 =	vperm.xlane v7, v1  }
0x479: {  	v6 =	vshll.u32 v6, $0x4;
	v8 =	vld.idx.msk [tilespmem:v4+s18+$0x0], $0xffff  }
0x47a: {  	v7 =	vshll.u32 v7, $0x4;
	v6 =	vor.u32 v0, v6;
	v9 =	vld.idx.msk [tilespmem:v5+s18+$0x0], $0xffff  }
0x47b: {  	v7 =	vor.u32 v0, v7;
	_ =	sdelay $0x2  }
0x47c: {  	[tilespmem:s1+$0xE80] =	vst v8  }
0x47d: {  	v8 =	vld.idx.msk [tilespmem:v6+s23+$0x0], $0xffff;
	[tilespmem:s7+$0xE80] =	vst v9  }
0x47e: {  	v9 =	vld.idx.msk [tilespmem:v7+s23+$0x0], $0xffff;
	_ =	sdelay $0x3  }
0x47f: {  	[tilespmem:s1+$0x4E80] =	vst v8  }
0x480: {  	v8 =	vld.idx.msk [tilespmem:v4+s20+$0x0], $0xffff;
	[tilespmem:s7+$0x4E80] =	vst v9  }
0x481: {  	v9 =	vld.idx.msk [tilespmem:v5+s20+$0x0], $0xffff;
	_ =	sdelay $0x3  }
0x482: {  	[tilespmem:s1+$0xF00] =	vst v8  }
0x483: {  	v8 =	vld.idx.msk [tilespmem:v6+s24+$0x0], $0xffff;
	[tilespmem:s7+$0xF00] =	vst v9  }
0x484: {  	v9 =	vld.idx.msk [tilespmem:v7+s24+$0x0], $0xffff;
	_ =	sdelay $0x3  }
0x485: {  	[tilespmem:s1+$0x4F00] =	vst v8  }
0x486: {  	v8 =	vld.idx.msk [tilespmem:v4+s21+$0x0], $0xffff;
	[tilespmem:s7+$0x4F00] =	vst v9  }
0x487: {  	v9 =	vld.idx.msk [tilespmem:v5+s21+$0x0], $0xffff;
	_ =	sdelay $0x3  }
0x488: {  	[tilespmem:s1+$0xF80] =	vst v8  }
0x489: {  	v8 =	vld.idx.msk [tilespmem:v6+s25+$0x0], $0xffff;
	[tilespmem:s7+$0xF80] =	vst v9  }
0x48a: {  	v9 =	vld.idx.msk [tilespmem:v7+s25+$0x0], $0xffff;
	_ =	sdelay $0x3  }
0x48b: {  	[tilespmem:s1+$0x4F80] =	vst v8  }
0x48c: {  	v4 =	vld.idx.msk [tilespmem:v4+s22+$0x0], $0xffff;
	[tilespmem:s7+$0x4F80] =	vst v9  }
0x48d: {  	v5 =	vld.idx.msk [tilespmem:v5+s22+$0x0], $0xffff;
	_ =	sdelay $0x3  }
0x48e: {  	[tilespmem:s1+$0x1000] =	vst v4  }
0x48f: {  	v4 =	vld.idx.msk [tilespmem:v6+s26+$0x0], $0xffff;
	[tilespmem:s7+$0x1000] =	vst v5  }
0x490: {  	v5 =	vld.idx.msk [tilespmem:v7+s26+$0x0], $0xffff;
	_ =	sdelay $0x3  }
0x491: {  	[tilespmem:s1+$0x5000] =	vst v4  }
0x492: {  	v4 =	vld [tilespmem:s12+$0x90];
	[tilespmem:s7+$0x5000] =	vst v5  }
0x493: {  	v5 =	vld [tilespmem:s17+$0x90];
	_ =	sdelay $0x2  }
0x494: {  	v6 =	vld [tilespmem:s12+$0x28]  }
0x495: {  	v7 =	vld [tilespmem:s17+$0x28];
	v4 =	vshll.u32 v4, $0x4  }
0x496: {  	v4 =	vor.u32 v0, v4;
	v5 =	vshll.u32 v5, $0x4  }
0x497: {  	v5 =	vor.u32 v0, v5;
	_ =	sdelay $0x1  }
0x498: {  	v6 =	vperm.xlane v6, v1  }
0x499: {  	v7 =	vperm.xlane v7, v1  }
0x49a: {  	v6 =	vshll.u32 v6, $0x4;
	v8 =	vld.idx.msk [tilespmem:v4+s18+$0x0], $0xffff  }
0x49b: {  	v7 =	vshll.u32 v7, $0x4;
	v6 =	vor.u32 v0, v6;
	v9 =	vld.idx.msk [tilespmem:v5+s18+$0x0], $0xffff  }
0x49c: {  	v7 =	vor.u32 v0, v7;
	_ =	sdelay $0x2  }
0x49d: {  	[tilespmem:s1+$0xE90] =	vst v8  }
0x49e: {  	v8 =	vld.idx.msk [tilespmem:v6+s23+$0x0], $0xffff;
	[tilespmem:s7+$0xE90] =	vst v9  }
0x49f: {  	v9 =	vld.idx.msk [tilespmem:v7+s23+$0x0], $0xffff;
	_ =	sdelay $0x3  }
0x4a0: {  	[tilespmem:s1+$0x4E90] =	vst v8  }
0x4a1: {  	v8 =	vld.idx.msk [tilespmem:v4+s20+$0x0], $0xffff;
	[tilespmem:s7+$0x4E90] =	vst v9  }
0x4a2: {  	v9 =	vld.idx.msk [tilespmem:v5+s20+$0x0], $0xffff;
	_ =	sdelay $0x3  }
0x4a3: {  	[tilespmem:s1+$0xF10] =	vst v8  }
0x4a4: {  	v8 =	vld.idx.msk [tilespmem:v6+s24+$0x0], $0xffff;
	[tilespmem:s7+$0xF10] =	vst v9  }
0x4a5: {  	v9 =	vld.idx.msk [tilespmem:v7+s24+$0x0], $0xffff;
	_ =	sdelay $0x3  }
0x4a6: {  	[tilespmem:s1+$0x4F10] =	vst v8  }
0x4a7: {  	v8 =	vld.idx.msk [tilespmem:v4+s21+$0x0], $0xffff;
	[tilespmem:s7+$0x4F10] =	vst v9  }
0x4a8: {  	v9 =	vld.idx.msk [tilespmem:v5+s21+$0x0], $0xffff;
	_ =	sdelay $0x3  }
0x4a9: {  	[tilespmem:s1+$0xF90] =	vst v8  }
0x4aa: {  	v8 =	vld.idx.msk [tilespmem:v6+s25+$0x0], $0xffff;
	[tilespmem:s7+$0xF90] =	vst v9  }
0x4ab: {  	v9 =	vld.idx.msk [tilespmem:v7+s25+$0x0], $0xffff;
	_ =	sdelay $0x3  }
0x4ac: {  	[tilespmem:s1+$0x4F90] =	vst v8  }
0x4ad: {  	v4 =	vld.idx.msk [tilespmem:v4+s22+$0x0], $0xffff;
	[tilespmem:s7+$0x4F90] =	vst v9  }
0x4ae: {  	v5 =	vld.idx.msk [tilespmem:v5+s22+$0x0], $0xffff;
	_ =	sdelay $0x3  }
0x4af: {  	[tilespmem:s1+$0x1010] =	vst v4  }
0x4b0: {  	v4 =	vld.idx.msk [tilespmem:v6+s26+$0x0], $0xffff;
	[tilespmem:s7+$0x1010] =	vst v5  }
0x4b1: {  	v5 =	vld.idx.msk [tilespmem:v7+s26+$0x0], $0xffff;
	_ =	sdelay $0x3  }
0x4b2: {  	[tilespmem:s1+$0x5010] =	vst v4  }
0x4b3: {  	v4 =	vld [tilespmem:s12+$0xA0];
	[tilespmem:s7+$0x5010] =	vst v5  }
0x4b4: {  	v5 =	vld [tilespmem:s17+$0xA0];
	_ =	sdelay $0x2  }
0x4b5: {  	v6 =	vld [tilespmem:s12+$0x18]  }
0x4b6: {  	v7 =	vld [tilespmem:s17+$0x18];
	v4 =	vshll.u32 v4, $0x4  }
0x4b7: {  	v4 =	vor.u32 v0, v4;
	v5 =	vshll.u32 v5, $0x4  }
0x4b8: {  	v5 =	vor.u32 v0, v5;
	_ =	sdelay $0x1  }
0x4b9: {  	v6 =	vperm.xlane v6, v1  }
0x4ba: {  	v7 =	vperm.xlane v7, v1  }
0x4bb: {  	v6 =	vshll.u32 v6, $0x4;
	v8 =	vld.idx.msk [tilespmem:v4+s18+$0x0], $0xffff  }
0x4bc: {  	v7 =	vshll.u32 v7, $0x4;
	v6 =	vor.u32 v0, v6;
	v9 =	vld.idx.msk [tilespmem:v5+s18+$0x0], $0xffff  }
0x4bd: {  	v7 =	vor.u32 v0, v7;
	_ =	sdelay $0x2  }
0x4be: {  	[tilespmem:s1+$0xEA0] =	vst v8  }
0x4bf: {  	v8 =	vld.idx.msk [tilespmem:v6+s23+$0x0], $0xffff;
	[tilespmem:s7+$0xEA0] =	vst v9  }
0x4c0: {  	v9 =	vld.idx.msk [tilespmem:v7+s23+$0x0], $0xffff;
	_ =	sdelay $0x3  }
0x4c1: {  	[tilespmem:s1+$0x4EA0] =	vst v8  }
0x4c2: {  	v8 =	vld.idx.msk [tilespmem:v4+s20+$0x0], $0xffff;
	[tilespmem:s7+$0x4EA0] =	vst v9  }
0x4c3: {  	v9 =	vld.idx.msk [tilespmem:v5+s20+$0x0], $0xffff;
	_ =	sdelay $0x3  }
0x4c4: {  	[tilespmem:s1+$0xF20] =	vst v8  }
0x4c5: {  	v8 =	vld.idx.msk [tilespmem:v6+s24+$0x0], $0xffff;
	[tilespmem:s7+$0xF20] =	vst v9  }
0x4c6: {  	v9 =	vld.idx.msk [tilespmem:v7+s24+$0x0], $0xffff;
	_ =	sdelay $0x3  }
0x4c7: {  	[tilespmem:s1+$0x4F20] =	vst v8  }
0x4c8: {  	v8 =	vld.idx.msk [tilespmem:v4+s21+$0x0], $0xffff;
	[tilespmem:s7+$0x4F20] =	vst v9  }
0x4c9: {  	v9 =	vld.idx.msk [tilespmem:v5+s21+$0x0], $0xffff;
	_ =	sdelay $0x3  }
0x4ca: {  	[tilespmem:s1+$0xFA0] =	vst v8  }
0x4cb: {  	v8 =	vld.idx.msk [tilespmem:v6+s25+$0x0], $0xffff;
	[tilespmem:s7+$0xFA0] =	vst v9  }
0x4cc: {  	v9 =	vld.idx.msk [tilespmem:v7+s25+$0x0], $0xffff;
	_ =	sdelay $0x3  }
0x4cd: {  	[tilespmem:s1+$0x4FA0] =	vst v8  }
0x4ce: {  	v4 =	vld.idx.msk [tilespmem:v4+s22+$0x0], $0xffff;
	[tilespmem:s7+$0x4FA0] =	vst v9  }
0x4cf: {  	v5 =	vld.idx.msk [tilespmem:v5+s22+$0x0], $0xffff;
	_ =	sdelay $0x3  }
0x4d0: {  	[tilespmem:s1+$0x1020] =	vst v4  }
0x4d1: {  	v4 =	vld.idx.msk [tilespmem:v6+s26+$0x0], $0xffff;
	[tilespmem:s7+$0x1020] =	vst v5  }
0x4d2: {  	v5 =	vld.idx.msk [tilespmem:v7+s26+$0x0], $0xffff;
	_ =	sdelay $0x3  }
0x4d3: {  	[tilespmem:s1+$0x5020] =	vst v4  }
0x4d4: {  	v4 =	vld [tilespmem:s12+$0xB0];
	[tilespmem:s7+$0x5020] =	vst v5  }
0x4d5: {  	v5 =	vld [tilespmem:s17+$0xB0];
	_ =	sdelay $0x2  }
0x4d6: {  	v6 =	vld [tilespmem:s12+$0x8]  }
0x4d7: {  	v7 =	vld [tilespmem:s17+$0x8];
	v4 =	vshll.u32 v4, $0x4  }
0x4d8: {  	v4 =	vor.u32 v0, v4;
	v5 =	vshll.u32 v5, $0x4  }
0x4d9: {  	v5 =	vor.u32 v0, v5;
	_ =	sdelay $0x1  }
0x4da: {  	v6 =	vperm.xlane v6, v1  }
0x4db: {  	v7 =	vperm.xlane v7, v1  }
0x4dc: {  	v6 =	vshll.u32 v6, $0x4;
	v8 =	vld.idx.msk [tilespmem:v4+s18+$0x0], $0xffff  }
0x4dd: {  	v7 =	vshll.u32 v7, $0x4;
	v6 =	vor.u32 v0, v6;
	v9 =	vld.idx.msk [tilespmem:v5+s18+$0x0], $0xffff  }
0x4de: {  	v7 =	vor.u32 v0, v7;
	_ =	sdelay $0x2  }
0x4df: {  	[tilespmem:s1+$0xEB0] =	vst v8  }
0x4e0: {  	v8 =	vld.idx.msk [tilespmem:v6+s23+$0x0], $0xffff;
	[tilespmem:s7+$0xEB0] =	vst v9  }
0x4e1: {  	v9 =	vld.idx.msk [tilespmem:v7+s23+$0x0], $0xffff;
	_ =	sdelay $0x3  }
0x4e2: {  	[tilespmem:s1+$0x4EB0] =	vst v8  }
0x4e3: {  	v8 =	vld.idx.msk [tilespmem:v4+s20+$0x0], $0xffff;
	[tilespmem:s7+$0x4EB0] =	vst v9  }
0x4e4: {  	v9 =	vld.idx.msk [tilespmem:v5+s20+$0x0], $0xffff;
	_ =	sdelay $0x3  }
0x4e5: {  	[tilespmem:s1+$0xF30] =	vst v8  }
0x4e6: {  	v8 =	vld.idx.msk [tilespmem:v6+s24+$0x0], $0xffff;
	[tilespmem:s7+$0xF30] =	vst v9  }
0x4e7: {  	v9 =	vld.idx.msk [tilespmem:v7+s24+$0x0], $0xffff;
	_ =	sdelay $0x3  }
0x4e8: {  	[tilespmem:s1+$0x4F30] =	vst v8  }
0x4e9: {  	v8 =	vld.idx.msk [tilespmem:v4+s21+$0x0], $0xffff;
	[tilespmem:s7+$0x4F30] =	vst v9  }
0x4ea: {  	v9 =	vld.idx.msk [tilespmem:v5+s21+$0x0], $0xffff;
	_ =	sdelay $0x3  }
0x4eb: {  	[tilespmem:s1+$0xFB0] =	vst v8  }
0x4ec: {  	v8 =	vld.idx.msk [tilespmem:v6+s25+$0x0], $0xffff;
	[tilespmem:s7+$0xFB0] =	vst v9  }
0x4ed: {  	v9 =	vld.idx.msk [tilespmem:v7+s25+$0x0], $0xffff;
	_ =	sdelay $0x3  }
0x4ee: {  	[tilespmem:s1+$0x4FB0] =	vst v8  }
0x4ef: {  	v4 =	vld.idx.msk [tilespmem:v4+s22+$0x0], $0xffff;
	[tilespmem:s7+$0x4FB0] =	vst v9  }
0x4f0: {  	v5 =	vld.idx.msk [tilespmem:v5+s22+$0x0], $0xffff;
	_ =	sdelay $0x3  }
0x4f1: {  	[tilespmem:s1+$0x1030] =	vst v4  }
0x4f2: {  	v4 =	vld.idx.msk [tilespmem:v6+s26+$0x0], $0xffff;
	[tilespmem:s7+$0x1030] =	vst v5  }
0x4f3: {  	v5 =	vld.idx.msk [tilespmem:v7+s26+$0x0], $0xffff;
	_ =	sdelay $0x3  }
0x4f4: {  	[tilespmem:s1+$0x5030] =	vst v4  }
0x4f5: {  	v4 =	vld [tilespmem:s12+$0xB8];
	[tilespmem:s7+$0x5030] =	vst v5  }
0x4f6: {  	v5 =	vld [tilespmem:s17+$0xB8];
	_ =	sdelay $0x2  }
0x4f7: {  	v6 =	vld [tilespmem:s12+$0x0]  }
0x4f8: {  	v7 =	vld [tilespmem:s17+$0x0];
	v4 =	vshll.u32 v4, $0x4  }
0x4f9: {  	v4 =	vor.u32 v0, v4;
	v5 =	vshll.u32 v5, $0x4  }
0x4fa: {  	v5 =	vor.u32 v0, v5;
	_ =	sdelay $0x1  }
0x4fb: {  	v6 =	vperm.xlane v6, v1  }
0x4fc: {  	v7 =	vperm.xlane v7, v1  }
0x4fd: {  	v6 =	vshll.u32 v6, $0x4;
	v8 =	vld.idx.msk [tilespmem:v4+s18+$0x0], $0xffff  }
0x4fe: {  	v7 =	vshll.u32 v7, $0x4;
	v6 =	vor.u32 v0, v6;
	v9 =	vld.idx.msk [tilespmem:v5+s18+$0x0], $0xffff  }
0x4ff: {  	v7 =	vor.u32 v0, v7;
	_ =	sdelay $0x2  }
0x500: {  	[tilespmem:s1+$0xEB8] =	vst v8  }
0x501: {  	v8 =	vld.idx.msk [tilespmem:v6+s23+$0x0], $0xffff;
	[tilespmem:s7+$0xEB8] =	vst v9  }
0x502: {  	v9 =	vld.idx.msk [tilespmem:v7+s23+$0x0], $0xffff;
	_ =	sdelay $0x3  }
0x503: {  	[tilespmem:s1+$0x4EB8] =	vst v8  }
0x504: {  	v8 =	vld.idx.msk [tilespmem:v4+s20+$0x0], $0xffff;
	[tilespmem:s7+$0x4EB8] =	vst v9  }
0x505: {  	v9 =	vld.idx.msk [tilespmem:v5+s20+$0x0], $0xffff;
	_ =	sdelay $0x3  }
0x506: {  	[tilespmem:s1+$0xF38] =	vst v8  }
0x507: {  	v8 =	vld.idx.msk [tilespmem:v6+s24+$0x0], $0xffff;
	[tilespmem:s7+$0xF38] =	vst v9  }
0x508: {  	v9 =	vld.idx.msk [tilespmem:v7+s24+$0x0], $0xffff;
	_ =	sdelay $0x3  }
0x509: {  	[tilespmem:s1+$0x4F38] =	vst v8  }
0x50a: {  	v8 =	vld.idx.msk [tilespmem:v4+s21+$0x0], $0xffff;
	[tilespmem:s7+$0x4F38] =	vst v9  }
0x50b: {  	v9 =	vld.idx.msk [tilespmem:v5+s21+$0x0], $0xffff;
	_ =	sdelay $0x3  }
0x50c: {  	[tilespmem:s1+$0xFB8] =	vst v8  }
0x50d: {  	v8 =	vld.idx.msk [tilespmem:v6+s25+$0x0], $0xffff;
	[tilespmem:s7+$0xFB8] =	vst v9  }
0x50e: {  	v9 =	vld.idx.msk [tilespmem:v7+s25+$0x0], $0xffff;
	_ =	sdelay $0x3  }
0x50f: {  	[tilespmem:s1+$0x4FB8] =	vst v8  }
0x510: {  	v4 =	vld.idx.msk [tilespmem:v4+s22+$0x0], $0xffff;
	[tilespmem:s7+$0x4FB8] =	vst v9  }
0x511: {  	v5 =	vld.idx.msk [tilespmem:v5+s22+$0x0], $0xffff;
	_ =	sdelay $0x3  }
0x512: {  	[tilespmem:s1+$0x1038] =	vst v4  }
0x513: {  	v4 =	vld.idx.msk [tilespmem:v6+s26+$0x0], $0xffff;
	[tilespmem:s7+$0x1038] =	vst v5  }
0x514: {  	v5 =	vld.idx.msk [tilespmem:v7+s26+$0x0], $0xffff;
	_ =	sdelay $0x1  }
0x515: {  	[tilespmem:s11+$0x5038] =	vst v3  }
0x516: {  	[tilespmem:s10+$0x5038] =	vst v2  }
0x517: {  	[tilespmem:s1+$0x5038] =	vst v4  }
0x518: {  	[tilespmem:s7+$0x5038] =	vst v5  }
0x519: {  	s9 =	sshll.u32 s9, $0x7;
	s11 =	simm.s32 $0x4C80;
	s1 =	rddreg [dreg:$0x4]  }
0x51a: {  	s12 =	simm.s32 $0x8;
	s7 =	simm.s32 $0xC80;
	s1 =	sadd.s32 s1, s9  }
0x51b: {  	[hbm4b:s1+s2] =	stream.linear.scatter [tilespmem:s7], [sflag:$0x1], $0x2000, $0x38;
	[tilespmem:$0x9080] =	vst v63  }
0x51c: {  	s10 =	sadd.s32 s9, s14;
	s29 =	smul.u32 $0xC8, s12;
	s1 =	sor.u32 $0x1, s12  }
0x51d: {  	[hbm4b:s10+s2] =	stream.linear.scatter [tilespmem:s11], [sflag:$0x2], $0x2000, $0x38;
	[tilespmem:$0x9080] =	vst v63  }
0x51e: {  	s28 =	smul.u32 $0xC8, s1;
	v2 =	vld [tilespmem:s29+$0x0];
	_ =	sdelay $0x1  }
0x51f: {  	v3 =	vld [tilespmem:s28+$0x0];
	_ =	sdelay $0x1  }
0x520: {  	v4 =	vld [tilespmem:s29+$0xB8]  }
0x521: {  	v2 =	vshll.u32 v2, $0x4  }
0x522: {  	v5 =	vld [tilespmem:s28+$0xB8];
	v2 =	vor.u32 v0, v2  }
0x523: {  	v3 =	vshll.u32 v3, $0x4  }
0x524: {  	v3 =	vor.u32 v0, v3  }
0x525: {  	v4 =	vperm.xlane v4, v1;
	_ =	sdelay $0x1  }
0x526: {  	v5 =	vperm.xlane v5, v1;
	v4 =	vshll.u32 v4, $0x4;
	v6 =	vld.idx.msk [tilespmem:v2+s18+$0x0], $0xffff  }
0x527: {  	v4 =	vor.u32 v0, v4  }
0x528: {  	v5 =	vshll.u32 v5, $0x4;
	v7 =	vld.idx.msk [tilespmem:v3+s18+$0x0], $0xffff  }
0x529: {  	v5 =	vor.u32 v0, v5  }
0x52a: {  	s11 =	simm.s32 $0x2000  }
0x52b: {  	[tilespmem:s11+$0xC80] =	vst v6  }
0x52c: {  	s10 =	sshll.u32 s1, $0xA;
	v6 =	vld.idx.msk [tilespmem:v4+s23+$0x0], $0xffff  }
0x52d: {  	[tilespmem:s10+$0xC80] =	vst v7  }
0x52e: {  	v7 =	vld.idx.msk [tilespmem:v5+s23+$0x0], $0xffff;
	_ =	sdelay $0x2  }
0x52f: {  	[tilespmem:s11+$0x4C80] =	vst v6  }
0x530: {  	v6 =	vld.idx.msk [tilespmem:v2+s20+$0x0], $0xffff  }
0x531: {  	[tilespmem:s10+$0x4C80] =	vst v7  }
0x532: {  	v7 =	vld.idx.msk [tilespmem:v3+s20+$0x0], $0xffff;
	_ =	sdelay $0x2  }
0x533: {  	[tilespmem:s11+$0xD00] =	vst v6  }
0x534: {  	v6 =	vld.idx.msk [tilespmem:v4+s24+$0x0], $0xffff  }
0x535: {  	[tilespmem:s10+$0xD00] =	vst v7  }
0x536: {  	v7 =	vld.idx.msk [tilespmem:v5+s24+$0x0], $0xffff;
	_ =	sdelay $0x2  }
0x537: {  	[tilespmem:s11+$0x4D00] =	vst v6  }
0x538: {  	v6 =	vld.idx.msk [tilespmem:v2+s21+$0x0], $0xffff  }
0x539: {  	[tilespmem:s10+$0x4D00] =	vst v7  }
0x53a: {  	v7 =	vld.idx.msk [tilespmem:v3+s21+$0x0], $0xffff;
	_ =	sdelay $0x2  }
0x53b: {  	[tilespmem:s11+$0xD80] =	vst v6  }
0x53c: {  	v6 =	vld.idx.msk [tilespmem:v4+s25+$0x0], $0xffff  }
0x53d: {  	[tilespmem:s10+$0xD80] =	vst v7  }
0x53e: {  	v7 =	vld.idx.msk [tilespmem:v5+s25+$0x0], $0xffff;
	_ =	sdelay $0x2  }
0x53f: {  	[tilespmem:s11+$0x4D80] =	vst v6  }
0x540: {  	v2 =	vld.idx.msk [tilespmem:v2+s22+$0x0], $0xffff  }
0x541: {  	[tilespmem:s10+$0x4D80] =	vst v7  }
0x542: {  	v3 =	vld.idx.msk [tilespmem:v3+s22+$0x0], $0xffff;
	_ =	sdelay $0x2  }
0x543: {  	[tilespmem:s11+$0xE00] =	vst v2  }
0x544: {  	v2 =	vld.idx.msk [tilespmem:v4+s26+$0x0], $0xffff  }
0x545: {  	[tilespmem:s10+$0xE00] =	vst v3  }
0x546: {  	v3 =	vld.idx.msk [tilespmem:v5+s26+$0x0], $0xffff;
	_ =	sdelay $0x2  }
0x547: {  	[tilespmem:s11+$0x4E00] =	vst v2  }
0x548: {  	v2 =	vld [tilespmem:s29+$0x10]  }
0x549: {  	[tilespmem:s10+$0x4E00] =	vst v3  }
0x54a: {  	v3 =	vld [tilespmem:s28+$0x10];
	_ =	sdelay $0x1  }
0x54b: {  	v4 =	vld [tilespmem:s29+$0xA8]  }
0x54c: {  	v2 =	vshll.u32 v2, $0x4  }
0x54d: {  	v5 =	vld [tilespmem:s28+$0xA8];
	v2 =	vor.u32 v0, v2  }
0x54e: {  	v3 =	vshll.u32 v3, $0x4  }
0x54f: {  	v3 =	vor.u32 v0, v3  }
0x550: {  	v4 =	vperm.xlane v4, v1;
	_ =	sdelay $0x1  }
0x551: {  	v5 =	vperm.xlane v5, v1;
	v4 =	vshll.u32 v4, $0x4;
	v6 =	vld.idx.msk [tilespmem:v2+s18+$0x0], $0xffff  }
0x552: {  	v4 =	vor.u32 v0, v4  }
0x553: {  	v5 =	vshll.u32 v5, $0x4;
	v7 =	vld.idx.msk [tilespmem:v3+s18+$0x0], $0xffff  }
0x554: {  	v5 =	vor.u32 v0, v5;
	_ =	sdelay $0x1  }
0x555: {  	[tilespmem:s11+$0xC90] =	vst v6  }
0x556: {  	v6 =	vld.idx.msk [tilespmem:v4+s23+$0x0], $0xffff  }
0x557: {  	[tilespmem:s10+$0xC90] =	vst v7  }
0x558: {  	v7 =	vld.idx.msk [tilespmem:v5+s23+$0x0], $0xffff;
	_ =	sdelay $0x2  }
0x559: {  	[tilespmem:s11+$0x4C90] =	vst v6  }
0x55a: {  	v6 =	vld.idx.msk [tilespmem:v2+s20+$0x0], $0xffff  }
0x55b: {  	[tilespmem:s10+$0x4C90] =	vst v7  }
0x55c: {  	v7 =	vld.idx.msk [tilespmem:v3+s20+$0x0], $0xffff;
	_ =	sdelay $0x2  }
0x55d: {  	[tilespmem:s11+$0xD10] =	vst v6  }
0x55e: {  	v6 =	vld.idx.msk [tilespmem:v4+s24+$0x0], $0xffff  }
0x55f: {  	[tilespmem:s10+$0xD10] =	vst v7  }
0x560: {  	v7 =	vld.idx.msk [tilespmem:v5+s24+$0x0], $0xffff;
	_ =	sdelay $0x2  }
0x561: {  	[tilespmem:s11+$0x4D10] =	vst v6  }
0x562: {  	v6 =	vld.idx.msk [tilespmem:v2+s21+$0x0], $0xffff  }
0x563: {  	[tilespmem:s10+$0x4D10] =	vst v7  }
0x564: {  	v7 =	vld.idx.msk [tilespmem:v3+s21+$0x0], $0xffff;
	_ =	sdelay $0x2  }
0x565: {  	[tilespmem:s11+$0xD90] =	vst v6  }
0x566: {  	v6 =	vld.idx.msk [tilespmem:v4+s25+$0x0], $0xffff  }
0x567: {  	[tilespmem:s10+$0xD90] =	vst v7  }
0x568: {  	v7 =	vld.idx.msk [tilespmem:v5+s25+$0x0], $0xffff;
	_ =	sdelay $0x2  }
0x569: {  	[tilespmem:s11+$0x4D90] =	vst v6  }
0x56a: {  	v2 =	vld.idx.msk [tilespmem:v2+s22+$0x0], $0xffff  }
0x56b: {  	[tilespmem:s10+$0x4D90] =	vst v7  }
0x56c: {  	v3 =	vld.idx.msk [tilespmem:v3+s22+$0x0], $0xffff;
	_ =	sdelay $0x2  }
0x56d: {  	[tilespmem:s11+$0xE10] =	vst v2  }
0x56e: {  	v2 =	vld.idx.msk [tilespmem:v4+s26+$0x0], $0xffff  }
0x56f: {  	[tilespmem:s10+$0xE10] =	vst v3  }
0x570: {  	v3 =	vld.idx.msk [tilespmem:v5+s26+$0x0], $0xffff;
	_ =	sdelay $0x2  }
0x571: {  	[tilespmem:s11+$0x4E10] =	vst v2  }
0x572: {  	v2 =	vld [tilespmem:s29+$0x20]  }
0x573: {  	[tilespmem:s10+$0x4E10] =	vst v3  }
0x574: {  	v3 =	vld [tilespmem:s28+$0x20];
	_ =	sdelay $0x1  }
0x575: {  	v4 =	vld [tilespmem:s29+$0x98]  }
0x576: {  	v2 =	vshll.u32 v2, $0x4  }
0x577: {  	v5 =	vld [tilespmem:s28+$0x98];
	v2 =	vor.u32 v0, v2  }
0x578: {  	v3 =	vshll.u32 v3, $0x4  }
0x579: {  	v3 =	vor.u32 v0, v3  }
0x57a: {  	v4 =	vperm.xlane v4, v1;
	_ =	sdelay $0x1  }
0x57b: {  	v5 =	vperm.xlane v5, v1;
	v4 =	vshll.u32 v4, $0x4;
	v6 =	vld.idx.msk [tilespmem:v2+s18+$0x0], $0xffff  }
0x57c: {  	v4 =	vor.u32 v0, v4  }
0x57d: {  	v5 =	vshll.u32 v5, $0x4;
	v7 =	vld.idx.msk [tilespmem:v3+s18+$0x0], $0xffff  }
0x57e: {  	v5 =	vor.u32 v0, v5;
	_ =	sdelay $0x1  }
0x57f: {  	[tilespmem:s11+$0xCA0] =	vst v6  }
0x580: {  	v6 =	vld.idx.msk [tilespmem:v4+s23+$0x0], $0xffff  }
0x581: {  	[tilespmem:s10+$0xCA0] =	vst v7  }
0x582: {  	v7 =	vld.idx.msk [tilespmem:v5+s23+$0x0], $0xffff;
	_ =	sdelay $0x2  }
0x583: {  	[tilespmem:s11+$0x4CA0] =	vst v6  }
0x584: {  	v6 =	vld.idx.msk [tilespmem:v2+s20+$0x0], $0xffff  }
0x585: {  	[tilespmem:s10+$0x4CA0] =	vst v7  }
0x586: {  	v7 =	vld.idx.msk [tilespmem:v3+s20+$0x0], $0xffff;
	_ =	sdelay $0x2  }
0x587: {  	[tilespmem:s11+$0xD20] =	vst v6  }
0x588: {  	v6 =	vld.idx.msk [tilespmem:v4+s24+$0x0], $0xffff  }
0x589: {  	[tilespmem:s10+$0xD20] =	vst v7  }
0x58a: {  	v7 =	vld.idx.msk [tilespmem:v5+s24+$0x0], $0xffff;
	_ =	sdelay $0x2  }
0x58b: {  	[tilespmem:s11+$0x4D20] =	vst v6  }
0x58c: {  	v6 =	vld.idx.msk [tilespmem:v2+s21+$0x0], $0xffff  }
0x58d: {  	[tilespmem:s10+$0x4D20] =	vst v7  }
0x58e: {  	v7 =	vld.idx.msk [tilespmem:v3+s21+$0x0], $0xffff;
	_ =	sdelay $0x2  }
0x58f: {  	[tilespmem:s11+$0xDA0] =	vst v6  }
0x590: {  	v6 =	vld.idx.msk [tilespmem:v4+s25+$0x0], $0xffff  }
0x591: {  	[tilespmem:s10+$0xDA0] =	vst v7  }
0x592: {  	v7 =	vld.idx.msk [tilespmem:v5+s25+$0x0], $0xffff;
	_ =	sdelay $0x2  }
0x593: {  	[tilespmem:s11+$0x4DA0] =	vst v6  }
0x594: {  	v2 =	vld.idx.msk [tilespmem:v2+s22+$0x0], $0xffff  }
0x595: {  	[tilespmem:s10+$0x4DA0] =	vst v7  }
0x596: {  	v3 =	vld.idx.msk [tilespmem:v3+s22+$0x0], $0xffff;
	_ =	sdelay $0x2  }
0x597: {  	[tilespmem:s11+$0xE20] =	vst v2  }
0x598: {  	v2 =	vld.idx.msk [tilespmem:v4+s26+$0x0], $0xffff  }
0x599: {  	[tilespmem:s10+$0xE20] =	vst v3  }
0x59a: {  	v3 =	vld.idx.msk [tilespmem:v5+s26+$0x0], $0xffff;
	_ =	sdelay $0x2  }
0x59b: {  	[tilespmem:s11+$0x4E20] =	vst v2  }
0x59c: {  	v2 =	vld [tilespmem:s29+$0x30]  }
0x59d: {  	[tilespmem:s10+$0x4E20] =	vst v3  }
0x59e: {  	v3 =	vld [tilespmem:s28+$0x30];
	_ =	sdelay $0x1  }
0x59f: {  	v4 =	vld [tilespmem:s29+$0x88]  }
0x5a0: {  	v2 =	vshll.u32 v2, $0x4  }
0x5a1: {  	v5 =	vld [tilespmem:s28+$0x88];
	v2 =	vor.u32 v0, v2  }
0x5a2: {  	v3 =	vshll.u32 v3, $0x4  }
0x5a3: {  	v3 =	vor.u32 v0, v3  }
0x5a4: {  	v4 =	vperm.xlane v4, v1;
	_ =	sdelay $0x1  }
0x5a5: {  	v5 =	vperm.xlane v5, v1;
	v4 =	vshll.u32 v4, $0x4;
	v6 =	vld.idx.msk [tilespmem:v2+s18+$0x0], $0xffff  }
0x5a6: {  	v4 =	vor.u32 v0, v4  }
0x5a7: {  	v5 =	vshll.u32 v5, $0x4;
	v7 =	vld.idx.msk [tilespmem:v3+s18+$0x0], $0xffff  }
0x5a8: {  	v5 =	vor.u32 v0, v5;
	_ =	sdelay $0x1  }
0x5a9: {  	[tilespmem:s11+$0xCB0] =	vst v6  }
0x5aa: {  	v6 =	vld.idx.msk [tilespmem:v4+s23+$0x0], $0xffff  }
0x5ab: {  	[tilespmem:s10+$0xCB0] =	vst v7  }
0x5ac: {  	v7 =	vld.idx.msk [tilespmem:v5+s23+$0x0], $0xffff;
	_ =	sdelay $0x2  }
0x5ad: {  	[tilespmem:s11+$0x4CB0] =	vst v6  }
0x5ae: {  	v6 =	vld.idx.msk [tilespmem:v2+s20+$0x0], $0xffff  }
0x5af: {  	[tilespmem:s10+$0x4CB0] =	vst v7  }
0x5b0: {  	v7 =	vld.idx.msk [tilespmem:v3+s20+$0x0], $0xffff;
	_ =	sdelay $0x2  }
0x5b1: {  	[tilespmem:s11+$0xD30] =	vst v6  }
0x5b2: {  	v6 =	vld.idx.msk [tilespmem:v4+s24+$0x0], $0xffff  }
0x5b3: {  	[tilespmem:s10+$0xD30] =	vst v7  }
0x5b4: {  	v7 =	vld.idx.msk [tilespmem:v5+s24+$0x0], $0xffff;
	_ =	sdelay $0x2  }
0x5b5: {  	[tilespmem:s11+$0x4D30] =	vst v6  }
0x5b6: {  	v6 =	vld.idx.msk [tilespmem:v2+s21+$0x0], $0xffff  }
0x5b7: {  	[tilespmem:s10+$0x4D30] =	vst v7  }
0x5b8: {  	v7 =	vld.idx.msk [tilespmem:v3+s21+$0x0], $0xffff;
	_ =	sdelay $0x2  }
0x5b9: {  	[tilespmem:s11+$0xDB0] =	vst v6  }
0x5ba: {  	v6 =	vld.idx.msk [tilespmem:v4+s25+$0x0], $0xffff  }
0x5bb: {  	[tilespmem:s10+$0xDB0] =	vst v7  }
0x5bc: {  	v7 =	vld.idx.msk [tilespmem:v5+s25+$0x0], $0xffff;
	_ =	sdelay $0x2  }
0x5bd: {  	[tilespmem:s11+$0x4DB0] =	vst v6  }
0x5be: {  	v2 =	vld.idx.msk [tilespmem:v2+s22+$0x0], $0xffff  }
0x5bf: {  	[tilespmem:s10+$0x4DB0] =	vst v7  }
0x5c0: {  	v3 =	vld.idx.msk [tilespmem:v3+s22+$0x0], $0xffff;
	_ =	sdelay $0x2  }
0x5c1: {  	[tilespmem:s11+$0xE30] =	vst v2  }
0x5c2: {  	v2 =	vld.idx.msk [tilespmem:v4+s26+$0x0], $0xffff  }
0x5c3: {  	[tilespmem:s10+$0xE30] =	vst v3  }
0x5c4: {  	v3 =	vld.idx.msk [tilespmem:v5+s26+$0x0], $0xffff;
	_ =	sdelay $0x2  }
0x5c5: {  	[tilespmem:s11+$0x4E30] =	vst v2  }
0x5c6: {  	v2 =	vld [tilespmem:s29+$0x40]  }
0x5c7: {  	[tilespmem:s10+$0x4E30] =	vst v3  }
0x5c8: {  	v3 =	vld [tilespmem:s28+$0x40];
	_ =	sdelay $0x1  }
0x5c9: {  	v4 =	vld [tilespmem:s29+$0x78]  }
0x5ca: {  	v2 =	vshll.u32 v2, $0x4  }
0x5cb: {  	v5 =	vld [tilespmem:s28+$0x78];
	v2 =	vor.u32 v0, v2  }
0x5cc: {  	v3 =	vshll.u32 v3, $0x4  }
0x5cd: {  	v3 =	vor.u32 v0, v3  }
0x5ce: {  	v4 =	vperm.xlane v4, v1;
	_ =	sdelay $0x1  }
0x5cf: {  	v5 =	vperm.xlane v5, v1;
	v4 =	vshll.u32 v4, $0x4;
	v6 =	vld.idx.msk [tilespmem:v2+s18+$0x0], $0xffff  }
0x5d0: {  	v4 =	vor.u32 v0, v4  }
0x5d1: {  	v5 =	vshll.u32 v5, $0x4;
	v7 =	vld.idx.msk [tilespmem:v3+s18+$0x0], $0xffff  }
0x5d2: {  	v5 =	vor.u32 v0, v5;
	_ =	sdelay $0x1  }
0x5d3: {  	[tilespmem:s11+$0xCC0] =	vst v6  }
0x5d4: {  	v6 =	vld.idx.msk [tilespmem:v4+s23+$0x0], $0xffff  }
0x5d5: {  	[tilespmem:s10+$0xCC0] =	vst v7  }
0x5d6: {  	v7 =	vld.idx.msk [tilespmem:v5+s23+$0x0], $0xffff;
	_ =	sdelay $0x2  }
0x5d7: {  	[tilespmem:s11+$0x4CC0] =	vst v6  }
0x5d8: {  	v6 =	vld.idx.msk [tilespmem:v2+s20+$0x0], $0xffff  }
0x5d9: {  	[tilespmem:s10+$0x4CC0] =	vst v7  }
0x5da: {  	v7 =	vld.idx.msk [tilespmem:v3+s20+$0x0], $0xffff;
	_ =	sdelay $0x2  }
0x5db: {  	[tilespmem:s11+$0xD40] =	vst v6  }
0x5dc: {  	v6 =	vld.idx.msk [tilespmem:v4+s24+$0x0], $0xffff  }
0x5dd: {  	[tilespmem:s10+$0xD40] =	vst v7  }
0x5de: {  	v7 =	vld.idx.msk [tilespmem:v5+s24+$0x0], $0xffff;
	_ =	sdelay $0x2  }
0x5df: {  	[tilespmem:s11+$0x4D40] =	vst v6  }
0x5e0: {  	v6 =	vld.idx.msk [tilespmem:v2+s21+$0x0], $0xffff  }
0x5e1: {  	[tilespmem:s10+$0x4D40] =	vst v7  }
0x5e2: {  	v7 =	vld.idx.msk [tilespmem:v3+s21+$0x0], $0xffff;
	_ =	sdelay $0x2  }
0x5e3: {  	[tilespmem:s11+$0xDC0] =	vst v6  }
0x5e4: {  	v6 =	vld.idx.msk [tilespmem:v4+s25+$0x0], $0xffff  }
0x5e5: {  	[tilespmem:s10+$0xDC0] =	vst v7  }
0x5e6: {  	v7 =	vld.idx.msk [tilespmem:v5+s25+$0x0], $0xffff;
	_ =	sdelay $0x2  }
0x5e7: {  	[tilespmem:s11+$0x4DC0] =	vst v6  }
0x5e8: {  	v2 =	vld.idx.msk [tilespmem:v2+s22+$0x0], $0xffff  }
0x5e9: {  	[tilespmem:s10+$0x4DC0] =	vst v7  }
0x5ea: {  	v3 =	vld.idx.msk [tilespmem:v3+s22+$0x0], $0xffff;
	_ =	sdelay $0x2  }
0x5eb: {  	[tilespmem:s11+$0xE40] =	vst v2  }
0x5ec: {  	v2 =	vld.idx.msk [tilespmem:v4+s26+$0x0], $0xffff  }
0x5ed: {  	[tilespmem:s10+$0xE40] =	vst v3  }
0x5ee: {  	v3 =	vld.idx.msk [tilespmem:v5+s26+$0x0], $0xffff;
	_ =	sdelay $0x2  }
0x5ef: {  	[tilespmem:s11+$0x4E40] =	vst v2  }
0x5f0: {  	v2 =	vld [tilespmem:s29+$0x50]  }
0x5f1: {  	[tilespmem:s10+$0x4E40] =	vst v3  }
0x5f2: {  	v3 =	vld [tilespmem:s28+$0x50];
	_ =	sdelay $0x1  }
0x5f3: {  	v4 =	vld [tilespmem:s29+$0x68]  }
0x5f4: {  	v2 =	vshll.u32 v2, $0x4  }
0x5f5: {  	v5 =	vld [tilespmem:s28+$0x68];
	v2 =	vor.u32 v0, v2  }
0x5f6: {  	v3 =	vshll.u32 v3, $0x4  }
0x5f7: {  	v3 =	vor.u32 v0, v3  }
0x5f8: {  	v4 =	vperm.xlane v4, v1;
	_ =	sdelay $0x1  }
0x5f9: {  	v5 =	vperm.xlane v5, v1;
	v4 =	vshll.u32 v4, $0x4;
	v6 =	vld.idx.msk [tilespmem:v2+s18+$0x0], $0xffff  }
0x5fa: {  	v4 =	vor.u32 v0, v4  }
0x5fb: {  	v5 =	vshll.u32 v5, $0x4;
	v7 =	vld.idx.msk [tilespmem:v3+s18+$0x0], $0xffff  }
0x5fc: {  	v5 =	vor.u32 v0, v5;
	_ =	sdelay $0x1  }
0x5fd: {  	[tilespmem:s11+$0xCD0] =	vst v6  }
0x5fe: {  	v6 =	vld.idx.msk [tilespmem:v4+s23+$0x0], $0xffff  }
0x5ff: {  	[tilespmem:s10+$0xCD0] =	vst v7  }
0x600: {  	v7 =	vld.idx.msk [tilespmem:v5+s23+$0x0], $0xffff;
	_ =	sdelay $0x2  }
0x601: {  	[tilespmem:s11+$0x4CD0] =	vst v6  }
0x602: {  	v6 =	vld.idx.msk [tilespmem:v2+s20+$0x0], $0xffff  }
0x603: {  	[tilespmem:s10+$0x4CD0] =	vst v7  }
0x604: {  	v7 =	vld.idx.msk [tilespmem:v3+s20+$0x0], $0xffff;
	_ =	sdelay $0x2  }
0x605: {  	[tilespmem:s11+$0xD50] =	vst v6  }
0x606: {  	v6 =	vld.idx.msk [tilespmem:v4+s24+$0x0], $0xffff  }
0x607: {  	[tilespmem:s10+$0xD50] =	vst v7  }
0x608: {  	v7 =	vld.idx.msk [tilespmem:v5+s24+$0x0], $0xffff;
	_ =	sdelay $0x2  }
0x609: {  	[tilespmem:s11+$0x4D50] =	vst v6  }
0x60a: {  	v6 =	vld.idx.msk [tilespmem:v2+s21+$0x0], $0xffff  }
0x60b: {  	[tilespmem:s10+$0x4D50] =	vst v7  }
0x60c: {  	v7 =	vld.idx.msk [tilespmem:v3+s21+$0x0], $0xffff;
	_ =	sdelay $0x2  }
0x60d: {  	[tilespmem:s11+$0xDD0] =	vst v6  }
0x60e: {  	v6 =	vld.idx.msk [tilespmem:v4+s25+$0x0], $0xffff  }
0x60f: {  	[tilespmem:s10+$0xDD0] =	vst v7  }
0x610: {  	v7 =	vld.idx.msk [tilespmem:v5+s25+$0x0], $0xffff;
	_ =	sdelay $0x2  }
0x611: {  	[tilespmem:s11+$0x4DD0] =	vst v6  }
0x612: {  	v2 =	vld.idx.msk [tilespmem:v2+s22+$0x0], $0xffff  }
0x613: {  	[tilespmem:s10+$0x4DD0] =	vst v7  }
0x614: {  	v3 =	vld.idx.msk [tilespmem:v3+s22+$0x0], $0xffff;
	_ =	sdelay $0x2  }
0x615: {  	[tilespmem:s11+$0xE50] =	vst v2  }
0x616: {  	v2 =	vld.idx.msk [tilespmem:v4+s26+$0x0], $0xffff  }
0x617: {  	[tilespmem:s10+$0xE50] =	vst v3  }
0x618: {  	v3 =	vld.idx.msk [tilespmem:v5+s26+$0x0], $0xffff;
	_ =	sdelay $0x2  }
0x619: {  	[tilespmem:s11+$0x4E50] =	vst v2  }
0x61a: {  	v2 =	vld [tilespmem:s29+$0x60]  }
0x61b: {  	[tilespmem:s10+$0x4E50] =	vst v3  }
0x61c: {  	v3 =	vld [tilespmem:s28+$0x60];
	_ =	sdelay $0x1  }
0x61d: {  	v4 =	vld [tilespmem:s29+$0x58]  }
0x61e: {  	v2 =	vshll.u32 v2, $0x4  }
0x61f: {  	v5 =	vld [tilespmem:s28+$0x58];
	v2 =	vor.u32 v0, v2  }
0x620: {  	v3 =	vshll.u32 v3, $0x4  }
0x621: {  	v3 =	vor.u32 v0, v3  }
0x622: {  	v4 =	vperm.xlane v4, v1;
	_ =	sdelay $0x1  }
0x623: {  	v5 =	vperm.xlane v5, v1;
	v4 =	vshll.u32 v4, $0x4;
	v6 =	vld.idx.msk [tilespmem:v2+s18+$0x0], $0xffff  }
0x624: {  	v4 =	vor.u32 v0, v4  }
0x625: {  	v5 =	vshll.u32 v5, $0x4;
	v7 =	vld.idx.msk [tilespmem:v3+s18+$0x0], $0xffff  }
0x626: {  	v5 =	vor.u32 v0, v5;
	_ =	sdelay $0x1  }
0x627: {  	[tilespmem:s11+$0xCE0] =	vst v6  }
0x628: {  	v6 =	vld.idx.msk [tilespmem:v4+s23+$0x0], $0xffff  }
0x629: {  	[tilespmem:s10+$0xCE0] =	vst v7  }
0x62a: {  	v7 =	vld.idx.msk [tilespmem:v5+s23+$0x0], $0xffff;
	_ =	sdelay $0x2  }
0x62b: {  	[tilespmem:s11+$0x4CE0] =	vst v6  }
0x62c: {  	v6 =	vld.idx.msk [tilespmem:v2+s20+$0x0], $0xffff  }
0x62d: {  	[tilespmem:s10+$0x4CE0] =	vst v7  }
0x62e: {  	v7 =	vld.idx.msk [tilespmem:v3+s20+$0x0], $0xffff;
	_ =	sdelay $0x1  }
0x62f: {  	s17 =	simm.s32 $0xA  }
0x630: {  	s12 =	smul.u32 $0xC8, s17;
	s1 =	sor.u32 $0x1, s17;
	[tilespmem:s11+$0xD60] =	vst v6  }
0x631: {  	s17 =	smul.u32 $0xC8, s1;
	v6 =	vld.idx.msk [tilespmem:v4+s24+$0x0], $0xffff  }
0x632: {  	[tilespmem:s10+$0xD60] =	vst v7;
	v7 =	vld [tilespmem:s12+$0x0]  }
0x633: {  	v9 =	vld [tilespmem:s17+$0x0]  }
0x634: {  	v8 =	vld.idx.msk [tilespmem:v5+s24+$0x0], $0xffff;
	_ =	sdelay $0x1  }
0x635: {  	[tilespmem:s11+$0x4D60] =	vst v6;
	v6 =	vld [tilespmem:s12+$0xB8]  }
0x636: {  	v11 =	vld [tilespmem:s17+$0xB8];
	v7 =	vshll.u32 v7, $0x4  }
0x637: {  	v7 =	vor.u32 v0, v7;
	v10 =	vld.idx.msk [tilespmem:v2+s21+$0x0], $0xffff  }
0x638: {  	[tilespmem:s10+$0x4D60] =	vst v8;
	v8 =	vshll.u32 v9, $0x4  }
0x639: {  	v9 =	vld.idx.msk [tilespmem:v3+s21+$0x0], $0xffff;
	v8 =	vor.u32 v0, v8  }
0x63a: {  	v6 =	vperm.xlane v6, v1;
	_ =	sdelay $0x1  }
0x63b: {  	v11 =	vperm.xlane v11, v1;
	[tilespmem:s11+$0xDE0] =	vst v10;
	v10 =	vld.idx.msk [tilespmem:v7+s18+$0x0], $0xffff;
	v6 =	vshll.u32 v6, $0x4  }
0x63c: {  	v12 =	vld.idx.msk [tilespmem:v4+s25+$0x0], $0xffff;
	v6 =	vor.u32 v0, v6  }
0x63d: {  	v11 =	vshll.u32 v11, $0x4;
	[tilespmem:s10+$0xDE0] =	vst v9;
	v9 =	vld.idx.msk [tilespmem:v8+s18+$0x0], $0xffff  }
0x63e: {  	v11 =	vor.u32 v0, v11;
	v13 =	vld.idx.msk [tilespmem:v5+s25+$0x0], $0xffff  }
0x63f: {  	s7 =	simm.s32 $0x2800  }
0x640: {  	[tilespmem:s7+$0xC80] =	vst v10  }
0x641: {  	s1 =	sshll.u32 s1, $0xA;
	[tilespmem:s11+$0x4DE0] =	vst v12;
	v10 =	vld.idx.msk [tilespmem:v6+s23+$0x0], $0xffff  }
0x642: {  	[tilespmem:s1+$0xC80] =	vst v9;
	v2 =	vld.idx.msk [tilespmem:v2+s22+$0x0], $0xffff  }
0x643: {  	v9 =	vld.idx.msk [tilespmem:v11+s23+$0x0], $0xffff;
	[tilespmem:s10+$0x4DE0] =	vst v13  }
0x644: {  	v3 =	vld.idx.msk [tilespmem:v3+s22+$0x0], $0xffff;
	_ =	sdelay $0x1  }
0x645: {  	[tilespmem:s7+$0x4C80] =	vst v10  }
0x646: {  	[tilespmem:s11+$0xE60] =	vst v2;
	v10 =	vld.idx.msk [tilespmem:v7+s20+$0x0], $0xffff  }
0x647: {  	[tilespmem:s1+$0x4C80] =	vst v9;
	v2 =	vld.idx.msk [tilespmem:v4+s26+$0x0], $0xffff  }
0x648: {  	[tilespmem:s10+$0xE60] =	vst v3;
	v4 =	vld.idx.msk [tilespmem:v8+s20+$0x0], $0xffff  }
0x649: {  	v3 =	vld.idx.msk [tilespmem:v5+s26+$0x0], $0xffff;
	_ =	sdelay $0x1  }
0x64a: {  	[tilespmem:s7+$0xD00] =	vst v10  }
0x64b: {  	[tilespmem:s11+$0x4E60] =	vst v2;
	v5 =	vld.idx.msk [tilespmem:v6+s24+$0x0], $0xffff  }
0x64c: {  	[tilespmem:s1+$0xD00] =	vst v4;
	v2 =	vld [tilespmem:s29+$0x70]  }
0x64d: {  	[tilespmem:s10+$0x4E60] =	vst v3;
	v4 =	vld.idx.msk [tilespmem:v11+s24+$0x0], $0xffff  }
0x64e: {  	v3 =	vld [tilespmem:s28+$0x70];
	_ =	sdelay $0x1  }
0x64f: {  	v9 =	vld [tilespmem:s29+$0x48];
	[tilespmem:s7+$0x4D00] =	vst v5  }
0x650: {  	v5 =	vld.idx.msk [tilespmem:v7+s21+$0x0], $0xffff  }
0x651: {  	v10 =	vld [tilespmem:s28+$0x48];
	v2 =	vshll.u32 v2, $0x4  }
0x652: {  	[tilespmem:s1+$0x4D00] =	vst v4;
	v3 =	vshll.u32 v3, $0x4;
	v2 =	vor.u32 v0, v2  }
0x653: {  	v4 =	vld.idx.msk [tilespmem:v8+s21+$0x0], $0xffff;
	v3 =	vor.u32 v0, v3;
	_ =	sdelay $0x1  }
0x654: {  	v9 =	vperm.xlane v9, v1;
	[tilespmem:s7+$0xD80] =	vst v5  }
0x655: {  	v10 =	vperm.xlane v10, v1;
	v5 =	vld.idx.msk [tilespmem:v6+s25+$0x0], $0xffff  }
0x656: {  	v9 =	vshll.u32 v9, $0x4;
	v12 =	vld.idx.msk [tilespmem:v2+s18+$0x0], $0xffff  }
0x657: {  	v10 =	vshll.u32 v10, $0x4;
	v9 =	vor.u32 v0, v9;
	[tilespmem:s1+$0xD80] =	vst v4;
	v4 =	vld.idx.msk [tilespmem:v3+s18+$0x0], $0xffff  }
0x658: {  	v10 =	vor.u32 v0, v10;
	v50 =	vld.idx.msk [tilespmem:v11+s25+$0x0], $0xffff;
	_ =	sdelay $0x1  }
0x659: {  	[tilespmem:s7+$0x4D80] =	vst v5  }
0x65a: {  	[tilespmem:s11+$0xCF0] =	vst v12;
	v5 =	vld.idx.msk [tilespmem:v7+s22+$0x0], $0xffff  }
0x65b: {  	[tilespmem:s10+$0xCF0] =	vst v4;
	v12 =	vld.idx.msk [tilespmem:v9+s23+$0x0], $0xffff  }
0x65c: {  	[tilespmem:s1+$0x4D80] =	vst v50;
	v4 =	vld.idx.msk [tilespmem:v10+s23+$0x0], $0xffff  }
0x65d: {  	v7 =	vld.idx.msk [tilespmem:v8+s22+$0x0], $0xffff;
	_ =	sdelay $0x1  }
0x65e: {  	[tilespmem:s7+$0xE00] =	vst v5  }
0x65f: {  	[tilespmem:s11+$0x4CF0] =	vst v12;
	v5 =	vld.idx.msk [tilespmem:v6+s26+$0x0], $0xffff  }
0x660: {  	[tilespmem:s10+$0x4CF0] =	vst v4;
	v8 =	vld.idx.msk [tilespmem:v2+s20+$0x0], $0xffff  }
0x661: {  	[tilespmem:s1+$0xE00] =	vst v7;
	v4 =	vld.idx.msk [tilespmem:v3+s20+$0x0], $0xffff  }
0x662: {  	v6 =	vld.idx.msk [tilespmem:v11+s26+$0x0], $0xffff;
	_ =	sdelay $0x1  }
0x663: {  	[tilespmem:s7+$0x4E00] =	vst v5  }
0x664: {  	[tilespmem:s11+$0xD70] =	vst v8;
	v5 =	vld [tilespmem:s12+$0x10]  }
0x665: {  	[tilespmem:s10+$0xD70] =	vst v4;
	v7 =	vld.idx.msk [tilespmem:v9+s24+$0x0], $0xffff  }
0x666: {  	[tilespmem:s1+$0x4E00] =	vst v6;
	v4 =	vld.idx.msk [tilespmem:v10+s24+$0x0], $0xffff  }
0x667: {  	v6 =	vld [tilespmem:s17+$0x10]  }
0x668: {  	v8 =	vld [tilespmem:s12+$0xA8]  }
0x669: {  	v5 =	vshll.u32 v5, $0x4  }
0x66a: {  	v11 =	vld [tilespmem:s17+$0xA8];
	[tilespmem:s11+$0x4D70] =	vst v7;
	v5 =	vor.u32 v0, v5  }
0x66b: {  	v7 =	vld.idx.msk [tilespmem:v2+s21+$0x0], $0xffff  }
0x66c: {  	v6 =	vshll.u32 v6, $0x4  }
0x66d: {  	[tilespmem:s10+$0x4D70] =	vst v4;
	v8 =	vperm.xlane v8, v1;
	v4 =	vor.u32 v0, v6  }
0x66e: {  	v6 =	vld.idx.msk [tilespmem:v3+s21+$0x0], $0xffff  }
0x66f: {  	v8 =	vshll.u32 v8, $0x4;
	v51 =	vld.idx.msk [tilespmem:v5+s18+$0x0], $0xffff  }
0x670: {  	v8 =	vor.u32 v0, v8;
	[tilespmem:s11+$0xDF0] =	vst v7;
	v7 =	vperm.xlane v11, v1  }
0x671: {  	v11 =	vld.idx.msk [tilespmem:v9+s25+$0x0], $0xffff  }
0x672: {  	v13 =	vld.idx.msk [tilespmem:v4+s18+$0x0], $0xffff;
	v7 =	vshll.u32 v7, $0x4  }
0x673: {  	[tilespmem:s10+$0xDF0] =	vst v6;
	v6 =	vor.u32 v0, v7  }
0x674: {  	v7 =	vld.idx.msk [tilespmem:v10+s25+$0x0], $0xffff;
	[tilespmem:s7+$0xC90] =	vst v51  }
0x675: {  	v12 =	vld.idx.msk [tilespmem:v8+s23+$0x0], $0xffff  }
0x676: {  	[tilespmem:s11+$0x4DF0] =	vst v11  }
0x677: {  	[tilespmem:s1+$0xC90] =	vst v13;
	v2 =	vld.idx.msk [tilespmem:v2+s22+$0x0], $0xffff  }
0x678: {  	v11 =	vld.idx.msk [tilespmem:v6+s23+$0x0], $0xffff  }
0x679: {  	[tilespmem:s10+$0x4DF0] =	vst v7  }
0x67a: {  	v3 =	vld.idx.msk [tilespmem:v3+s22+$0x0], $0xffff;
	[tilespmem:s7+$0x4C90] =	vst v12  }
0x67b: {  	v7 =	vld.idx.msk [tilespmem:v5+s20+$0x0], $0xffff  }
0x67c: {  	[tilespmem:s11+$0xE70] =	vst v2  }
0x67d: {  	[tilespmem:s1+$0x4C90] =	vst v11;
	v2 =	vld.idx.msk [tilespmem:v9+s26+$0x0], $0xffff  }
0x67e: {  	v9 =	vld.idx.msk [tilespmem:v4+s20+$0x0], $0xffff  }
0x67f: {  	[tilespmem:s10+$0xE70] =	vst v3  }
0x680: {  	v3 =	vld.idx.msk [tilespmem:v10+s26+$0x0], $0xffff;
	[tilespmem:s7+$0xD10] =	vst v7  }
0x681: {  	v7 =	vld.idx.msk [tilespmem:v8+s24+$0x0], $0xffff  }
0x682: {  	s30 =	sand.u32 $0xFF0, s29;
	[tilespmem:s11+$0x4E70] =	vst v2  }
0x683: {  	[tilespmem:s1+$0xD10] =	vst v9;
	v2 =	vld [tilespmem:s30+$0x80]  }
0x684: {  	v9 =	vld.idx.msk [tilespmem:v6+s24+$0x0], $0xffff  }
0x685: {  	s31 =	sand.u32 $0xFF8, s28;
	v10 =	vld [tilespmem:s29+$0x38];
	[tilespmem:s10+$0x4E70] =	vst v3  }
0x686: {  	v3 =	vld [tilespmem:s31+$0x80];
	[tilespmem:s7+$0x4D10] =	vst v7  }
0x687: {  	v7 =	vld.idx.msk [tilespmem:v5+s21+$0x0], $0xffff  }
0x688: {  	v2 =	vshll.u32 v2, $0x4  }
0x689: {  	v11 =	vld [tilespmem:s28+$0x38];
	v2 =	vor.u32 v0, v2;
	[tilespmem:s1+$0x4D10] =	vst v9  }
0x68a: {  	v9 =	vld.idx.msk [tilespmem:v4+s21+$0x0], $0xffff  }
0x68b: {  	v3 =	vshll.u32 v3, $0x4  }
0x68c: {  	v10 =	vperm.xlane v10, v1;
	v3 =	vor.u32 v0, v3;
	[tilespmem:s7+$0xD90] =	vst v7  }
0x68d: {  	v7 =	vld.idx.msk [tilespmem:v8+s25+$0x0], $0xffff  }
0x68e: {  	v10 =	vshll.u32 v10, $0x4;
	v52 =	vld.idx.msk [tilespmem:v2+s18+$0x0], $0xffff  }
0x68f: {  	v11 =	vperm.xlane v11, v1;
	v10 =	vor.u32 v0, v10;
	[tilespmem:s1+$0xD90] =	vst v9  }
0x690: {  	v13 =	vld.idx.msk [tilespmem:v6+s25+$0x0], $0xffff  }
0x691: {  	v11 =	vshll.u32 v11, $0x4;
	v9 =	vld.idx.msk [tilespmem:v3+s18+$0x0], $0xffff  }
0x692: {  	v11 =	vor.u32 v0, v11;
	[tilespmem:s7+$0x4D90] =	vst v7  }
0x693: {  	[tilespmem:s11+$0xE80] =	vst v52;
	v5 =	vld.idx.msk [tilespmem:v5+s22+$0x0], $0xffff  }
0x694: {  	v12 =	vld.idx.msk [tilespmem:v10+s23+$0x0], $0xffff  }
0x695: {  	[tilespmem:s1+$0x4D90] =	vst v13  }
0x696: {  	[tilespmem:s10+$0xE80] =	vst v9;
	v4 =	vld.idx.msk [tilespmem:v4+s22+$0x0], $0xffff  }
0x697: {  	v7 =	vld.idx.msk [tilespmem:v11+s23+$0x0], $0xffff  }
0x698: {  	[tilespmem:s7+$0xE10] =	vst v5  }
0x699: {  	[tilespmem:s11+$0x4E80] =	vst v12;
	v5 =	vld.idx.msk [tilespmem:v8+s26+$0x0], $0xffff  }
0x69a: {  	v9 =	vld.idx.msk [tilespmem:v2+s20+$0x0], $0xffff  }
0x69b: {  	[tilespmem:s1+$0xE10] =	vst v4  }
0x69c: {  	[tilespmem:s10+$0x4E80] =	vst v7;
	v6 =	vld.idx.msk [tilespmem:v6+s26+$0x0], $0xffff  }
0x69d: {  	v4 =	vld.idx.msk [tilespmem:v3+s20+$0x0], $0xffff  }
0x69e: {  	[tilespmem:s7+$0x4E10] =	vst v5  }
0x69f: {  	[tilespmem:s11+$0xF00] =	vst v9;
	v5 =	vld [tilespmem:s12+$0x20]  }
0x6a0: {  	v7 =	vld.idx.msk [tilespmem:v10+s24+$0x0], $0xffff  }
0x6a1: {  	[tilespmem:s1+$0x4E10] =	vst v6;
	v8 =	vld [tilespmem:s12+$0x98]  }
0x6a2: {  	[tilespmem:s10+$0xF00] =	vst v4;
	v6 =	vld [tilespmem:s17+$0x20]  }
0x6a3: {  	v4 =	vld.idx.msk [tilespmem:v11+s24+$0x0], $0xffff  }
0x6a4: {  	v5 =	vshll.u32 v5, $0x4  }
0x6a5: {  	v9 =	vld [tilespmem:s17+$0x98];
	[tilespmem:s11+$0x4F00] =	vst v7;
	v5 =	vor.u32 v0, v5  }
0x6a6: {  	v7 =	vld.idx.msk [tilespmem:v2+s21+$0x0], $0xffff  }
0x6a7: {  	v6 =	vshll.u32 v6, $0x4  }
0x6a8: {  	v8 =	vperm.xlane v8, v1;
	[tilespmem:s10+$0x4F00] =	vst v4;
	v4 =	vor.u32 v0, v6  }
0x6a9: {  	v6 =	vld.idx.msk [tilespmem:v3+s21+$0x0], $0xffff  }
0x6aa: {  	v8 =	vshll.u32 v8, $0x4;
	v53 =	vld.idx.msk [tilespmem:v5+s18+$0x0], $0xffff  }
0x6ab: {  	v8 =	vor.u32 v0, v8;
	[tilespmem:s11+$0xF80] =	vst v7;
	v7 =	vperm.xlane v9, v1  }
0x6ac: {  	v9 =	vld.idx.msk [tilespmem:v10+s25+$0x0], $0xffff  }
0x6ad: {  	v13 =	vld.idx.msk [tilespmem:v4+s18+$0x0], $0xffff;
	v7 =	vshll.u32 v7, $0x4  }
0x6ae: {  	[tilespmem:s10+$0xF80] =	vst v6;
	v6 =	vor.u32 v0, v7  }
0x6af: {  	v7 =	vld.idx.msk [tilespmem:v11+s25+$0x0], $0xffff;
	[tilespmem:s7+$0xCA0] =	vst v53  }
0x6b0: {  	v12 =	vld.idx.msk [tilespmem:v8+s23+$0x0], $0xffff  }
0x6b1: {  	[tilespmem:s11+$0x4F80] =	vst v9  }
0x6b2: {  	[tilespmem:s1+$0xCA0] =	vst v13;
	v2 =	vld.idx.msk [tilespmem:v2+s22+$0x0], $0xffff  }
0x6b3: {  	v9 =	vld.idx.msk [tilespmem:v6+s23+$0x0], $0xffff  }
0x6b4: {  	[tilespmem:s10+$0x4F80] =	vst v7  }
0x6b5: {  	v3 =	vld.idx.msk [tilespmem:v3+s22+$0x0], $0xffff;
	[tilespmem:s7+$0x4CA0] =	vst v12  }
0x6b6: {  	v7 =	vld.idx.msk [tilespmem:v5+s20+$0x0], $0xffff  }
0x6b7: {  	[tilespmem:s11+$0x1000] =	vst v2  }
0x6b8: {  	[tilespmem:s1+$0x4CA0] =	vst v9;
	v2 =	vld.idx.msk [tilespmem:v10+s26+$0x0], $0xffff  }
0x6b9: {  	v9 =	vld.idx.msk [tilespmem:v4+s20+$0x0], $0xffff  }
0x6ba: {  	[tilespmem:s10+$0x1000] =	vst v3  }
0x6bb: {  	v3 =	vld.idx.msk [tilespmem:v11+s26+$0x0], $0xffff;
	[tilespmem:s7+$0xD20] =	vst v7  }
0x6bc: {  	v7 =	vld.idx.msk [tilespmem:v8+s24+$0x0], $0xffff  }
0x6bd: {  	[tilespmem:s11+$0x5000] =	vst v2  }
0x6be: {  	[tilespmem:s1+$0xD20] =	vst v9;
	v2 =	vld [tilespmem:s29+$0x90]  }
0x6bf: {  	v9 =	vld.idx.msk [tilespmem:v6+s24+$0x0], $0xffff  }
0x6c0: {  	v10 =	vld [tilespmem:s29+$0x28];
	[tilespmem:s10+$0x5000] =	vst v3  }
0x6c1: {  	v3 =	vld [tilespmem:s28+$0x90];
	[tilespmem:s7+$0x4D20] =	vst v7  }
0x6c2: {  	v7 =	vld.idx.msk [tilespmem:v5+s21+$0x0], $0xffff  }
0x6c3: {  	v2 =	vshll.u32 v2, $0x4  }
0x6c4: {  	v11 =	vld [tilespmem:s28+$0x28];
	v2 =	vor.u32 v0, v2;
	[tilespmem:s1+$0x4D20] =	vst v9  }
0x6c5: {  	v9 =	vld.idx.msk [tilespmem:v4+s21+$0x0], $0xffff  }
0x6c6: {  	v3 =	vshll.u32 v3, $0x4  }
0x6c7: {  	v10 =	vperm.xlane v10, v1;
	v3 =	vor.u32 v0, v3;
	[tilespmem:s7+$0xDA0] =	vst v7  }
0x6c8: {  	v7 =	vld.idx.msk [tilespmem:v8+s25+$0x0], $0xffff  }
0x6c9: {  	v10 =	vshll.u32 v10, $0x4;
	v54 =	vld.idx.msk [tilespmem:v2+s18+$0x0], $0xffff  }
0x6ca: {  	v11 =	vperm.xlane v11, v1;
	v10 =	vor.u32 v0, v10;
	[tilespmem:s1+$0xDA0] =	vst v9  }
0x6cb: {  	v13 =	vld.idx.msk [tilespmem:v6+s25+$0x0], $0xffff  }
0x6cc: {  	v11 =	vshll.u32 v11, $0x4;
	v9 =	vld.idx.msk [tilespmem:v3+s18+$0x0], $0xffff  }
0x6cd: {  	v11 =	vor.u32 v0, v11;
	[tilespmem:s7+$0x4DA0] =	vst v7  }
0x6ce: {  	[tilespmem:s11+$0xE90] =	vst v54;
	v5 =	vld.idx.msk [tilespmem:v5+s22+$0x0], $0xffff  }
0x6cf: {  	v12 =	vld.idx.msk [tilespmem:v10+s23+$0x0], $0xffff  }
0x6d0: {  	[tilespmem:s1+$0x4DA0] =	vst v13  }
0x6d1: {  	[tilespmem:s10+$0xE90] =	vst v9;
	v4 =	vld.idx.msk [tilespmem:v4+s22+$0x0], $0xffff  }
0x6d2: {  	v7 =	vld.idx.msk [tilespmem:v11+s23+$0x0], $0xffff  }
0x6d3: {  	[tilespmem:s7+$0xE20] =	vst v5  }
0x6d4: {  	[tilespmem:s11+$0x4E90] =	vst v12;
	v5 =	vld.idx.msk [tilespmem:v8+s26+$0x0], $0xffff  }
0x6d5: {  	v9 =	vld.idx.msk [tilespmem:v2+s20+$0x0], $0xffff  }
0x6d6: {  	[tilespmem:s1+$0xE20] =	vst v4  }
0x6d7: {  	[tilespmem:s10+$0x4E90] =	vst v7;
	v6 =	vld.idx.msk [tilespmem:v6+s26+$0x0], $0xffff  }
0x6d8: {  	v4 =	vld.idx.msk [tilespmem:v3+s20+$0x0], $0xffff  }
0x6d9: {  	[tilespmem:s7+$0x4E20] =	vst v5  }
0x6da: {  	[tilespmem:s11+$0xF10] =	vst v9;
	v5 =	vld [tilespmem:s12+$0x30]  }
0x6db: {  	v7 =	vld.idx.msk [tilespmem:v10+s24+$0x0], $0xffff  }
0x6dc: {  	[tilespmem:s1+$0x4E20] =	vst v6;
	v8 =	vld [tilespmem:s12+$0x88]  }
0x6dd: {  	[tilespmem:s10+$0xF10] =	vst v4;
	v6 =	vld [tilespmem:s17+$0x30]  }
0x6de: {  	v4 =	vld.idx.msk [tilespmem:v11+s24+$0x0], $0xffff  }
0x6df: {  	v5 =	vshll.u32 v5, $0x4  }
0x6e0: {  	v9 =	vld [tilespmem:s17+$0x88];
	[tilespmem:s11+$0x4F10] =	vst v7;
	v5 =	vor.u32 v0, v5  }
0x6e1: {  	v7 =	vld.idx.msk [tilespmem:v2+s21+$0x0], $0xffff  }
0x6e2: {  	v6 =	vshll.u32 v6, $0x4  }
0x6e3: {  	v8 =	vperm.xlane v8, v1;
	[tilespmem:s10+$0x4F10] =	vst v4;
	v4 =	vor.u32 v0, v6  }
0x6e4: {  	v6 =	vld.idx.msk [tilespmem:v3+s21+$0x0], $0xffff  }
0x6e5: {  	v8 =	vshll.u32 v8, $0x4;
	v55 =	vld.idx.msk [tilespmem:v5+s18+$0x0], $0xffff  }
0x6e6: {  	v8 =	vor.u32 v0, v8;
	[tilespmem:s11+$0xF90] =	vst v7;
	v7 =	vperm.xlane v9, v1  }
0x6e7: {  	v9 =	vld.idx.msk [tilespmem:v10+s25+$0x0], $0xffff  }
0x6e8: {  	v13 =	vld.idx.msk [tilespmem:v4+s18+$0x0], $0xffff;
	v7 =	vshll.u32 v7, $0x4  }
0x6e9: {  	[tilespmem:s10+$0xF90] =	vst v6;
	v6 =	vor.u32 v0, v7  }
0x6ea: {  	v7 =	vld.idx.msk [tilespmem:v11+s25+$0x0], $0xffff;
	[tilespmem:s7+$0xCB0] =	vst v55  }
0x6eb: {  	v12 =	vld.idx.msk [tilespmem:v8+s23+$0x0], $0xffff  }
0x6ec: {  	[tilespmem:s11+$0x4F90] =	vst v9  }
0x6ed: {  	[tilespmem:s1+$0xCB0] =	vst v13;
	v2 =	vld.idx.msk [tilespmem:v2+s22+$0x0], $0xffff  }
0x6ee: {  	v9 =	vld.idx.msk [tilespmem:v6+s23+$0x0], $0xffff  }
0x6ef: {  	[tilespmem:s10+$0x4F90] =	vst v7  }
0x6f0: {  	v3 =	vld.idx.msk [tilespmem:v3+s22+$0x0], $0xffff;
	[tilespmem:s7+$0x4CB0] =	vst v12  }
0x6f1: {  	v7 =	vld.idx.msk [tilespmem:v5+s20+$0x0], $0xffff  }
0x6f2: {  	[tilespmem:s11+$0x1010] =	vst v2  }
0x6f3: {  	[tilespmem:s1+$0x4CB0] =	vst v9;
	v2 =	vld.idx.msk [tilespmem:v10+s26+$0x0], $0xffff  }
0x6f4: {  	v9 =	vld.idx.msk [tilespmem:v4+s20+$0x0], $0xffff  }
0x6f5: {  	[tilespmem:s10+$0x1010] =	vst v3  }
0x6f6: {  	v3 =	vld.idx.msk [tilespmem:v11+s26+$0x0], $0xffff;
	[tilespmem:s7+$0xD30] =	vst v7  }
0x6f7: {  	v7 =	vld.idx.msk [tilespmem:v8+s24+$0x0], $0xffff  }
0x6f8: {  	[tilespmem:s11+$0x5010] =	vst v2  }
0x6f9: {  	[tilespmem:s1+$0xD30] =	vst v9;
	v2 =	vld [tilespmem:s29+$0xA0]  }
0x6fa: {  	v9 =	vld.idx.msk [tilespmem:v6+s24+$0x0], $0xffff  }
0x6fb: {  	v10 =	vld [tilespmem:s29+$0x18];
	[tilespmem:s10+$0x5010] =	vst v3  }
0x6fc: {  	v3 =	vld [tilespmem:s28+$0xA0];
	[tilespmem:s7+$0x4D30] =	vst v7  }
0x6fd: {  	v7 =	vld.idx.msk [tilespmem:v5+s21+$0x0], $0xffff  }
0x6fe: {  	v2 =	vshll.u32 v2, $0x4  }
0x6ff: {  	v11 =	vld [tilespmem:s28+$0x18];
	v2 =	vor.u32 v0, v2;
	[tilespmem:s1+$0x4D30] =	vst v9  }
0x700: {  	v9 =	vld.idx.msk [tilespmem:v4+s21+$0x0], $0xffff  }
0x701: {  	v3 =	vshll.u32 v3, $0x4  }
0x702: {  	v10 =	vperm.xlane v10, v1;
	v3 =	vor.u32 v0, v3;
	[tilespmem:s7+$0xDB0] =	vst v7  }
0x703: {  	v7 =	vld.idx.msk [tilespmem:v8+s25+$0x0], $0xffff  }
0x704: {  	v10 =	vshll.u32 v10, $0x4;
	v56 =	vld.idx.msk [tilespmem:v2+s18+$0x0], $0xffff  }
0x705: {  	v11 =	vperm.xlane v11, v1;
	v10 =	vor.u32 v0, v10;
	[tilespmem:s1+$0xDB0] =	vst v9  }
0x706: {  	v13 =	vld.idx.msk [tilespmem:v6+s25+$0x0], $0xffff  }
0x707: {  	v11 =	vshll.u32 v11, $0x4;
	v9 =	vld.idx.msk [tilespmem:v3+s18+$0x0], $0xffff  }
0x708: {  	v11 =	vor.u32 v0, v11;
	[tilespmem:s7+$0x4DB0] =	vst v7  }
0x709: {  	[tilespmem:s11+$0xEA0] =	vst v56;
	v5 =	vld.idx.msk [tilespmem:v5+s22+$0x0], $0xffff  }
0x70a: {  	v12 =	vld.idx.msk [tilespmem:v10+s23+$0x0], $0xffff  }
0x70b: {  	[tilespmem:s1+$0x4DB0] =	vst v13  }
0x70c: {  	[tilespmem:s10+$0xEA0] =	vst v9;
	v4 =	vld.idx.msk [tilespmem:v4+s22+$0x0], $0xffff  }
0x70d: {  	v7 =	vld.idx.msk [tilespmem:v11+s23+$0x0], $0xffff  }
0x70e: {  	[tilespmem:s7+$0xE30] =	vst v5  }
0x70f: {  	[tilespmem:s11+$0x4EA0] =	vst v12;
	v5 =	vld.idx.msk [tilespmem:v8+s26+$0x0], $0xffff  }
0x710: {  	v9 =	vld.idx.msk [tilespmem:v2+s20+$0x0], $0xffff  }
0x711: {  	[tilespmem:s1+$0xE30] =	vst v4  }
0x712: {  	[tilespmem:s10+$0x4EA0] =	vst v7;
	v6 =	vld.idx.msk [tilespmem:v6+s26+$0x0], $0xffff  }
0x713: {  	v4 =	vld.idx.msk [tilespmem:v3+s20+$0x0], $0xffff  }
0x714: {  	[tilespmem:s7+$0x4E30] =	vst v5  }
0x715: {  	[tilespmem:s11+$0xF20] =	vst v9;
	v5 =	vld [tilespmem:s12+$0x40]  }
0x716: {  	v7 =	vld.idx.msk [tilespmem:v10+s24+$0x0], $0xffff  }
0x717: {  	[tilespmem:s1+$0x4E30] =	vst v6;
	v8 =	vld [tilespmem:s12+$0x78]  }
0x718: {  	[tilespmem:s10+$0xF20] =	vst v4;
	v6 =	vld [tilespmem:s17+$0x40]  }
0x719: {  	v4 =	vld.idx.msk [tilespmem:v11+s24+$0x0], $0xffff  }
0x71a: {  	v5 =	vshll.u32 v5, $0x4  }
0x71b: {  	v9 =	vld [tilespmem:s17+$0x78];
	[tilespmem:s11+$0x4F20] =	vst v7;
	v5 =	vor.u32 v0, v5  }
0x71c: {  	v7 =	vld.idx.msk [tilespmem:v2+s21+$0x0], $0xffff  }
0x71d: {  	v6 =	vshll.u32 v6, $0x4  }
0x71e: {  	v8 =	vperm.xlane v8, v1;
	[tilespmem:s10+$0x4F20] =	vst v4;
	v4 =	vor.u32 v0, v6  }
0x71f: {  	v6 =	vld.idx.msk [tilespmem:v3+s21+$0x0], $0xffff  }
0x720: {  	v8 =	vshll.u32 v8, $0x4;
	v57 =	vld.idx.msk [tilespmem:v5+s18+$0x0], $0xffff  }
0x721: {  	v8 =	vor.u32 v0, v8;
	[tilespmem:s11+$0xFA0] =	vst v7;
	v7 =	vperm.xlane v9, v1  }
0x722: {  	v9 =	vld.idx.msk [tilespmem:v10+s25+$0x0], $0xffff  }
0x723: {  	v13 =	vld.idx.msk [tilespmem:v4+s18+$0x0], $0xffff;
	v7 =	vshll.u32 v7, $0x4  }
0x724: {  	[tilespmem:s10+$0xFA0] =	vst v6;
	v6 =	vor.u32 v0, v7  }
0x725: {  	v7 =	vld.idx.msk [tilespmem:v11+s25+$0x0], $0xffff;
	[tilespmem:s7+$0xCC0] =	vst v57  }
0x726: {  	v12 =	vld.idx.msk [tilespmem:v8+s23+$0x0], $0xffff  }
0x727: {  	[tilespmem:s11+$0x4FA0] =	vst v9  }
0x728: {  	[tilespmem:s1+$0xCC0] =	vst v13;
	v2 =	vld.idx.msk [tilespmem:v2+s22+$0x0], $0xffff  }
0x729: {  	v9 =	vld.idx.msk [tilespmem:v6+s23+$0x0], $0xffff  }
0x72a: {  	[tilespmem:s10+$0x4FA0] =	vst v7  }
0x72b: {  	v3 =	vld.idx.msk [tilespmem:v3+s22+$0x0], $0xffff;
	[tilespmem:s7+$0x4CC0] =	vst v12  }
0x72c: {  	v7 =	vld.idx.msk [tilespmem:v5+s20+$0x0], $0xffff  }
0x72d: {  	[tilespmem:s11+$0x1020] =	vst v2  }
0x72e: {  	[tilespmem:s1+$0x4CC0] =	vst v9;
	v2 =	vld.idx.msk [tilespmem:v10+s26+$0x0], $0xffff  }
0x72f: {  	v9 =	vld.idx.msk [tilespmem:v4+s20+$0x0], $0xffff  }
0x730: {  	[tilespmem:s10+$0x1020] =	vst v3  }
0x731: {  	v3 =	vld.idx.msk [tilespmem:v11+s26+$0x0], $0xffff;
	[tilespmem:s7+$0xD40] =	vst v7  }
0x732: {  	v7 =	vld.idx.msk [tilespmem:v8+s24+$0x0], $0xffff  }
0x733: {  	[tilespmem:s11+$0x5020] =	vst v2  }
0x734: {  	[tilespmem:s1+$0xD40] =	vst v9;
	v2 =	vld [tilespmem:s29+$0xB0]  }
0x735: {  	v9 =	vld.idx.msk [tilespmem:v6+s24+$0x0], $0xffff  }
0x736: {  	v10 =	vld [tilespmem:s29+$0x8];
	[tilespmem:s10+$0x5020] =	vst v3  }
0x737: {  	v3 =	vld [tilespmem:s28+$0xB0];
	[tilespmem:s7+$0x4D40] =	vst v7  }
0x738: {  	v7 =	vld.idx.msk [tilespmem:v5+s21+$0x0], $0xffff  }
0x739: {  	v2 =	vshll.u32 v2, $0x4  }
0x73a: {  	v11 =	vld [tilespmem:s28+$0x8];
	v2 =	vor.u32 v0, v2;
	[tilespmem:s1+$0x4D40] =	vst v9  }
0x73b: {  	v9 =	vld.idx.msk [tilespmem:v4+s21+$0x0], $0xffff  }
0x73c: {  	v3 =	vshll.u32 v3, $0x4  }
0x73d: {  	v10 =	vperm.xlane v10, v1;
	v3 =	vor.u32 v0, v3;
	[tilespmem:s7+$0xDC0] =	vst v7  }
0x73e: {  	v7 =	vld.idx.msk [tilespmem:v8+s25+$0x0], $0xffff  }
0x73f: {  	v10 =	vshll.u32 v10, $0x4;
	v58 =	vld.idx.msk [tilespmem:v2+s18+$0x0], $0xffff  }
0x740: {  	v11 =	vperm.xlane v11, v1;
	v10 =	vor.u32 v0, v10;
	[tilespmem:s1+$0xDC0] =	vst v9  }
0x741: {  	v13 =	vld.idx.msk [tilespmem:v6+s25+$0x0], $0xffff  }
0x742: {  	v11 =	vshll.u32 v11, $0x4;
	v9 =	vld.idx.msk [tilespmem:v3+s18+$0x0], $0xffff  }
0x743: {  	v11 =	vor.u32 v0, v11;
	[tilespmem:s7+$0x4DC0] =	vst v7  }
0x744: {  	[tilespmem:s11+$0xEB0] =	vst v58;
	v5 =	vld.idx.msk [tilespmem:v5+s22+$0x0], $0xffff  }
0x745: {  	v12 =	vld.idx.msk [tilespmem:v10+s23+$0x0], $0xffff  }
0x746: {  	[tilespmem:s1+$0x4DC0] =	vst v13  }
0x747: {  	[tilespmem:s10+$0xEB0] =	vst v9;
	v4 =	vld.idx.msk [tilespmem:v4+s22+$0x0], $0xffff  }
0x748: {  	v7 =	vld.idx.msk [tilespmem:v11+s23+$0x0], $0xffff  }
0x749: {  	[tilespmem:s7+$0xE40] =	vst v5  }
0x74a: {  	[tilespmem:s11+$0x4EB0] =	vst v12;
	v5 =	vld.idx.msk [tilespmem:v8+s26+$0x0], $0xffff  }
0x74b: {  	v9 =	vld.idx.msk [tilespmem:v2+s20+$0x0], $0xffff  }
0x74c: {  	[tilespmem:s1+$0xE40] =	vst v4  }
0x74d: {  	[tilespmem:s10+$0x4EB0] =	vst v7;
	v6 =	vld.idx.msk [tilespmem:v6+s26+$0x0], $0xffff  }
0x74e: {  	v4 =	vld.idx.msk [tilespmem:v3+s20+$0x0], $0xffff  }
0x74f: {  	[tilespmem:s7+$0x4E40] =	vst v5  }
0x750: {  	[tilespmem:s11+$0xF30] =	vst v9;
	v5 =	vld [tilespmem:s12+$0x50]  }
0x751: {  	v7 =	vld.idx.msk [tilespmem:v10+s24+$0x0], $0xffff  }
0x752: {  	[tilespmem:s1+$0x4E40] =	vst v6;
	v8 =	vld [tilespmem:s12+$0x68]  }
0x753: {  	[tilespmem:s10+$0xF30] =	vst v4;
	v6 =	vld [tilespmem:s17+$0x50]  }
0x754: {  	v4 =	vld.idx.msk [tilespmem:v11+s24+$0x0], $0xffff  }
0x755: {  	v5 =	vshll.u32 v5, $0x4  }
0x756: {  	v9 =	vld [tilespmem:s17+$0x68];
	[tilespmem:s11+$0x4F30] =	vst v7;
	v5 =	vor.u32 v0, v5  }
0x757: {  	v7 =	vld.idx.msk [tilespmem:v2+s21+$0x0], $0xffff  }
0x758: {  	v6 =	vshll.u32 v6, $0x4  }
0x759: {  	v8 =	vperm.xlane v8, v1;
	[tilespmem:s10+$0x4F30] =	vst v4;
	v4 =	vor.u32 v0, v6  }
0x75a: {  	v6 =	vld.idx.msk [tilespmem:v3+s21+$0x0], $0xffff  }
0x75b: {  	v8 =	vshll.u32 v8, $0x4;
	v59 =	vld.idx.msk [tilespmem:v5+s18+$0x0], $0xffff  }
0x75c: {  	v8 =	vor.u32 v0, v8;
	[tilespmem:s11+$0xFB0] =	vst v7;
	v7 =	vperm.xlane v9, v1  }
0x75d: {  	v9 =	vld.idx.msk [tilespmem:v10+s25+$0x0], $0xffff  }
0x75e: {  	v13 =	vld.idx.msk [tilespmem:v4+s18+$0x0], $0xffff;
	v7 =	vshll.u32 v7, $0x4  }
0x75f: {  	[tilespmem:s10+$0xFB0] =	vst v6;
	v6 =	vor.u32 v0, v7  }
0x760: {  	v7 =	vld.idx.msk [tilespmem:v11+s25+$0x0], $0xffff;
	[tilespmem:s7+$0xCD0] =	vst v59  }
0x761: {  	v12 =	vld.idx.msk [tilespmem:v8+s23+$0x0], $0xffff  }
0x762: {  	[tilespmem:s11+$0x4FB0] =	vst v9  }
0x763: {  	[tilespmem:s1+$0xCD0] =	vst v13;
	v2 =	vld.idx.msk [tilespmem:v2+s22+$0x0], $0xffff  }
0x764: {  	v9 =	vld.idx.msk [tilespmem:v6+s23+$0x0], $0xffff  }
0x765: {  	[tilespmem:s10+$0x4FB0] =	vst v7  }
0x766: {  	v3 =	vld.idx.msk [tilespmem:v3+s22+$0x0], $0xffff;
	[tilespmem:s7+$0x4CD0] =	vst v12  }
0x767: {  	v7 =	vld.idx.msk [tilespmem:v5+s20+$0x0], $0xffff  }
0x768: {  	[tilespmem:s11+$0x1030] =	vst v2  }
0x769: {  	[tilespmem:s1+$0x4CD0] =	vst v9;
	v2 =	vld.idx.msk [tilespmem:v10+s26+$0x0], $0xffff  }
0x76a: {  	v9 =	vld.idx.msk [tilespmem:v4+s20+$0x0], $0xffff  }
0x76b: {  	[tilespmem:s10+$0x1030] =	vst v3  }
0x76c: {  	v3 =	vld.idx.msk [tilespmem:v11+s26+$0x0], $0xffff;
	[tilespmem:s7+$0xD50] =	vst v7  }
0x76d: {  	v7 =	vld.idx.msk [tilespmem:v8+s24+$0x0], $0xffff  }
0x76e: {  	[tilespmem:s11+$0x5030] =	vst v2  }
0x76f: {  	[tilespmem:s1+$0xD50] =	vst v9;
	v2 =	vld [tilespmem:s29+$0xB8]  }
0x770: {  	v9 =	vld.idx.msk [tilespmem:v6+s24+$0x0], $0xffff  }
0x771: {  	v10 =	vld [tilespmem:s29+$0x0];
	[tilespmem:s10+$0x5030] =	vst v3  }
0x772: {  	v3 =	vld [tilespmem:s28+$0xB8];
	[tilespmem:s7+$0x4D50] =	vst v7  }
0x773: {  	v7 =	vld.idx.msk [tilespmem:v5+s21+$0x0], $0xffff  }
0x774: {  	v11 =	vld [tilespmem:s28+$0x0];
	v2 =	vshll.u32 v2, $0x4  }
0x775: {  	v2 =	vor.u32 v0, v2;
	[tilespmem:s1+$0x4D50] =	vst v9  }
0x776: {  	v9 =	vld.idx.msk [tilespmem:v4+s21+$0x0], $0xffff  }
0x777: {  	v3 =	vshll.u32 v3, $0x4  }
0x778: {  	v10 =	vperm.xlane v10, v1;
	v3 =	vor.u32 v0, v3;
	[tilespmem:s7+$0xDD0] =	vst v7  }
0x779: {  	v7 =	vperm.xlane v11, v1;
	v11 =	vld.idx.msk [tilespmem:v8+s25+$0x0], $0xffff  }
0x77a: {  	v10 =	vshll.u32 v10, $0x4;
	v60 =	vld.idx.msk [tilespmem:v2+s18+$0x0], $0xffff  }
0x77b: {  	v10 =	vor.u32 v0, v10;
	[tilespmem:s1+$0xDD0] =	vst v9;
	v7 =	vshll.u32 v7, $0x4  }
0x77c: {  	v61 =	vor.u32 v0, v7;
	v7 =	vld.idx.msk [tilespmem:v6+s25+$0x0], $0xffff  }
0x77d: {  	v9 =	vld.idx.msk [tilespmem:v3+s18+$0x0], $0xffff  }
0x77e: {  	[tilespmem:s7+$0x4DD0] =	vst v11  }
0x77f: {  	[tilespmem:s11+$0xEB8] =	vst v60;
	v5 =	vld.idx.msk [tilespmem:v5+s22+$0x0], $0xffff  }
0x780: {  	v11 =	vld.idx.msk [tilespmem:v10+s23+$0x0], $0xffff  }
0x781: {  	[tilespmem:s1+$0x4DD0] =	vst v7  }
0x782: {  	[tilespmem:s10+$0xEB8] =	vst v9;
	v4 =	vld.idx.msk [tilespmem:v4+s22+$0x0], $0xffff  }
0x783: {  	v7 =	vld.idx.msk [tilespmem:v61+s23+$0x0], $0xffff  }
0x784: {  	[tilespmem:s7+$0xE50] =	vst v5  }
0x785: {  	[tilespmem:s11+$0x4EB8] =	vst v11;
	v5 =	vld.idx.msk [tilespmem:v8+s26+$0x0], $0xffff  }
0x786: {  	v8 =	vld.idx.msk [tilespmem:v2+s20+$0x0], $0xffff  }
0x787: {  	[tilespmem:s1+$0xE50] =	vst v4  }
0x788: {  	[tilespmem:s10+$0x4EB8] =	vst v7;
	v6 =	vld.idx.msk [tilespmem:v6+s26+$0x0], $0xffff  }
0x789: {  	v4 =	vld.idx.msk [tilespmem:v3+s20+$0x0], $0xffff  }
0x78a: {  	[tilespmem:s7+$0x4E50] =	vst v5  }
0x78b: {  	[tilespmem:s11+$0xF38] =	vst v8;
	v5 =	vld [tilespmem:s12+$0x60]  }
0x78c: {  	v7 =	vld.idx.msk [tilespmem:v10+s24+$0x0], $0xffff  }
0x78d: {  	[tilespmem:s1+$0x4E50] =	vst v6  }
0x78e: {  	[tilespmem:s10+$0xF38] =	vst v4;
	v8 =	vld [tilespmem:s17+$0x60]  }
0x78f: {  	v6 =	vld.idx.msk [tilespmem:v61+s24+$0x0], $0xffff  }
0x790: {  	v9 =	vld [tilespmem:s12+$0x58]  }
0x791: {  	v11 =	vld [tilespmem:s17+$0x58];
	v4 =	vshll.u32 v5, $0x4;
	[tilespmem:s11+$0x4F38] =	vst v7  }
0x792: {  	v4 =	vor.u32 v0, v4;
	v7 =	vld.idx.msk [tilespmem:v2+s21+$0x0], $0xffff  }
0x793: {  	v5 =	vshll.u32 v8, $0x4  }
0x794: {  	[tilespmem:s10+$0x4F38] =	vst v6;
	v5 =	vor.u32 v0, v5  }
0x795: {  	v6 =	vperm.xlane v9, v1;
	v8 =	vld.idx.msk [tilespmem:v3+s21+$0x0], $0xffff;
	_ =	sdelay $0x1  }
0x796: {  	v6 =	vshll.u32 v6, $0x4;
	v9 =	vld.idx.msk [tilespmem:v4+s18+$0x0], $0xffff;
	[tilespmem:s11+$0xFB8] =	vst v7;
	v7 =	vperm.xlane v11, v1  }
0x797: {  	v6 =	vor.u32 v0, v6;
	v11 =	vld.idx.msk [tilespmem:v10+s25+$0x0], $0xffff  }
0x798: {  	v62 =	vld.idx.msk [tilespmem:v5+s18+$0x0], $0xffff;
	v7 =	vshll.u32 v7, $0x4  }
0x799: {  	[tilespmem:s10+$0xFB8] =	vst v8;
	v7 =	vor.u32 v0, v7  }
0x79a: {  	v8 =	vld.idx.msk [tilespmem:v61+s25+$0x0], $0xffff  }
0x79b: {  	[tilespmem:s7+$0xCE0] =	vst v9  }
0x79c: {  	v9 =	vld.idx.msk [tilespmem:v6+s23+$0x0], $0xffff;
	[tilespmem:s11+$0x4FB8] =	vst v11  }
0x79d: {  	[tilespmem:s1+$0xCE0] =	vst v62;
	v2 =	vld.idx.msk [tilespmem:v2+s22+$0x0], $0xffff  }
0x79e: {  	v11 =	vld.idx.msk [tilespmem:v7+s23+$0x0], $0xffff  }
0x79f: {  	[tilespmem:s10+$0x4FB8] =	vst v8  }
0x7a0: {  	v63 =	vld.idx.msk [tilespmem:v3+s22+$0x0], $0xffff  }
0x7a1: {  	[tilespmem:s7+$0x4CE0] =	vst v9  }
0x7a2: {  	v9 =	vld.idx.msk [tilespmem:v4+s20+$0x0], $0xffff;
	[tilespmem:s11+$0x1038] =	vst v2  }
0x7a3: {  	[tilespmem:s1+$0x4CE0] =	vst v11;
	v3 =	vld.idx.msk [tilespmem:v10+s26+$0x0], $0xffff  }
0x7a4: {  	v8 =	vld.idx.msk [tilespmem:v5+s20+$0x0], $0xffff  }
0x7a5: {  	[tilespmem:s10+$0x1038] =	vst v63  }
0x7a6: {  	v2 =	vld.idx.msk [tilespmem:v61+s26+$0x0], $0xffff  }
0x7a7: {  	s28 =	simm.s32 $0xC;
	[tilespmem:s7+$0xD60] =	vst v9  }
.LBB2_5:
0x7a8: {  	p0 =	slt.u32 s28, $0xE;
	v9 =	vld.idx.msk [tilespmem:v6+s24+$0x0], $0xffff;
	[tilespmem:s11+$0x5038] =	vst v3;
	s5 =	smov.u32 s28;
	s28 =	sadd.s32 $0x2, s28  }
0x7a9: {  	s11 =	smov.u32 s7;
	s29 =	smul.u32 $0xC8, s5;
	s31 =	sor.u32 $0x1, s5;
	[tilespmem:s1+$0xD60] =	vst v8  }
0x7aa: {  	s30 =	smul.u32 $0xC8, s31;
	v3 =	vld.idx.msk [tilespmem:v7+s24+$0x0], $0xffff  }
0x7ab: {  	v8 =	vld [tilespmem:s29+$0x0];
	[tilespmem:s10+$0x5038] =	vst v2;
	s10 =	smov.u32 s1  }
0x7ac: {  	v2 =	vld [tilespmem:s30+$0x0];
	_ =	sdelay $0x1  }
0x7ad: {  	[tilespmem:s11+$0x4D60] =	vst v9  }
0x7ae: {  	v9 =	vld.idx.msk [tilespmem:v4+s21+$0x0], $0xffff  }
0x7af: {  	v10 =	vld [tilespmem:s29+$0xB8];
	v8 =	vshll.u32 v8, $0x4;
	[tilespmem:s10+$0x4D60] =	vst v3  }
0x7b0: {  	v3 =	vor.u32 v0, v8;
	v2 =	vshll.u32 v2, $0x4;
	v8 =	vld.idx.msk [tilespmem:v5+s21+$0x0], $0xffff  }
0x7b1: {  	v11 =	vld [tilespmem:s30+$0xB8];
	v2 =	vor.u32 v0, v2;
	_ =	sdelay $0x2  }
0x7b2: {  	v10 =	vperm.xlane v10, v1;
	[tilespmem:s11+$0xDE0] =	vst v9  }
0x7b3: {  	v9 =	vld.idx.msk [tilespmem:v3+s18+$0x0], $0xffff  }
0x7b4: {  	v10 =	vshll.u32 v10, $0x4;
	v11 =	vperm.xlane v11, v1;
	v12 =	vld.idx.msk [tilespmem:v6+s25+$0x0], $0xffff;
	[tilespmem:s10+$0xDE0] =	vst v8  }
0x7b5: {  	v8 =	vor.u32 v0, v10;
	v10 =	vld.idx.msk [tilespmem:v2+s18+$0x0], $0xffff  }
0x7b6: {  	v11 =	vshll.u32 v11, $0x4;
	v13 =	vld.idx.msk [tilespmem:v7+s25+$0x0], $0xffff  }
0x7b7: {  	v11 =	vor.u32 v0, v11  }
0x7b8: {  	s7 =	sshll.u32 s5, $0xA  }
0x7b9: {  	[tilespmem:s7+$0xC80] =	vst v9  }
0x7ba: {  	s1 =	sshll.u32 s31, $0xA;
	v9 =	vld.idx.msk [tilespmem:v8+s23+$0x0], $0xffff;
	[tilespmem:s11+$0x4DE0] =	vst v12  }
0x7bb: {  	[tilespmem:s1+$0xC80] =	vst v10;
	v4 =	vld.idx.msk [tilespmem:v4+s22+$0x0], $0xffff  }
0x7bc: {  	v10 =	vld.idx.msk [tilespmem:v11+s23+$0x0], $0xffff;
	[tilespmem:s10+$0x4DE0] =	vst v13  }
0x7bd: {  	v5 =	vld.idx.msk [tilespmem:v5+s22+$0x0], $0xffff;
	_ =	sdelay $0x2  }
0x7be: {  	[tilespmem:s7+$0x4C80] =	vst v9  }
0x7bf: {  	v9 =	vld.idx.msk [tilespmem:v3+s20+$0x0], $0xffff;
	[tilespmem:s11+$0xE60] =	vst v4  }
0x7c0: {  	[tilespmem:s1+$0x4C80] =	vst v10;
	v4 =	vld.idx.msk [tilespmem:v6+s26+$0x0], $0xffff  }
0x7c1: {  	v6 =	vld.idx.msk [tilespmem:v2+s20+$0x0], $0xffff;
	[tilespmem:s10+$0xE60] =	vst v5  }
0x7c2: {  	v5 =	vld.idx.msk [tilespmem:v7+s26+$0x0], $0xffff;
	_ =	sdelay $0x2  }
0x7c3: {  	[tilespmem:s7+$0xD00] =	vst v9  }
0x7c4: {  	v7 =	vld.idx.msk [tilespmem:v8+s24+$0x0], $0xffff;
	[tilespmem:s11+$0x4E60] =	vst v4  }
0x7c5: {  	[tilespmem:s1+$0xD00] =	vst v6;
	v4 =	vld [tilespmem:s12+$0x70]  }
0x7c6: {  	v6 =	vld.idx.msk [tilespmem:v11+s24+$0x0], $0xffff;
	[tilespmem:s10+$0x4E60] =	vst v5  }
0x7c7: {  	v5 =	vld [tilespmem:s17+$0x70]  }
0x7c8: {  	v9 =	vld [tilespmem:s17+$0x48]  }
0x7c9: {  	v10 =	vld [tilespmem:s12+$0x48]  }
0x7ca: {  	[tilespmem:s7+$0x4D00] =	vst v7;
	v4 =	vshll.u32 v4, $0x4  }
0x7cb: {  	v7 =	vld.idx.msk [tilespmem:v3+s21+$0x0], $0xffff;
	v4 =	vor.u32 v0, v4  }
0x7cc: {  	[tilespmem:s1+$0x4D00] =	vst v6;
	v5 =	vshll.u32 v5, $0x4  }
0x7cd: {  	v6 =	vld.idx.msk [tilespmem:v2+s21+$0x0], $0xffff;
	v9 =	vperm.xlane v9, v1;
	v5 =	vor.u32 v0, v5  }
0x7ce: {  	v10 =	vperm.xlane v10, v1  }
0x7cf: {  	v9 =	vshll.u32 v9, $0x4  }
0x7d0: {  	v10 =	vshll.u32 v10, $0x4;
	v12 =	vld.idx.msk [tilespmem:v4+s18+$0x0], $0xffff  }
0x7d1: {  	[tilespmem:s7+$0xD80] =	vst v7  }
0x7d2: {  	v10 =	vor.u32 v0, v10;
	v7 =	vld.idx.msk [tilespmem:v8+s25+$0x0], $0xffff  }
0x7d3: {  	v9 =	vor.u32 v0, v9;
	[tilespmem:s1+$0xD80] =	vst v6;
	v6 =	vld.idx.msk [tilespmem:v5+s18+$0x0], $0xffff  }
0x7d4: {  	v13 =	vld.idx.msk [tilespmem:v11+s25+$0x0], $0xffff;
	_ =	sdelay $0x1  }
0x7d5: {  	[tilespmem:s11+$0xCF0] =	vst v12  }
0x7d6: {  	v12 =	vld.idx.msk [tilespmem:v10+s23+$0x0], $0xffff  }
0x7d7: {  	[tilespmem:s7+$0x4D80] =	vst v7  }
0x7d8: {  	v3 =	vld.idx.msk [tilespmem:v3+s22+$0x0], $0xffff;
	[tilespmem:s10+$0xCF0] =	vst v6  }
0x7d9: {  	[tilespmem:s1+$0x4D80] =	vst v13;
	v6 =	vld.idx.msk [tilespmem:v9+s23+$0x0], $0xffff  }
0x7da: {  	v2 =	vld.idx.msk [tilespmem:v2+s22+$0x0], $0xffff;
	_ =	sdelay $0x1  }
0x7db: {  	[tilespmem:s11+$0x4CF0] =	vst v12  }
0x7dc: {  	v7 =	vld.idx.msk [tilespmem:v4+s20+$0x0], $0xffff  }
0x7dd: {  	[tilespmem:s7+$0xE00] =	vst v3  }
0x7de: {  	v3 =	vld.idx.msk [tilespmem:v8+s26+$0x0], $0xffff;
	[tilespmem:s10+$0x4CF0] =	vst v6  }
0x7df: {  	[tilespmem:s1+$0xE00] =	vst v2;
	v2 =	vld.idx.msk [tilespmem:v5+s20+$0x0], $0xffff  }
0x7e0: {  	v6 =	vld.idx.msk [tilespmem:v11+s26+$0x0], $0xffff;
	_ =	sdelay $0x1  }
0x7e1: {  	[tilespmem:s11+$0xD70] =	vst v7  }
0x7e2: {  	v7 =	vld.idx.msk [tilespmem:v10+s24+$0x0], $0xffff  }
0x7e3: {  	[tilespmem:s7+$0x4E00] =	vst v3  }
0x7e4: {  	v3 =	vld [tilespmem:s29+$0x10];
	[tilespmem:s10+$0xD70] =	vst v2  }
0x7e5: {  	[tilespmem:s1+$0x4E00] =	vst v6;
	v2 =	vld.idx.msk [tilespmem:v9+s24+$0x0], $0xffff  }
0x7e6: {  	v6 =	vld [tilespmem:s30+$0x10];
	_ =	sdelay $0x1  }
0x7e7: {  	v8 =	vld [tilespmem:s29+$0xA8];
	[tilespmem:s11+$0x4D70] =	vst v7  }
0x7e8: {  	v3 =	vshll.u32 v3, $0x4;
	v7 =	vld.idx.msk [tilespmem:v4+s21+$0x0], $0xffff  }
0x7e9: {  	v3 =	vor.u32 v0, v3  }
0x7ea: {  	v11 =	vld [tilespmem:s30+$0xA8];
	v6 =	vshll.u32 v6, $0x4;
	[tilespmem:s10+$0x4D70] =	vst v2  }
0x7eb: {  	v2 =	vor.u32 v0, v6;
	v6 =	vld.idx.msk [tilespmem:v5+s21+$0x0], $0xffff  }
0x7ec: {  	v8 =	vperm.xlane v8, v1;
	_ =	sdelay $0x1  }
0x7ed: {  	v8 =	vshll.u32 v8, $0x4;
	v12 =	vld.idx.msk [tilespmem:v3+s18+$0x0], $0xffff;
	[tilespmem:s11+$0xDF0] =	vst v7  }
0x7ee: {  	v7 =	vperm.xlane v11, v1;
	v11 =	vld.idx.msk [tilespmem:v10+s25+$0x0], $0xffff  }
0x7ef: {  	v8 =	vor.u32 v0, v8;
	v13 =	vld.idx.msk [tilespmem:v2+s18+$0x0], $0xffff  }
0x7f0: {  	v7 =	vshll.u32 v7, $0x4;
	[tilespmem:s10+$0xDF0] =	vst v6  }
0x7f1: {  	v6 =	vor.u32 v0, v7;
	v7 =	vld.idx.msk [tilespmem:v9+s25+$0x0], $0xffff;
	_ =	sdelay $0x1  }
0x7f2: {  	[tilespmem:s7+$0xC90] =	vst v12  }
0x7f3: {  	v12 =	vld.idx.msk [tilespmem:v8+s23+$0x0], $0xffff;
	[tilespmem:s11+$0x4DF0] =	vst v11  }
0x7f4: {  	[tilespmem:s1+$0xC90] =	vst v13;
	v4 =	vld.idx.msk [tilespmem:v4+s22+$0x0], $0xffff  }
0x7f5: {  	v11 =	vld.idx.msk [tilespmem:v6+s23+$0x0], $0xffff  }
0x7f6: {  	[tilespmem:s10+$0x4DF0] =	vst v7  }
0x7f7: {  	v5 =	vld.idx.msk [tilespmem:v5+s22+$0x0], $0xffff;
	_ =	sdelay $0x1  }
0x7f8: {  	[tilespmem:s7+$0x4C90] =	vst v12  }
0x7f9: {  	v7 =	vld.idx.msk [tilespmem:v3+s20+$0x0], $0xffff;
	[tilespmem:s11+$0xE70] =	vst v4  }
0x7fa: {  	[tilespmem:s1+$0x4C90] =	vst v11;
	v4 =	vld.idx.msk [tilespmem:v10+s26+$0x0], $0xffff  }
0x7fb: {  	v10 =	vld.idx.msk [tilespmem:v2+s20+$0x0], $0xffff  }
0x7fc: {  	[tilespmem:s10+$0xE70] =	vst v5  }
0x7fd: {  	v5 =	vld.idx.msk [tilespmem:v9+s26+$0x0], $0xffff;
	_ =	sdelay $0x1  }
0x7fe: {  	[tilespmem:s7+$0xD10] =	vst v7  }
0x7ff: {  	s5 =	sand.u32 $0xFF0, s12;
	v7 =	vld.idx.msk [tilespmem:v8+s24+$0x0], $0xffff;
	[tilespmem:s11+$0x4E70] =	vst v4  }
0x800: {  	[tilespmem:s1+$0xD10] =	vst v10;
	v4 =	vld [tilespmem:s5+$0x80];
	s5 =	sand.u32 $0xFF8, s17  }
0x801: {  	v9 =	vld.idx.msk [tilespmem:v6+s24+$0x0], $0xffff  }
0x802: {  	v10 =	vld [tilespmem:s12+$0x38];
	[tilespmem:s10+$0x4E70] =	vst v5  }
0x803: {  	v5 =	vld [tilespmem:s5+$0x80]  }
0x804: {  	v11 =	vld [tilespmem:s17+$0x38]  }
0x805: {  	[tilespmem:s7+$0x4D10] =	vst v7;
	v4 =	vshll.u32 v4, $0x4  }
0x806: {  	v7 =	vld.idx.msk [tilespmem:v3+s21+$0x0], $0xffff;
	v4 =	vor.u32 v0, v4  }
0x807: {  	[tilespmem:s1+$0x4D10] =	vst v9;
	v9 =	vperm.xlane v10, v1  }
0x808: {  	v10 =	vld.idx.msk [tilespmem:v2+s21+$0x0], $0xffff;
	v5 =	vshll.u32 v5, $0x4  }
0x809: {  	v9 =	vshll.u32 v9, $0x4;
	v11 =	vperm.xlane v11, v1;
	v5 =	vor.u32 v0, v5;
	_ =	sdelay $0x1  }
0x80a: {  	v12 =	vld.idx.msk [tilespmem:v4+s18+$0x0], $0xffff;
	v11 =	vshll.u32 v11, $0x4  }
0x80b: {  	[tilespmem:s7+$0xD90] =	vst v7  }
0x80c: {  	v9 =	vor.u32 v0, v9;
	v7 =	vld.idx.msk [tilespmem:v8+s25+$0x0], $0xffff  }
0x80d: {  	v11 =	vor.u32 v0, v11;
	[tilespmem:s1+$0xD90] =	vst v10;
	v10 =	vld.idx.msk [tilespmem:v5+s18+$0x0], $0xffff  }
0x80e: {  	v13 =	vld.idx.msk [tilespmem:v6+s25+$0x0], $0xffff;
	_ =	sdelay $0x1  }
0x80f: {  	[tilespmem:s11+$0xE80] =	vst v12  }
0x810: {  	v12 =	vld.idx.msk [tilespmem:v9+s23+$0x0], $0xffff  }
0x811: {  	[tilespmem:s7+$0x4D90] =	vst v7  }
0x812: {  	v3 =	vld.idx.msk [tilespmem:v3+s22+$0x0], $0xffff;
	[tilespmem:s10+$0xE80] =	vst v10  }
0x813: {  	[tilespmem:s1+$0x4D90] =	vst v13;
	v7 =	vld.idx.msk [tilespmem:v11+s23+$0x0], $0xffff  }
0x814: {  	v2 =	vld.idx.msk [tilespmem:v2+s22+$0x0], $0xffff;
	_ =	sdelay $0x1  }
0x815: {  	[tilespmem:s11+$0x4E80] =	vst v12  }
0x816: {  	v10 =	vld.idx.msk [tilespmem:v4+s20+$0x0], $0xffff  }
0x817: {  	[tilespmem:s7+$0xE10] =	vst v3  }
0x818: {  	v3 =	vld.idx.msk [tilespmem:v8+s26+$0x0], $0xffff;
	[tilespmem:s10+$0x4E80] =	vst v7  }
0x819: {  	[tilespmem:s1+$0xE10] =	vst v2;
	v2 =	vld.idx.msk [tilespmem:v5+s20+$0x0], $0xffff  }
0x81a: {  	v6 =	vld.idx.msk [tilespmem:v6+s26+$0x0], $0xffff;
	_ =	sdelay $0x1  }
0x81b: {  	[tilespmem:s11+$0xF00] =	vst v10  }
0x81c: {  	v7 =	vld.idx.msk [tilespmem:v9+s24+$0x0], $0xffff  }
0x81d: {  	[tilespmem:s7+$0x4E10] =	vst v3  }
0x81e: {  	v3 =	vld [tilespmem:s29+$0x20];
	[tilespmem:s10+$0xF00] =	vst v2  }
0x81f: {  	[tilespmem:s1+$0x4E10] =	vst v6;
	v2 =	vld.idx.msk [tilespmem:v11+s24+$0x0], $0xffff  }
0x820: {  	v6 =	vld [tilespmem:s30+$0x20];
	_ =	sdelay $0x1  }
0x821: {  	v8 =	vld [tilespmem:s29+$0x98];
	[tilespmem:s11+$0x4F00] =	vst v7  }
0x822: {  	v3 =	vshll.u32 v3, $0x4;
	v7 =	vld.idx.msk [tilespmem:v4+s21+$0x0], $0xffff  }
0x823: {  	v3 =	vor.u32 v0, v3  }
0x824: {  	v10 =	vld [tilespmem:s30+$0x98];
	v6 =	vshll.u32 v6, $0x4;
	[tilespmem:s10+$0x4F00] =	vst v2  }
0x825: {  	v2 =	vor.u32 v0, v6;
	v6 =	vld.idx.msk [tilespmem:v5+s21+$0x0], $0xffff  }
0x826: {  	v8 =	vperm.xlane v8, v1;
	_ =	sdelay $0x1  }
0x827: {  	v8 =	vshll.u32 v8, $0x4;
	v12 =	vld.idx.msk [tilespmem:v3+s18+$0x0], $0xffff;
	[tilespmem:s11+$0xF80] =	vst v7  }
0x828: {  	v7 =	vperm.xlane v10, v1;
	v10 =	vld.idx.msk [tilespmem:v9+s25+$0x0], $0xffff  }
0x829: {  	v8 =	vor.u32 v0, v8;
	v13 =	vld.idx.msk [tilespmem:v2+s18+$0x0], $0xffff  }
0x82a: {  	v7 =	vshll.u32 v7, $0x4;
	[tilespmem:s10+$0xF80] =	vst v6  }
0x82b: {  	v6 =	vor.u32 v0, v7;
	v7 =	vld.idx.msk [tilespmem:v11+s25+$0x0], $0xffff;
	_ =	sdelay $0x1  }
0x82c: {  	[tilespmem:s7+$0xCA0] =	vst v12  }
0x82d: {  	v12 =	vld.idx.msk [tilespmem:v8+s23+$0x0], $0xffff;
	[tilespmem:s11+$0x4F80] =	vst v10  }
0x82e: {  	[tilespmem:s1+$0xCA0] =	vst v13;
	v4 =	vld.idx.msk [tilespmem:v4+s22+$0x0], $0xffff  }
0x82f: {  	v10 =	vld.idx.msk [tilespmem:v6+s23+$0x0], $0xffff  }
0x830: {  	[tilespmem:s10+$0x4F80] =	vst v7  }
0x831: {  	v5 =	vld.idx.msk [tilespmem:v5+s22+$0x0], $0xffff;
	_ =	sdelay $0x1  }
0x832: {  	[tilespmem:s7+$0x4CA0] =	vst v12  }
0x833: {  	v7 =	vld.idx.msk [tilespmem:v3+s20+$0x0], $0xffff;
	[tilespmem:s11+$0x1000] =	vst v4  }
0x834: {  	[tilespmem:s1+$0x4CA0] =	vst v10;
	v4 =	vld.idx.msk [tilespmem:v9+s26+$0x0], $0xffff  }
0x835: {  	v9 =	vld.idx.msk [tilespmem:v2+s20+$0x0], $0xffff  }
0x836: {  	[tilespmem:s10+$0x1000] =	vst v5  }
0x837: {  	v5 =	vld.idx.msk [tilespmem:v11+s26+$0x0], $0xffff;
	_ =	sdelay $0x1  }
0x838: {  	[tilespmem:s7+$0xD20] =	vst v7  }
0x839: {  	v7 =	vld.idx.msk [tilespmem:v8+s24+$0x0], $0xffff;
	[tilespmem:s11+$0x5000] =	vst v4  }
0x83a: {  	[tilespmem:s1+$0xD20] =	vst v9;
	v4 =	vld [tilespmem:s12+$0x90]  }
0x83b: {  	v9 =	vld.idx.msk [tilespmem:v6+s24+$0x0], $0xffff  }
0x83c: {  	v10 =	vld [tilespmem:s12+$0x28];
	[tilespmem:s10+$0x5000] =	vst v5  }
0x83d: {  	v5 =	vld [tilespmem:s17+$0x90]  }
0x83e: {  	v11 =	vld [tilespmem:s17+$0x28]  }
0x83f: {  	[tilespmem:s7+$0x4D20] =	vst v7;
	v4 =	vshll.u32 v4, $0x4  }
0x840: {  	v7 =	vld.idx.msk [tilespmem:v3+s21+$0x0], $0xffff;
	v4 =	vor.u32 v0, v4  }
0x841: {  	[tilespmem:s1+$0x4D20] =	vst v9;
	v9 =	vperm.xlane v10, v1  }
0x842: {  	v10 =	vld.idx.msk [tilespmem:v2+s21+$0x0], $0xffff;
	v5 =	vshll.u32 v5, $0x4  }
0x843: {  	v9 =	vshll.u32 v9, $0x4;
	v11 =	vperm.xlane v11, v1;
	v5 =	vor.u32 v0, v5;
	_ =	sdelay $0x1  }
0x844: {  	v12 =	vld.idx.msk [tilespmem:v4+s18+$0x0], $0xffff;
	v11 =	vshll.u32 v11, $0x4  }
0x845: {  	[tilespmem:s7+$0xDA0] =	vst v7  }
0x846: {  	v9 =	vor.u32 v0, v9;
	v7 =	vld.idx.msk [tilespmem:v8+s25+$0x0], $0xffff  }
0x847: {  	v11 =	vor.u32 v0, v11;
	[tilespmem:s1+$0xDA0] =	vst v10;
	v10 =	vld.idx.msk [tilespmem:v5+s18+$0x0], $0xffff  }
0x848: {  	v13 =	vld.idx.msk [tilespmem:v6+s25+$0x0], $0xffff;
	_ =	sdelay $0x1  }
0x849: {  	[tilespmem:s11+$0xE90] =	vst v12  }
0x84a: {  	v12 =	vld.idx.msk [tilespmem:v9+s23+$0x0], $0xffff  }
0x84b: {  	[tilespmem:s7+$0x4DA0] =	vst v7  }
0x84c: {  	v3 =	vld.idx.msk [tilespmem:v3+s22+$0x0], $0xffff;
	[tilespmem:s10+$0xE90] =	vst v10  }
0x84d: {  	[tilespmem:s1+$0x4DA0] =	vst v13;
	v7 =	vld.idx.msk [tilespmem:v11+s23+$0x0], $0xffff  }
0x84e: {  	v2 =	vld.idx.msk [tilespmem:v2+s22+$0x0], $0xffff;
	_ =	sdelay $0x1  }
0x84f: {  	[tilespmem:s11+$0x4E90] =	vst v12  }
0x850: {  	v10 =	vld.idx.msk [tilespmem:v4+s20+$0x0], $0xffff  }
0x851: {  	[tilespmem:s7+$0xE20] =	vst v3  }
0x852: {  	v3 =	vld.idx.msk [tilespmem:v8+s26+$0x0], $0xffff;
	[tilespmem:s10+$0x4E90] =	vst v7  }
0x853: {  	[tilespmem:s1+$0xE20] =	vst v2;
	v2 =	vld.idx.msk [tilespmem:v5+s20+$0x0], $0xffff  }
0x854: {  	v6 =	vld.idx.msk [tilespmem:v6+s26+$0x0], $0xffff;
	_ =	sdelay $0x1  }
0x855: {  	[tilespmem:s11+$0xF10] =	vst v10  }
0x856: {  	v7 =	vld.idx.msk [tilespmem:v9+s24+$0x0], $0xffff  }
0x857: {  	[tilespmem:s7+$0x4E20] =	vst v3  }
0x858: {  	v3 =	vld [tilespmem:s29+$0x30];
	[tilespmem:s10+$0xF10] =	vst v2  }
0x859: {  	[tilespmem:s1+$0x4E20] =	vst v6;
	v2 =	vld.idx.msk [tilespmem:v11+s24+$0x0], $0xffff  }
0x85a: {  	v6 =	vld [tilespmem:s30+$0x30];
	_ =	sdelay $0x1  }
0x85b: {  	v8 =	vld [tilespmem:s29+$0x88];
	[tilespmem:s11+$0x4F10] =	vst v7  }
0x85c: {  	v3 =	vshll.u32 v3, $0x4;
	v7 =	vld.idx.msk [tilespmem:v4+s21+$0x0], $0xffff  }
0x85d: {  	v3 =	vor.u32 v0, v3  }
0x85e: {  	v10 =	vld [tilespmem:s30+$0x88];
	v6 =	vshll.u32 v6, $0x4;
	[tilespmem:s10+$0x4F10] =	vst v2  }
0x85f: {  	v2 =	vor.u32 v0, v6;
	v6 =	vld.idx.msk [tilespmem:v5+s21+$0x0], $0xffff  }
0x860: {  	v8 =	vperm.xlane v8, v1;
	_ =	sdelay $0x1  }
0x861: {  	v8 =	vshll.u32 v8, $0x4;
	v12 =	vld.idx.msk [tilespmem:v3+s18+$0x0], $0xffff;
	[tilespmem:s11+$0xF90] =	vst v7  }
0x862: {  	v7 =	vperm.xlane v10, v1;
	v10 =	vld.idx.msk [tilespmem:v9+s25+$0x0], $0xffff  }
0x863: {  	v8 =	vor.u32 v0, v8;
	v13 =	vld.idx.msk [tilespmem:v2+s18+$0x0], $0xffff  }
0x864: {  	v7 =	vshll.u32 v7, $0x4;
	[tilespmem:s10+$0xF90] =	vst v6  }
0x865: {  	v6 =	vor.u32 v0, v7;
	v7 =	vld.idx.msk [tilespmem:v11+s25+$0x0], $0xffff;
	_ =	sdelay $0x1  }
0x866: {  	[tilespmem:s7+$0xCB0] =	vst v12  }
0x867: {  	v12 =	vld.idx.msk [tilespmem:v8+s23+$0x0], $0xffff;
	[tilespmem:s11+$0x4F90] =	vst v10  }
0x868: {  	[tilespmem:s1+$0xCB0] =	vst v13;
	v4 =	vld.idx.msk [tilespmem:v4+s22+$0x0], $0xffff  }
0x869: {  	v10 =	vld.idx.msk [tilespmem:v6+s23+$0x0], $0xffff  }
0x86a: {  	[tilespmem:s10+$0x4F90] =	vst v7  }
0x86b: {  	v5 =	vld.idx.msk [tilespmem:v5+s22+$0x0], $0xffff;
	_ =	sdelay $0x1  }
0x86c: {  	[tilespmem:s7+$0x4CB0] =	vst v12  }
0x86d: {  	v7 =	vld.idx.msk [tilespmem:v3+s20+$0x0], $0xffff;
	[tilespmem:s11+$0x1010] =	vst v4  }
0x86e: {  	[tilespmem:s1+$0x4CB0] =	vst v10;
	v4 =	vld.idx.msk [tilespmem:v9+s26+$0x0], $0xffff  }
0x86f: {  	v9 =	vld.idx.msk [tilespmem:v2+s20+$0x0], $0xffff  }
0x870: {  	[tilespmem:s10+$0x1010] =	vst v5  }
0x871: {  	v5 =	vld.idx.msk [tilespmem:v11+s26+$0x0], $0xffff;
	_ =	sdelay $0x1  }
0x872: {  	[tilespmem:s7+$0xD30] =	vst v7  }
0x873: {  	v7 =	vld.idx.msk [tilespmem:v8+s24+$0x0], $0xffff;
	[tilespmem:s11+$0x5010] =	vst v4  }
0x874: {  	[tilespmem:s1+$0xD30] =	vst v9;
	v4 =	vld [tilespmem:s12+$0xA0]  }
0x875: {  	v9 =	vld.idx.msk [tilespmem:v6+s24+$0x0], $0xffff  }
0x876: {  	v10 =	vld [tilespmem:s12+$0x18];
	[tilespmem:s10+$0x5010] =	vst v5  }
0x877: {  	v5 =	vld [tilespmem:s17+$0xA0]  }
0x878: {  	v11 =	vld [tilespmem:s17+$0x18]  }
0x879: {  	[tilespmem:s7+$0x4D30] =	vst v7;
	v4 =	vshll.u32 v4, $0x4  }
0x87a: {  	v7 =	vld.idx.msk [tilespmem:v3+s21+$0x0], $0xffff;
	v4 =	vor.u32 v0, v4  }
0x87b: {  	[tilespmem:s1+$0x4D30] =	vst v9;
	v9 =	vperm.xlane v10, v1  }
0x87c: {  	v10 =	vld.idx.msk [tilespmem:v2+s21+$0x0], $0xffff;
	v5 =	vshll.u32 v5, $0x4  }
0x87d: {  	v9 =	vshll.u32 v9, $0x4;
	v11 =	vperm.xlane v11, v1;
	v5 =	vor.u32 v0, v5;
	_ =	sdelay $0x1  }
0x87e: {  	v12 =	vld.idx.msk [tilespmem:v4+s18+$0x0], $0xffff;
	v11 =	vshll.u32 v11, $0x4  }
0x87f: {  	[tilespmem:s7+$0xDB0] =	vst v7  }
0x880: {  	v9 =	vor.u32 v0, v9;
	v7 =	vld.idx.msk [tilespmem:v8+s25+$0x0], $0xffff  }
0x881: {  	v11 =	vor.u32 v0, v11;
	[tilespmem:s1+$0xDB0] =	vst v10;
	v10 =	vld.idx.msk [tilespmem:v5+s18+$0x0], $0xffff  }
0x882: {  	v13 =	vld.idx.msk [tilespmem:v6+s25+$0x0], $0xffff;
	_ =	sdelay $0x1  }
0x883: {  	[tilespmem:s11+$0xEA0] =	vst v12  }
0x884: {  	v12 =	vld.idx.msk [tilespmem:v9+s23+$0x0], $0xffff  }
0x885: {  	[tilespmem:s7+$0x4DB0] =	vst v7  }
0x886: {  	v3 =	vld.idx.msk [tilespmem:v3+s22+$0x0], $0xffff;
	[tilespmem:s10+$0xEA0] =	vst v10  }
0x887: {  	[tilespmem:s1+$0x4DB0] =	vst v13;
	v7 =	vld.idx.msk [tilespmem:v11+s23+$0x0], $0xffff  }
0x888: {  	v2 =	vld.idx.msk [tilespmem:v2+s22+$0x0], $0xffff;
	_ =	sdelay $0x1  }
0x889: {  	[tilespmem:s11+$0x4EA0] =	vst v12  }
0x88a: {  	v10 =	vld.idx.msk [tilespmem:v4+s20+$0x0], $0xffff  }
0x88b: {  	[tilespmem:s7+$0xE30] =	vst v3  }
0x88c: {  	v3 =	vld.idx.msk [tilespmem:v8+s26+$0x0], $0xffff;
	[tilespmem:s10+$0x4EA0] =	vst v7  }
0x88d: {  	[tilespmem:s1+$0xE30] =	vst v2;
	v2 =	vld.idx.msk [tilespmem:v5+s20+$0x0], $0xffff  }
0x88e: {  	v6 =	vld.idx.msk [tilespmem:v6+s26+$0x0], $0xffff;
	_ =	sdelay $0x1  }
0x88f: {  	[tilespmem:s11+$0xF20] =	vst v10  }
0x890: {  	v7 =	vld.idx.msk [tilespmem:v9+s24+$0x0], $0xffff  }
0x891: {  	[tilespmem:s7+$0x4E30] =	vst v3  }
0x892: {  	v3 =	vld [tilespmem:s29+$0x40];
	[tilespmem:s10+$0xF20] =	vst v2  }
0x893: {  	[tilespmem:s1+$0x4E30] =	vst v6;
	v2 =	vld.idx.msk [tilespmem:v11+s24+$0x0], $0xffff  }
0x894: {  	v6 =	vld [tilespmem:s30+$0x40];
	_ =	sdelay $0x1  }
0x895: {  	v8 =	vld [tilespmem:s29+$0x78];
	[tilespmem:s11+$0x4F20] =	vst v7  }
0x896: {  	v3 =	vshll.u32 v3, $0x4;
	v7 =	vld.idx.msk [tilespmem:v4+s21+$0x0], $0xffff  }
0x897: {  	v3 =	vor.u32 v0, v3  }
0x898: {  	v10 =	vld [tilespmem:s30+$0x78];
	v6 =	vshll.u32 v6, $0x4;
	[tilespmem:s10+$0x4F20] =	vst v2  }
0x899: {  	v2 =	vor.u32 v0, v6;
	v6 =	vld.idx.msk [tilespmem:v5+s21+$0x0], $0xffff  }
0x89a: {  	v8 =	vperm.xlane v8, v1;
	_ =	sdelay $0x1  }
0x89b: {  	v8 =	vshll.u32 v8, $0x4;
	v12 =	vld.idx.msk [tilespmem:v3+s18+$0x0], $0xffff;
	[tilespmem:s11+$0xFA0] =	vst v7  }
0x89c: {  	v7 =	vperm.xlane v10, v1;
	v10 =	vld.idx.msk [tilespmem:v9+s25+$0x0], $0xffff  }
0x89d: {  	v8 =	vor.u32 v0, v8;
	v13 =	vld.idx.msk [tilespmem:v2+s18+$0x0], $0xffff  }
0x89e: {  	v7 =	vshll.u32 v7, $0x4;
	[tilespmem:s10+$0xFA0] =	vst v6  }
0x89f: {  	v6 =	vor.u32 v0, v7;
	v7 =	vld.idx.msk [tilespmem:v11+s25+$0x0], $0xffff;
	_ =	sdelay $0x1  }
0x8a0: {  	[tilespmem:s7+$0xCC0] =	vst v12  }
0x8a1: {  	v12 =	vld.idx.msk [tilespmem:v8+s23+$0x0], $0xffff;
	[tilespmem:s11+$0x4FA0] =	vst v10  }
0x8a2: {  	[tilespmem:s1+$0xCC0] =	vst v13;
	v4 =	vld.idx.msk [tilespmem:v4+s22+$0x0], $0xffff  }
0x8a3: {  	v10 =	vld.idx.msk [tilespmem:v6+s23+$0x0], $0xffff  }
0x8a4: {  	[tilespmem:s10+$0x4FA0] =	vst v7  }
0x8a5: {  	v5 =	vld.idx.msk [tilespmem:v5+s22+$0x0], $0xffff;
	_ =	sdelay $0x1  }
0x8a6: {  	[tilespmem:s7+$0x4CC0] =	vst v12  }
0x8a7: {  	v7 =	vld.idx.msk [tilespmem:v3+s20+$0x0], $0xffff;
	[tilespmem:s11+$0x1020] =	vst v4  }
0x8a8: {  	[tilespmem:s1+$0x4CC0] =	vst v10;
	v4 =	vld.idx.msk [tilespmem:v9+s26+$0x0], $0xffff  }
0x8a9: {  	v9 =	vld.idx.msk [tilespmem:v2+s20+$0x0], $0xffff  }
0x8aa: {  	[tilespmem:s10+$0x1020] =	vst v5  }
0x8ab: {  	v5 =	vld.idx.msk [tilespmem:v11+s26+$0x0], $0xffff;
	_ =	sdelay $0x1  }
0x8ac: {  	[tilespmem:s7+$0xD40] =	vst v7  }
0x8ad: {  	v7 =	vld.idx.msk [tilespmem:v8+s24+$0x0], $0xffff;
	[tilespmem:s11+$0x5020] =	vst v4  }
0x8ae: {  	[tilespmem:s1+$0xD40] =	vst v9;
	v4 =	vld [tilespmem:s12+$0xB0]  }
0x8af: {  	v9 =	vld.idx.msk [tilespmem:v6+s24+$0x0], $0xffff  }
0x8b0: {  	v10 =	vld [tilespmem:s12+$0x8];
	[tilespmem:s10+$0x5020] =	vst v5  }
0x8b1: {  	v5 =	vld [tilespmem:s17+$0xB0]  }
0x8b2: {  	v11 =	vld [tilespmem:s17+$0x8]  }
0x8b3: {  	[tilespmem:s7+$0x4D40] =	vst v7;
	v4 =	vshll.u32 v4, $0x4  }
0x8b4: {  	v7 =	vld.idx.msk [tilespmem:v3+s21+$0x0], $0xffff;
	v4 =	vor.u32 v0, v4  }
0x8b5: {  	[tilespmem:s1+$0x4D40] =	vst v9;
	v9 =	vperm.xlane v10, v1  }
0x8b6: {  	v10 =	vld.idx.msk [tilespmem:v2+s21+$0x0], $0xffff;
	v5 =	vshll.u32 v5, $0x4  }
0x8b7: {  	v9 =	vshll.u32 v9, $0x4;
	v11 =	vperm.xlane v11, v1;
	v5 =	vor.u32 v0, v5;
	_ =	sdelay $0x1  }
0x8b8: {  	v12 =	vld.idx.msk [tilespmem:v4+s18+$0x0], $0xffff;
	v11 =	vshll.u32 v11, $0x4  }
0x8b9: {  	[tilespmem:s7+$0xDC0] =	vst v7  }
0x8ba: {  	v9 =	vor.u32 v0, v9;
	v7 =	vld.idx.msk [tilespmem:v8+s25+$0x0], $0xffff  }
0x8bb: {  	v11 =	vor.u32 v0, v11;
	[tilespmem:s1+$0xDC0] =	vst v10;
	v10 =	vld.idx.msk [tilespmem:v5+s18+$0x0], $0xffff  }
0x8bc: {  	v13 =	vld.idx.msk [tilespmem:v6+s25+$0x0], $0xffff;
	_ =	sdelay $0x1  }
0x8bd: {  	[tilespmem:s11+$0xEB0] =	vst v12  }
0x8be: {  	v12 =	vld.idx.msk [tilespmem:v9+s23+$0x0], $0xffff  }
0x8bf: {  	[tilespmem:s7+$0x4DC0] =	vst v7  }
0x8c0: {  	v3 =	vld.idx.msk [tilespmem:v3+s22+$0x0], $0xffff;
	[tilespmem:s10+$0xEB0] =	vst v10  }
0x8c1: {  	[tilespmem:s1+$0x4DC0] =	vst v13;
	v7 =	vld.idx.msk [tilespmem:v11+s23+$0x0], $0xffff  }
0x8c2: {  	v2 =	vld.idx.msk [tilespmem:v2+s22+$0x0], $0xffff;
	_ =	sdelay $0x1  }
0x8c3: {  	[tilespmem:s11+$0x4EB0] =	vst v12  }
0x8c4: {  	v10 =	vld.idx.msk [tilespmem:v4+s20+$0x0], $0xffff  }
0x8c5: {  	[tilespmem:s7+$0xE40] =	vst v3  }
0x8c6: {  	v3 =	vld.idx.msk [tilespmem:v8+s26+$0x0], $0xffff;
	[tilespmem:s10+$0x4EB0] =	vst v7  }
0x8c7: {  	[tilespmem:s1+$0xE40] =	vst v2;
	v2 =	vld.idx.msk [tilespmem:v5+s20+$0x0], $0xffff  }
0x8c8: {  	v6 =	vld.idx.msk [tilespmem:v6+s26+$0x0], $0xffff;
	_ =	sdelay $0x1  }
0x8c9: {  	[tilespmem:s11+$0xF30] =	vst v10  }
0x8ca: {  	v7 =	vld.idx.msk [tilespmem:v9+s24+$0x0], $0xffff  }
0x8cb: {  	[tilespmem:s7+$0x4E40] =	vst v3  }
0x8cc: {  	v3 =	vld [tilespmem:s29+$0x50];
	[tilespmem:s10+$0xF30] =	vst v2  }
0x8cd: {  	[tilespmem:s1+$0x4E40] =	vst v6;
	v2 =	vld.idx.msk [tilespmem:v11+s24+$0x0], $0xffff  }
0x8ce: {  	v6 =	vld [tilespmem:s30+$0x50];
	_ =	sdelay $0x1  }
0x8cf: {  	v8 =	vld [tilespmem:s29+$0x68];
	[tilespmem:s11+$0x4F30] =	vst v7  }
0x8d0: {  	v3 =	vshll.u32 v3, $0x4;
	v7 =	vld.idx.msk [tilespmem:v4+s21+$0x0], $0xffff  }
0x8d1: {  	v3 =	vor.u32 v0, v3  }
0x8d2: {  	v10 =	vld [tilespmem:s30+$0x68];
	v6 =	vshll.u32 v6, $0x4;
	[tilespmem:s10+$0x4F30] =	vst v2  }
0x8d3: {  	v2 =	vor.u32 v0, v6;
	v6 =	vld.idx.msk [tilespmem:v5+s21+$0x0], $0xffff  }
0x8d4: {  	v8 =	vperm.xlane v8, v1;
	_ =	sdelay $0x1  }
0x8d5: {  	v8 =	vshll.u32 v8, $0x4;
	v12 =	vld.idx.msk [tilespmem:v3+s18+$0x0], $0xffff;
	[tilespmem:s11+$0xFB0] =	vst v7  }
0x8d6: {  	v7 =	vperm.xlane v10, v1;
	v10 =	vld.idx.msk [tilespmem:v9+s25+$0x0], $0xffff  }
0x8d7: {  	v8 =	vor.u32 v0, v8;
	v13 =	vld.idx.msk [tilespmem:v2+s18+$0x0], $0xffff  }
0x8d8: {  	v7 =	vshll.u32 v7, $0x4;
	[tilespmem:s10+$0xFB0] =	vst v6  }
0x8d9: {  	v6 =	vor.u32 v0, v7;
	v7 =	vld.idx.msk [tilespmem:v11+s25+$0x0], $0xffff;
	_ =	sdelay $0x1  }
0x8da: {  	[tilespmem:s7+$0xCD0] =	vst v12  }
0x8db: {  	v12 =	vld.idx.msk [tilespmem:v8+s23+$0x0], $0xffff;
	[tilespmem:s11+$0x4FB0] =	vst v10  }
0x8dc: {  	[tilespmem:s1+$0xCD0] =	vst v13;
	v4 =	vld.idx.msk [tilespmem:v4+s22+$0x0], $0xffff  }
0x8dd: {  	v10 =	vld.idx.msk [tilespmem:v6+s23+$0x0], $0xffff  }
0x8de: {  	[tilespmem:s10+$0x4FB0] =	vst v7  }
0x8df: {  	v5 =	vld.idx.msk [tilespmem:v5+s22+$0x0], $0xffff;
	_ =	sdelay $0x1  }
0x8e0: {  	[tilespmem:s7+$0x4CD0] =	vst v12  }
0x8e1: {  	v7 =	vld.idx.msk [tilespmem:v3+s20+$0x0], $0xffff;
	[tilespmem:s11+$0x1030] =	vst v4  }
0x8e2: {  	[tilespmem:s1+$0x4CD0] =	vst v10;
	v4 =	vld.idx.msk [tilespmem:v9+s26+$0x0], $0xffff  }
0x8e3: {  	v9 =	vld.idx.msk [tilespmem:v2+s20+$0x0], $0xffff  }
0x8e4: {  	[tilespmem:s10+$0x1030] =	vst v5  }
0x8e5: {  	v5 =	vld.idx.msk [tilespmem:v11+s26+$0x0], $0xffff;
	_ =	sdelay $0x1  }
0x8e6: {  	[tilespmem:s7+$0xD50] =	vst v7  }
0x8e7: {  	v7 =	vld.idx.msk [tilespmem:v8+s24+$0x0], $0xffff;
	[tilespmem:s11+$0x5030] =	vst v4  }
0x8e8: {  	[tilespmem:s1+$0xD50] =	vst v9;
	v4 =	vld [tilespmem:s12+$0xB8]  }
0x8e9: {  	v9 =	vld.idx.msk [tilespmem:v6+s24+$0x0], $0xffff  }
0x8ea: {  	v10 =	vld [tilespmem:s12+$0x0];
	[tilespmem:s10+$0x5030] =	vst v5;
	s12 =	smov.u32 s29  }
0x8eb: {  	v5 =	vld [tilespmem:s17+$0xB8]  }
0x8ec: {  	v11 =	vld [tilespmem:s17+$0x0];
	s17 =	smov.u32 s30  }
0x8ed: {  	[tilespmem:s7+$0x4D50] =	vst v7;
	v4 =	vshll.u32 v4, $0x4  }
0x8ee: {  	v7 =	vld.idx.msk [tilespmem:v3+s21+$0x0], $0xffff;
	v12 =	vor.u32 v0, v4  }
0x8ef: {  	[tilespmem:s1+$0x4D50] =	vst v9;
	v4 =	vperm.xlane v10, v1  }
0x8f0: {  	v9 =	vld.idx.msk [tilespmem:v2+s21+$0x0], $0xffff;
	v5 =	vshll.u32 v5, $0x4  }
0x8f1: {  	v4 =	vshll.u32 v4, $0x4;
	v10 =	vperm.xlane v11, v1;
	v11 =	vor.u32 v0, v5;
	_ =	sdelay $0x1  }
0x8f2: {  	v5 =	vld.idx.msk [tilespmem:v12+s18+$0x0], $0xffff;
	v10 =	vshll.u32 v10, $0x4  }
0x8f3: {  	[tilespmem:s7+$0xDD0] =	vst v7  }
0x8f4: {  	v13 =	vor.u32 v0, v4;
	v7 =	vld.idx.msk [tilespmem:v8+s25+$0x0], $0xffff  }
0x8f5: {  	[tilespmem:s1+$0xDD0] =	vst v9;
	v4 =	vld.idx.msk [tilespmem:v11+s18+$0x0], $0xffff;
	v9 =	vor.u32 v0, v10  }
0x8f6: {  	v10 =	vld.idx.msk [tilespmem:v6+s25+$0x0], $0xffff;
	_ =	sdelay $0x1  }
0x8f7: {  	[tilespmem:s11+$0xEB8] =	vst v5  }
0x8f8: {  	v5 =	vld.idx.msk [tilespmem:v13+s23+$0x0], $0xffff  }
0x8f9: {  	[tilespmem:s7+$0x4DD0] =	vst v7  }
0x8fa: {  	v3 =	vld.idx.msk [tilespmem:v3+s22+$0x0], $0xffff;
	[tilespmem:s10+$0xEB8] =	vst v4  }
0x8fb: {  	[tilespmem:s1+$0x4DD0] =	vst v10;
	v4 =	vld.idx.msk [tilespmem:v9+s23+$0x0], $0xffff  }
0x8fc: {  	v2 =	vld.idx.msk [tilespmem:v2+s22+$0x0], $0xffff;
	_ =	sdelay $0x1  }
0x8fd: {  	[tilespmem:s11+$0x4EB8] =	vst v5  }
0x8fe: {  	v5 =	vld.idx.msk [tilespmem:v12+s20+$0x0], $0xffff  }
0x8ff: {  	[tilespmem:s7+$0xE50] =	vst v3  }
0x900: {  	v3 =	vld.idx.msk [tilespmem:v8+s26+$0x0], $0xffff;
	[tilespmem:s10+$0x4EB8] =	vst v4  }
0x901: {  	[tilespmem:s1+$0xE50] =	vst v2;
	v2 =	vld.idx.msk [tilespmem:v11+s20+$0x0], $0xffff  }
0x902: {  	v4 =	vld.idx.msk [tilespmem:v6+s26+$0x0], $0xffff;
	_ =	sdelay $0x1  }
0x903: {  	[tilespmem:s11+$0xF38] =	vst v5  }
0x904: {  	v5 =	vld.idx.msk [tilespmem:v13+s24+$0x0], $0xffff  }
0x905: {  	[tilespmem:s7+$0x4E50] =	vst v3  }
0x906: {  	v3 =	vld [tilespmem:s12+$0x60];
	[tilespmem:s10+$0xF38] =	vst v2  }
0x907: {  	[tilespmem:s1+$0x4E50] =	vst v4;
	v2 =	vld.idx.msk [tilespmem:v9+s24+$0x0], $0xffff  }
0x908: {  	v6 =	vld [tilespmem:s17+$0x60];
	_ =	sdelay $0x1  }
0x909: {  	v7 =	vld [tilespmem:s12+$0x58];
	[tilespmem:s11+$0x4F38] =	vst v5  }
0x90a: {  	v3 =	vshll.u32 v3, $0x4;
	v8 =	vld.idx.msk [tilespmem:v12+s21+$0x0], $0xffff  }
0x90b: {  	v4 =	vor.u32 v0, v3  }
0x90c: {  	v3 =	vld [tilespmem:s17+$0x58];
	v5 =	vshll.u32 v6, $0x4;
	[tilespmem:s10+$0x4F38] =	vst v2  }
0x90d: {  	v5 =	vor.u32 v0, v5;
	v2 =	vld.idx.msk [tilespmem:v11+s21+$0x0], $0xffff  }
0x90e: {  	v6 =	vperm.xlane v7, v1;
	_ =	sdelay $0x1  }
0x90f: {  	v6 =	vshll.u32 v6, $0x4;
	v10 =	vld.idx.msk [tilespmem:v4+s18+$0x0], $0xffff;
	[tilespmem:s11+$0xFB8] =	vst v8  }
0x910: {  	v3 =	vperm.xlane v3, v1;
	v8 =	vld.idx.msk [tilespmem:v13+s25+$0x0], $0xffff  }
0x911: {  	v6 =	vor.u32 v0, v6;
	v14 =	vld.idx.msk [tilespmem:v5+s18+$0x0], $0xffff  }
0x912: {  	v3 =	vshll.u32 v3, $0x4;
	[tilespmem:s10+$0xFB8] =	vst v2  }
0x913: {  	v7 =	vor.u32 v0, v3;
	v2 =	vld.idx.msk [tilespmem:v9+s25+$0x0], $0xffff;
	_ =	sdelay $0x1  }
0x914: {  	[tilespmem:s7+$0xCE0] =	vst v10  }
0x915: {  	v3 =	vld.idx.msk [tilespmem:v6+s23+$0x0], $0xffff;
	[tilespmem:s11+$0x4FB8] =	vst v8  }
0x916: {  	[tilespmem:s1+$0xCE0] =	vst v14;
	v8 =	vld.idx.msk [tilespmem:v12+s22+$0x0], $0xffff  }
0x917: {  	v10 =	vld.idx.msk [tilespmem:v7+s23+$0x0], $0xffff  }
0x918: {  	[tilespmem:s10+$0x4FB8] =	vst v2  }
0x919: {  	v2 =	vld.idx.msk [tilespmem:v11+s22+$0x0], $0xffff;
	_ =	sdelay $0x1  }
0x91a: {  	[tilespmem:s7+$0x4CE0] =	vst v3  }
0x91b: {  	v11 =	vld.idx.msk [tilespmem:v4+s20+$0x0], $0xffff;
	[tilespmem:s11+$0x1038] =	vst v8  }
0x91c: {  	[tilespmem:s1+$0x4CE0] =	vst v10;
	v3 =	vld.idx.msk [tilespmem:v13+s26+$0x0], $0xffff  }
.Ltmp1:
0x91d: {  	v8 =	vld.idx.msk [tilespmem:v5+s20+$0x0], $0xffff;
	(pc) =	sbr.rel @p0 .LBB2_5-.Ltmp1, $3  }
0x91e: {  	[tilespmem:s10+$0x1038] =	vst v2  }
0x91f: {  	v2 =	vld.idx.msk [tilespmem:v9+s26+$0x0], $0xffff;
	_ =	sdelay $0x1  }
0x920: {  	[tilespmem:s7+$0xD60] =	vst v11  }
0x921: {  	_ =	sdelay $0x3  }
0x922: {  	v9 =	vld.idx.msk [tilespmem:v6+s24+$0x0], $0xffff;
	[tilespmem:s1+$0xD60] =	vst v8  }
0x923: {  	v8 =	vld.idx.msk [tilespmem:v7+s24+$0x0], $0xffff;
	_ =	sdelay $0x3  }
0x924: {  	[tilespmem:s7+$0x4D60] =	vst v9  }
0x925: {  	v9 =	vld.idx.msk [tilespmem:v4+s21+$0x0], $0xffff;
	[tilespmem:s1+$0x4D60] =	vst v8  }
0x926: {  	v8 =	vld.idx.msk [tilespmem:v5+s21+$0x0], $0xffff;
	_ =	sdelay $0x3  }
0x927: {  	[tilespmem:s7+$0xDE0] =	vst v9  }
0x928: {  	v9 =	vld.idx.msk [tilespmem:v6+s25+$0x0], $0xffff;
	[tilespmem:s1+$0xDE0] =	vst v8  }
0x929: {  	v8 =	vld.idx.msk [tilespmem:v7+s25+$0x0], $0xffff;
	_ =	sdelay $0x3  }
0x92a: {  	[tilespmem:s7+$0x4DE0] =	vst v9  }
0x92b: {  	v48 =	vld.idx.msk [tilespmem:v4+s22+$0x0], $0xffff;
	[tilespmem:s1+$0x4DE0] =	vst v8  }
0x92c: {  	v49 =	vld.idx.msk [tilespmem:v5+s22+$0x0], $0xffff;
	_ =	sdelay $0x3  }
0x92d: {  	[tilespmem:s7+$0xE60] =	vst v48  }
0x92e: {  	v4 =	vld.idx.msk [tilespmem:v6+s26+$0x0], $0xffff;
	[tilespmem:s1+$0xE60] =	vst v49  }
0x92f: {  	v5 =	vld.idx.msk [tilespmem:v7+s26+$0x0], $0xffff;
	_ =	sdelay $0x3  }
0x930: {  	[tilespmem:s7+$0x4E60] =	vst v4  }
0x931: {  	v4 =	vld [tilespmem:s12+$0x70];
	[tilespmem:s1+$0x4E60] =	vst v5  }
0x932: {  	v5 =	vld [tilespmem:s17+$0x70];
	_ =	sdelay $0x2  }
0x933: {  	v50 =	vld [tilespmem:s12+$0x48]  }
0x934: {  	v51 =	vld [tilespmem:s17+$0x48];
	v4 =	vshll.u32 v4, $0x4  }
0x935: {  	v4 =	vor.u32 v0, v4;
	v5 =	vshll.u32 v5, $0x4  }
0x936: {  	v5 =	vor.u32 v0, v5;
	_ =	sdelay $0x1  }
0x937: {  	v6 =	vperm.xlane v50, v1  }
0x938: {  	v7 =	vperm.xlane v51, v1  }
0x939: {  	v6 =	vshll.u32 v6, $0x4;
	v52 =	vld.idx.msk [tilespmem:v4+s18+$0x0], $0xffff  }
0x93a: {  	v7 =	vshll.u32 v7, $0x4;
	v6 =	vor.u32 v0, v6;
	v53 =	vld.idx.msk [tilespmem:v5+s18+$0x0], $0xffff  }
0x93b: {  	v7 =	vor.u32 v0, v7;
	_ =	sdelay $0x2  }
0x93c: {  	[tilespmem:s7+$0xCF0] =	vst v52  }
0x93d: {  	v8 =	vld.idx.msk [tilespmem:v6+s23+$0x0], $0xffff;
	[tilespmem:s1+$0xCF0] =	vst v53  }
0x93e: {  	v9 =	vld.idx.msk [tilespmem:v7+s23+$0x0], $0xffff;
	_ =	sdelay $0x3  }
0x93f: {  	[tilespmem:s7+$0x4CF0] =	vst v8  }
0x940: {  	v8 =	vld.idx.msk [tilespmem:v4+s20+$0x0], $0xffff;
	[tilespmem:s1+$0x4CF0] =	vst v9  }
0x941: {  	v9 =	vld.idx.msk [tilespmem:v5+s20+$0x0], $0xffff;
	_ =	sdelay $0x3  }
0x942: {  	[tilespmem:s7+$0xD70] =	vst v8  }
0x943: {  	v8 =	vld.idx.msk [tilespmem:v6+s24+$0x0], $0xffff;
	[tilespmem:s1+$0xD70] =	vst v9  }
0x944: {  	v9 =	vld.idx.msk [tilespmem:v7+s24+$0x0], $0xffff;
	_ =	sdelay $0x3  }
0x945: {  	[tilespmem:s7+$0x4D70] =	vst v8  }
0x946: {  	v8 =	vld.idx.msk [tilespmem:v4+s21+$0x0], $0xffff;
	[tilespmem:s1+$0x4D70] =	vst v9  }
0x947: {  	v9 =	vld.idx.msk [tilespmem:v5+s21+$0x0], $0xffff;
	_ =	sdelay $0x3  }
0x948: {  	[tilespmem:s7+$0xDF0] =	vst v8  }
0x949: {  	v8 =	vld.idx.msk [tilespmem:v6+s25+$0x0], $0xffff;
	[tilespmem:s1+$0xDF0] =	vst v9  }
0x94a: {  	v9 =	vld.idx.msk [tilespmem:v7+s25+$0x0], $0xffff;
	_ =	sdelay $0x3  }
0x94b: {  	[tilespmem:s7+$0x4DF0] =	vst v8  }
0x94c: {  	v4 =	vld.idx.msk [tilespmem:v4+s22+$0x0], $0xffff;
	[tilespmem:s1+$0x4DF0] =	vst v9  }
0x94d: {  	v5 =	vld.idx.msk [tilespmem:v5+s22+$0x0], $0xffff;
	_ =	sdelay $0x3  }
0x94e: {  	[tilespmem:s7+$0xE70] =	vst v4  }
0x94f: {  	v4 =	vld.idx.msk [tilespmem:v6+s26+$0x0], $0xffff;
	[tilespmem:s1+$0xE70] =	vst v5  }
0x950: {  	v5 =	vld.idx.msk [tilespmem:v7+s26+$0x0], $0xffff;
	_ =	sdelay $0x3  }
0x951: {  	s5 =	sand.u32 $0xFF0, s12;
	[tilespmem:s7+$0x4E70] =	vst v4  }
0x952: {  	s31 =	sand.u32 $0xFF8, s17;
	v4 =	vld [tilespmem:s5+$0x80];
	[tilespmem:s1+$0x4E70] =	vst v5  }
0x953: {  	v5 =	vld [tilespmem:s31+$0x80];
	_ =	sdelay $0x2  }
0x954: {  	v54 =	vld [tilespmem:s12+$0x38]  }
0x955: {  	v55 =	vld [tilespmem:s17+$0x38];
	v4 =	vshll.u32 v4, $0x4  }
0x956: {  	v4 =	vor.u32 v0, v4;
	v5 =	vshll.u32 v5, $0x4  }
0x957: {  	v5 =	vor.u32 v0, v5;
	_ =	sdelay $0x1  }
0x958: {  	v6 =	vperm.xlane v54, v1  }
0x959: {  	v7 =	vperm.xlane v55, v1  }
0x95a: {  	v6 =	vshll.u32 v6, $0x4;
	v8 =	vld.idx.msk [tilespmem:v4+s18+$0x0], $0xffff  }
0x95b: {  	v7 =	vshll.u32 v7, $0x4;
	v6 =	vor.u32 v0, v6;
	v9 =	vld.idx.msk [tilespmem:v5+s18+$0x0], $0xffff  }
0x95c: {  	v7 =	vor.u32 v0, v7;
	_ =	sdelay $0x2  }
0x95d: {  	[tilespmem:s7+$0xE80] =	vst v8  }
0x95e: {  	v8 =	vld.idx.msk [tilespmem:v6+s23+$0x0], $0xffff;
	[tilespmem:s1+$0xE80] =	vst v9  }
0x95f: {  	v9 =	vld.idx.msk [tilespmem:v7+s23+$0x0], $0xffff;
	_ =	sdelay $0x3  }
0x960: {  	[tilespmem:s7+$0x4E80] =	vst v8  }
0x961: {  	v8 =	vld.idx.msk [tilespmem:v4+s20+$0x0], $0xffff;
	[tilespmem:s1+$0x4E80] =	vst v9  }
0x962: {  	v9 =	vld.idx.msk [tilespmem:v5+s20+$0x0], $0xffff;
	_ =	sdelay $0x3  }
0x963: {  	[tilespmem:s7+$0xF00] =	vst v8  }
0x964: {  	v8 =	vld.idx.msk [tilespmem:v6+s24+$0x0], $0xffff;
	[tilespmem:s1+$0xF00] =	vst v9  }
0x965: {  	v9 =	vld.idx.msk [tilespmem:v7+s24+$0x0], $0xffff;
	_ =	sdelay $0x3  }
0x966: {  	[tilespmem:s7+$0x4F00] =	vst v8  }
0x967: {  	v8 =	vld.idx.msk [tilespmem:v4+s21+$0x0], $0xffff;
	[tilespmem:s1+$0x4F00] =	vst v9  }
0x968: {  	v9 =	vld.idx.msk [tilespmem:v5+s21+$0x0], $0xffff;
	_ =	sdelay $0x3  }
0x969: {  	[tilespmem:s7+$0xF80] =	vst v8  }
0x96a: {  	v8 =	vld.idx.msk [tilespmem:v6+s25+$0x0], $0xffff;
	[tilespmem:s1+$0xF80] =	vst v9  }
0x96b: {  	v9 =	vld.idx.msk [tilespmem:v7+s25+$0x0], $0xffff;
	_ =	sdelay $0x3  }
0x96c: {  	[tilespmem:s7+$0x4F80] =	vst v8  }
0x96d: {  	v4 =	vld.idx.msk [tilespmem:v4+s22+$0x0], $0xffff;
	[tilespmem:s1+$0x4F80] =	vst v9  }
0x96e: {  	v5 =	vld.idx.msk [tilespmem:v5+s22+$0x0], $0xffff;
	_ =	sdelay $0x3  }
0x96f: {  	[tilespmem:s7+$0x1000] =	vst v4  }
0x970: {  	v4 =	vld.idx.msk [tilespmem:v6+s26+$0x0], $0xffff;
	[tilespmem:s1+$0x1000] =	vst v5  }
0x971: {  	v5 =	vld.idx.msk [tilespmem:v7+s26+$0x0], $0xffff;
	_ =	sdelay $0x3  }
0x972: {  	[tilespmem:s7+$0x5000] =	vst v4  }
0x973: {  	v4 =	vld [tilespmem:s12+$0x90];
	[tilespmem:s1+$0x5000] =	vst v5  }
0x974: {  	v5 =	vld [tilespmem:s17+$0x90];
	_ =	sdelay $0x2  }
0x975: {  	v56 =	vld [tilespmem:s12+$0x28]  }
0x976: {  	v57 =	vld [tilespmem:s17+$0x28];
	v4 =	vshll.u32 v4, $0x4  }
0x977: {  	v4 =	vor.u32 v0, v4;
	v5 =	vshll.u32 v5, $0x4  }
0x978: {  	v5 =	vor.u32 v0, v5;
	_ =	sdelay $0x1  }
0x979: {  	v6 =	vperm.xlane v56, v1  }
0x97a: {  	v7 =	vperm.xlane v57, v1  }
0x97b: {  	v6 =	vshll.u32 v6, $0x4;
	v8 =	vld.idx.msk [tilespmem:v4+s18+$0x0], $0xffff  }
0x97c: {  	v7 =	vshll.u32 v7, $0x4;
	v6 =	vor.u32 v0, v6;
	v9 =	vld.idx.msk [tilespmem:v5+s18+$0x0], $0xffff  }
0x97d: {  	v7 =	vor.u32 v0, v7;
	_ =	sdelay $0x2  }
0x97e: {  	[tilespmem:s7+$0xE90] =	vst v8  }
0x97f: {  	v8 =	vld.idx.msk [tilespmem:v6+s23+$0x0], $0xffff;
	[tilespmem:s1+$0xE90] =	vst v9  }
0x980: {  	v9 =	vld.idx.msk [tilespmem:v7+s23+$0x0], $0xffff;
	_ =	sdelay $0x3  }
0x981: {  	[tilespmem:s7+$0x4E90] =	vst v8  }
0x982: {  	v8 =	vld.idx.msk [tilespmem:v4+s20+$0x0], $0xffff;
	[tilespmem:s1+$0x4E90] =	vst v9  }
0x983: {  	v9 =	vld.idx.msk [tilespmem:v5+s20+$0x0], $0xffff;
	_ =	sdelay $0x3  }
0x984: {  	[tilespmem:s7+$0xF10] =	vst v8  }
0x985: {  	v8 =	vld.idx.msk [tilespmem:v6+s24+$0x0], $0xffff;
	[tilespmem:s1+$0xF10] =	vst v9  }
0x986: {  	v9 =	vld.idx.msk [tilespmem:v7+s24+$0x0], $0xffff;
	_ =	sdelay $0x3  }
0x987: {  	[tilespmem:s7+$0x4F10] =	vst v8  }
0x988: {  	v8 =	vld.idx.msk [tilespmem:v4+s21+$0x0], $0xffff;
	[tilespmem:s1+$0x4F10] =	vst v9  }
0x989: {  	v9 =	vld.idx.msk [tilespmem:v5+s21+$0x0], $0xffff;
	_ =	sdelay $0x3  }
0x98a: {  	[tilespmem:s7+$0xF90] =	vst v8  }
0x98b: {  	v8 =	vld.idx.msk [tilespmem:v6+s25+$0x0], $0xffff;
	[tilespmem:s1+$0xF90] =	vst v9  }
0x98c: {  	v9 =	vld.idx.msk [tilespmem:v7+s25+$0x0], $0xffff;
	_ =	sdelay $0x3  }
0x98d: {  	[tilespmem:s7+$0x4F90] =	vst v8  }
0x98e: {  	v4 =	vld.idx.msk [tilespmem:v4+s22+$0x0], $0xffff;
	[tilespmem:s1+$0x4F90] =	vst v9  }
0x98f: {  	v5 =	vld.idx.msk [tilespmem:v5+s22+$0x0], $0xffff;
	_ =	sdelay $0x3  }
0x990: {  	[tilespmem:s7+$0x1010] =	vst v4  }
0x991: {  	v4 =	vld.idx.msk [tilespmem:v6+s26+$0x0], $0xffff;
	[tilespmem:s1+$0x1010] =	vst v5  }
0x992: {  	v5 =	vld.idx.msk [tilespmem:v7+s26+$0x0], $0xffff;
	_ =	sdelay $0x3  }
0x993: {  	[tilespmem:s7+$0x5010] =	vst v4  }
0x994: {  	v4 =	vld [tilespmem:s12+$0xA0];
	[tilespmem:s1+$0x5010] =	vst v5  }
0x995: {  	v5 =	vld [tilespmem:s17+$0xA0];
	_ =	sdelay $0x2  }
0x996: {  	v58 =	vld [tilespmem:s12+$0x18]  }
0x997: {  	v59 =	vld [tilespmem:s17+$0x18];
	v4 =	vshll.u32 v4, $0x4  }
0x998: {  	v4 =	vor.u32 v0, v4;
	v5 =	vshll.u32 v5, $0x4  }
0x999: {  	v5 =	vor.u32 v0, v5;
	_ =	sdelay $0x1  }
0x99a: {  	v6 =	vperm.xlane v58, v1  }
0x99b: {  	v7 =	vperm.xlane v59, v1  }
0x99c: {  	v6 =	vshll.u32 v6, $0x4;
	v8 =	vld.idx.msk [tilespmem:v4+s18+$0x0], $0xffff  }
0x99d: {  	v7 =	vshll.u32 v7, $0x4;
	v6 =	vor.u32 v0, v6;
	v9 =	vld.idx.msk [tilespmem:v5+s18+$0x0], $0xffff  }
0x99e: {  	v7 =	vor.u32 v0, v7;
	_ =	sdelay $0x2  }
0x99f: {  	[tilespmem:s7+$0xEA0] =	vst v8  }
0x9a0: {  	v8 =	vld.idx.msk [tilespmem:v6+s23+$0x0], $0xffff;
	[tilespmem:s1+$0xEA0] =	vst v9  }
0x9a1: {  	v9 =	vld.idx.msk [tilespmem:v7+s23+$0x0], $0xffff;
	_ =	sdelay $0x3  }
0x9a2: {  	[tilespmem:s7+$0x4EA0] =	vst v8  }
0x9a3: {  	v8 =	vld.idx.msk [tilespmem:v4+s20+$0x0], $0xffff;
	[tilespmem:s1+$0x4EA0] =	vst v9  }
0x9a4: {  	v9 =	vld.idx.msk [tilespmem:v5+s20+$0x0], $0xffff;
	_ =	sdelay $0x3  }
0x9a5: {  	[tilespmem:s7+$0xF20] =	vst v8  }
0x9a6: {  	v8 =	vld.idx.msk [tilespmem:v6+s24+$0x0], $0xffff;
	[tilespmem:s1+$0xF20] =	vst v9  }
0x9a7: {  	v9 =	vld.idx.msk [tilespmem:v7+s24+$0x0], $0xffff;
	_ =	sdelay $0x3  }
0x9a8: {  	[tilespmem:s7+$0x4F20] =	vst v8  }
0x9a9: {  	v8 =	vld.idx.msk [tilespmem:v4+s21+$0x0], $0xffff;
	[tilespmem:s1+$0x4F20] =	vst v9  }
0x9aa: {  	v9 =	vld.idx.msk [tilespmem:v5+s21+$0x0], $0xffff;
	_ =	sdelay $0x3  }
0x9ab: {  	[tilespmem:s7+$0xFA0] =	vst v8  }
0x9ac: {  	v8 =	vld.idx.msk [tilespmem:v6+s25+$0x0], $0xffff;
	[tilespmem:s1+$0xFA0] =	vst v9  }
0x9ad: {  	v9 =	vld.idx.msk [tilespmem:v7+s25+$0x0], $0xffff;
	_ =	sdelay $0x3  }
0x9ae: {  	[tilespmem:s7+$0x4FA0] =	vst v8  }
0x9af: {  	v4 =	vld.idx.msk [tilespmem:v4+s22+$0x0], $0xffff;
	[tilespmem:s1+$0x4FA0] =	vst v9  }
0x9b0: {  	v5 =	vld.idx.msk [tilespmem:v5+s22+$0x0], $0xffff;
	_ =	sdelay $0x3  }
0x9b1: {  	[tilespmem:s7+$0x1020] =	vst v4  }
0x9b2: {  	v4 =	vld.idx.msk [tilespmem:v6+s26+$0x0], $0xffff;
	[tilespmem:s1+$0x1020] =	vst v5  }
0x9b3: {  	v5 =	vld.idx.msk [tilespmem:v7+s26+$0x0], $0xffff;
	_ =	sdelay $0x3  }
0x9b4: {  	[tilespmem:s7+$0x5020] =	vst v4  }
0x9b5: {  	v4 =	vld [tilespmem:s12+$0xB0];
	[tilespmem:s1+$0x5020] =	vst v5  }
0x9b6: {  	v5 =	vld [tilespmem:s17+$0xB0];
	_ =	sdelay $0x2  }
0x9b7: {  	v60 =	vld [tilespmem:s12+$0x8]  }
0x9b8: {  	v61 =	vld [tilespmem:s17+$0x8];
	v4 =	vshll.u32 v4, $0x4  }
0x9b9: {  	v4 =	vor.u32 v0, v4;
	v5 =	vshll.u32 v5, $0x4  }
0x9ba: {  	v5 =	vor.u32 v0, v5;
	_ =	sdelay $0x1  }
0x9bb: {  	v6 =	vperm.xlane v60, v1  }
0x9bc: {  	v7 =	vperm.xlane v61, v1  }
0x9bd: {  	v6 =	vshll.u32 v6, $0x4;
	v8 =	vld.idx.msk [tilespmem:v4+s18+$0x0], $0xffff  }
0x9be: {  	v7 =	vshll.u32 v7, $0x4;
	v6 =	vor.u32 v0, v6;
	v9 =	vld.idx.msk [tilespmem:v5+s18+$0x0], $0xffff  }
0x9bf: {  	v7 =	vor.u32 v0, v7;
	_ =	sdelay $0x2  }
0x9c0: {  	[tilespmem:s7+$0xEB0] =	vst v8  }
0x9c1: {  	v8 =	vld.idx.msk [tilespmem:v6+s23+$0x0], $0xffff;
	[tilespmem:s1+$0xEB0] =	vst v9  }
0x9c2: {  	v9 =	vld.idx.msk [tilespmem:v7+s23+$0x0], $0xffff;
	_ =	sdelay $0x3  }
0x9c3: {  	[tilespmem:s7+$0x4EB0] =	vst v8  }
0x9c4: {  	v8 =	vld.idx.msk [tilespmem:v4+s20+$0x0], $0xffff;
	[tilespmem:s1+$0x4EB0] =	vst v9  }
0x9c5: {  	v9 =	vld.idx.msk [tilespmem:v5+s20+$0x0], $0xffff;
	_ =	sdelay $0x3  }
0x9c6: {  	[tilespmem:s7+$0xF30] =	vst v8  }
0x9c7: {  	v8 =	vld.idx.msk [tilespmem:v6+s24+$0x0], $0xffff;
	[tilespmem:s1+$0xF30] =	vst v9  }
0x9c8: {  	v9 =	vld.idx.msk [tilespmem:v7+s24+$0x0], $0xffff;
	_ =	sdelay $0x3  }
0x9c9: {  	[tilespmem:s7+$0x4F30] =	vst v8  }
0x9ca: {  	v8 =	vld.idx.msk [tilespmem:v4+s21+$0x0], $0xffff;
	[tilespmem:s1+$0x4F30] =	vst v9  }
0x9cb: {  	v9 =	vld.idx.msk [tilespmem:v5+s21+$0x0], $0xffff;
	_ =	sdelay $0x3  }
0x9cc: {  	[tilespmem:s7+$0xFB0] =	vst v8  }
0x9cd: {  	v8 =	vld.idx.msk [tilespmem:v6+s25+$0x0], $0xffff;
	[tilespmem:s1+$0xFB0] =	vst v9  }
0x9ce: {  	v9 =	vld.idx.msk [tilespmem:v7+s25+$0x0], $0xffff;
	_ =	sdelay $0x3  }
0x9cf: {  	[tilespmem:s7+$0x4FB0] =	vst v8  }
0x9d0: {  	v4 =	vld.idx.msk [tilespmem:v4+s22+$0x0], $0xffff;
	[tilespmem:s1+$0x4FB0] =	vst v9  }
0x9d1: {  	v5 =	vld.idx.msk [tilespmem:v5+s22+$0x0], $0xffff;
	_ =	sdelay $0x3  }
0x9d2: {  	[tilespmem:s7+$0x1030] =	vst v4  }
0x9d3: {  	v4 =	vld.idx.msk [tilespmem:v6+s26+$0x0], $0xffff;
	[tilespmem:s1+$0x1030] =	vst v5  }
0x9d4: {  	v5 =	vld.idx.msk [tilespmem:v7+s26+$0x0], $0xffff;
	_ =	sdelay $0x3  }
0x9d5: {  	[tilespmem:s7+$0x5030] =	vst v4  }
0x9d6: {  	v4 =	vld [tilespmem:s12+$0xB8];
	[tilespmem:s1+$0x5030] =	vst v5  }
0x9d7: {  	v5 =	vld [tilespmem:s17+$0xB8];
	_ =	sdelay $0x2  }
0x9d8: {  	v62 =	vld [tilespmem:s12+$0x0]  }
0x9d9: {  	v63 =	vld [tilespmem:s17+$0x0];
	v4 =	vshll.u32 v4, $0x4  }
0x9da: {  	v4 =	vor.u32 v0, v4;
	v5 =	vshll.u32 v5, $0x4  }
0x9db: {  	v5 =	vor.u32 v0, v5;
	_ =	sdelay $0x1  }
0x9dc: {  	v6 =	vperm.xlane v62, v1  }
0x9dd: {  	v7 =	vperm.xlane v63, v1  }
0x9de: {  	v6 =	vshll.u32 v6, $0x4;
	v8 =	vld.idx.msk [tilespmem:v4+s18+$0x0], $0xffff  }
0x9df: {  	v7 =	vshll.u32 v7, $0x4;
	v6 =	vor.u32 v0, v6;
	v9 =	vld.idx.msk [tilespmem:v5+s18+$0x0], $0xffff  }
0x9e0: {  	v7 =	vor.u32 v0, v7;
	_ =	sdelay $0x2  }
0x9e1: {  	[tilespmem:s7+$0xEB8] =	vst v8  }
0x9e2: {  	v8 =	vld.idx.msk [tilespmem:v6+s23+$0x0], $0xffff;
	[tilespmem:s1+$0xEB8] =	vst v9  }
0x9e3: {  	v9 =	vld.idx.msk [tilespmem:v7+s23+$0x0], $0xffff;
	_ =	sdelay $0x3  }
0x9e4: {  	[tilespmem:s7+$0x4EB8] =	vst v8  }
0x9e5: {  	v8 =	vld.idx.msk [tilespmem:v4+s20+$0x0], $0xffff;
	[tilespmem:s1+$0x4EB8] =	vst v9  }
0x9e6: {  	v9 =	vld.idx.msk [tilespmem:v5+s20+$0x0], $0xffff;
	_ =	sdelay $0x3  }
0x9e7: {  	[tilespmem:s7+$0xF38] =	vst v8  }
0x9e8: {  	v8 =	vld.idx.msk [tilespmem:v6+s24+$0x0], $0xffff;
	[tilespmem:s1+$0xF38] =	vst v9  }
0x9e9: {  	v9 =	vld.idx.msk [tilespmem:v7+s24+$0x0], $0xffff;
	_ =	sdelay $0x3  }
0x9ea: {  	[tilespmem:s7+$0x4F38] =	vst v8  }
0x9eb: {  	v8 =	vld.idx.msk [tilespmem:v4+s21+$0x0], $0xffff;
	[tilespmem:s1+$0x4F38] =	vst v9  }
0x9ec: {  	v9 =	vld.idx.msk [tilespmem:v5+s21+$0x0], $0xffff;
	_ =	sdelay $0x3  }
0x9ed: {  	[tilespmem:s7+$0xFB8] =	vst v8  }
0x9ee: {  	v8 =	vld.idx.msk [tilespmem:v6+s25+$0x0], $0xffff;
	[tilespmem:s1+$0xFB8] =	vst v9  }
0x9ef: {  	v9 =	vld.idx.msk [tilespmem:v7+s25+$0x0], $0xffff;
	_ =	sdelay $0x3  }
0x9f0: {  	[tilespmem:s7+$0x4FB8] =	vst v8  }
0x9f1: {  	v4 =	vld.idx.msk [tilespmem:v4+s22+$0x0], $0xffff;
	[tilespmem:s1+$0x4FB8] =	vst v9  }
0x9f2: {  	v5 =	vld.idx.msk [tilespmem:v5+s22+$0x0], $0xffff;
	_ =	sdelay $0x3  }
0x9f3: {  	[tilespmem:s7+$0x1038] =	vst v4  }
0x9f4: {  	v4 =	vld.idx.msk [tilespmem:v6+s26+$0x0], $0xffff;
	[tilespmem:s1+$0x1038] =	vst v5  }
0x9f5: {  	v5 =	vld.idx.msk [tilespmem:v7+s26+$0x0], $0xffff;
	_ =	sdelay $0x1  }
0x9f6: {  	[tilespmem:s11+$0x5038] =	vst v3  }
0x9f7: {  	[tilespmem:s10+$0x5038] =	vst v2  }
0x9f8: {  	[tilespmem:s7+$0x5038] =	vst v4  }
0x9f9: {  	s28 =	sadd.s32 s9, s15;
	s29 =	simm.s32 $0x2C80;
	[tilespmem:s1+$0x5038] =	vst v5  }
0x9fa: {  	[hbm4b:s28+s2] =	stream.linear.scatter [tilespmem:s29], [sflag:$0x3], $0x2000, $0x38;
	[tilespmem:$0x9080] =	vst v63  }
0x9fb: {  	s30 =	sadd.s32 s9, s16;
	s31 =	simm.s32 $0x6C80  }
0x9fc: {  	[hbm4b:s30+s2] =	stream.linear.scatter [tilespmem:s31], [sflag:$0x4], $0x2000, $0x38;
	[tilespmem:$0x9080] =	vst v63  }
0x9fd: {  	_ =	swait.ge [sflag:s0], $0x2000  }
0x9fe: {  	[sflag:s0] =	ssyncset.done $0x0  }
0x9ff: {  	[sflag:s0] =	ssyncadd.s32 $0xFFFFE000  }
0xa00: {  	_ =	swait.ge [sflag:s3], $0x2000  }
0xa01: {  	[sflag:s3] =	ssyncset.done $0x0  }
0xa02: {  	s8 =	sadd.s32 $0x1, s8;
	[sflag:s3] =	ssyncadd.s32 $0xFFFFE000  }
0xa03: {  	p0 =	sne.s32 s8, $0x8;
	_ =	swait.ge [sflag:s4], $0x2000  }
.Ltmp2:
0xa04: {  	[sflag:s4] =	ssyncset.done $0x0;
	(pc) =	sbr.rel @p0 .LBB2_2-.Ltmp2, $4  }
0xa05: {  	[sflag:s4] =	ssyncadd.s32 $0xFFFFE000  }
0xa06: {  	_ =	swait.ge [sflag:s6], $0x2000  }
0xa07: {  	[sflag:s6] =	ssyncset.done $0x0  }
0xa08: {  	[sflag:s6] =	ssyncadd.s32 $0xFFFFE000  }
0xa09: {  	s5 =	rddreg [dreg:$0xd]  }
0xa0a: {  	s1 =	rddreg [dreg:$0xc];
	s5 =	sadd.s32 $0x1, s5  }
0xa0b: {  	p0 =	sne.s32 s5, s1  }
.Ltmp3:
0xa0c: {  	_ = 	snop;
	(pc) =	sbr.rel @p0 .LBB2_1-.Ltmp3, $1  }
0xa0d: {  	_ =	sdelay $0x3  }
0xa0e: {  	_ =	sfence.sel $0x180000  }
0xa0f: {  	[bflag:$0x0] =	sbarrier.arrive $0xFFFF  }
0xa10: {  	_ =	strace $0x90000047  }
0xa11: {  	s0 =	stileid.u32;
	[bflag:$0x2] =	sbarrier.arrive $0xFFFF  }
0xa12: {  	p0 =	sne.s32 s0, $0x0;
	s0 =	rddreg [dreg:$0x2]  }
0xa13: {  	s0 =	sadd.s32 @!p0 $0x100000, s0  }
0xa14: {  	[sflag:s0] =	ssyncadd.tile.s32 @!p0 $0x1;
	_ =	shalt  }
.Lfunc_end2:
_tile_overlayer_lowered:
.L_overlay_start_2:
0xa15: {  	(tag) =	ssettag $0x2  }
0xa16: {  	s0 =	rddreg [dreg:$0x0];
	s2 =	stileid.u32  }
0xa17: {  	s1 =	rddreg [dreg:$0x1];
	p0 =	sne.s32 s2, $0x0  }
0xa18: {  	s3 =	rddreg [dreg:$0x2];
	[bflag:$0x3] =	sbarrier.arrive $0xFFFF;
	s2 =	simm.s32 @!p0 $0x1C05  }
0xa19: {  	[timem:s3], [sflag:s2] =	dma.local @!p0 [hbm:s0], s1  }
0xa1a: {  	s0 =	simm.s32 @!p0 $0x5  }
0xa1b: {  	_ =	swait.ge @!p0 [sflag:s0], s1  }
0xa1c: {  	s1 =	ssub.s32 @!p0 $0x0, s1;
	[sflag:s0] =	ssyncset.done @!p0 $0x0  }
0xa1d: {  	[sflag:s0] =	ssyncadd.s32 @!p0 s1  }
0xa1e: {  	[bflag:$0x3] =	sbarrier.arrive $0xFFFF  }
0xa1f: {  	_ =	shalt  }

</sc_bundles>
